<compile_context>
chip_gen: v7x
topology: tpu7x:2x2x1
jax: 0.10.2.dev20260603
libtpu: 0.0.44.dev20260713+nightly
codegen_flags: <defaults>
</compile_context>

<pallas_src>
import functools

import jax
import jax.numpy as jnp
import numpy as np
from jax import lax
from jax.experimental import pallas as pl
from jax.experimental.pallas import tpu as pltpu
from jax.experimental.pallas import tpu_sc as plsc

PH = 7
PW = 7
SCALE = 64.0
H = 128
W = 128
C = 256
N_ROIS = 1000

L = 16
NW = 32
NPAD = 1024
R_PER_W = NPAD // NW
ROW_IDX = PW * L
NBINS = PH * PW
BIN_ELEMS = NBINS * C
CHUNKS = C // L
NBUF = 3


def _permv(vec, idxvec):
    dnums = lax.GatherDimensionNumbers(
        offset_dims=(), collapsed_slice_dims=(0,), start_index_map=(0,))
    return lax.gather(vec, idxvec[:, None], dnums, (1,),
                      mode=lax.GatherScatterMode.PROMISE_IN_BOUNDS)


def _splat_lane(vec, lane):
    return _permv(vec, jnp.full((L,), lane, jnp.int32))


def _make_sc_kernel():
    mesh = plsc.VectorSubcoreMesh(core_axis_name="c", subcore_axis_name="s")

    @functools.partial(
        pl.kernel,
        out_type=jax.ShapeDtypeStruct((NPAD * BIN_ELEMS,), jnp.float32),
        mesh=mesh,
        scratch_types=[
            pltpu.VMEM((R_PER_W * 4 + L,), jnp.float32),
            pltpu.VMEM((ROW_IDX,), jnp.int32),
            pltpu.VMEM((ROW_IDX,), jnp.int32),
            pltpu.VMEM((ROW_IDX,), jnp.int32),
            pltpu.VMEM((ROW_IDX,), jnp.float32),
            pltpu.VMEM((ROW_IDX,), jnp.float32),
            pltpu.VMEM((ROW_IDX,), jnp.float32),
            pltpu.VMEM((ROW_IDX, C), jnp.float32),
            pltpu.VMEM((ROW_IDX, C), jnp.float32),
            pltpu.VMEM((ROW_IDX, C), jnp.float32),
            pltpu.VMEM((BIN_ELEMS,), jnp.float32),
            pltpu.SemaphoreType.DMA,
            pltpu.SemaphoreType.DMA,
            pltpu.SemaphoreType.DMA,
        ],
    )
    def roialign(fmap_hbm, rois_hbm, out_hbm, rois_v, idx0, idx1, idx2,
                 w0, w1, w2, rows0, rows1, rows2, stage1,
                 sem0, sem1, sem2):
        wid = lax.axis_index("c") * 16 + lax.axis_index("s")
        idx_bufs = (idx0, idx1, idx2)
        w_bufs = (w0, w1, w2)
        row_bufs = (rows0, rows1, rows2)
        sems = (sem0, sem1, sem2)

        pltpu.sync_copy(rois_hbm.at[pl.ds(wid * R_PER_W * 4, R_PER_W * 4)],
                        rois_v.at[pl.ds(0, R_PER_W * 4)])

        lane = lax.iota(jnp.int32, L)
        lane_syf = ((lane >> 3) & 1).astype(jnp.float32)
        lane_sxf = ((lane >> 2) & 1).astype(jnp.float32)
        lane_cy0 = ((lane >> 1) & 1) == 0
        lane_cx0 = (lane & 1) == 0

        def roi_body(r, carry):
            roi_chunk = rois_v[pl.ds(r * 4, L)]

            def splat(comp):
                return _splat_lane(roi_chunk, comp)

            x1s = splat(0) * SCALE
            y1s = splat(1) * SCALE
            x2s = splat(2) * SCALE
            y2s = splat(3) * SCALE
            roi_w = jnp.maximum(x2s - x1s, 1.0)
            roi_h = jnp.maximum(y2s - y1s, 1.0)
            bin_w = roi_w / float(PW)
            bin_h = roi_h / float(PH)

            def fill_row(ph):
                b = ph % NBUF
                ph_f = float(ph)

                def pw_body(pw, _):
                    pw_f = pw.astype(jnp.float32)
                    y = y1s + (ph_f + 0.25 + 0.5 * lane_syf) * bin_h
                    x = x1s + (pw_f + 0.25 + 0.5 * lane_sxf) * bin_w
                    valid = ((y > -1.0) & (y < float(H)) &
                             (x > -1.0) & (x < float(W)))
                    yc = jnp.minimum(jnp.maximum(y, 0.0), float(H - 1))
                    xc = jnp.minimum(jnp.maximum(x, 0.0), float(W - 1))
                    ylo = yc.astype(jnp.int32)
                    xlo = xc.astype(jnp.int32)
                    yhi = jnp.minimum(ylo + 1, H - 1)
                    xhi = jnp.minimum(xlo + 1, W - 1)
                    ly = yc - ylo.astype(jnp.float32)
                    lx = xc - xlo.astype(jnp.float32)
                    wy = jnp.where(lane_cy0, 1.0 - ly, ly)
                    wx = jnp.where(lane_cx0, 1.0 - lx, lx)
                    yi = jnp.where(lane_cy0, ylo, yhi)
                    xi = jnp.where(lane_cx0, xlo, xhi)
                    idx_bufs[b][pl.ds(pw * L, L)] = yi * W + xi
                    w_bufs[b][pl.ds(pw * L, L)] = (
                        wy * wx * jnp.where(valid, 0.25, 0.0))
                    return 0

                lax.fori_loop(0, PW, pw_body, 0)
                return pltpu.async_copy(fmap_hbm.at[idx_bufs[b]], row_bufs[b],
                                        sems[b])

            def combine_row(ph):
                b = ph % NBUF
                rows = row_bufs[b]
                wref = w_bufs[b]

                def pw_body(pw, _):
                    jbase = pw * L
                    wvec = wref[pl.ds(jbase, L)]

                    def j_body(j, acc):
                        wj = _splat_lane(wvec, j)
                        return tuple(
                            acc[k] + wj * rows[jbase + j, pl.ds(k * L, L)]
                            for k in range(CHUNKS))

                    acc = lax.fori_loop(
                        0, L, j_body,
                        tuple(jnp.zeros((L,), jnp.float32)
                              for _ in range(CHUNKS)))
                    obase = (ph * PW + pw) * C
                    for k in range(CHUNKS):
                        stage1[pl.ds(obase + k * L, L)] = acc[k]
                    return 0

                lax.fori_loop(0, PW, pw_body, 0)

            cps = [None] * NBUF
            for ph in range(PH):
                cps[ph % NBUF] = fill_row(ph)
                if ph >= NBUF - 1:
                    cps[(ph - NBUF + 1) % NBUF].wait()
                    combine_row(ph - NBUF + 1)
            for ph in range(PH - NBUF + 1, PH):
                cps[ph % NBUF].wait()
                combine_row(ph)

            out_base = (wid * R_PER_W + r) * BIN_ELEMS
            pltpu.sync_copy(stage1,
                            out_hbm.at[pl.ds(out_base, BIN_ELEMS)])
            return carry

        lax.fori_loop(0, R_PER_W, roi_body, 0)

    return roialign


_SC_KERNEL = _make_sc_kernel()

TR_BLK = 40


def _tr_body(in_ref, out_ref):
    out_ref[...] = jnp.swapaxes(in_ref[...], 1, 2)


_TC_TRANSPOSE = pl.pallas_call(
    _tr_body,
    grid=(N_ROIS // TR_BLK,),
    in_specs=[pl.BlockSpec((TR_BLK, NBINS, C), lambda i: (i, 0, 0))],
    out_specs=pl.BlockSpec((TR_BLK, C, NBINS), lambda i: (i, 0, 0)),
    out_shape=jax.ShapeDtypeStruct((N_ROIS, C, NBINS), jnp.float32),
)


@jax.jit
def kernel(features, rois):
    fmap = jnp.transpose(features, (0, 2, 3, 1)).reshape(H * W, C)
    rois_p = jnp.pad(rois, ((0, NPAD - N_ROIS), (0, 0))).reshape(NPAD * 4)
    out_flat = _SC_KERNEL(fmap, rois_p)
    out_nhwc = out_flat[:N_ROIS * BIN_ELEMS].reshape(N_ROIS, NBINS, C)
    out = _TC_TRANSPOSE(out_nhwc)
    return out.reshape(N_ROIS, C, PH, PW)

# --- scband reference (transcript-rebuilt; emitter-appended) ---
"""Pipeline reference for scband-ro-ialign-30262339568228 (READ-ONLY COPY).

The authoritative reference and input builder live on the scoring server;
editing this copy changes nothing except your own understanding.
"""

import jax, jax.numpy as jnp
import numpy as np

PH, PW = 7, 7
SPATIAL_SCALE = 64.0
SR = 2


def setup_inputs(seed: int = 0) -> dict:
    key = jax.random.key(seed)
    k1, k2 = jax.random.split(key)
    features = jax.random.normal(k1, (1, 256, 128, 128), dtype=jnp.float32)
    rois = jax.random.uniform(k2, (1000, 4), dtype=jnp.float32)
    return {"features": features, "rois": rois}


def _roi_align(features, rois):
    B, C, H, W = features.shape
    N = rois.shape[0]
    # preprocess_rois: [N,4] -> prepend batch index column of zeros -> [N,5]
    rois5 = jnp.concatenate([jnp.zeros((N, 1), dtype=rois.dtype), rois], axis=1)
    batch_idx = rois5[:, 0].astype(jnp.int32)
    x1 = rois5[:, 1] * SPATIAL_SCALE
    y1 = rois5[:, 2] * SPATIAL_SCALE
    x2 = rois5[:, 3] * SPATIAL_SCALE
    y2 = rois5[:, 4] * SPATIAL_SCALE
    roi_w = jnp.maximum(x2 - x1, 1.0)
    roi_h = jnp.maximum(y2 - y1, 1.0)
    bin_h = roi_h / PH
    bin_w = roi_w / PW
    # sample offsets within each bin (Caffe2/torchvision aligned=False convention)
    off = (jnp.arange(SR, dtype=jnp.float32) + 0.5) / SR
    ph = jnp.arange(PH, dtype=jnp.float32)
    pw = jnp.arange(PW, dtype=jnp.float32)
    ys = y1[:, None, None] + (ph[None, :, None] + off[None, None, :]) * bin_h[:, None, None]  # [N,PH,SR]
    xs = x1[:, None, None] + (pw[None, :, None] + off[None, None, :]) * bin_w[:, None, None]  # [N,PW,SR]
    y = jnp.broadcast_to(ys[:, :, None, :, None], (N, PH, PW, SR, SR))
    x = jnp.broadcast_to(xs[:, None, :, None, :], (N, PH, PW, SR, SR))
    valid = (y > -1.0) & (y < H) & (x > -1.0) & (x < W)
    yc = jnp.clip(y, 0.0, H - 1)
    xc = jnp.clip(x, 0.0, W - 1)
    y_low = jnp.floor(yc).astype(jnp.int32)
    x_low = jnp.floor(xc).astype(jnp.int32)
    y_high = jnp.minimum(y_low + 1, H - 1)
    x_high = jnp.minimum(x_low + 1, W - 1)
    ly = yc - y_low.astype(yc.dtype)
    lx = xc - x_low.astype(xc.dtype)
    hy = 1.0 - ly
    hx = 1.0 - lx
    fmap = jnp.transpose(features, (0, 2, 3, 1)).reshape(B * H * W, C)
    base = batch_idx[:, None, None, None, None] * (H * W)

    def gather(yi, xi):
        lin = base + yi * W + xi
        return jnp.take(fmap, lin.reshape(-1), axis=0).reshape(N, PH, PW, SR, SR, C)

    val = (hy * hx)[..., None] * gather(y_low, x_low)
    val = val + (hy * lx)[..., None] * gather(y_low, x_high)
    val = val + (ly * hx)[..., None] * gather(y_high, x_low)
    val = val + (ly * lx)[..., None] * gather(y_high, x_high)
    val = val * valid[..., None].astype(val.dtype)
    out = val.mean(axis=(3, 4))  # average over SRxSR samples -> [N,PH,PW,C]
    return jnp.transpose(out, (0, 3, 1, 2))  # [N,C,PH,PW]


def reference(features, rois):
    return _roi_align(features, rois)

if __name__ == "__main__":
    import jax
    _d = setup_inputs()
    print(jax.jit(kernel)(*tuple(_d.values())))

</pallas_src>

<mosaic_0001>
#map = affine_map<(d0, d1) -> (0, 0)>
#map1 = affine_map<(d0, d1) -> (0)>
module attributes {stable_mosaic.version = 14 : i64} {
  func.func @roialign(%arg0: i32, %arg1: i32, %arg2: memref<16384x256xf32, #tpu.memory_space<hbm>>, %arg3: memref<4096xf32, #tpu.memory_space<hbm>>, %arg4: memref<12845056xf32, #tpu.memory_space<hbm>>, %arg5: memref<144xf32, #tpu.memory_space<vmem>>, %arg6: memref<112xi32, #tpu.memory_space<vmem>>, %arg7: memref<112xi32, #tpu.memory_space<vmem>>, %arg8: memref<112xi32, #tpu.memory_space<vmem>>, %arg9: memref<112xf32, #tpu.memory_space<vmem>>, %arg10: memref<112xf32, #tpu.memory_space<vmem>>, %arg11: memref<112xf32, #tpu.memory_space<vmem>>, %arg12: memref<112x256xf32, #tpu.memory_space<vmem>>, %arg13: memref<112x256xf32, #tpu.memory_space<vmem>>, %arg14: memref<112x256xf32, #tpu.memory_space<vmem>>, %arg15: memref<12544xf32, #tpu.memory_space<vmem>>, %arg16: memref<!tpu.dma_semaphore, #tpu.memory_space<semaphore_mem>>, %arg17: memref<!tpu.dma_semaphore, #tpu.memory_space<semaphore_mem>>, %arg18: memref<!tpu.dma_semaphore, #tpu.memory_space<semaphore_mem>>) attributes {dimension_semantics = [#tpu.dimension_semantics<core_parallel>, #tpu.dimension_semantics<subcore_parallel>], iteration_bounds = array<i64: 2, 16>, scalar_prefetch = 0 : i64, scratch_operands = 14 : i64, tpu.core_type = #tpu.core_type<sc_vector_subcore>, window_params = [{transform_indices = #map}, {transform_indices = #map1}, {transform_indices = #map1}]} {
    %mul3A = arith.constant 16 : i32
    %mul3A_0 = arith.muli %arg0, %mul3A : i32
    %add3A = arith.addi %mul3A_0, %arg1 : i32
    %mul3A_1 = arith.constant 32 : i32
    %mul3A_2 = arith.muli %add3A, %mul3A_1 : i32
    %mul3A_3 = arith.constant 4 : i32
    %mul3A_4 = arith.muli %mul3A_2, %mul3A_3 : i32
    "tpu.region"() ({
      %run_scoped3A = tpu.sem_alloc : memref<!tpu.dma_semaphore, #tpu.memory_space<semaphore_mem>>
      %dma_start3A = arith.constant 0 : i32
      %dma_start3A_35 = tpu.memref_slice %arg5[%dma_start3A] : memref<144xf32, #tpu.memory_space<vmem>> -> memref<128xf32, #tpu.memory_space<vmem>>
      %dma_start3A_36 = tpu.memref_slice %arg3[%mul3A_4] : memref<4096xf32, #tpu.memory_space<hbm>> -> memref<128xf32, #tpu.memory_space<hbm>>
      %dma_start3A_37 = arith.constant 0 : i32
      %dma_start3A_38 = tpu.memref_slice %arg5[%dma_start3A_37] : memref<144xf32, #tpu.memory_space<vmem>> -> memref<128xf32, #tpu.memory_space<vmem>>
      %dma_start3A_39 = tpu.memref_slice %arg3[%mul3A_4] : memref<4096xf32, #tpu.memory_space<hbm>> -> memref<128xf32, #tpu.memory_space<hbm>>
      tpu.enqueue_dma source(%dma_start3A_39 : memref<128xf32, #tpu.memory_space<hbm>>) target(%dma_start3A_38 : memref<128xf32, #tpu.memory_space<vmem>>) target_semaphore(%run_scoped3A : memref<!tpu.dma_semaphore, #tpu.memory_space<semaphore_mem>>)
      %dma_wait3A = arith.constant 0 : i32
      %dma_wait3A_40 = tpu.memref_slice %arg5[%dma_wait3A] : memref<144xf32, #tpu.memory_space<vmem>> -> memref<128xf32, #tpu.memory_space<vmem>>
      %dma_wait3A_41 = tpu.memref_slice %arg3[%mul3A_4] : memref<4096xf32, #tpu.memory_space<hbm>> -> memref<128xf32, #tpu.memory_space<hbm>>
      %dma_wait3A_42 = arith.constant 0 : i32
      %dma_wait3A_43 = tpu.memref_slice %arg5[%dma_wait3A_42] : memref<144xf32, #tpu.memory_space<vmem>> -> memref<128xf32, #tpu.memory_space<vmem>>
      %dma_wait3A_44 = tpu.memref_slice %arg3[%mul3A_4] : memref<4096xf32, #tpu.memory_space<hbm>> -> memref<128xf32, #tpu.memory_space<hbm>>
      tpu.wait_dma2 semaphore(%run_scoped3A : memref<!tpu.dma_semaphore, #tpu.memory_space<semaphore_mem>>) src(%dma_wait3A_44 : memref<128xf32, #tpu.memory_space<hbm>>) dst(%dma_wait3A_43 : memref<128xf32, #tpu.memory_space<vmem>>)
      tpu.yield
    }) : () -> ()
    %iota3A = tpu.iota {dimensions = array<i32: 0>} : vector<16xi32>
    %shift_right_arithmetic3A = arith.constant 3 : i32
    %shift_right_arithmetic3A_5 = vector.broadcast %shift_right_arithmetic3A : i32 to vector<16xi32>
    %shift_right_arithmetic3A_6 = arith.shrsi %iota3A, %shift_right_arithmetic3A_5 : vector<16xi32>
    %and3A = arith.constant 1 : i32
    %and3A_7 = vector.broadcast %and3A : i32 to vector<16xi32>
    %and3A_8 = arith.andi %shift_right_arithmetic3A_6, %and3A_7 : vector<16xi32>
    %convert_element_type3A = arith.sitofp %and3A_8 : vector<16xi32> to vector<16xf32>
    %shift_right_arithmetic3A_9 = arith.constant 2 : i32
    %shift_right_arithmetic3A_10 = vector.broadcast %shift_right_arithmetic3A_9 : i32 to vector<16xi32>
    %shift_right_arithmetic3A_11 = arith.shrsi %iota3A, %shift_right_arithmetic3A_10 : vector<16xi32>
    %and3A_12 = arith.constant 1 : i32
    %and3A_13 = vector.broadcast %and3A_12 : i32 to vector<16xi32>
    %and3A_14 = arith.andi %shift_right_arithmetic3A_11, %and3A_13 : vector<16xi32>
    %convert_element_type3A_15 = arith.sitofp %and3A_14 : vector<16xi32> to vector<16xf32>
    %shift_right_arithmetic3A_16 = arith.constant 1 : i32
    %shift_right_arithmetic3A_17 = vector.broadcast %shift_right_arithmetic3A_16 : i32 to vector<16xi32>
    %shift_right_arithmetic3A_18 = arith.shrsi %iota3A, %shift_right_arithmetic3A_17 : vector<16xi32>
    %and3A_19 = arith.constant 1 : i32
    %and3A_20 = vector.broadcast %and3A_19 : i32 to vector<16xi32>
    %and3A_21 = arith.andi %shift_right_arithmetic3A_18, %and3A_20 : vector<16xi32>
    %eq3A = arith.constant 0 : i32
    %eq3A_22 = vector.broadcast %eq3A : i32 to vector<16xi32>
    %eq3A_23 = arith.cmpi eq, %and3A_21, %eq3A_22 : vector<16xi32>
    %and3A_24 = arith.constant 1 : i32
    %and3A_25 = vector.broadcast %and3A_24 : i32 to vector<16xi32>
    %and3A_26 = arith.andi %iota3A, %and3A_25 : vector<16xi32>
    %eq3A_27 = arith.constant 0 : i32
    %eq3A_28 = vector.broadcast %eq3A_27 : i32 to vector<16xi32>
    %eq3A_29 = arith.cmpi eq, %and3A_26, %eq3A_28 : vector<16xi32>
    %scan3A = arith.constant 0 : i32
    %scan3A_30 = arith.constant 0 : i32
    %scan3A_31 = arith.constant 32 : i32
    %scan3A_32 = arith.addi %scan3A_30, %scan3A_31 : i32
    %scan3A_33 = arith.constant 1 : i32
    scf.for %scan3A_35 = %scan3A_30 to %scan3A_32 step %scan3A_33  : i32 {
      %mul3A_36 = arith.constant 4 : i32
      %mul3A_37 = arith.muli %scan3A_35, %mul3A_36 : i32
      %get3A = arith.index_cast %mul3A_37 : i32 to index
      %get3A_38 = tpu.vector_load %arg5[%get3A] {strides = array<i32>} : memref<144xf32, #tpu.memory_space<vmem>>, vector<16xf32>,
      %get3A_39 = vector.shape_cast %get3A_38 : vector<16xf32> to vector<16xf32>
      %broadcast_in_dim3A = arith.constant 0 : i32
      %broadcast_in_dim3A_40 = vector.broadcast %broadcast_in_dim3A : i32 to vector<16xi32>
      %broadcast_in_dim3A_41 = vector.shape_cast %broadcast_in_dim3A_40 : vector<16xi32> to vector<16x1xi32>
      %gather3A = vector.shape_cast %broadcast_in_dim3A_41 : vector<16x1xi32> to vector<16xi32>
      %gather3A_42 = tpu.dynamic_gather %get3A_39[%gather3A] in [0] : vector<16xf32>, vector<16xi32> -> vector<16xf32>
      %mul3A_43 = arith.constant 6.400000e+01 : f32
      %mul3A_44 = vector.broadcast %mul3A_43 : f32 to vector<16xf32>
      %mul3A_45 = arith.mulf %gather3A_42, %mul3A_44 : vector<16xf32>
      %broadcast_in_dim3A_46 = arith.constant 1 : i32
      %broadcast_in_dim3A_47 = vector.broadcast %broadcast_in_dim3A_46 : i32 to vector<16xi32>
      %broadcast_in_dim3A_48 = vector.shape_cast %broadcast_in_dim3A_47 : vector<16xi32> to vector<16x1xi32>
      %gather3A_49 = vector.shape_cast %broadcast_in_dim3A_48 : vector<16x1xi32> to vector<16xi32>
      %gather3A_50 = tpu.dynamic_gather %get3A_39[%gather3A_49] in [0] : vector<16xf32>, vector<16xi32> -> vector<16xf32>
      %mul3A_51 = arith.constant 6.400000e+01 : f32
      %mul3A_52 = vector.broadcast %mul3A_51 : f32 to vector<16xf32>
      %mul3A_53 = arith.mulf %gather3A_50, %mul3A_52 : vector<16xf32>
      %broadcast_in_dim3A_54 = arith.constant 2 : i32
      %broadcast_in_dim3A_55 = vector.broadcast %broadcast_in_dim3A_54 : i32 to vector<16xi32>
      %broadcast_in_dim3A_56 = vector.shape_cast %broadcast_in_dim3A_55 : vector<16xi32> to vector<16x1xi32>
      %gather3A_57 = vector.shape_cast %broadcast_in_dim3A_56 : vector<16x1xi32> to vector<16xi32>
      %gather3A_58 = tpu.dynamic_gather %get3A_39[%gather3A_57] in [0] : vector<16xf32>, vector<16xi32> -> vector<16xf32>
      %mul3A_59 = arith.constant 6.400000e+01 : f32
      %mul3A_60 = vector.broadcast %mul3A_59 : f32 to vector<16xf32>
      %mul3A_61 = arith.mulf %gather3A_58, %mul3A_60 : vector<16xf32>
      %broadcast_in_dim3A_62 = arith.constant 3 : i32
      %broadcast_in_dim3A_63 = vector.broadcast %broadcast_in_dim3A_62 : i32 to vector<16xi32>
      %broadcast_in_dim3A_64 = vector.shape_cast %broadcast_in_dim3A_63 : vector<16xi32> to vector<16x1xi32>
      %gather3A_65 = vector.shape_cast %broadcast_in_dim3A_64 : vector<16x1xi32> to vector<16xi32>
      %gather3A_66 = tpu.dynamic_gather %get3A_39[%gather3A_65] in [0] : vector<16xf32>, vector<16xi32> -> vector<16xf32>
      %mul3A_67 = arith.constant 6.400000e+01 : f32
      %mul3A_68 = vector.broadcast %mul3A_67 : f32 to vector<16xf32>
      %mul3A_69 = arith.mulf %gather3A_66, %mul3A_68 : vector<16xf32>
      %sub3A = arith.subf %mul3A_61, %mul3A_45 : vector<16xf32>
      %max3A = arith.constant 1.000000e+00 : f32
      %max3A_70 = vector.broadcast %max3A : f32 to vector<16xf32>
      %max3A_71 = arith.maximumf %sub3A, %max3A_70 : vector<16xf32>
      %sub3A_72 = arith.subf %mul3A_69, %mul3A_53 : vector<16xf32>
      %max3A_73 = arith.constant 1.000000e+00 : f32
      %max3A_74 = vector.broadcast %max3A_73 : f32 to vector<16xf32>
      %max3A_75 = arith.maximumf %sub3A_72, %max3A_74 : vector<16xf32>
      %div3A = arith.constant 7.000000e+00 : f32
      %div3A_76 = vector.broadcast %div3A : f32 to vector<16xf32>
      %div3A_77 = arith.divf %max3A_71, %div3A_76 : vector<16xf32>
      %div3A_78 = arith.constant 7.000000e+00 : f32
      %div3A_79 = vector.broadcast %div3A_78 : f32 to vector<16xf32>
      %div3A_80 = arith.divf %max3A_75, %div3A_79 : vector<16xf32>
      %scan3A_81 = arith.constant 0 : i32
      %scan3A_82 = arith.constant 0 : i32
      %scan3A_83 = arith.constant 7 : i32
      %scan3A_84 = arith.addi %scan3A_82, %scan3A_83 : i32
      %scan3A_85 = arith.constant 1 : i32
      %scan3A_86 = scf.for %scan3A_224 = %scan3A_82 to %scan3A_84 step %scan3A_85 iter_args(%scan3A_225 = %scan3A_81) -> (i32)  : i32 {
        %convert_element_type3A_226 = arith.sitofp %scan3A_224 : i32 to f32
        %mul3A_227 = arith.constant 5.000000e-01 : f32
        %mul3A_228 = vector.broadcast %mul3A_227 : f32 to vector<16xf32>
        %mul3A_229 = arith.mulf %mul3A_228, %convert_element_type3A : vector<16xf32>
        %add3A_230 = arith.constant 2.500000e-01 : f32
        %add3A_231 = vector.broadcast %add3A_230 : f32 to vector<16xf32>
        %add3A_232 = arith.addf %add3A_231, %mul3A_229 : vector<16xf32>
        %mul3A_233 = arith.mulf %add3A_232, %div3A_80 : vector<16xf32>
        %add3A_234 = arith.addf %mul3A_53, %mul3A_233 : vector<16xf32>
        %add3A_235 = arith.constant 2.500000e-01 : f32
        %add3A_236 = arith.addf %convert_element_type3A_226, %add3A_235 : f32
        %mul3A_237 = arith.constant 5.000000e-01 : f32
        %mul3A_238 = vector.broadcast %mul3A_237 : f32 to vector<16xf32>
        %mul3A_239 = arith.mulf %mul3A_238, %convert_element_type3A_15 : vector<16xf32>
        %add3A_240 = vector.broadcast %add3A_236 : f32 to vector<16xf32>
        %add3A_241 = arith.addf %add3A_240, %mul3A_239 : vector<16xf32>
        %mul3A_242 = arith.mulf %add3A_241, %div3A_77 : vector<16xf32>
        %add3A_243 = arith.addf %mul3A_45, %mul3A_242 : vector<16xf32>
        %gt3A = arith.constant -1.000000e+00 : f32
        %gt3A_244 = vector.broadcast %gt3A : f32 to vector<16xf32>
        %gt3A_245 = arith.cmpf ogt, %add3A_234, %gt3A_244 : vector<16xf32>
        %lt3A = arith.constant 1.280000e+02 : f32
        %lt3A_246 = vector.broadcast %lt3A : f32 to vector<16xf32>
        %lt3A_247 = arith.cmpf olt, %add3A_234, %lt3A_246 : vector<16xf32>
        %and3A_248 = arith.andi %gt3A_245, %lt3A_247 : vector<16xi1>
        %gt3A_249 = arith.constant -1.000000e+00 : f32
        %gt3A_250 = vector.broadcast %gt3A_249 : f32 to vector<16xf32>
        %gt3A_251 = arith.cmpf ogt, %add3A_243, %gt3A_250 : vector<16xf32>
        %and3A_252 = arith.andi %and3A_248, %gt3A_251 : vector<16xi1>
        %lt3A_253 = arith.constant 1.280000e+02 : f32
        %lt3A_254 = vector.broadcast %lt3A_253 : f32 to vector<16xf32>
        %lt3A_255 = arith.cmpf olt, %add3A_243, %lt3A_254 : vector<16xf32>
        %and3A_256 = arith.andi %and3A_252, %lt3A_255 : vector<16xi1>
        %max3A_257 = arith.constant 0.000000e+00 : f32
        %max3A_258 = vector.broadcast %max3A_257 : f32 to vector<16xf32>
        %max3A_259 = arith.maximumf %add3A_234, %max3A_258 : vector<16xf32>
        %min3A = arith.constant 1.270000e+02 : f32
        %min3A_260 = vector.broadcast %min3A : f32 to vector<16xf32>
        %min3A_261 = arith.minimumf %max3A_259, %min3A_260 : vector<16xf32>
        %max3A_262 = arith.constant 0.000000e+00 : f32
        %max3A_263 = vector.broadcast %max3A_262 : f32 to vector<16xf32>
        %max3A_264 = arith.maximumf %add3A_243, %max3A_263 : vector<16xf32>
        %min3A_265 = arith.constant 1.270000e+02 : f32
        %min3A_266 = vector.broadcast %min3A_265 : f32 to vector<16xf32>
        %min3A_267 = arith.minimumf %max3A_264, %min3A_266 : vector<16xf32>
        %convert_element_type3A_268 = arith.fptosi %min3A_261 : vector<16xf32> to vector<16xi32>
        %convert_element_type3A_269 = arith.fptosi %min3A_267 : vector<16xf32> to vector<16xi32>
        %add3A_270 = arith.constant 1 : i32
        %add3A_271 = vector.broadcast %add3A_270 : i32 to vector<16xi32>
        %add3A_272 = arith.addi %convert_element_type3A_268, %add3A_271 : vector<16xi32>
        %min3A_273 = arith.constant 127 : i32
        %min3A_274 = vector.broadcast %min3A_273 : i32 to vector<16xi32>
        %min3A_275 = arith.minsi %add3A_272, %min3A_274 : vector<16xi32>
        %add3A_276 = arith.constant 1 : i32
        %add3A_277 = vector.broadcast %add3A_276 : i32 to vector<16xi32>
        %add3A_278 = arith.addi %convert_element_type3A_269, %add3A_277 : vector<16xi32>
        %min3A_279 = arith.constant 127 : i32
        %min3A_280 = vector.broadcast %min3A_279 : i32 to vector<16xi32>
        %min3A_281 = arith.minsi %add3A_278, %min3A_280 : vector<16xi32>
        %convert_element_type3A_282 = arith.sitofp %convert_element_type3A_268 : vector<16xi32> to vector<16xf32>
        %sub3A_283 = arith.subf %min3A_261, %convert_element_type3A_282 : vector<16xf32>
        %convert_element_type3A_284 = arith.sitofp %convert_element_type3A_269 : vector<16xi32> to vector<16xf32>
        %sub3A_285 = arith.subf %min3A_267, %convert_element_type3A_284 : vector<16xf32>
        %sub3A_286 = arith.constant 1.000000e+00 : f32
        %sub3A_287 = vector.broadcast %sub3A_286 : f32 to vector<16xf32>
        %sub3A_288 = arith.subf %sub3A_287, %sub3A_283 : vector<16xf32>
        %select_n3A = arith.select %eq3A_23, %sub3A_288, %sub3A_283 : vector<16xi1>, vector<16xf32>
        %sub3A_289 = arith.constant 1.000000e+00 : f32
        %sub3A_290 = vector.broadcast %sub3A_289 : f32 to vector<16xf32>
        %sub3A_291 = arith.subf %sub3A_290, %sub3A_285 : vector<16xf32>
        %select_n3A_292 = arith.select %eq3A_29, %sub3A_291, %sub3A_285 : vector<16xi1>, vector<16xf32>
        %select_n3A_293 = arith.select %eq3A_23, %convert_element_type3A_268, %min3A_275 : vector<16xi1>, vector<16xi32>
        %select_n3A_294 = arith.select %eq3A_29, %convert_element_type3A_269, %min3A_281 : vector<16xi1>, vector<16xi32>
        %mul3A_295 = arith.constant 128 : i32
        %mul3A_296 = vector.broadcast %mul3A_295 : i32 to vector<16xi32>
        %mul3A_297 = arith.muli %select_n3A_293, %mul3A_296 : vector<16xi32>
        %add3A_298 = arith.addi %mul3A_297, %select_n3A_294 : vector<16xi32>
        %mul3A_299 = arith.constant 16 : i32
        %mul3A_300 = arith.muli %scan3A_224, %mul3A_299 : i32
        %swap3A = arith.index_cast %mul3A_300 : i32 to index
        %swap3A_301 = tpu.vector_load %arg6[%swap3A] {strides = array<i32>} : memref<112xi32, #tpu.memory_space<vmem>>, vector<16xi32>,
        %swap3A_302 = vector.shape_cast %swap3A_301 : vector<16xi32> to vector<16xi32>
        %swap3A_303 = vector.shape_cast %add3A_298 : vector<16xi32> to vector<16xi32>
        tpu.vector_store %arg6[%swap3A], %swap3A_303 {strides = array<i32>} : memref<112xi32, #tpu.memory_space<vmem>>, vector<16xi32>,
        %mul3A_304 = arith.mulf %select_n3A, %select_n3A_292 : vector<16xf32>
        %jit3A = arith.constant 2.500000e-01 : f32
        %jit3A_305 = arith.constant 0.000000e+00 : f32
        %broadcast_in_dim3A_306 = vector.broadcast %jit3A : f32 to vector<16xf32>
        %broadcast_in_dim3A_307 = vector.broadcast %jit3A_305 : f32 to vector<16xf32>
        %select_n3A_308 = arith.select %and3A_256, %broadcast_in_dim3A_306, %broadcast_in_dim3A_307 : vector<16xi1>, vector<16xf32>
        %mul3A_309 = arith.mulf %mul3A_304, %select_n3A_308 : vector<16xf32>
        %mul3A_310 = arith.constant 16 : i32
        %mul3A_311 = arith.muli %scan3A_224, %mul3A_310 : i32
        %swap3A_312 = arith.index_cast %mul3A_311 : i32 to index
        %swap3A_313 = tpu.vector_load %arg9[%swap3A_312] {strides = array<i32>} : memref<112xf32, #tpu.memory_space<vmem>>, vector<16xf32>,
        %swap3A_314 = vector.shape_cast %swap3A_313 : vector<16xf32> to vector<16xf32>
        %swap3A_315 = vector.shape_cast %mul3A_309 : vector<16xf32> to vector<16xf32>
        tpu.vector_store %arg9[%swap3A_312], %swap3A_315 {strides = array<i32>} : memref<112xf32, #tpu.memory_space<vmem>>, vector<16xf32>,
        %scan3A_316 = arith.constant 0 : i32
        scf.yield %scan3A_316 : i32
      }
      %scan3A_87 = arith.constant 7 : i32
      %dma_start3A = arith.constant 0 : i32
      %dma_start3A_88 = arith.constant 0 : i32
      %dma_start3A_89 = tpu.memref_slice %arg2[%dma_start3A, %dma_start3A_88] : memref<16384x256xf32, #tpu.memory_space<hbm>> -> memref<16384x256xf32, #tpu.memory_space<hbm>>
      tpu.enqueue_indirect_dma source(%dma_start3A_89 : memref<16384x256xf32, #tpu.memory_space<hbm>>) target(%arg12 : memref<112x256xf32, #tpu.memory_space<vmem>>) offsets(%arg6 : memref<112xi32, #tpu.memory_space<vmem>>) semaphore(%arg16 : memref<!tpu.dma_semaphore, #tpu.memory_space<semaphore_mem>>)
      %scan3A_90 = arith.constant 0 : i32
      %scan3A_91 = arith.constant 0 : i32
      %scan3A_92 = arith.constant 7 : i32
      %scan3A_93 = arith.addi %scan3A_91, %scan3A_92 : i32
      %scan3A_94 = arith.constant 1 : i32
      %scan3A_95 = scf.for %scan3A_224 = %scan3A_91 to %scan3A_93 step %scan3A_94 iter_args(%scan3A_225 = %scan3A_90) -> (i32)  : i32 {
        %convert_element_type3A_226 = arith.sitofp %scan3A_224 : i32 to f32
        %mul3A_227 = arith.constant 5.000000e-01 : f32
        %mul3A_228 = vector.broadcast %mul3A_227 : f32 to vector<16xf32>
        %mul3A_229 = arith.mulf %mul3A_228, %convert_element_type3A : vector<16xf32>
        %add3A_230 = arith.constant 1.250000e+00 : f32
        %add3A_231 = vector.broadcast %add3A_230 : f32 to vector<16xf32>
        %add3A_232 = arith.addf %add3A_231, %mul3A_229 : vector<16xf32>
        %mul3A_233 = arith.mulf %add3A_232, %div3A_80 : vector<16xf32>
        %add3A_234 = arith.addf %mul3A_53, %mul3A_233 : vector<16xf32>
        %add3A_235 = arith.constant 2.500000e-01 : f32
        %add3A_236 = arith.addf %convert_element_type3A_226, %add3A_235 : f32
        %mul3A_237 = arith.constant 5.000000e-01 : f32
        %mul3A_238 = vector.broadcast %mul3A_237 : f32 to vector<16xf32>
        %mul3A_239 = arith.mulf %mul3A_238, %convert_element_type3A_15 : vector<16xf32>
        %add3A_240 = vector.broadcast %add3A_236 : f32 to vector<16xf32>
        %add3A_241 = arith.addf %add3A_240, %mul3A_239 : vector<16xf32>
        %mul3A_242 = arith.mulf %add3A_241, %div3A_77 : vector<16xf32>
        %add3A_243 = arith.addf %mul3A_45, %mul3A_242 : vector<16xf32>
        %gt3A = arith.constant -1.000000e+00 : f32
        %gt3A_244 = vector.broadcast %gt3A : f32 to vector<16xf32>
        %gt3A_245 = arith.cmpf ogt, %add3A_234, %gt3A_244 : vector<16xf32>
        %lt3A = arith.constant 1.280000e+02 : f32
        %lt3A_246 = vector.broadcast %lt3A : f32 to vector<16xf32>
        %lt3A_247 = arith.cmpf olt, %add3A_234, %lt3A_246 : vector<16xf32>
        %and3A_248 = arith.andi %gt3A_245, %lt3A_247 : vector<16xi1>
        %gt3A_249 = arith.constant -1.000000e+00 : f32
        %gt3A_250 = vector.broadcast %gt3A_249 : f32 to vector<16xf32>
        %gt3A_251 = arith.cmpf ogt, %add3A_243, %gt3A_250 : vector<16xf32>
        %and3A_252 = arith.andi %and3A_248, %gt3A_251 : vector<16xi1>
        %lt3A_253 = arith.constant 1.280000e+02 : f32
        %lt3A_254 = vector.broadcast %lt3A_253 : f32 to vector<16xf32>
        %lt3A_255 = arith.cmpf olt, %add3A_243, %lt3A_254 : vector<16xf32>
        %and3A_256 = arith.andi %and3A_252, %lt3A_255 : vector<16xi1>
        %max3A_257 = arith.constant 0.000000e+00 : f32
        %max3A_258 = vector.broadcast %max3A_257 : f32 to vector<16xf32>
        %max3A_259 = arith.maximumf %add3A_234, %max3A_258 : vector<16xf32>
        %min3A = arith.constant 1.270000e+02 : f32
        %min3A_260 = vector.broadcast %min3A : f32 to vector<16xf32>
        %min3A_261 = arith.minimumf %max3A_259, %min3A_260 : vector<16xf32>
        %max3A_262 = arith.constant 0.000000e+00 : f32
        %max3A_263 = vector.broadcast %max3A_262 : f32 to vector<16xf32>
        %max3A_264 = arith.maximumf %add3A_243, %max3A_263 : vector<16xf32>
        %min3A_265 = arith.constant 1.270000e+02 : f32
        %min3A_266 = vector.broadcast %min3A_265 : f32 to vector<16xf32>
        %min3A_267 = arith.minimumf %max3A_264, %min3A_266 : vector<16xf32>
        %convert_element_type3A_268 = arith.fptosi %min3A_261 : vector<16xf32> to vector<16xi32>
        %convert_element_type3A_269 = arith.fptosi %min3A_267 : vector<16xf32> to vector<16xi32>
        %add3A_270 = arith.constant 1 : i32
        %add3A_271 = vector.broadcast %add3A_270 : i32 to vector<16xi32>
        %add3A_272 = arith.addi %convert_element_type3A_268, %add3A_271 : vector<16xi32>
        %min3A_273 = arith.constant 127 : i32
        %min3A_274 = vector.broadcast %min3A_273 : i32 to vector<16xi32>
        %min3A_275 = arith.minsi %add3A_272, %min3A_274 : vector<16xi32>
        %add3A_276 = arith.constant 1 : i32
        %add3A_277 = vector.broadcast %add3A_276 : i32 to vector<16xi32>
        %add3A_278 = arith.addi %convert_element_type3A_269, %add3A_277 : vector<16xi32>
        %min3A_279 = arith.constant 127 : i32
        %min3A_280 = vector.broadcast %min3A_279 : i32 to vector<16xi32>
        %min3A_281 = arith.minsi %add3A_278, %min3A_280 : vector<16xi32>
        %convert_element_type3A_282 = arith.sitofp %convert_element_type3A_268 : vector<16xi32> to vector<16xf32>
        %sub3A_283 = arith.subf %min3A_261, %convert_element_type3A_282 : vector<16xf32>
        %convert_element_type3A_284 = arith.sitofp %convert_element_type3A_269 : vector<16xi32> to vector<16xf32>
        %sub3A_285 = arith.subf %min3A_267, %convert_element_type3A_284 : vector<16xf32>
        %sub3A_286 = arith.constant 1.000000e+00 : f32
        %sub3A_287 = vector.broadcast %sub3A_286 : f32 to vector<16xf32>
        %sub3A_288 = arith.subf %sub3A_287, %sub3A_283 : vector<16xf32>
        %select_n3A = arith.select %eq3A_23, %sub3A_288, %sub3A_283 : vector<16xi1>, vector<16xf32>
        %sub3A_289 = arith.constant 1.000000e+00 : f32
        %sub3A_290 = vector.broadcast %sub3A_289 : f32 to vector<16xf32>
        %sub3A_291 = arith.subf %sub3A_290, %sub3A_285 : vector<16xf32>
        %select_n3A_292 = arith.select %eq3A_29, %sub3A_291, %sub3A_285 : vector<16xi1>, vector<16xf32>
        %select_n3A_293 = arith.select %eq3A_23, %convert_element_type3A_268, %min3A_275 : vector<16xi1>, vector<16xi32>
        %select_n3A_294 = arith.select %eq3A_29, %convert_element_type3A_269, %min3A_281 : vector<16xi1>, vector<16xi32>
        %mul3A_295 = arith.constant 128 : i32
        %mul3A_296 = vector.broadcast %mul3A_295 : i32 to vector<16xi32>
        %mul3A_297 = arith.muli %select_n3A_293, %mul3A_296 : vector<16xi32>
        %add3A_298 = arith.addi %mul3A_297, %select_n3A_294 : vector<16xi32>
        %mul3A_299 = arith.constant 16 : i32
        %mul3A_300 = arith.muli %scan3A_224, %mul3A_299 : i32
        %swap3A = arith.index_cast %mul3A_300 : i32 to index
        %swap3A_301 = tpu.vector_load %arg7[%swap3A] {strides = array<i32>} : memref<112xi32, #tpu.memory_space<vmem>>, vector<16xi32>,
        %swap3A_302 = vector.shape_cast %swap3A_301 : vector<16xi32> to vector<16xi32>
        %swap3A_303 = vector.shape_cast %add3A_298 : vector<16xi32> to vector<16xi32>
        tpu.vector_store %arg7[%swap3A], %swap3A_303 {strides = array<i32>} : memref<112xi32, #tpu.memory_space<vmem>>, vector<16xi32>,
        %mul3A_304 = arith.mulf %select_n3A, %select_n3A_292 : vector<16xf32>
        %jit3A = arith.constant 2.500000e-01 : f32
        %jit3A_305 = arith.constant 0.000000e+00 : f32
        %broadcast_in_dim3A_306 = vector.broadcast %jit3A : f32 to vector<16xf32>
        %broadcast_in_dim3A_307 = vector.broadcast %jit3A_305 : f32 to vector<16xf32>
        %select_n3A_308 = arith.select %and3A_256, %broadcast_in_dim3A_306, %broadcast_in_dim3A_307 : vector<16xi1>, vector<16xf32>
        %mul3A_309 = arith.mulf %mul3A_304, %select_n3A_308 : vector<16xf32>
        %mul3A_310 = arith.constant 16 : i32
        %mul3A_311 = arith.muli %scan3A_224, %mul3A_310 : i32
        %swap3A_312 = arith.index_cast %mul3A_311 : i32 to index
        %swap3A_313 = tpu.vector_load %arg10[%swap3A_312] {strides = array<i32>} : memref<112xf32, #tpu.memory_space<vmem>>, vector<16xf32>,
        %swap3A_314 = vector.shape_cast %swap3A_313 : vector<16xf32> to vector<16xf32>
        %swap3A_315 = vector.shape_cast %mul3A_309 : vector<16xf32> to vector<16xf32>
        tpu.vector_store %arg10[%swap3A_312], %swap3A_315 {strides = array<i32>} : memref<112xf32, #tpu.memory_space<vmem>>, vector<16xf32>,
        %scan3A_316 = arith.constant 0 : i32
        scf.yield %scan3A_316 : i32
      }
      %scan3A_96 = arith.constant 7 : i32
      %dma_start3A_97 = arith.constant 0 : i32
      %dma_start3A_98 = arith.constant 0 : i32
      %dma_start3A_99 = tpu.memref_slice %arg2[%dma_start3A_97, %dma_start3A_98] : memref<16384x256xf32, #tpu.memory_space<hbm>> -> memref<16384x256xf32, #tpu.memory_space<hbm>>
      tpu.enqueue_indirect_dma source(%dma_start3A_99 : memref<16384x256xf32, #tpu.memory_space<hbm>>) target(%arg13 : memref<112x256xf32, #tpu.memory_space<vmem>>) offsets(%arg7 : memref<112xi32, #tpu.memory_space<vmem>>) semaphore(%arg17 : memref<!tpu.dma_semaphore, #tpu.memory_space<semaphore_mem>>)
      %scan3A_100 = arith.constant 0 : i32
      %scan3A_101 = arith.constant 0 : i32
      %scan3A_102 = arith.constant 7 : i32
      %scan3A_103 = arith.addi %scan3A_101, %scan3A_102 : i32
      %scan3A_104 = arith.constant 1 : i32
      %scan3A_105 = scf.for %scan3A_224 = %scan3A_101 to %scan3A_103 step %scan3A_104 iter_args(%scan3A_225 = %scan3A_100) -> (i32)  : i32 {
        %convert_element_type3A_226 = arith.sitofp %scan3A_224 : i32 to f32
        %mul3A_227 = arith.constant 5.000000e-01 : f32
        %mul3A_228 = vector.broadcast %mul3A_227 : f32 to vector<16xf32>
        %mul3A_229 = arith.mulf %mul3A_228, %convert_element_type3A : vector<16xf32>
        %add3A_230 = arith.constant 2.250000e+00 : f32
        %add3A_231 = vector.broadcast %add3A_230 : f32 to vector<16xf32>
        %add3A_232 = arith.addf %add3A_231, %mul3A_229 : vector<16xf32>
        %mul3A_233 = arith.mulf %add3A_232, %div3A_80 : vector<16xf32>
        %add3A_234 = arith.addf %mul3A_53, %mul3A_233 : vector<16xf32>
        %add3A_235 = arith.constant 2.500000e-01 : f32
        %add3A_236 = arith.addf %convert_element_type3A_226, %add3A_235 : f32
        %mul3A_237 = arith.constant 5.000000e-01 : f32
        %mul3A_238 = vector.broadcast %mul3A_237 : f32 to vector<16xf32>
        %mul3A_239 = arith.mulf %mul3A_238, %convert_element_type3A_15 : vector<16xf32>
        %add3A_240 = vector.broadcast %add3A_236 : f32 to vector<16xf32>
        %add3A_241 = arith.addf %add3A_240, %mul3A_239 : vector<16xf32>
        %mul3A_242 = arith.mulf %add3A_241, %div3A_77 : vector<16xf32>
        %add3A_243 = arith.addf %mul3A_45, %mul3A_242 : vector<16xf32>
        %gt3A = arith.constant -1.000000e+00 : f32
        %gt3A_244 = vector.broadcast %gt3A : f32 to vector<16xf32>
        %gt3A_245 = arith.cmpf ogt, %add3A_234, %gt3A_244 : vector<16xf32>
        %lt3A = arith.constant 1.280000e+02 : f32
        %lt3A_246 = vector.broadcast %lt3A : f32 to vector<16xf32>
        %lt3A_247 = arith.cmpf olt, %add3A_234, %lt3A_246 : vector<16xf32>
        %and3A_248 = arith.andi %gt3A_245, %lt3A_247 : vector<16xi1>
        %gt3A_249 = arith.constant -1.000000e+00 : f32
        %gt3A_250 = vector.broadcast %gt3A_249 : f32 to vector<16xf32>
        %gt3A_251 = arith.cmpf ogt, %add3A_243, %gt3A_250 : vector<16xf32>
        %and3A_252 = arith.andi %and3A_248, %gt3A_251 : vector<16xi1>
        %lt3A_253 = arith.constant 1.280000e+02 : f32
        %lt3A_254 = vector.broadcast %lt3A_253 : f32 to vector<16xf32>
        %lt3A_255 = arith.cmpf olt, %add3A_243, %lt3A_254 : vector<16xf32>
        %and3A_256 = arith.andi %and3A_252, %lt3A_255 : vector<16xi1>
        %max3A_257 = arith.constant 0.000000e+00 : f32
        %max3A_258 = vector.broadcast %max3A_257 : f32 to vector<16xf32>
        %max3A_259 = arith.maximumf %add3A_234, %max3A_258 : vector<16xf32>
        %min3A = arith.constant 1.270000e+02 : f32
        %min3A_260 = vector.broadcast %min3A : f32 to vector<16xf32>
        %min3A_261 = arith.minimumf %max3A_259, %min3A_260 : vector<16xf32>
        %max3A_262 = arith.constant 0.000000e+00 : f32
        %max3A_263 = vector.broadcast %max3A_262 : f32 to vector<16xf32>
        %max3A_264 = arith.maximumf %add3A_243, %max3A_263 : vector<16xf32>
        %min3A_265 = arith.constant 1.270000e+02 : f32
        %min3A_266 = vector.broadcast %min3A_265 : f32 to vector<16xf32>
        %min3A_267 = arith.minimumf %max3A_264, %min3A_266 : vector<16xf32>
        %convert_element_type3A_268 = arith.fptosi %min3A_261 : vector<16xf32> to vector<16xi32>
        %convert_element_type3A_269 = arith.fptosi %min3A_267 : vector<16xf32> to vector<16xi32>
        %add3A_270 = arith.constant 1 : i32
        %add3A_271 = vector.broadcast %add3A_270 : i32 to vector<16xi32>
        %add3A_272 = arith.addi %convert_element_type3A_268, %add3A_271 : vector<16xi32>
        %min3A_273 = arith.constant 127 : i32
        %min3A_274 = vector.broadcast %min3A_273 : i32 to vector<16xi32>
        %min3A_275 = arith.minsi %add3A_272, %min3A_274 : vector<16xi32>
        %add3A_276 = arith.constant 1 : i32
        %add3A_277 = vector.broadcast %add3A_276 : i32 to vector<16xi32>
        %add3A_278 = arith.addi %convert_element_type3A_269, %add3A_277 : vector<16xi32>
        %min3A_279 = arith.constant 127 : i32
        %min3A_280 = vector.broadcast %min3A_279 : i32 to vector<16xi32>
        %min3A_281 = arith.minsi %add3A_278, %min3A_280 : vector<16xi32>
        %convert_element_type3A_282 = arith.sitofp %convert_element_type3A_268 : vector<16xi32> to vector<16xf32>
        %sub3A_283 = arith.subf %min3A_261, %convert_element_type3A_282 : vector<16xf32>
        %convert_element_type3A_284 = arith.sitofp %convert_element_type3A_269 : vector<16xi32> to vector<16xf32>
        %sub3A_285 = arith.subf %min3A_267, %convert_element_type3A_284 : vector<16xf32>
        %sub3A_286 = arith.constant 1.000000e+00 : f32
        %sub3A_287 = vector.broadcast %sub3A_286 : f32 to vector<16xf32>
        %sub3A_288 = arith.subf %sub3A_287, %sub3A_283 : vector<16xf32>
        %select_n3A = arith.select %eq3A_23, %sub3A_288, %sub3A_283 : vector<16xi1>, vector<16xf32>
        %sub3A_289 = arith.constant 1.000000e+00 : f32
        %sub3A_290 = vector.broadcast %sub3A_289 : f32 to vector<16xf32>
        %sub3A_291 = arith.subf %sub3A_290, %sub3A_285 : vector<16xf32>
        %select_n3A_292 = arith.select %eq3A_29, %sub3A_291, %sub3A_285 : vector<16xi1>, vector<16xf32>
        %select_n3A_293 = arith.select %eq3A_23, %convert_element_type3A_268, %min3A_275 : vector<16xi1>, vector<16xi32>
        %select_n3A_294 = arith.select %eq3A_29, %convert_element_type3A_269, %min3A_281 : vector<16xi1>, vector<16xi32>
        %mul3A_295 = arith.constant 128 : i32
        %mul3A_296 = vector.broadcast %mul3A_295 : i32 to vector<16xi32>
        %mul3A_297 = arith.muli %select_n3A_293, %mul3A_296 : vector<16xi32>
        %add3A_298 = arith.addi %mul3A_297, %select_n3A_294 : vector<16xi32>
        %mul3A_299 = arith.constant 16 : i32
        %mul3A_300 = arith.muli %scan3A_224, %mul3A_299 : i32
        %swap3A = arith.index_cast %mul3A_300 : i32 to index
        %swap3A_301 = tpu.vector_load %arg8[%swap3A] {strides = array<i32>} : memref<112xi32, #tpu.memory_space<vmem>>, vector<16xi32>,
        %swap3A_302 = vector.shape_cast %swap3A_301 : vector<16xi32> to vector<16xi32>
        %swap3A_303 = vector.shape_cast %add3A_298 : vector<16xi32> to vector<16xi32>
        tpu.vector_store %arg8[%swap3A], %swap3A_303 {strides = array<i32>} : memref<112xi32, #tpu.memory_space<vmem>>, vector<16xi32>,
        %mul3A_304 = arith.mulf %select_n3A, %select_n3A_292 : vector<16xf32>
        %jit3A = arith.constant 2.500000e-01 : f32
        %jit3A_305 = arith.constant 0.000000e+00 : f32
        %broadcast_in_dim3A_306 = vector.broadcast %jit3A : f32 to vector<16xf32>
        %broadcast_in_dim3A_307 = vector.broadcast %jit3A_305 : f32 to vector<16xf32>
        %select_n3A_308 = arith.select %and3A_256, %broadcast_in_dim3A_306, %broadcast_in_dim3A_307 : vector<16xi1>, vector<16xf32>
        %mul3A_309 = arith.mulf %mul3A_304, %select_n3A_308 : vector<16xf32>
        %mul3A_310 = arith.constant 16 : i32
        %mul3A_311 = arith.muli %scan3A_224, %mul3A_310 : i32
        %swap3A_312 = arith.index_cast %mul3A_311 : i32 to index
        %swap3A_313 = tpu.vector_load %arg11[%swap3A_312] {strides = array<i32>} : memref<112xf32, #tpu.memory_space<vmem>>, vector<16xf32>,
        %swap3A_314 = vector.shape_cast %swap3A_313 : vector<16xf32> to vector<16xf32>
        %swap3A_315 = vector.shape_cast %mul3A_309 : vector<16xf32> to vector<16xf32>
        tpu.vector_store %arg11[%swap3A_312], %swap3A_315 {strides = array<i32>} : memref<112xf32, #tpu.memory_space<vmem>>, vector<16xf32>,
        %scan3A_316 = arith.constant 0 : i32
        scf.yield %scan3A_316 : i32
      }
      %scan3A_106 = arith.constant 7 : i32
      %dma_start3A_107 = arith.constant 0 : i32
      %dma_start3A_108 = arith.constant 0 : i32
      %dma_start3A_109 = tpu.memref_slice %arg2[%dma_start3A_107, %dma_start3A_108] : memref<16384x256xf32, #tpu.memory_space<hbm>> -> memref<16384x256xf32, #tpu.memory_space<hbm>>
      tpu.enqueue_indirect_dma source(%dma_start3A_109 : memref<16384x256xf32, #tpu.memory_space<hbm>>) target(%arg14 : memref<112x256xf32, #tpu.memory_space<vmem>>) offsets(%arg8 : memref<112xi32, #tpu.memory_space<vmem>>) semaphore(%arg18 : memref<!tpu.dma_semaphore, #tpu.memory_space<semaphore_mem>>)
      %dma_wait3A = arith.constant 0 : i32
      %dma_wait3A_110 = arith.constant 0 : i32
      %dma_wait3A_111 = tpu.memref_slice %arg2[%dma_wait3A, %dma_wait3A_110] : memref<16384x256xf32, #tpu.memory_space<hbm>> -> memref<16384x256xf32, #tpu.memory_space<hbm>>
      tpu.wait_indirect_dma semaphore(%arg16 : memref<!tpu.dma_semaphore, #tpu.memory_space<semaphore_mem>>) src(%dma_wait3A_111 : memref<16384x256xf32, #tpu.memory_space<hbm>>) dst(%arg12 : memref<112x256xf32, #tpu.memory_space<vmem>>)
      %scan3A_112 = arith.constant 0 : i32
      %scan3A_113 = arith.constant 0 : i32
      %scan3A_114 = arith.constant 7 : i32
      %scan3A_115 = arith.addi %scan3A_113, %scan3A_114 : i32
      %scan3A_116 = arith.constant 1 : i32
      %scan3A_117 = scf.for %scan3A_224 = %scan3A_113 to %scan3A_115 step %scan3A_116 iter_args(%scan3A_225 = %scan3A_112) -> (i32)  : i32 {
        %mul3A_226 = arith.constant 16 : i32
        %mul3A_227 = arith.muli %scan3A_224, %mul3A_226 : i32
        %get3A_228 = arith.index_cast %mul3A_227 : i32 to index
        %get3A_229 = tpu.vector_load %arg9[%get3A_228] {strides = array<i32>} : memref<112xf32, #tpu.memory_space<vmem>>, vector<16xf32>,
        %get3A_230 = vector.shape_cast %get3A_229 : vector<16xf32> to vector<16xf32>
        %broadcast_in_dim3A_231 = arith.constant 0.000000e+00 : f32
        %broadcast_in_dim3A_232 = vector.broadcast %broadcast_in_dim3A_231 : f32 to vector<16xf32>
        %broadcast_in_dim3A_233 = arith.constant 0.000000e+00 : f32
        %broadcast_in_dim3A_234 = vector.broadcast %broadcast_in_dim3A_233 : f32 to vector<16xf32>
        %broadcast_in_dim3A_235 = arith.constant 0.000000e+00 : f32
        %broadcast_in_dim3A_236 = vector.broadcast %broadcast_in_dim3A_235 : f32 to vector<16xf32>
        %broadcast_in_dim3A_237 = arith.constant 0.000000e+00 : f32
        %broadcast_in_dim3A_238 = vector.broadcast %broadcast_in_dim3A_237 : f32 to vector<16xf32>
        %broadcast_in_dim3A_239 = arith.constant 0.000000e+00 : f32
        %broadcast_in_dim3A_240 = vector.broadcast %broadcast_in_dim3A_239 : f32 to vector<16xf32>
        %broadcast_in_dim3A_241 = arith.constant 0.000000e+00 : f32
        %broadcast_in_dim3A_242 = vector.broadcast %broadcast_in_dim3A_241 : f32 to vector<16xf32>
        %broadcast_in_dim3A_243 = arith.constant 0.000000e+00 : f32
        %broadcast_in_dim3A_244 = vector.broadcast %broadcast_in_dim3A_243 : f32 to vector<16xf32>
        %broadcast_in_dim3A_245 = arith.constant 0.000000e+00 : f32
        %broadcast_in_dim3A_246 = vector.broadcast %broadcast_in_dim3A_245 : f32 to vector<16xf32>
        %broadcast_in_dim3A_247 = arith.constant 0.000000e+00 : f32
        %broadcast_in_dim3A_248 = vector.broadcast %broadcast_in_dim3A_247 : f32 to vector<16xf32>
        %broadcast_in_dim3A_249 = arith.constant 0.000000e+00 : f32
        %broadcast_in_dim3A_250 = vector.broadcast %broadcast_in_dim3A_249 : f32 to vector<16xf32>
        %broadcast_in_dim3A_251 = arith.constant 0.000000e+00 : f32
        %broadcast_in_dim3A_252 = vector.broadcast %broadcast_in_dim3A_251 : f32 to vector<16xf32>
        %broadcast_in_dim3A_253 = arith.constant 0.000000e+00 : f32
        %broadcast_in_dim3A_254 = vector.broadcast %broadcast_in_dim3A_253 : f32 to vector<16xf32>
        %broadcast_in_dim3A_255 = arith.constant 0.000000e+00 : f32
        %broadcast_in_dim3A_256 = vector.broadcast %broadcast_in_dim3A_255 : f32 to vector<16xf32>
        %broadcast_in_dim3A_257 = arith.constant 0.000000e+00 : f32
        %broadcast_in_dim3A_258 = vector.broadcast %broadcast_in_dim3A_257 : f32 to vector<16xf32>
        %broadcast_in_dim3A_259 = arith.constant 0.000000e+00 : f32
        %broadcast_in_dim3A_260 = vector.broadcast %broadcast_in_dim3A_259 : f32 to vector<16xf32>
        %broadcast_in_dim3A_261 = arith.constant 0.000000e+00 : f32
        %broadcast_in_dim3A_262 = vector.broadcast %broadcast_in_dim3A_261 : f32 to vector<16xf32>
        %scan3A_263 = arith.constant 0 : i32
        %scan3A_264 = arith.constant 16 : i32
        %scan3A_265 = arith.addi %scan3A_263, %scan3A_264 : i32
        %scan3A_266 = arith.constant 1 : i32
        %scan3A_267:16 = scf.for %scan3A_369 = %scan3A_263 to %scan3A_265 step %scan3A_266 iter_args(%scan3A_370 = %broadcast_in_dim3A_232, %scan3A_371 = %broadcast_in_dim3A_234, %scan3A_372 = %broadcast_in_dim3A_236, %scan3A_373 = %broadcast_in_dim3A_238, %scan3A_374 = %broadcast_in_dim3A_240, %scan3A_375 = %broadcast_in_dim3A_242, %scan3A_376 = %broadcast_in_dim3A_244, %scan3A_377 = %broadcast_in_dim3A_246, %scan3A_378 = %broadcast_in_dim3A_248, %scan3A_379 = %broadcast_in_dim3A_250, %scan3A_380 = %broadcast_in_dim3A_252, %scan3A_381 = %broadcast_in_dim3A_254, %scan3A_382 = %broadcast_in_dim3A_256, %scan3A_383 = %broadcast_in_dim3A_258, %scan3A_384 = %broadcast_in_dim3A_260, %scan3A_385 = %broadcast_in_dim3A_262) -> (vector<16xf32>, vector<16xf32>, vector<16xf32>, vector<16xf32>, vector<16xf32>, vector<16xf32>, vector<16xf32>, vector<16xf32>, vector<16xf32>, vector<16xf32>, vector<16xf32>, vector<16xf32>, vector<16xf32>, vector<16xf32>, vector<16xf32>, vector<16xf32>)  : i32 {
          %broadcast_in_dim3A_386 = vector.broadcast %scan3A_369 : i32 to vector<16xi32>
          %broadcast_in_dim3A_387 = vector.shape_cast %broadcast_in_dim3A_386 : vector<16xi32> to vector<16x1xi32>
          %gather3A_388 = vector.shape_cast %broadcast_in_dim3A_387 : vector<16x1xi32> to vector<16xi32>
          %gather3A_389 = tpu.dynamic_gather %get3A_230[%gather3A_388] in [0] : vector<16xf32>, vector<16xi32> -> vector<16xf32>
          %add3A_390 = arith.addi %mul3A_227, %scan3A_369 : i32
          %get3A_391 = arith.index_cast %add3A_390 : i32 to index
          %get3A_392 = arith.constant 0 : index
          %get3A_393 = tpu.vector_load %arg12[%get3A_391, %get3A_392] {strides = array<i32>} : memref<112x256xf32, #tpu.memory_space<vmem>>, vector<1x16xf32>,
          %get3A_394 = vector.shape_cast %get3A_393 : vector<1x16xf32> to vector<16xf32>
          %mul3A_395 = arith.mulf %gather3A_389, %get3A_394 : vector<16xf32>
          %add3A_396 = arith.addf %scan3A_370, %mul3A_395 : vector<16xf32>
          %add3A_397 = arith.addi %mul3A_227, %scan3A_369 : i32
          %get3A_398 = arith.index_cast %add3A_397 : i32 to index
          %get3A_399 = arith.constant 16 : index
          %get3A_400 = tpu.vector_load %arg12[%get3A_398, %get3A_399] {strides = array<i32>} : memref<112x256xf32, #tpu.memory_space<vmem>>, vector<1x16xf32>,
          %get3A_401 = vector.shape_cast %get3A_400 : vector<1x16xf32> to vector<16xf32>
          %mul3A_402 = arith.mulf %gather3A_389, %get3A_401 : vector<16xf32>
          %add3A_403 = arith.addf %scan3A_371, %mul3A_402 : vector<16xf32>
          %add3A_404 = arith.addi %mul3A_227, %scan3A_369 : i32
          %get3A_405 = arith.index_cast %add3A_404 : i32 to index
          %get3A_406 = arith.constant 32 : index
          %get3A_407 = tpu.vector_load %arg12[%get3A_405, %get3A_406] {strides = array<i32>} : memref<112x256xf32, #tpu.memory_space<vmem>>, vector<1x16xf32>,
          %get3A_408 = vector.shape_cast %get3A_407 : vector<1x16xf32> to vector<16xf32>
          %mul3A_409 = arith.mulf %gather3A_389, %get3A_408 : vector<16xf32>
          %add3A_410 = arith.addf %scan3A_372, %mul3A_409 : vector<16xf32>
          %add3A_411 = arith.addi %mul3A_227, %scan3A_369 : i32
          %get3A_412 = arith.index_cast %add3A_411 : i32 to index
          %get3A_413 = arith.constant 48 : index
          %get3A_414 = tpu.vector_load %arg12[%get3A_412, %get3A_413] {strides = array<i32>} : memref<112x256xf32, #tpu.memory_space<vmem>>, vector<1x16xf32>,
          %get3A_415 = vector.shape_cast %get3A_414 : vector<1x16xf32> to vector<16xf32>
          %mul3A_416 = arith.mulf %gather3A_389, %get3A_415 : vector<16xf32>
          %add3A_417 = arith.addf %scan3A_373, %mul3A_416 : vector<16xf32>
          %add3A_418 = arith.addi %mul3A_227, %scan3A_369 : i32
          %get3A_419 = arith.index_cast %add3A_418 : i32 to index
          %get3A_420 = arith.constant 64 : index
          %get3A_421 = tpu.vector_load %arg12[%get3A_419, %get3A_420] {strides = array<i32>} : memref<112x256xf32, #tpu.memory_space<vmem>>, vector<1x16xf32>,
          %get3A_422 = vector.shape_cast %get3A_421 : vector<1x16xf32> to vector<16xf32>
          %mul3A_423 = arith.mulf %gather3A_389, %get3A_422 : vector<16xf32>
          %add3A_424 = arith.addf %scan3A_374, %mul3A_423 : vector<16xf32>
          %add3A_425 = arith.addi %mul3A_227, %scan3A_369 : i32
          %get3A_426 = arith.index_cast %add3A_425 : i32 to index
          %get3A_427 = arith.constant 80 : index
          %get3A_428 = tpu.vector_load %arg12[%get3A_426, %get3A_427] {strides = array<i32>} : memref<112x256xf32, #tpu.memory_space<vmem>>, vector<1x16xf32>,
          %get3A_429 = vector.shape_cast %get3A_428 : vector<1x16xf32> to vector<16xf32>
          %mul3A_430 = arith.mulf %gather3A_389, %get3A_429 : vector<16xf32>
          %add3A_431 = arith.addf %scan3A_375, %mul3A_430 : vector<16xf32>
          %add3A_432 = arith.addi %mul3A_227, %scan3A_369 : i32
          %get3A_433 = arith.index_cast %add3A_432 : i32 to index
          %get3A_434 = arith.constant 96 : index
          %get3A_435 = tpu.vector_load %arg12[%get3A_433, %get3A_434] {strides = array<i32>} : memref<112x256xf32, #tpu.memory_space<vmem>>, vector<1x16xf32>,
          %get3A_436 = vector.shape_cast %get3A_435 : vector<1x16xf32> to vector<16xf32>
          %mul3A_437 = arith.mulf %gather3A_389, %get3A_436 : vector<16xf32>
          %add3A_438 = arith.addf %scan3A_376, %mul3A_437 : vector<16xf32>
          %add3A_439 = arith.addi %mul3A_227, %scan3A_369 : i32
          %get3A_440 = arith.index_cast %add3A_439 : i32 to index
          %get3A_441 = arith.constant 112 : index
          %get3A_442 = tpu.vector_load %arg12[%get3A_440, %get3A_441] {strides = array<i32>} : memref<112x256xf32, #tpu.memory_space<vmem>>, vector<1x16xf32>,
          %get3A_443 = vector.shape_cast %get3A_442 : vector<1x16xf32> to vector<16xf32>
          %mul3A_444 = arith.mulf %gather3A_389, %get3A_443 : vector<16xf32>
          %add3A_445 = arith.addf %scan3A_377, %mul3A_444 : vector<16xf32>
          %add3A_446 = arith.addi %mul3A_227, %scan3A_369 : i32
          %get3A_447 = arith.index_cast %add3A_446 : i32 to index
          %get3A_448 = arith.constant 128 : index
          %get3A_449 = tpu.vector_load %arg12[%get3A_447, %get3A_448] {strides = array<i32>} : memref<112x256xf32, #tpu.memory_space<vmem>>, vector<1x16xf32>,
          %get3A_450 = vector.shape_cast %get3A_449 : vector<1x16xf32> to vector<16xf32>
          %mul3A_451 = arith.mulf %gather3A_389, %get3A_450 : vector<16xf32>
          %add3A_452 = arith.addf %scan3A_378, %mul3A_451 : vector<16xf32>
          %add3A_453 = arith.addi %mul3A_227, %scan3A_369 : i32
          %get3A_454 = arith.index_cast %add3A_453 : i32 to index
          %get3A_455 = arith.constant 144 : index
          %get3A_456 = tpu.vector_load %arg12[%get3A_454, %get3A_455] {strides = array<i32>} : memref<112x256xf32, #tpu.memory_space<vmem>>, vector<1x16xf32>,
          %get3A_457 = vector.shape_cast %get3A_456 : vector<1x16xf32> to vector<16xf32>
          %mul3A_458 = arith.mulf %gather3A_389, %get3A_457 : vector<16xf32>
          %add3A_459 = arith.addf %scan3A_379, %mul3A_458 : vector<16xf32>
          %add3A_460 = arith.addi %mul3A_227, %scan3A_369 : i32
          %get3A_461 = arith.index_cast %add3A_460 : i32 to index
          %get3A_462 = arith.constant 160 : index
          %get3A_463 = tpu.vector_load %arg12[%get3A_461, %get3A_462] {strides = array<i32>} : memref<112x256xf32, #tpu.memory_space<vmem>>, vector<1x16xf32>,
          %get3A_464 = vector.shape_cast %get3A_463 : vector<1x16xf32> to vector<16xf32>
          %mul3A_465 = arith.mulf %gather3A_389, %get3A_464 : vector<16xf32>
          %add3A_466 = arith.addf %scan3A_380, %mul3A_465 : vector<16xf32>
          %add3A_467 = arith.addi %mul3A_227, %scan3A_369 : i32
          %get3A_468 = arith.index_cast %add3A_467 : i32 to index
          %get3A_469 = arith.constant 176 : index
          %get3A_470 = tpu.vector_load %arg12[%get3A_468, %get3A_469] {strides = array<i32>} : memref<112x256xf32, #tpu.memory_space<vmem>>, vector<1x16xf32>,
          %get3A_471 = vector.shape_cast %get3A_470 : vector<1x16xf32> to vector<16xf32>
          %mul3A_472 = arith.mulf %gather3A_389, %get3A_471 : vector<16xf32>
          %add3A_473 = arith.addf %scan3A_381, %mul3A_472 : vector<16xf32>
          %add3A_474 = arith.addi %mul3A_227, %scan3A_369 : i32
          %get3A_475 = arith.index_cast %add3A_474 : i32 to index
          %get3A_476 = arith.constant 192 : index
          %get3A_477 = tpu.vector_load %arg12[%get3A_475, %get3A_476] {strides = array<i32>} : memref<112x256xf32, #tpu.memory_space<vmem>>, vector<1x16xf32>,
          %get3A_478 = vector.shape_cast %get3A_477 : vector<1x16xf32> to vector<16xf32>
          %mul3A_479 = arith.mulf %gather3A_389, %get3A_478 : vector<16xf32>
          %add3A_480 = arith.addf %scan3A_382, %mul3A_479 : vector<16xf32>
          %add3A_481 = arith.addi %mul3A_227, %scan3A_369 : i32
          %get3A_482 = arith.index_cast %add3A_481 : i32 to index
          %get3A_483 = arith.constant 208 : index
          %get3A_484 = tpu.vector_load %arg12[%get3A_482, %get3A_483] {strides = array<i32>} : memref<112x256xf32, #tpu.memory_space<vmem>>, vector<1x16xf32>,
          %get3A_485 = vector.shape_cast %get3A_484 : vector<1x16xf32> to vector<16xf32>
          %mul3A_486 = arith.mulf %gather3A_389, %get3A_485 : vector<16xf32>
          %add3A_487 = arith.addf %scan3A_383, %mul3A_486 : vector<16xf32>
          %add3A_488 = arith.addi %mul3A_227, %scan3A_369 : i32
          %get3A_489 = arith.index_cast %add3A_488 : i32 to index
          %get3A_490 = arith.constant 224 : index
          %get3A_491 = tpu.vector_load %arg12[%get3A_489, %get3A_490] {strides = array<i32>} : memref<112x256xf32, #tpu.memory_space<vmem>>, vector<1x16xf32>,
          %get3A_492 = vector.shape_cast %get3A_491 : vector<1x16xf32> to vector<16xf32>
          %mul3A_493 = arith.mulf %gather3A_389, %get3A_492 : vector<16xf32>
          %add3A_494 = arith.addf %scan3A_384, %mul3A_493 : vector<16xf32>
          %add3A_495 = arith.addi %mul3A_227, %scan3A_369 : i32
          %get3A_496 = arith.index_cast %add3A_495 : i32 to index
          %get3A_497 = arith.constant 240 : index
          %get3A_498 = tpu.vector_load %arg12[%get3A_496, %get3A_497] {strides = array<i32>} : memref<112x256xf32, #tpu.memory_space<vmem>>, vector<1x16xf32>,
          %get3A_499 = vector.shape_cast %get3A_498 : vector<1x16xf32> to vector<16xf32>
          %mul3A_500 = arith.mulf %gather3A_389, %get3A_499 : vector<16xf32>
          %add3A_501 = arith.addf %scan3A_385, %mul3A_500 : vector<16xf32>
          scf.yield %add3A_396, %add3A_403, %add3A_410, %add3A_417, %add3A_424, %add3A_431, %add3A_438, %add3A_445, %add3A_452, %add3A_459, %add3A_466, %add3A_473, %add3A_480, %add3A_487, %add3A_494, %add3A_501 : vector<16xf32>, vector<16xf32>, vector<16xf32>, vector<16xf32>, vector<16xf32>, vector<16xf32>, vector<16xf32>, vector<16xf32>, vector<16xf32>, vector<16xf32>, vector<16xf32>, vector<16xf32>, vector<16xf32>, vector<16xf32>, vector<16xf32>, vector<16xf32>
        }
        %scan3A_268 = arith.constant 16 : i32
        %add3A_269 = arith.constant 0 : i32
        %add3A_270 = arith.addi %add3A_269, %scan3A_224 : i32
        %mul3A_271 = arith.constant 256 : i32
        %mul3A_272 = arith.muli %add3A_270, %mul3A_271 : i32
        %add3A_273 = arith.constant 0 : i32
        %add3A_274 = arith.addi %mul3A_272, %add3A_273 : i32
        %swap3A = arith.index_cast %add3A_274 : i32 to index
        %swap3A_275 = tpu.vector_load %arg15[%swap3A] {strides = array<i32>} : memref<12544xf32, #tpu.memory_space<vmem>>, vector<16xf32>,
        %swap3A_276 = vector.shape_cast %swap3A_275 : vector<16xf32> to vector<16xf32>
        %swap3A_277 = vector.shape_cast %scan3A_267#0 : vector<16xf32> to vector<16xf32>
        tpu.vector_store %arg15[%swap3A], %swap3A_277 {strides = array<i32>} : memref<12544xf32, #tpu.memory_space<vmem>>, vector<16xf32>,
        %add3A_278 = arith.constant 16 : i32
        %add3A_279 = arith.addi %mul3A_272, %add3A_278 : i32
        %swap3A_280 = arith.index_cast %add3A_279 : i32 to index
        %swap3A_281 = tpu.vector_load %arg15[%swap3A_280] {strides = array<i32>} : memref<12544xf32, #tpu.memory_space<vmem>>, vector<16xf32>,
        %swap3A_282 = vector.shape_cast %swap3A_281 : vector<16xf32> to vector<16xf32>
        %swap3A_283 = vector.shape_cast %scan3A_267#1 : vector<16xf32> to vector<16xf32>
        tpu.vector_store %arg15[%swap3A_280], %swap3A_283 {strides = array<i32>} : memref<12544xf32, #tpu.memory_space<vmem>>, vector<16xf32>,
        %add3A_284 = arith.constant 32 : i32
        %add3A_285 = arith.addi %mul3A_272, %add3A_284 : i32
        %swap3A_286 = arith.index_cast %add3A_285 : i32 to index
        %swap3A_287 = tpu.vector_load %arg15[%swap3A_286] {strides = array<i32>} : memref<12544xf32, #tpu.memory_space<vmem>>, vector<16xf32>,
        %swap3A_288 = vector.shape_cast %swap3A_287 : vector<16xf32> to vector<16xf32>
        %swap3A_289 = vector.shape_cast %scan3A_267#2 : vector<16xf32> to vector<16xf32>
        tpu.vector_store %arg15[%swap3A_286], %swap3A_289 {strides = array<i32>} : memref<12544xf32, #tpu.memory_space<vmem>>, vector<16xf32>,
        %add3A_290 = arith.constant 48 : i32
        %add3A_291 = arith.addi %mul3A_272, %add3A_290 : i32
        %swap3A_292 = arith.index_cast %add3A_291 : i32 to index
        %swap3A_293 = tpu.vector_load %arg15[%swap3A_292] {strides = array<i32>} : memref<12544xf32, #tpu.memory_space<vmem>>, vector<16xf32>,
        %swap3A_294 = vector.shape_cast %swap3A_293 : vector<16xf32> to vector<16xf32>
        %swap3A_295 = vector.shape_cast %scan3A_267#3 : vector<16xf32> to vector<16xf32>
        tpu.vector_store %arg15[%swap3A_292], %swap3A_295 {strides = array<i32>} : memref<12544xf32, #tpu.memory_space<vmem>>, vector<16xf32>,
        %add3A_296 = arith.constant 64 : i32
        %add3A_297 = arith.addi %mul3A_272, %add3A_296 : i32
        %swap3A_298 = arith.index_cast %add3A_297 : i32 to index
        %swap3A_299 = tpu.vector_load %arg15[%swap3A_298] {strides = array<i32>} : memref<12544xf32, #tpu.memory_space<vmem>>, vector<16xf32>,
        %swap3A_300 = vector.shape_cast %swap3A_299 : vector<16xf32> to vector<16xf32>
        %swap3A_301 = vector.shape_cast %scan3A_267#4 : vector<16xf32> to vector<16xf32>
        tpu.vector_store %arg15[%swap3A_298], %swap3A_301 {strides = array<i32>} : memref<12544xf32, #tpu.memory_space<vmem>>, vector<16xf32>,
        %add3A_302 = arith.constant 80 : i32
        %add3A_303 = arith.addi %mul3A_272, %add3A_302 : i32
        %swap3A_304 = arith.index_cast %add3A_303 : i32 to index
        %swap3A_305 = tpu.vector_load %arg15[%swap3A_304] {strides = array<i32>} : memref<12544xf32, #tpu.memory_space<vmem>>, vector<16xf32>,
        %swap3A_306 = vector.shape_cast %swap3A_305 : vector<16xf32> to vector<16xf32>
        %swap3A_307 = vector.shape_cast %scan3A_267#5 : vector<16xf32> to vector<16xf32>
        tpu.vector_store %arg15[%swap3A_304], %swap3A_307 {strides = array<i32>} : memref<12544xf32, #tpu.memory_space<vmem>>, vector<16xf32>,
        %add3A_308 = arith.constant 96 : i32
        %add3A_309 = arith.addi %mul3A_272, %add3A_308 : i32
        %swap3A_310 = arith.index_cast %add3A_309 : i32 to index
        %swap3A_311 = tpu.vector_load %arg15[%swap3A_310] {strides = array<i32>} : memref<12544xf32, #tpu.memory_space<vmem>>, vector<16xf32>,
        %swap3A_312 = vector.shape_cast %swap3A_311 : vector<16xf32> to vector<16xf32>
        %swap3A_313 = vector.shape_cast %scan3A_267#6 : vector<16xf32> to vector<16xf32>
        tpu.vector_store %arg15[%swap3A_310], %swap3A_313 {strides = array<i32>} : memref<12544xf32, #tpu.memory_space<vmem>>, vector<16xf32>,
        %add3A_314 = arith.constant 112 : i32
        %add3A_315 = arith.addi %mul3A_272, %add3A_314 : i32
        %swap3A_316 = arith.index_cast %add3A_315 : i32 to index
        %swap3A_317 = tpu.vector_load %arg15[%swap3A_316] {strides = array<i32>} : memref<12544xf32, #tpu.memory_space<vmem>>, vector<16xf32>,
        %swap3A_318 = vector.shape_cast %swap3A_317 : vector<16xf32> to vector<16xf32>
        %swap3A_319 = vector.shape_cast %scan3A_267#7 : vector<16xf32> to vector<16xf32>
        tpu.vector_store %arg15[%swap3A_316], %swap3A_319 {strides = array<i32>} : memref<12544xf32, #tpu.memory_space<vmem>>, vector<16xf32>,
        %add3A_320 = arith.constant 128 : i32
        %add3A_321 = arith.addi %mul3A_272, %add3A_320 : i32
        %swap3A_322 = arith.index_cast %add3A_321 : i32 to index
        %swap3A_323 = tpu.vector_load %arg15[%swap3A_322] {strides = array<i32>} : memref<12544xf32, #tpu.memory_space<vmem>>, vector<16xf32>,
        %swap3A_324 = vector.shape_cast %swap3A_323 : vector<16xf32> to vector<16xf32>
        %swap3A_325 = vector.shape_cast %scan3A_267#8 : vector<16xf32> to vector<16xf32>
        tpu.vector_store %arg15[%swap3A_322], %swap3A_325 {strides = array<i32>} : memref<12544xf32, #tpu.memory_space<vmem>>, vector<16xf32>,
        %add3A_326 = arith.constant 144 : i32
        %add3A_327 = arith.addi %mul3A_272, %add3A_326 : i32
        %swap3A_328 = arith.index_cast %add3A_327 : i32 to index
        %swap3A_329 = tpu.vector_load %arg15[%swap3A_328] {strides = array<i32>} : memref<12544xf32, #tpu.memory_space<vmem>>, vector<16xf32>,
        %swap3A_330 = vector.shape_cast %swap3A_329 : vector<16xf32> to vector<16xf32>
        %swap3A_331 = vector.shape_cast %scan3A_267#9 : vector<16xf32> to vector<16xf32>
        tpu.vector_store %arg15[%swap3A_328], %swap3A_331 {strides = array<i32>} : memref<12544xf32, #tpu.memory_space<vmem>>, vector<16xf32>,
        %add3A_332 = arith.constant 160 : i32
        %add3A_333 = arith.addi %mul3A_272, %add3A_332 : i32
        %swap3A_334 = arith.index_cast %add3A_333 : i32 to index
        %swap3A_335 = tpu.vector_load %arg15[%swap3A_334] {strides = array<i32>} : memref<12544xf32, #tpu.memory_space<vmem>>, vector<16xf32>,
        %swap3A_336 = vector.shape_cast %swap3A_335 : vector<16xf32> to vector<16xf32>
        %swap3A_337 = vector.shape_cast %scan3A_267#10 : vector<16xf32> to vector<16xf32>
        tpu.vector_store %arg15[%swap3A_334], %swap3A_337 {strides = array<i32>} : memref<12544xf32, #tpu.memory_space<vmem>>, vector<16xf32>,
        %add3A_338 = arith.constant 176 : i32
        %add3A_339 = arith.addi %mul3A_272, %add3A_338 : i32
        %swap3A_340 = arith.index_cast %add3A_339 : i32 to index
        %swap3A_341 = tpu.vector_load %arg15[%swap3A_340] {strides = array<i32>} : memref<12544xf32, #tpu.memory_space<vmem>>, vector<16xf32>,
        %swap3A_342 = vector.shape_cast %swap3A_341 : vector<16xf32> to vector<16xf32>
        %swap3A_343 = vector.shape_cast %scan3A_267#11 : vector<16xf32> to vector<16xf32>
        tpu.vector_store %arg15[%swap3A_340], %swap3A_343 {strides = array<i32>} : memref<12544xf32, #tpu.memory_space<vmem>>, vector<16xf32>,
        %add3A_344 = arith.constant 192 : i32
        %add3A_345 = arith.addi %mul3A_272, %add3A_344 : i32
        %swap3A_346 = arith.index_cast %add3A_345 : i32 to index
        %swap3A_347 = tpu.vector_load %arg15[%swap3A_346] {strides = array<i32>} : memref<12544xf32, #tpu.memory_space<vmem>>, vector<16xf32>,
        %swap3A_348 = vector.shape_cast %swap3A_347 : vector<16xf32> to vector<16xf32>
        %swap3A_349 = vector.shape_cast %scan3A_267#12 : vector<16xf32> to vector<16xf32>
        tpu.vector_store %arg15[%swap3A_346], %swap3A_349 {strides = array<i32>} : memref<12544xf32, #tpu.memory_space<vmem>>, vector<16xf32>,
        %add3A_350 = arith.constant 208 : i32
        %add3A_351 = arith.addi %mul3A_272, %add3A_350 : i32
        %swap3A_352 = arith.index_cast %add3A_351 : i32 to index
        %swap3A_353 = tpu.vector_load %arg15[%swap3A_352] {strides = array<i32>} : memref<12544xf32, #tpu.memory_space<vmem>>, vector<16xf32>,
        %swap3A_354 = vector.shape_cast %swap3A_353 : vector<16xf32> to vector<16xf32>
        %swap3A_355 = vector.shape_cast %scan3A_267#13 : vector<16xf32> to vector<16xf32>
        tpu.vector_store %arg15[%swap3A_352], %swap3A_355 {strides = array<i32>} : memref<12544xf32, #tpu.memory_space<vmem>>, vector<16xf32>,
        %add3A_356 = arith.constant 224 : i32
        %add3A_357 = arith.addi %mul3A_272, %add3A_356 : i32
        %swap3A_358 = arith.index_cast %add3A_357 : i32 to index
        %swap3A_359 = tpu.vector_load %arg15[%swap3A_358] {strides = array<i32>} : memref<12544xf32, #tpu.memory_space<vmem>>, vector<16xf32>,
        %swap3A_360 = vector.shape_cast %swap3A_359 : vector<16xf32> to vector<16xf32>
        %swap3A_361 = vector.shape_cast %scan3A_267#14 : vector<16xf32> to vector<16xf32>
        tpu.vector_store %arg15[%swap3A_358], %swap3A_361 {strides = array<i32>} : memref<12544xf32, #tpu.memory_space<vmem>>, vector<16xf32>,
        %add3A_362 = arith.constant 240 : i32
        %add3A_363 = arith.addi %mul3A_272, %add3A_362 : i32
        %swap3A_364 = arith.index_cast %add3A_363 : i32 to index
        %swap3A_365 = tpu.vector_load %arg15[%swap3A_364] {strides = array<i32>} : memref<12544xf32, #tpu.memory_space<vmem>>, vector<16xf32>,
        %swap3A_366 = vector.shape_cast %swap3A_365 : vector<16xf32> to vector<16xf32>
        %swap3A_367 = vector.shape_cast %scan3A_267#15 : vector<16xf32> to vector<16xf32>
        tpu.vector_store %arg15[%swap3A_364], %swap3A_367 {strides = array<i32>} : memref<12544xf32, #tpu.memory_space<vmem>>, vector<16xf32>,
        %scan3A_368 = arith.constant 0 : i32
        scf.yield %scan3A_368 : i32
      }
      %scan3A_118 = arith.constant 7 : i32
      %scan3A_119 = arith.constant 0 : i32
      %scan3A_120 = arith.constant 0 : i32
      %scan3A_121 = arith.constant 7 : i32
      %scan3A_122 = arith.addi %scan3A_120, %scan3A_121 : i32
      %scan3A_123 = arith.constant 1 : i32
      %scan3A_124 = scf.for %scan3A_224 = %scan3A_120 to %scan3A_122 step %scan3A_123 iter_args(%scan3A_225 = %scan3A_119) -> (i32)  : i32 {
        %convert_element_type3A_226 = arith.sitofp %scan3A_224 : i32 to f32
        %mul3A_227 = arith.constant 5.000000e-01 : f32
        %mul3A_228 = vector.broadcast %mul3A_227 : f32 to vector<16xf32>
        %mul3A_229 = arith.mulf %mul3A_228, %convert_element_type3A : vector<16xf32>
        %add3A_230 = arith.constant 3.250000e+00 : f32
        %add3A_231 = vector.broadcast %add3A_230 : f32 to vector<16xf32>
        %add3A_232 = arith.addf %add3A_231, %mul3A_229 : vector<16xf32>
        %mul3A_233 = arith.mulf %add3A_232, %div3A_80 : vector<16xf32>
        %add3A_234 = arith.addf %mul3A_53, %mul3A_233 : vector<16xf32>
        %add3A_235 = arith.constant 2.500000e-01 : f32
        %add3A_236 = arith.addf %convert_element_type3A_226, %add3A_235 : f32
        %mul3A_237 = arith.constant 5.000000e-01 : f32
        %mul3A_238 = vector.broadcast %mul3A_237 : f32 to vector<16xf32>
        %mul3A_239 = arith.mulf %mul3A_238, %convert_element_type3A_15 : vector<16xf32>
        %add3A_240 = vector.broadcast %add3A_236 : f32 to vector<16xf32>
        %add3A_241 = arith.addf %add3A_240, %mul3A_239 : vector<16xf32>
        %mul3A_242 = arith.mulf %add3A_241, %div3A_77 : vector<16xf32>
        %add3A_243 = arith.addf %mul3A_45, %mul3A_242 : vector<16xf32>
        %gt3A = arith.constant -1.000000e+00 : f32
        %gt3A_244 = vector.broadcast %gt3A : f32 to vector<16xf32>
        %gt3A_245 = arith.cmpf ogt, %add3A_234, %gt3A_244 : vector<16xf32>
        %lt3A = arith.constant 1.280000e+02 : f32
        %lt3A_246 = vector.broadcast %lt3A : f32 to vector<16xf32>
        %lt3A_247 = arith.cmpf olt, %add3A_234, %lt3A_246 : vector<16xf32>
        %and3A_248 = arith.andi %gt3A_245, %lt3A_247 : vector<16xi1>
        %gt3A_249 = arith.constant -1.000000e+00 : f32
        %gt3A_250 = vector.broadcast %gt3A_249 : f32 to vector<16xf32>
        %gt3A_251 = arith.cmpf ogt, %add3A_243, %gt3A_250 : vector<16xf32>
        %and3A_252 = arith.andi %and3A_248, %gt3A_251 : vector<16xi1>
        %lt3A_253 = arith.constant 1.280000e+02 : f32
        %lt3A_254 = vector.broadcast %lt3A_253 : f32 to vector<16xf32>
        %lt3A_255 = arith.cmpf olt, %add3A_243, %lt3A_254 : vector<16xf32>
        %and3A_256 = arith.andi %and3A_252, %lt3A_255 : vector<16xi1>
        %max3A_257 = arith.constant 0.000000e+00 : f32
        %max3A_258 = vector.broadcast %max3A_257 : f32 to vector<16xf32>
        %max3A_259 = arith.maximumf %add3A_234, %max3A_258 : vector<16xf32>
        %min3A = arith.constant 1.270000e+02 : f32
        %min3A_260 = vector.broadcast %min3A : f32 to vector<16xf32>
        %min3A_261 = arith.minimumf %max3A_259, %min3A_260 : vector<16xf32>
        %max3A_262 = arith.constant 0.000000e+00 : f32
        %max3A_263 = vector.broadcast %max3A_262 : f32 to vector<16xf32>
        %max3A_264 = arith.maximumf %add3A_243, %max3A_263 : vector<16xf32>
        %min3A_265 = arith.constant 1.270000e+02 : f32
        %min3A_266 = vector.broadcast %min3A_265 : f32 to vector<16xf32>
        %min3A_267 = arith.minimumf %max3A_264, %min3A_266 : vector<16xf32>
        %convert_element_type3A_268 = arith.fptosi %min3A_261 : vector<16xf32> to vector<16xi32>
        %convert_element_type3A_269 = arith.fptosi %min3A_267 : vector<16xf32> to vector<16xi32>
        %add3A_270 = arith.constant 1 : i32
        %add3A_271 = vector.broadcast %add3A_270 : i32 to vector<16xi32>
        %add3A_272 = arith.addi %convert_element_type3A_268, %add3A_271 : vector<16xi32>
        %min3A_273 = arith.constant 127 : i32
        %min3A_274 = vector.broadcast %min3A_273 : i32 to vector<16xi32>
        %min3A_275 = arith.minsi %add3A_272, %min3A_274 : vector<16xi32>
        %add3A_276 = arith.constant 1 : i32
        %add3A_277 = vector.broadcast %add3A_276 : i32 to vector<16xi32>
        %add3A_278 = arith.addi %convert_element_type3A_269, %add3A_277 : vector<16xi32>
        %min3A_279 = arith.constant 127 : i32
        %min3A_280 = vector.broadcast %min3A_279 : i32 to vector<16xi32>
        %min3A_281 = arith.minsi %add3A_278, %min3A_280 : vector<16xi32>
        %convert_element_type3A_282 = arith.sitofp %convert_element_type3A_268 : vector<16xi32> to vector<16xf32>
        %sub3A_283 = arith.subf %min3A_261, %convert_element_type3A_282 : vector<16xf32>
        %convert_element_type3A_284 = arith.sitofp %convert_element_type3A_269 : vector<16xi32> to vector<16xf32>
        %sub3A_285 = arith.subf %min3A_267, %convert_element_type3A_284 : vector<16xf32>
        %sub3A_286 = arith.constant 1.000000e+00 : f32
        %sub3A_287 = vector.broadcast %sub3A_286 : f32 to vector<16xf32>
        %sub3A_288 = arith.subf %sub3A_287, %sub3A_283 : vector<16xf32>
        %select_n3A = arith.select %eq3A_23, %sub3A_288, %sub3A_283 : vector<16xi1>, vector<16xf32>
        %sub3A_289 = arith.constant 1.000000e+00 : f32
        %sub3A_290 = vector.broadcast %sub3A_289 : f32 to vector<16xf32>
        %sub3A_291 = arith.subf %sub3A_290, %sub3A_285 : vector<16xf32>
        %select_n3A_292 = arith.select %eq3A_29, %sub3A_291, %sub3A_285 : vector<16xi1>, vector<16xf32>
        %select_n3A_293 = arith.select %eq3A_23, %convert_element_type3A_268, %min3A_275 : vector<16xi1>, vector<16xi32>
        %select_n3A_294 = arith.select %eq3A_29, %convert_element_type3A_269, %min3A_281 : vector<16xi1>, vector<16xi32>
        %mul3A_295 = arith.constant 128 : i32
        %mul3A_296 = vector.broadcast %mul3A_295 : i32 to vector<16xi32>
        %mul3A_297 = arith.muli %select_n3A_293, %mul3A_296 : vector<16xi32>
        %add3A_298 = arith.addi %mul3A_297, %select_n3A_294 : vector<16xi32>
        %mul3A_299 = arith.constant 16 : i32
        %mul3A_300 = arith.muli %scan3A_224, %mul3A_299 : i32
        %swap3A = arith.index_cast %mul3A_300 : i32 to index
        %swap3A_301 = tpu.vector_load %arg6[%swap3A] {strides = array<i32>} : memref<112xi32, #tpu.memory_space<vmem>>, vector<16xi32>,
        %swap3A_302 = vector.shape_cast %swap3A_301 : vector<16xi32> to vector<16xi32>
        %swap3A_303 = vector.shape_cast %add3A_298 : vector<16xi32> to vector<16xi32>
        tpu.vector_store %arg6[%swap3A], %swap3A_303 {strides = array<i32>} : memref<112xi32, #tpu.memory_space<vmem>>, vector<16xi32>,
        %mul3A_304 = arith.mulf %select_n3A, %select_n3A_292 : vector<16xf32>
        %jit3A = arith.constant 2.500000e-01 : f32
        %jit3A_305 = arith.constant 0.000000e+00 : f32
        %broadcast_in_dim3A_306 = vector.broadcast %jit3A : f32 to vector<16xf32>
        %broadcast_in_dim3A_307 = vector.broadcast %jit3A_305 : f32 to vector<16xf32>
        %select_n3A_308 = arith.select %and3A_256, %broadcast_in_dim3A_306, %broadcast_in_dim3A_307 : vector<16xi1>, vector<16xf32>
        %mul3A_309 = arith.mulf %mul3A_304, %select_n3A_308 : vector<16xf32>
        %mul3A_310 = arith.constant 16 : i32
        %mul3A_311 = arith.muli %scan3A_224, %mul3A_310 : i32
        %swap3A_312 = arith.index_cast %mul3A_311 : i32 to index
        %swap3A_313 = tpu.vector_load %arg9[%swap3A_312] {strides = array<i32>} : memref<112xf32, #tpu.memory_space<vmem>>, vector<16xf32>,
        %swap3A_314 = vector.shape_cast %swap3A_313 : vector<16xf32> to vector<16xf32>
        %swap3A_315 = vector.shape_cast %mul3A_309 : vector<16xf32> to vector<16xf32>
        tpu.vector_store %arg9[%swap3A_312], %swap3A_315 {strides = array<i32>} : memref<112xf32, #tpu.memory_space<vmem>>, vector<16xf32>,
        %scan3A_316 = arith.constant 0 : i32
        scf.yield %scan3A_316 : i32
      }
      %scan3A_125 = arith.constant 7 : i32
      %dma_start3A_126 = arith.constant 0 : i32
      %dma_start3A_127 = arith.constant 0 : i32
      %dma_start3A_128 = tpu.memref_slice %arg2[%dma_start3A_126, %dma_start3A_127] : memref<16384x256xf32, #tpu.memory_space<hbm>> -> memref<16384x256xf32, #tpu.memory_space<hbm>>
      tpu.enqueue_indirect_dma source(%dma_start3A_128 : memref<16384x256xf32, #tpu.memory_space<hbm>>) target(%arg12 : memref<112x256xf32, #tpu.memory_space<vmem>>) offsets(%arg6 : memref<112xi32, #tpu.memory_space<vmem>>) semaphore(%arg16 : memref<!tpu.dma_semaphore, #tpu.memory_space<semaphore_mem>>)
      %dma_wait3A_129 = arith.constant 0 : i32
      %dma_wait3A_130 = arith.constant 0 : i32
      %dma_wait3A_131 = tpu.memref_slice %arg2[%dma_wait3A_129, %dma_wait3A_130] : memref<16384x256xf32, #tpu.memory_space<hbm>> -> memref<16384x256xf32, #tpu.memory_space<hbm>>
      tpu.wait_indirect_dma semaphore(%arg17 : memref<!tpu.dma_semaphore, #tpu.memory_space<semaphore_mem>>) src(%dma_wait3A_131 : memref<16384x256xf32, #tpu.memory_space<hbm>>) dst(%arg13 : memref<112x256xf32, #tpu.memory_space<vmem>>)
      %scan3A_132 = arith.constant 0 : i32
      %scan3A_133 = arith.constant 0 : i32
      %scan3A_134 = arith.constant 7 : i32
      %scan3A_135 = arith.addi %scan3A_133, %scan3A_134 : i32
      %scan3A_136 = arith.constant 1 : i32
      %scan3A_137 = scf.for %scan3A_224 = %scan3A_133 to %scan3A_135 step %scan3A_136 iter_args(%scan3A_225 = %scan3A_132) -> (i32)  : i32 {
        %mul3A_226 = arith.constant 16 : i32
        %mul3A_227 = arith.muli %scan3A_224, %mul3A_226 : i32
        %get3A_228 = arith.index_cast %mul3A_227 : i32 to index
        %get3A_229 = tpu.vector_load %arg10[%get3A_228] {strides = array<i32>} : memref<112xf32, #tpu.memory_space<vmem>>, vector<16xf32>,
        %get3A_230 = vector.shape_cast %get3A_229 : vector<16xf32> to vector<16xf32>
        %broadcast_in_dim3A_231 = arith.constant 0.000000e+00 : f32
        %broadcast_in_dim3A_232 = vector.broadcast %broadcast_in_dim3A_231 : f32 to vector<16xf32>
        %broadcast_in_dim3A_233 = arith.constant 0.000000e+00 : f32
        %broadcast_in_dim3A_234 = vector.broadcast %broadcast_in_dim3A_233 : f32 to vector<16xf32>
        %broadcast_in_dim3A_235 = arith.constant 0.000000e+00 : f32
        %broadcast_in_dim3A_236 = vector.broadcast %broadcast_in_dim3A_235 : f32 to vector<16xf32>
        %broadcast_in_dim3A_237 = arith.constant 0.000000e+00 : f32
        %broadcast_in_dim3A_238 = vector.broadcast %broadcast_in_dim3A_237 : f32 to vector<16xf32>
        %broadcast_in_dim3A_239 = arith.constant 0.000000e+00 : f32
        %broadcast_in_dim3A_240 = vector.broadcast %broadcast_in_dim3A_239 : f32 to vector<16xf32>
        %broadcast_in_dim3A_241 = arith.constant 0.000000e+00 : f32
        %broadcast_in_dim3A_242 = vector.broadcast %broadcast_in_dim3A_241 : f32 to vector<16xf32>
        %broadcast_in_dim3A_243 = arith.constant 0.000000e+00 : f32
        %broadcast_in_dim3A_244 = vector.broadcast %broadcast_in_dim3A_243 : f32 to vector<16xf32>
        %broadcast_in_dim3A_245 = arith.constant 0.000000e+00 : f32
        %broadcast_in_dim3A_246 = vector.broadcast %broadcast_in_dim3A_245 : f32 to vector<16xf32>
        %broadcast_in_dim3A_247 = arith.constant 0.000000e+00 : f32
        %broadcast_in_dim3A_248 = vector.broadcast %broadcast_in_dim3A_247 : f32 to vector<16xf32>
        %broadcast_in_dim3A_249 = arith.constant 0.000000e+00 : f32
        %broadcast_in_dim3A_250 = vector.broadcast %broadcast_in_dim3A_249 : f32 to vector<16xf32>
        %broadcast_in_dim3A_251 = arith.constant 0.000000e+00 : f32
        %broadcast_in_dim3A_252 = vector.broadcast %broadcast_in_dim3A_251 : f32 to vector<16xf32>
        %broadcast_in_dim3A_253 = arith.constant 0.000000e+00 : f32
        %broadcast_in_dim3A_254 = vector.broadcast %broadcast_in_dim3A_253 : f32 to vector<16xf32>
        %broadcast_in_dim3A_255 = arith.constant 0.000000e+00 : f32
        %broadcast_in_dim3A_256 = vector.broadcast %broadcast_in_dim3A_255 : f32 to vector<16xf32>
        %broadcast_in_dim3A_257 = arith.constant 0.000000e+00 : f32
        %broadcast_in_dim3A_258 = vector.broadcast %broadcast_in_dim3A_257 : f32 to vector<16xf32>
        %broadcast_in_dim3A_259 = arith.constant 0.000000e+00 : f32
        %broadcast_in_dim3A_260 = vector.broadcast %broadcast_in_dim3A_259 : f32 to vector<16xf32>
        %broadcast_in_dim3A_261 = arith.constant 0.000000e+00 : f32
        %broadcast_in_dim3A_262 = vector.broadcast %broadcast_in_dim3A_261 : f32 to vector<16xf32>
        %scan3A_263 = arith.constant 0 : i32
        %scan3A_264 = arith.constant 16 : i32
        %scan3A_265 = arith.addi %scan3A_263, %scan3A_264 : i32
        %scan3A_266 = arith.constant 1 : i32
        %scan3A_267:16 = scf.for %scan3A_369 = %scan3A_263 to %scan3A_265 step %scan3A_266 iter_args(%scan3A_370 = %broadcast_in_dim3A_232, %scan3A_371 = %broadcast_in_dim3A_234, %scan3A_372 = %broadcast_in_dim3A_236, %scan3A_373 = %broadcast_in_dim3A_238, %scan3A_374 = %broadcast_in_dim3A_240, %scan3A_375 = %broadcast_in_dim3A_242, %scan3A_376 = %broadcast_in_dim3A_244, %scan3A_377 = %broadcast_in_dim3A_246, %scan3A_378 = %broadcast_in_dim3A_248, %scan3A_379 = %broadcast_in_dim3A_250, %scan3A_380 = %broadcast_in_dim3A_252, %scan3A_381 = %broadcast_in_dim3A_254, %scan3A_382 = %broadcast_in_dim3A_256, %scan3A_383 = %broadcast_in_dim3A_258, %scan3A_384 = %broadcast_in_dim3A_260, %scan3A_385 = %broadcast_in_dim3A_262) -> (vector<16xf32>, vector<16xf32>, vector<16xf32>, vector<16xf32>, vector<16xf32>, vector<16xf32>, vector<16xf32>, vector<16xf32>, vector<16xf32>, vector<16xf32>, vector<16xf32>, vector<16xf32>, vector<16xf32>, vector<16xf32>, vector<16xf32>, vector<16xf32>)  : i32 {
          %broadcast_in_dim3A_386 = vector.broadcast %scan3A_369 : i32 to vector<16xi32>
          %broadcast_in_dim3A_387 = vector.shape_cast %broadcast_in_dim3A_386 : vector<16xi32> to vector<16x1xi32>
          %gather3A_388 = vector.shape_cast %broadcast_in_dim3A_387 : vector<16x1xi32> to vector<16xi32>
          %gather3A_389 = tpu.dynamic_gather %get3A_230[%gather3A_388] in [0] : vector<16xf32>, vector<16xi32> -> vector<16xf32>
          %add3A_390 = arith.addi %mul3A_227, %scan3A_369 : i32
          %get3A_391 = arith.index_cast %add3A_390 : i32 to index
          %get3A_392 = arith.constant 0 : index
          %get3A_393 = tpu.vector_load %arg13[%get3A_391, %get3A_392] {strides = array<i32>} : memref<112x256xf32, #tpu.memory_space<vmem>>, vector<1x16xf32>,
          %get3A_394 = vector.shape_cast %get3A_393 : vector<1x16xf32> to vector<16xf32>
          %mul3A_395 = arith.mulf %gather3A_389, %get3A_394 : vector<16xf32>
          %add3A_396 = arith.addf %scan3A_370, %mul3A_395 : vector<16xf32>
          %add3A_397 = arith.addi %mul3A_227, %scan3A_369 : i32
          %get3A_398 = arith.index_cast %add3A_397 : i32 to index
          %get3A_399 = arith.constant 16 : index
          %get3A_400 = tpu.vector_load %arg13[%get3A_398, %get3A_399] {strides = array<i32>} : memref<112x256xf32, #tpu.memory_space<vmem>>, vector<1x16xf32>,
          %get3A_401 = vector.shape_cast %get3A_400 : vector<1x16xf32> to vector<16xf32>
          %mul3A_402 = arith.mulf %gather3A_389, %get3A_401 : vector<16xf32>
          %add3A_403 = arith.addf %scan3A_371, %mul3A_402 : vector<16xf32>
          %add3A_404 = arith.addi %mul3A_227, %scan3A_369 : i32
          %get3A_405 = arith.index_cast %add3A_404 : i32 to index
          %get3A_406 = arith.constant 32 : index
          %get3A_407 = tpu.vector_load %arg13[%get3A_405, %get3A_406] {strides = array<i32>} : memref<112x256xf32, #tpu.memory_space<vmem>>, vector<1x16xf32>,
          %get3A_408 = vector.shape_cast %get3A_407 : vector<1x16xf32> to vector<16xf32>
          %mul3A_409 = arith.mulf %gather3A_389, %get3A_408 : vector<16xf32>
          %add3A_410 = arith.addf %scan3A_372, %mul3A_409 : vector<16xf32>
          %add3A_411 = arith.addi %mul3A_227, %scan3A_369 : i32
          %get3A_412 = arith.index_cast %add3A_411 : i32 to index
          %get3A_413 = arith.constant 48 : index
          %get3A_414 = tpu.vector_load %arg13[%get3A_412, %get3A_413] {strides = array<i32>} : memref<112x256xf32, #tpu.memory_space<vmem>>, vector<1x16xf32>,
          %get3A_415 = vector.shape_cast %get3A_414 : vector<1x16xf32> to vector<16xf32>
          %mul3A_416 = arith.mulf %gather3A_389, %get3A_415 : vector<16xf32>
          %add3A_417 = arith.addf %scan3A_373, %mul3A_416 : vector<16xf32>
          %add3A_418 = arith.addi %mul3A_227, %scan3A_369 : i32
          %get3A_419 = arith.index_cast %add3A_418 : i32 to index
          %get3A_420 = arith.constant 64 : index
          %get3A_421 = tpu.vector_load %arg13[%get3A_419, %get3A_420] {strides = array<i32>} : memref<112x256xf32, #tpu.memory_space<vmem>>, vector<1x16xf32>,
          %get3A_422 = vector.shape_cast %get3A_421 : vector<1x16xf32> to vector<16xf32>
          %mul3A_423 = arith.mulf %gather3A_389, %get3A_422 : vector<16xf32>
          %add3A_424 = arith.addf %scan3A_374, %mul3A_423 : vector<16xf32>
          %add3A_425 = arith.addi %mul3A_227, %scan3A_369 : i32
          %get3A_426 = arith.index_cast %add3A_425 : i32 to index
          %get3A_427 = arith.constant 80 : index
          %get3A_428 = tpu.vector_load %arg13[%get3A_426, %get3A_427] {strides = array<i32>} : memref<112x256xf32, #tpu.memory_space<vmem>>, vector<1x16xf32>,
          %get3A_429 = vector.shape_cast %get3A_428 : vector<1x16xf32> to vector<16xf32>
          %mul3A_430 = arith.mulf %gather3A_389, %get3A_429 : vector<16xf32>
          %add3A_431 = arith.addf %scan3A_375, %mul3A_430 : vector<16xf32>
          %add3A_432 = arith.addi %mul3A_227, %scan3A_369 : i32
          %get3A_433 = arith.index_cast %add3A_432 : i32 to index
          %get3A_434 = arith.constant 96 : index
          %get3A_435 = tpu.vector_load %arg13[%get3A_433, %get3A_434] {strides = array<i32>} : memref<112x256xf32, #tpu.memory_space<vmem>>, vector<1x16xf32>,
          %get3A_436 = vector.shape_cast %get3A_435 : vector<1x16xf32> to vector<16xf32>
          %mul3A_437 = arith.mulf %gather3A_389, %get3A_436 : vector<16xf32>
          %add3A_438 = arith.addf %scan3A_376, %mul3A_437 : vector<16xf32>
          %add3A_439 = arith.addi %mul3A_227, %scan3A_369 : i32
          %get3A_440 = arith.index_cast %add3A_439 : i32 to index
          %get3A_441 = arith.constant 112 : index
          %get3A_442 = tpu.vector_load %arg13[%get3A_440, %get3A_441] {strides = array<i32>} : memref<112x256xf32, #tpu.memory_space<vmem>>, vector<1x16xf32>,
          %get3A_443 = vector.shape_cast %get3A_442 : vector<1x16xf32> to vector<16xf32>
          %mul3A_444 = arith.mulf %gather3A_389, %get3A_443 : vector<16xf32>
          %add3A_445 = arith.addf %scan3A_377, %mul3A_444 : vector<16xf32>
          %add3A_446 = arith.addi %mul3A_227, %scan3A_369 : i32
          %get3A_447 = arith.index_cast %add3A_446 : i32 to index
          %get3A_448 = arith.constant 128 : index
          %get3A_449 = tpu.vector_load %arg13[%get3A_447, %get3A_448] {strides = array<i32>} : memref<112x256xf32, #tpu.memory_space<vmem>>, vector<1x16xf32>,
          %get3A_450 = vector.shape_cast %get3A_449 : vector<1x16xf32> to vector<16xf32>
          %mul3A_451 = arith.mulf %gather3A_389, %get3A_450 : vector<16xf32>
          %add3A_452 = arith.addf %scan3A_378, %mul3A_451 : vector<16xf32>
          %add3A_453 = arith.addi %mul3A_227, %scan3A_369 : i32
          %get3A_454 = arith.index_cast %add3A_453 : i32 to index
          %get3A_455 = arith.constant 144 : index
          %get3A_456 = tpu.vector_load %arg13[%get3A_454, %get3A_455] {strides = array<i32>} : memref<112x256xf32, #tpu.memory_space<vmem>>, vector<1x16xf32>,
          %get3A_457 = vector.shape_cast %get3A_456 : vector<1x16xf32> to vector<16xf32>
          %mul3A_458 = arith.mulf %gather3A_389, %get3A_457 : vector<16xf32>
          %add3A_459 = arith.addf %scan3A_379, %mul3A_458 : vector<16xf32>
          %add3A_460 = arith.addi %mul3A_227, %scan3A_369 : i32
          %get3A_461 = arith.index_cast %add3A_460 : i32 to index
          %get3A_462 = arith.constant 160 : index
          %get3A_463 = tpu.vector_load %arg13[%get3A_461, %get3A_462] {strides = array<i32>} : memref<112x256xf32, #tpu.memory_space<vmem>>, vector<1x16xf32>,
          %get3A_464 = vector.shape_cast %get3A_463 : vector<1x16xf32> to vector<16xf32>
          %mul3A_465 = arith.mulf %gather3A_389, %get3A_464 : vector<16xf32>
          %add3A_466 = arith.addf %scan3A_380, %mul3A_465 : vector<16xf32>
          %add3A_467 = arith.addi %mul3A_227, %scan3A_369 : i32
          %get3A_468 = arith.index_cast %add3A_467 : i32 to index
          %get3A_469 = arith.constant 176 : index
          %get3A_470 = tpu.vector_load %arg13[%get3A_468, %get3A_469] {strides = array<i32>} : memref<112x256xf32, #tpu.memory_space<vmem>>, vector<1x16xf32>,
          %get3A_471 = vector.shape_cast %get3A_470 : vector<1x16xf32> to vector<16xf32>
          %mul3A_472 = arith.mulf %gather3A_389, %get3A_471 : vector<16xf32>
          %add3A_473 = arith.addf %scan3A_381, %mul3A_472 : vector<16xf32>
          %add3A_474 = arith.addi %mul3A_227, %scan3A_369 : i32
          %get3A_475 = arith.index_cast %add3A_474 : i32 to index
          %get3A_476 = arith.constant 192 : index
          %get3A_477 = tpu.vector_load %arg13[%get3A_475, %get3A_476] {strides = array<i32>} : memref<112x256xf32, #tpu.memory_space<vmem>>, vector<1x16xf32>,
          %get3A_478 = vector.shape_cast %get3A_477 : vector<1x16xf32> to vector<16xf32>
          %mul3A_479 = arith.mulf %gather3A_389, %get3A_478 : vector<16xf32>
          %add3A_480 = arith.addf %scan3A_382, %mul3A_479 : vector<16xf32>
          %add3A_481 = arith.addi %mul3A_227, %scan3A_369 : i32
          %get3A_482 = arith.index_cast %add3A_481 : i32 to index
          %get3A_483 = arith.constant 208 : index
          %get3A_484 = tpu.vector_load %arg13[%get3A_482, %get3A_483] {strides = array<i32>} : memref<112x256xf32, #tpu.memory_space<vmem>>, vector<1x16xf32>,
          %get3A_485 = vector.shape_cast %get3A_484 : vector<1x16xf32> to vector<16xf32>
          %mul3A_486 = arith.mulf %gather3A_389, %get3A_485 : vector<16xf32>
          %add3A_487 = arith.addf %scan3A_383, %mul3A_486 : vector<16xf32>
          %add3A_488 = arith.addi %mul3A_227, %scan3A_369 : i32
          %get3A_489 = arith.index_cast %add3A_488 : i32 to index
          %get3A_490 = arith.constant 224 : index
          %get3A_491 = tpu.vector_load %arg13[%get3A_489, %get3A_490] {strides = array<i32>} : memref<112x256xf32, #tpu.memory_space<vmem>>, vector<1x16xf32>,
          %get3A_492 = vector.shape_cast %get3A_491 : vector<1x16xf32> to vector<16xf32>
          %mul3A_493 = arith.mulf %gather3A_389, %get3A_492 : vector<16xf32>
          %add3A_494 = arith.addf %scan3A_384, %mul3A_493 : vector<16xf32>
          %add3A_495 = arith.addi %mul3A_227, %scan3A_369 : i32
          %get3A_496 = arith.index_cast %add3A_495 : i32 to index
          %get3A_497 = arith.constant 240 : index
          %get3A_498 = tpu.vector_load %arg13[%get3A_496, %get3A_497] {strides = array<i32>} : memref<112x256xf32, #tpu.memory_space<vmem>>, vector<1x16xf32>,
          %get3A_499 = vector.shape_cast %get3A_498 : vector<1x16xf32> to vector<16xf32>
          %mul3A_500 = arith.mulf %gather3A_389, %get3A_499 : vector<16xf32>
          %add3A_501 = arith.addf %scan3A_385, %mul3A_500 : vector<16xf32>
          scf.yield %add3A_396, %add3A_403, %add3A_410, %add3A_417, %add3A_424, %add3A_431, %add3A_438, %add3A_445, %add3A_452, %add3A_459, %add3A_466, %add3A_473, %add3A_480, %add3A_487, %add3A_494, %add3A_501 : vector<16xf32>, vector<16xf32>, vector<16xf32>, vector<16xf32>, vector<16xf32>, vector<16xf32>, vector<16xf32>, vector<16xf32>, vector<16xf32>, vector<16xf32>, vector<16xf32>, vector<16xf32>, vector<16xf32>, vector<16xf32>, vector<16xf32>, vector<16xf32>
        }
        %scan3A_268 = arith.constant 16 : i32
        %add3A_269 = arith.constant 7 : i32
        %add3A_270 = arith.addi %add3A_269, %scan3A_224 : i32
        %mul3A_271 = arith.constant 256 : i32
        %mul3A_272 = arith.muli %add3A_270, %mul3A_271 : i32
        %add3A_273 = arith.constant 0 : i32
        %add3A_274 = arith.addi %mul3A_272, %add3A_273 : i32
        %swap3A = arith.index_cast %add3A_274 : i32 to index
        %swap3A_275 = tpu.vector_load %arg15[%swap3A] {strides = array<i32>} : memref<12544xf32, #tpu.memory_space<vmem>>, vector<16xf32>,
        %swap3A_276 = vector.shape_cast %swap3A_275 : vector<16xf32> to vector<16xf32>
        %swap3A_277 = vector.shape_cast %scan3A_267#0 : vector<16xf32> to vector<16xf32>
        tpu.vector_store %arg15[%swap3A], %swap3A_277 {strides = array<i32>} : memref<12544xf32, #tpu.memory_space<vmem>>, vector<16xf32>,
        %add3A_278 = arith.constant 16 : i32
        %add3A_279 = arith.addi %mul3A_272, %add3A_278 : i32
        %swap3A_280 = arith.index_cast %add3A_279 : i32 to index
        %swap3A_281 = tpu.vector_load %arg15[%swap3A_280] {strides = array<i32>} : memref<12544xf32, #tpu.memory_space<vmem>>, vector<16xf32>,
        %swap3A_282 = vector.shape_cast %swap3A_281 : vector<16xf32> to vector<16xf32>
        %swap3A_283 = vector.shape_cast %scan3A_267#1 : vector<16xf32> to vector<16xf32>
        tpu.vector_store %arg15[%swap3A_280], %swap3A_283 {strides = array<i32>} : memref<12544xf32, #tpu.memory_space<vmem>>, vector<16xf32>,
        %add3A_284 = arith.constant 32 : i32
        %add3A_285 = arith.addi %mul3A_272, %add3A_284 : i32
        %swap3A_286 = arith.index_cast %add3A_285 : i32 to index
        %swap3A_287 = tpu.vector_load %arg15[%swap3A_286] {strides = array<i32>} : memref<12544xf32, #tpu.memory_space<vmem>>, vector<16xf32>,
        %swap3A_288 = vector.shape_cast %swap3A_287 : vector<16xf32> to vector<16xf32>
        %swap3A_289 = vector.shape_cast %scan3A_267#2 : vector<16xf32> to vector<16xf32>
        tpu.vector_store %arg15[%swap3A_286], %swap3A_289 {strides = array<i32>} : memref<12544xf32, #tpu.memory_space<vmem>>, vector<16xf32>,
        %add3A_290 = arith.constant 48 : i32
        %add3A_291 = arith.addi %mul3A_272, %add3A_290 : i32
        %swap3A_292 = arith.index_cast %add3A_291 : i32 to index
        %swap3A_293 = tpu.vector_load %arg15[%swap3A_292] {strides = array<i32>} : memref<12544xf32, #tpu.memory_space<vmem>>, vector<16xf32>,
        %swap3A_294 = vector.shape_cast %swap3A_293 : vector<16xf32> to vector<16xf32>
        %swap3A_295 = vector.shape_cast %scan3A_267#3 : vector<16xf32> to vector<16xf32>
        tpu.vector_store %arg15[%swap3A_292], %swap3A_295 {strides = array<i32>} : memref<12544xf32, #tpu.memory_space<vmem>>, vector<16xf32>,
        %add3A_296 = arith.constant 64 : i32
        %add3A_297 = arith.addi %mul3A_272, %add3A_296 : i32
        %swap3A_298 = arith.index_cast %add3A_297 : i32 to index
        %swap3A_299 = tpu.vector_load %arg15[%swap3A_298] {strides = array<i32>} : memref<12544xf32, #tpu.memory_space<vmem>>, vector<16xf32>,
        %swap3A_300 = vector.shape_cast %swap3A_299 : vector<16xf32> to vector<16xf32>
        %swap3A_301 = vector.shape_cast %scan3A_267#4 : vector<16xf32> to vector<16xf32>
        tpu.vector_store %arg15[%swap3A_298], %swap3A_301 {strides = array<i32>} : memref<12544xf32, #tpu.memory_space<vmem>>, vector<16xf32>,
        %add3A_302 = arith.constant 80 : i32
        %add3A_303 = arith.addi %mul3A_272, %add3A_302 : i32
        %swap3A_304 = arith.index_cast %add3A_303 : i32 to index
        %swap3A_305 = tpu.vector_load %arg15[%swap3A_304] {strides = array<i32>} : memref<12544xf32, #tpu.memory_space<vmem>>, vector<16xf32>,
        %swap3A_306 = vector.shape_cast %swap3A_305 : vector<16xf32> to vector<16xf32>
        %swap3A_307 = vector.shape_cast %scan3A_267#5 : vector<16xf32> to vector<16xf32>
        tpu.vector_store %arg15[%swap3A_304], %swap3A_307 {strides = array<i32>} : memref<12544xf32, #tpu.memory_space<vmem>>, vector<16xf32>,
        %add3A_308 = arith.constant 96 : i32
        %add3A_309 = arith.addi %mul3A_272, %add3A_308 : i32
        %swap3A_310 = arith.index_cast %add3A_309 : i32 to index
        %swap3A_311 = tpu.vector_load %arg15[%swap3A_310] {strides = array<i32>} : memref<12544xf32, #tpu.memory_space<vmem>>, vector<16xf32>,
        %swap3A_312 = vector.shape_cast %swap3A_311 : vector<16xf32> to vector<16xf32>
        %swap3A_313 = vector.shape_cast %scan3A_267#6 : vector<16xf32> to vector<16xf32>
        tpu.vector_store %arg15[%swap3A_310], %swap3A_313 {strides = array<i32>} : memref<12544xf32, #tpu.memory_space<vmem>>, vector<16xf32>,
        %add3A_314 = arith.constant 112 : i32
        %add3A_315 = arith.addi %mul3A_272, %add3A_314 : i32
        %swap3A_316 = arith.index_cast %add3A_315 : i32 to index
        %swap3A_317 = tpu.vector_load %arg15[%swap3A_316] {strides = array<i32>} : memref<12544xf32, #tpu.memory_space<vmem>>, vector<16xf32>,
        %swap3A_318 = vector.shape_cast %swap3A_317 : vector<16xf32> to vector<16xf32>
        %swap3A_319 = vector.shape_cast %scan3A_267#7 : vector<16xf32> to vector<16xf32>
        tpu.vector_store %arg15[%swap3A_316], %swap3A_319 {strides = array<i32>} : memref<12544xf32, #tpu.memory_space<vmem>>, vector<16xf32>,
        %add3A_320 = arith.constant 128 : i32
        %add3A_321 = arith.addi %mul3A_272, %add3A_320 : i32
        %swap3A_322 = arith.index_cast %add3A_321 : i32 to index
        %swap3A_323 = tpu.vector_load %arg15[%swap3A_322] {strides = array<i32>} : memref<12544xf32, #tpu.memory_space<vmem>>, vector<16xf32>,
        %swap3A_324 = vector.shape_cast %swap3A_323 : vector<16xf32> to vector<16xf32>
        %swap3A_325 = vector.shape_cast %scan3A_267#8 : vector<16xf32> to vector<16xf32>
        tpu.vector_store %arg15[%swap3A_322], %swap3A_325 {strides = array<i32>} : memref<12544xf32, #tpu.memory_space<vmem>>, vector<16xf32>,
        %add3A_326 = arith.constant 144 : i32
        %add3A_327 = arith.addi %mul3A_272, %add3A_326 : i32
        %swap3A_328 = arith.index_cast %add3A_327 : i32 to index
        %swap3A_329 = tpu.vector_load %arg15[%swap3A_328] {strides = array<i32>} : memref<12544xf32, #tpu.memory_space<vmem>>, vector<16xf32>,
        %swap3A_330 = vector.shape_cast %swap3A_329 : vector<16xf32> to vector<16xf32>
        %swap3A_331 = vector.shape_cast %scan3A_267#9 : vector<16xf32> to vector<16xf32>
        tpu.vector_store %arg15[%swap3A_328], %swap3A_331 {strides = array<i32>} : memref<12544xf32, #tpu.memory_space<vmem>>, vector<16xf32>,
        %add3A_332 = arith.constant 160 : i32
        %add3A_333 = arith.addi %mul3A_272, %add3A_332 : i32
        %swap3A_334 = arith.index_cast %add3A_333 : i32 to index
        %swap3A_335 = tpu.vector_load %arg15[%swap3A_334] {strides = array<i32>} : memref<12544xf32, #tpu.memory_space<vmem>>, vector<16xf32>,
        %swap3A_336 = vector.shape_cast %swap3A_335 : vector<16xf32> to vector<16xf32>
        %swap3A_337 = vector.shape_cast %scan3A_267#10 : vector<16xf32> to vector<16xf32>
        tpu.vector_store %arg15[%swap3A_334], %swap3A_337 {strides = array<i32>} : memref<12544xf32, #tpu.memory_space<vmem>>, vector<16xf32>,
        %add3A_338 = arith.constant 176 : i32
        %add3A_339 = arith.addi %mul3A_272, %add3A_338 : i32
        %swap3A_340 = arith.index_cast %add3A_339 : i32 to index
        %swap3A_341 = tpu.vector_load %arg15[%swap3A_340] {strides = array<i32>} : memref<12544xf32, #tpu.memory_space<vmem>>, vector<16xf32>,
        %swap3A_342 = vector.shape_cast %swap3A_341 : vector<16xf32> to vector<16xf32>
        %swap3A_343 = vector.shape_cast %scan3A_267#11 : vector<16xf32> to vector<16xf32>
        tpu.vector_store %arg15[%swap3A_340], %swap3A_343 {strides = array<i32>} : memref<12544xf32, #tpu.memory_space<vmem>>, vector<16xf32>,
        %add3A_344 = arith.constant 192 : i32
        %add3A_345 = arith.addi %mul3A_272, %add3A_344 : i32
        %swap3A_346 = arith.index_cast %add3A_345 : i32 to index
        %swap3A_347 = tpu.vector_load %arg15[%swap3A_346] {strides = array<i32>} : memref<12544xf32, #tpu.memory_space<vmem>>, vector<16xf32>,
        %swap3A_348 = vector.shape_cast %swap3A_347 : vector<16xf32> to vector<16xf32>
        %swap3A_349 = vector.shape_cast %scan3A_267#12 : vector<16xf32> to vector<16xf32>
        tpu.vector_store %arg15[%swap3A_346], %swap3A_349 {strides = array<i32>} : memref<12544xf32, #tpu.memory_space<vmem>>, vector<16xf32>,
        %add3A_350 = arith.constant 208 : i32
        %add3A_351 = arith.addi %mul3A_272, %add3A_350 : i32
        %swap3A_352 = arith.index_cast %add3A_351 : i32 to index
        %swap3A_353 = tpu.vector_load %arg15[%swap3A_352] {strides = array<i32>} : memref<12544xf32, #tpu.memory_space<vmem>>, vector<16xf32>,
        %swap3A_354 = vector.shape_cast %swap3A_353 : vector<16xf32> to vector<16xf32>
        %swap3A_355 = vector.shape_cast %scan3A_267#13 : vector<16xf32> to vector<16xf32>
        tpu.vector_store %arg15[%swap3A_352], %swap3A_355 {strides = array<i32>} : memref<12544xf32, #tpu.memory_space<vmem>>, vector<16xf32>,
        %add3A_356 = arith.constant 224 : i32
        %add3A_357 = arith.addi %mul3A_272, %add3A_356 : i32
        %swap3A_358 = arith.index_cast %add3A_357 : i32 to index
        %swap3A_359 = tpu.vector_load %arg15[%swap3A_358] {strides = array<i32>} : memref<12544xf32, #tpu.memory_space<vmem>>, vector<16xf32>,
        %swap3A_360 = vector.shape_cast %swap3A_359 : vector<16xf32> to vector<16xf32>
        %swap3A_361 = vector.shape_cast %scan3A_267#14 : vector<16xf32> to vector<16xf32>
        tpu.vector_store %arg15[%swap3A_358], %swap3A_361 {strides = array<i32>} : memref<12544xf32, #tpu.memory_space<vmem>>, vector<16xf32>,
        %add3A_362 = arith.constant 240 : i32
        %add3A_363 = arith.addi %mul3A_272, %add3A_362 : i32
        %swap3A_364 = arith.index_cast %add3A_363 : i32 to index
        %swap3A_365 = tpu.vector_load %arg15[%swap3A_364] {strides = array<i32>} : memref<12544xf32, #tpu.memory_space<vmem>>, vector<16xf32>,
        %swap3A_366 = vector.shape_cast %swap3A_365 : vector<16xf32> to vector<16xf32>
        %swap3A_367 = vector.shape_cast %scan3A_267#15 : vector<16xf32> to vector<16xf32>
        tpu.vector_store %arg15[%swap3A_364], %swap3A_367 {strides = array<i32>} : memref<12544xf32, #tpu.memory_space<vmem>>, vector<16xf32>,
        %scan3A_368 = arith.constant 0 : i32
        scf.yield %scan3A_368 : i32
      }
      %scan3A_138 = arith.constant 7 : i32
      %scan3A_139 = arith.constant 0 : i32
      %scan3A_140 = arith.constant 0 : i32
      %scan3A_141 = arith.constant 7 : i32
      %scan3A_142 = arith.addi %scan3A_140, %scan3A_141 : i32
      %scan3A_143 = arith.constant 1 : i32
      %scan3A_144 = scf.for %scan3A_224 = %scan3A_140 to %scan3A_142 step %scan3A_143 iter_args(%scan3A_225 = %scan3A_139) -> (i32)  : i32 {
        %convert_element_type3A_226 = arith.sitofp %scan3A_224 : i32 to f32
        %mul3A_227 = arith.constant 5.000000e-01 : f32
        %mul3A_228 = vector.broadcast %mul3A_227 : f32 to vector<16xf32>
        %mul3A_229 = arith.mulf %mul3A_228, %convert_element_type3A : vector<16xf32>
        %add3A_230 = arith.constant 4.250000e+00 : f32
        %add3A_231 = vector.broadcast %add3A_230 : f32 to vector<16xf32>
        %add3A_232 = arith.addf %add3A_231, %mul3A_229 : vector<16xf32>
        %mul3A_233 = arith.mulf %add3A_232, %div3A_80 : vector<16xf32>
        %add3A_234 = arith.addf %mul3A_53, %mul3A_233 : vector<16xf32>
        %add3A_235 = arith.constant 2.500000e-01 : f32
        %add3A_236 = arith.addf %convert_element_type3A_226, %add3A_235 : f32
        %mul3A_237 = arith.constant 5.000000e-01 : f32
        %mul3A_238 = vector.broadcast %mul3A_237 : f32 to vector<16xf32>
        %mul3A_239 = arith.mulf %mul3A_238, %convert_element_type3A_15 : vector<16xf32>
        %add3A_240 = vector.broadcast %add3A_236 : f32 to vector<16xf32>
        %add3A_241 = arith.addf %add3A_240, %mul3A_239 : vector<16xf32>
        %mul3A_242 = arith.mulf %add3A_241, %div3A_77 : vector<16xf32>
        %add3A_243 = arith.addf %mul3A_45, %mul3A_242 : vector<16xf32>
        %gt3A = arith.constant -1.000000e+00 : f32
        %gt3A_244 = vector.broadcast %gt3A : f32 to vector<16xf32>
        %gt3A_245 = arith.cmpf ogt, %add3A_234, %gt3A_244 : vector<16xf32>
        %lt3A = arith.constant 1.280000e+02 : f32
        %lt3A_246 = vector.broadcast %lt3A : f32 to vector<16xf32>
        %lt3A_247 = arith.cmpf olt, %add3A_234, %lt3A_246 : vector<16xf32>
        %and3A_248 = arith.andi %gt3A_245, %lt3A_247 : vector<16xi1>
        %gt3A_249 = arith.constant -1.000000e+00 : f32
        %gt3A_250 = vector.broadcast %gt3A_249 : f32 to vector<16xf32>
        %gt3A_251 = arith.cmpf ogt, %add3A_243, %gt3A_250 : vector<16xf32>
        %and3A_252 = arith.andi %and3A_248, %gt3A_251 : vector<16xi1>
        %lt3A_253 = arith.constant 1.280000e+02 : f32
        %lt3A_254 = vector.broadcast %lt3A_253 : f32 to vector<16xf32>
        %lt3A_255 = arith.cmpf olt, %add3A_243, %lt3A_254 : vector<16xf32>
        %and3A_256 = arith.andi %and3A_252, %lt3A_255 : vector<16xi1>
        %max3A_257 = arith.constant 0.000000e+00 : f32
        %max3A_258 = vector.broadcast %max3A_257 : f32 to vector<16xf32>
        %max3A_259 = arith.maximumf %add3A_234, %max3A_258 : vector<16xf32>
        %min3A = arith.constant 1.270000e+02 : f32
        %min3A_260 = vector.broadcast %min3A : f32 to vector<16xf32>
        %min3A_261 = arith.minimumf %max3A_259, %min3A_260 : vector<16xf32>
        %max3A_262 = arith.constant 0.000000e+00 : f32
        %max3A_263 = vector.broadcast %max3A_262 : f32 to vector<16xf32>
        %max3A_264 = arith.maximumf %add3A_243, %max3A_263 : vector<16xf32>
        %min3A_265 = arith.constant 1.270000e+02 : f32
        %min3A_266 = vector.broadcast %min3A_265 : f32 to vector<16xf32>
        %min3A_267 = arith.minimumf %max3A_264, %min3A_266 : vector<16xf32>
        %convert_element_type3A_268 = arith.fptosi %min3A_261 : vector<16xf32> to vector<16xi32>
        %convert_element_type3A_269 = arith.fptosi %min3A_267 : vector<16xf32> to vector<16xi32>
        %add3A_270 = arith.constant 1 : i32
        %add3A_271 = vector.broadcast %add3A_270 : i32 to vector<16xi32>
        %add3A_272 = arith.addi %convert_element_type3A_268, %add3A_271 : vector<16xi32>
        %min3A_273 = arith.constant 127 : i32
        %min3A_274 = vector.broadcast %min3A_273 : i32 to vector<16xi32>
        %min3A_275 = arith.minsi %add3A_272, %min3A_274 : vector<16xi32>
        %add3A_276 = arith.constant 1 : i32
        %add3A_277 = vector.broadcast %add3A_276 : i32 to vector<16xi32>
        %add3A_278 = arith.addi %convert_element_type3A_269, %add3A_277 : vector<16xi32>
        %min3A_279 = arith.constant 127 : i32
        %min3A_280 = vector.broadcast %min3A_279 : i32 to vector<16xi32>
        %min3A_281 = arith.minsi %add3A_278, %min3A_280 : vector<16xi32>
        %convert_element_type3A_282 = arith.sitofp %convert_element_type3A_268 : vector<16xi32> to vector<16xf32>
        %sub3A_283 = arith.subf %min3A_261, %convert_element_type3A_282 : vector<16xf32>
        %convert_element_type3A_284 = arith.sitofp %convert_element_type3A_269 : vector<16xi32> to vector<16xf32>
        %sub3A_285 = arith.subf %min3A_267, %convert_element_type3A_284 : vector<16xf32>
        %sub3A_286 = arith.constant 1.000000e+00 : f32
        %sub3A_287 = vector.broadcast %sub3A_286 : f32 to vector<16xf32>
        %sub3A_288 = arith.subf %sub3A_287, %sub3A_283 : vector<16xf32>
        %select_n3A = arith.select %eq3A_23, %sub3A_288, %sub3A_283 : vector<16xi1>, vector<16xf32>
        %sub3A_289 = arith.constant 1.000000e+00 : f32
        %sub3A_290 = vector.broadcast %sub3A_289 : f32 to vector<16xf32>
        %sub3A_291 = arith.subf %sub3A_290, %sub3A_285 : vector<16xf32>
        %select_n3A_292 = arith.select %eq3A_29, %sub3A_291, %sub3A_285 : vector<16xi1>, vector<16xf32>
        %select_n3A_293 = arith.select %eq3A_23, %convert_element_type3A_268, %min3A_275 : vector<16xi1>, vector<16xi32>
        %select_n3A_294 = arith.select %eq3A_29, %convert_element_type3A_269, %min3A_281 : vector<16xi1>, vector<16xi32>
        %mul3A_295 = arith.constant 128 : i32
        %mul3A_296 = vector.broadcast %mul3A_295 : i32 to vector<16xi32>
        %mul3A_297 = arith.muli %select_n3A_293, %mul3A_296 : vector<16xi32>
        %add3A_298 = arith.addi %mul3A_297, %select_n3A_294 : vector<16xi32>
        %mul3A_299 = arith.constant 16 : i32
        %mul3A_300 = arith.muli %scan3A_224, %mul3A_299 : i32
        %swap3A = arith.index_cast %mul3A_300 : i32 to index
        %swap3A_301 = tpu.vector_load %arg7[%swap3A] {strides = array<i32>} : memref<112xi32, #tpu.memory_space<vmem>>, vector<16xi32>,
        %swap3A_302 = vector.shape_cast %swap3A_301 : vector<16xi32> to vector<16xi32>
        %swap3A_303 = vector.shape_cast %add3A_298 : vector<16xi32> to vector<16xi32>
        tpu.vector_store %arg7[%swap3A], %swap3A_303 {strides = array<i32>} : memref<112xi32, #tpu.memory_space<vmem>>, vector<16xi32>,
        %mul3A_304 = arith.mulf %select_n3A, %select_n3A_292 : vector<16xf32>
        %jit3A = arith.constant 2.500000e-01 : f32
        %jit3A_305 = arith.constant 0.000000e+00 : f32
        %broadcast_in_dim3A_306 = vector.broadcast %jit3A : f32 to vector<16xf32>
        %broadcast_in_dim3A_307 = vector.broadcast %jit3A_305 : f32 to vector<16xf32>
        %select_n3A_308 = arith.select %and3A_256, %broadcast_in_dim3A_306, %broadcast_in_dim3A_307 : vector<16xi1>, vector<16xf32>
        %mul3A_309 = arith.mulf %mul3A_304, %select_n3A_308 : vector<16xf32>
        %mul3A_310 = arith.constant 16 : i32
        %mul3A_311 = arith.muli %scan3A_224, %mul3A_310 : i32
        %swap3A_312 = arith.index_cast %mul3A_311 : i32 to index
        %swap3A_313 = tpu.vector_load %arg10[%swap3A_312] {strides = array<i32>} : memref<112xf32, #tpu.memory_space<vmem>>, vector<16xf32>,
        %swap3A_314 = vector.shape_cast %swap3A_313 : vector<16xf32> to vector<16xf32>
        %swap3A_315 = vector.shape_cast %mul3A_309 : vector<16xf32> to vector<16xf32>
        tpu.vector_store %arg10[%swap3A_312], %swap3A_315 {strides = array<i32>} : memref<112xf32, #tpu.memory_space<vmem>>, vector<16xf32>,
        %scan3A_316 = arith.constant 0 : i32
        scf.yield %scan3A_316 : i32
      }
      %scan3A_145 = arith.constant 7 : i32
      %dma_start3A_146 = arith.constant 0 : i32
      %dma_start3A_147 = arith.constant 0 : i32
      %dma_start3A_148 = tpu.memref_slice %arg2[%dma_start3A_146, %dma_start3A_147] : memref<16384x256xf32, #tpu.memory_space<hbm>> -> memref<16384x256xf32, #tpu.memory_space<hbm>>
      tpu.enqueue_indirect_dma source(%dma_start3A_148 : memref<16384x256xf32, #tpu.memory_space<hbm>>) target(%arg13 : memref<112x256xf32, #tpu.memory_space<vmem>>) offsets(%arg7 : memref<112xi32, #tpu.memory_space<vmem>>) semaphore(%arg17 : memref<!tpu.dma_semaphore, #tpu.memory_space<semaphore_mem>>)
      %dma_wait3A_149 = arith.constant 0 : i32
      %dma_wait3A_150 = arith.constant 0 : i32
      %dma_wait3A_151 = tpu.memref_slice %arg2[%dma_wait3A_149, %dma_wait3A_150] : memref<16384x256xf32, #tpu.memory_space<hbm>> -> memref<16384x256xf32, #tpu.memory_space<hbm>>
      tpu.wait_indirect_dma semaphore(%arg18 : memref<!tpu.dma_semaphore, #tpu.memory_space<semaphore_mem>>) src(%dma_wait3A_151 : memref<16384x256xf32, #tpu.memory_space<hbm>>) dst(%arg14 : memref<112x256xf32, #tpu.memory_space<vmem>>)
      %scan3A_152 = arith.constant 0 : i32
      %scan3A_153 = arith.constant 0 : i32
      %scan3A_154 = arith.constant 7 : i32
      %scan3A_155 = arith.addi %scan3A_153, %scan3A_154 : i32
      %scan3A_156 = arith.constant 1 : i32
      %scan3A_157 = scf.for %scan3A_224 = %scan3A_153 to %scan3A_155 step %scan3A_156 iter_args(%scan3A_225 = %scan3A_152) -> (i32)  : i32 {
        %mul3A_226 = arith.constant 16 : i32
        %mul3A_227 = arith.muli %scan3A_224, %mul3A_226 : i32
        %get3A_228 = arith.index_cast %mul3A_227 : i32 to index
        %get3A_229 = tpu.vector_load %arg11[%get3A_228] {strides = array<i32>} : memref<112xf32, #tpu.memory_space<vmem>>, vector<16xf32>,
        %get3A_230 = vector.shape_cast %get3A_229 : vector<16xf32> to vector<16xf32>
        %broadcast_in_dim3A_231 = arith.constant 0.000000e+00 : f32
        %broadcast_in_dim3A_232 = vector.broadcast %broadcast_in_dim3A_231 : f32 to vector<16xf32>
        %broadcast_in_dim3A_233 = arith.constant 0.000000e+00 : f32
        %broadcast_in_dim3A_234 = vector.broadcast %broadcast_in_dim3A_233 : f32 to vector<16xf32>
        %broadcast_in_dim3A_235 = arith.constant 0.000000e+00 : f32
        %broadcast_in_dim3A_236 = vector.broadcast %broadcast_in_dim3A_235 : f32 to vector<16xf32>
        %broadcast_in_dim3A_237 = arith.constant 0.000000e+00 : f32
        %broadcast_in_dim3A_238 = vector.broadcast %broadcast_in_dim3A_237 : f32 to vector<16xf32>
        %broadcast_in_dim3A_239 = arith.constant 0.000000e+00 : f32
        %broadcast_in_dim3A_240 = vector.broadcast %broadcast_in_dim3A_239 : f32 to vector<16xf32>
        %broadcast_in_dim3A_241 = arith.constant 0.000000e+00 : f32
        %broadcast_in_dim3A_242 = vector.broadcast %broadcast_in_dim3A_241 : f32 to vector<16xf32>
        %broadcast_in_dim3A_243 = arith.constant 0.000000e+00 : f32
        %broadcast_in_dim3A_244 = vector.broadcast %broadcast_in_dim3A_243 : f32 to vector<16xf32>
        %broadcast_in_dim3A_245 = arith.constant 0.000000e+00 : f32
        %broadcast_in_dim3A_246 = vector.broadcast %broadcast_in_dim3A_245 : f32 to vector<16xf32>
        %broadcast_in_dim3A_247 = arith.constant 0.000000e+00 : f32
        %broadcast_in_dim3A_248 = vector.broadcast %broadcast_in_dim3A_247 : f32 to vector<16xf32>
        %broadcast_in_dim3A_249 = arith.constant 0.000000e+00 : f32
        %broadcast_in_dim3A_250 = vector.broadcast %broadcast_in_dim3A_249 : f32 to vector<16xf32>
        %broadcast_in_dim3A_251 = arith.constant 0.000000e+00 : f32
        %broadcast_in_dim3A_252 = vector.broadcast %broadcast_in_dim3A_251 : f32 to vector<16xf32>
        %broadcast_in_dim3A_253 = arith.constant 0.000000e+00 : f32
        %broadcast_in_dim3A_254 = vector.broadcast %broadcast_in_dim3A_253 : f32 to vector<16xf32>
        %broadcast_in_dim3A_255 = arith.constant 0.000000e+00 : f32
        %broadcast_in_dim3A_256 = vector.broadcast %broadcast_in_dim3A_255 : f32 to vector<16xf32>
        %broadcast_in_dim3A_257 = arith.constant 0.000000e+00 : f32
        %broadcast_in_dim3A_258 = vector.broadcast %broadcast_in_dim3A_257 : f32 to vector<16xf32>
        %broadcast_in_dim3A_259 = arith.constant 0.000000e+00 : f32
        %broadcast_in_dim3A_260 = vector.broadcast %broadcast_in_dim3A_259 : f32 to vector<16xf32>
        %broadcast_in_dim3A_261 = arith.constant 0.000000e+00 : f32
        %broadcast_in_dim3A_262 = vector.broadcast %broadcast_in_dim3A_261 : f32 to vector<16xf32>
        %scan3A_263 = arith.constant 0 : i32
        %scan3A_264 = arith.constant 16 : i32
        %scan3A_265 = arith.addi %scan3A_263, %scan3A_264 : i32
        %scan3A_266 = arith.constant 1 : i32
        %scan3A_267:16 = scf.for %scan3A_369 = %scan3A_263 to %scan3A_265 step %scan3A_266 iter_args(%scan3A_370 = %broadcast_in_dim3A_232, %scan3A_371 = %broadcast_in_dim3A_234, %scan3A_372 = %broadcast_in_dim3A_236, %scan3A_373 = %broadcast_in_dim3A_238, %scan3A_374 = %broadcast_in_dim3A_240, %scan3A_375 = %broadcast_in_dim3A_242, %scan3A_376 = %broadcast_in_dim3A_244, %scan3A_377 = %broadcast_in_dim3A_246, %scan3A_378 = %broadcast_in_dim3A_248, %scan3A_379 = %broadcast_in_dim3A_250, %scan3A_380 = %broadcast_in_dim3A_252, %scan3A_381 = %broadcast_in_dim3A_254, %scan3A_382 = %broadcast_in_dim3A_256, %scan3A_383 = %broadcast_in_dim3A_258, %scan3A_384 = %broadcast_in_dim3A_260, %scan3A_385 = %broadcast_in_dim3A_262) -> (vector<16xf32>, vector<16xf32>, vector<16xf32>, vector<16xf32>, vector<16xf32>, vector<16xf32>, vector<16xf32>, vector<16xf32>, vector<16xf32>, vector<16xf32>, vector<16xf32>, vector<16xf32>, vector<16xf32>, vector<16xf32>, vector<16xf32>, vector<16xf32>)  : i32 {
          %broadcast_in_dim3A_386 = vector.broadcast %scan3A_369 : i32 to vector<16xi32>
          %broadcast_in_dim3A_387 = vector.shape_cast %broadcast_in_dim3A_386 : vector<16xi32> to vector<16x1xi32>
          %gather3A_388 = vector.shape_cast %broadcast_in_dim3A_387 : vector<16x1xi32> to vector<16xi32>
          %gather3A_389 = tpu.dynamic_gather %get3A_230[%gather3A_388] in [0] : vector<16xf32>, vector<16xi32> -> vector<16xf32>
          %add3A_390 = arith.addi %mul3A_227, %scan3A_369 : i32
          %get3A_391 = arith.index_cast %add3A_390 : i32 to index
          %get3A_392 = arith.constant 0 : index
          %get3A_393 = tpu.vector_load %arg14[%get3A_391, %get3A_392] {strides = array<i32>} : memref<112x256xf32, #tpu.memory_space<vmem>>, vector<1x16xf32>,
          %get3A_394 = vector.shape_cast %get3A_393 : vector<1x16xf32> to vector<16xf32>
          %mul3A_395 = arith.mulf %gather3A_389, %get3A_394 : vector<16xf32>
          %add3A_396 = arith.addf %scan3A_370, %mul3A_395 : vector<16xf32>
          %add3A_397 = arith.addi %mul3A_227, %scan3A_369 : i32
          %get3A_398 = arith.index_cast %add3A_397 : i32 to index
          %get3A_399 = arith.constant 16 : index
          %get3A_400 = tpu.vector_load %arg14[%get3A_398, %get3A_399] {strides = array<i32>} : memref<112x256xf32, #tpu.memory_space<vmem>>, vector<1x16xf32>,
          %get3A_401 = vector.shape_cast %get3A_400 : vector<1x16xf32> to vector<16xf32>
          %mul3A_402 = arith.mulf %gather3A_389, %get3A_401 : vector<16xf32>
          %add3A_403 = arith.addf %scan3A_371, %mul3A_402 : vector<16xf32>
          %add3A_404 = arith.addi %mul3A_227, %scan3A_369 : i32
          %get3A_405 = arith.index_cast %add3A_404 : i32 to index
          %get3A_406 = arith.constant 32 : index
          %get3A_407 = tpu.vector_load %arg14[%get3A_405, %get3A_406] {strides = array<i32>} : memref<112x256xf32, #tpu.memory_space<vmem>>, vector<1x16xf32>,
          %get3A_408 = vector.shape_cast %get3A_407 : vector<1x16xf32> to vector<16xf32>
          %mul3A_409 = arith.mulf %gather3A_389, %get3A_408 : vector<16xf32>
          %add3A_410 = arith.addf %scan3A_372, %mul3A_409 : vector<16xf32>
          %add3A_411 = arith.addi %mul3A_227, %scan3A_369 : i32
          %get3A_412 = arith.index_cast %add3A_411 : i32 to index
          %get3A_413 = arith.constant 48 : index
          %get3A_414 = tpu.vector_load %arg14[%get3A_412, %get3A_413] {strides = array<i32>} : memref<112x256xf32, #tpu.memory_space<vmem>>, vector<1x16xf32>,
          %get3A_415 = vector.shape_cast %get3A_414 : vector<1x16xf32> to vector<16xf32>
          %mul3A_416 = arith.mulf %gather3A_389, %get3A_415 : vector<16xf32>
          %add3A_417 = arith.addf %scan3A_373, %mul3A_416 : vector<16xf32>
          %add3A_418 = arith.addi %mul3A_227, %scan3A_369 : i32
          %get3A_419 = arith.index_cast %add3A_418 : i32 to index
          %get3A_420 = arith.constant 64 : index
          %get3A_421 = tpu.vector_load %arg14[%get3A_419, %get3A_420] {strides = array<i32>} : memref<112x256xf32, #tpu.memory_space<vmem>>, vector<1x16xf32>,
          %get3A_422 = vector.shape_cast %get3A_421 : vector<1x16xf32> to vector<16xf32>
          %mul3A_423 = arith.mulf %gather3A_389, %get3A_422 : vector<16xf32>
          %add3A_424 = arith.addf %scan3A_374, %mul3A_423 : vector<16xf32>
          %add3A_425 = arith.addi %mul3A_227, %scan3A_369 : i32
          %get3A_426 = arith.index_cast %add3A_425 : i32 to index
          %get3A_427 = arith.constant 80 : index
          %get3A_428 = tpu.vector_load %arg14[%get3A_426, %get3A_427] {strides = array<i32>} : memref<112x256xf32, #tpu.memory_space<vmem>>, vector<1x16xf32>,
          %get3A_429 = vector.shape_cast %get3A_428 : vector<1x16xf32> to vector<16xf32>
          %mul3A_430 = arith.mulf %gather3A_389, %get3A_429 : vector<16xf32>
          %add3A_431 = arith.addf %scan3A_375, %mul3A_430 : vector<16xf32>
          %add3A_432 = arith.addi %mul3A_227, %scan3A_369 : i32
          %get3A_433 = arith.index_cast %add3A_432 : i32 to index
          %get3A_434 = arith.constant 96 : index
          %get3A_435 = tpu.vector_load %arg14[%get3A_433, %get3A_434] {strides = array<i32>} : memref<112x256xf32, #tpu.memory_space<vmem>>, vector<1x16xf32>,
          %get3A_436 = vector.shape_cast %get3A_435 : vector<1x16xf32> to vector<16xf32>
          %mul3A_437 = arith.mulf %gather3A_389, %get3A_436 : vector<16xf32>
          %add3A_438 = arith.addf %scan3A_376, %mul3A_437 : vector<16xf32>
          %add3A_439 = arith.addi %mul3A_227, %scan3A_369 : i32
          %get3A_440 = arith.index_cast %add3A_439 : i32 to index
          %get3A_441 = arith.constant 112 : index
          %get3A_442 = tpu.vector_load %arg14[%get3A_440, %get3A_441] {strides = array<i32>} : memref<112x256xf32, #tpu.memory_space<vmem>>, vector<1x16xf32>,
          %get3A_443 = vector.shape_cast %get3A_442 : vector<1x16xf32> to vector<16xf32>
          %mul3A_444 = arith.mulf %gather3A_389, %get3A_443 : vector<16xf32>
          %add3A_445 = arith.addf %scan3A_377, %mul3A_444 : vector<16xf32>
          %add3A_446 = arith.addi %mul3A_227, %scan3A_369 : i32
          %get3A_447 = arith.index_cast %add3A_446 : i32 to index
          %get3A_448 = arith.constant 128 : index
          %get3A_449 = tpu.vector_load %arg14[%get3A_447, %get3A_448] {strides = array<i32>} : memref<112x256xf32, #tpu.memory_space<vmem>>, vector<1x16xf32>,
          %get3A_450 = vector.shape_cast %get3A_449 : vector<1x16xf32> to vector<16xf32>
          %mul3A_451 = arith.mulf %gather3A_389, %get3A_450 : vector<16xf32>
          %add3A_452 = arith.addf %scan3A_378, %mul3A_451 : vector<16xf32>
          %add3A_453 = arith.addi %mul3A_227, %scan3A_369 : i32
          %get3A_454 = arith.index_cast %add3A_453 : i32 to index
          %get3A_455 = arith.constant 144 : index
          %get3A_456 = tpu.vector_load %arg14[%get3A_454, %get3A_455] {strides = array<i32>} : memref<112x256xf32, #tpu.memory_space<vmem>>, vector<1x16xf32>,
          %get3A_457 = vector.shape_cast %get3A_456 : vector<1x16xf32> to vector<16xf32>
          %mul3A_458 = arith.mulf %gather3A_389, %get3A_457 : vector<16xf32>
          %add3A_459 = arith.addf %scan3A_379, %mul3A_458 : vector<16xf32>
          %add3A_460 = arith.addi %mul3A_227, %scan3A_369 : i32
          %get3A_461 = arith.index_cast %add3A_460 : i32 to index
          %get3A_462 = arith.constant 160 : index
          %get3A_463 = tpu.vector_load %arg14[%get3A_461, %get3A_462] {strides = array<i32>} : memref<112x256xf32, #tpu.memory_space<vmem>>, vector<1x16xf32>,
          %get3A_464 = vector.shape_cast %get3A_463 : vector<1x16xf32> to vector<16xf32>
          %mul3A_465 = arith.mulf %gather3A_389, %get3A_464 : vector<16xf32>
          %add3A_466 = arith.addf %scan3A_380, %mul3A_465 : vector<16xf32>
          %add3A_467 = arith.addi %mul3A_227, %scan3A_369 : i32
          %get3A_468 = arith.index_cast %add3A_467 : i32 to index
          %get3A_469 = arith.constant 176 : index
          %get3A_470 = tpu.vector_load %arg14[%get3A_468, %get3A_469] {strides = array<i32>} : memref<112x256xf32, #tpu.memory_space<vmem>>, vector<1x16xf32>,
          %get3A_471 = vector.shape_cast %get3A_470 : vector<1x16xf32> to vector<16xf32>
          %mul3A_472 = arith.mulf %gather3A_389, %get3A_471 : vector<16xf32>
          %add3A_473 = arith.addf %scan3A_381, %mul3A_472 : vector<16xf32>
          %add3A_474 = arith.addi %mul3A_227, %scan3A_369 : i32
          %get3A_475 = arith.index_cast %add3A_474 : i32 to index
          %get3A_476 = arith.constant 192 : index
          %get3A_477 = tpu.vector_load %arg14[%get3A_475, %get3A_476] {strides = array<i32>} : memref<112x256xf32, #tpu.memory_space<vmem>>, vector<1x16xf32>,
          %get3A_478 = vector.shape_cast %get3A_477 : vector<1x16xf32> to vector<16xf32>
          %mul3A_479 = arith.mulf %gather3A_389, %get3A_478 : vector<16xf32>
          %add3A_480 = arith.addf %scan3A_382, %mul3A_479 : vector<16xf32>
          %add3A_481 = arith.addi %mul3A_227, %scan3A_369 : i32
          %get3A_482 = arith.index_cast %add3A_481 : i32 to index
          %get3A_483 = arith.constant 208 : index
          %get3A_484 = tpu.vector_load %arg14[%get3A_482, %get3A_483] {strides = array<i32>} : memref<112x256xf32, #tpu.memory_space<vmem>>, vector<1x16xf32>,
          %get3A_485 = vector.shape_cast %get3A_484 : vector<1x16xf32> to vector<16xf32>
          %mul3A_486 = arith.mulf %gather3A_389, %get3A_485 : vector<16xf32>
          %add3A_487 = arith.addf %scan3A_383, %mul3A_486 : vector<16xf32>
          %add3A_488 = arith.addi %mul3A_227, %scan3A_369 : i32
          %get3A_489 = arith.index_cast %add3A_488 : i32 to index
          %get3A_490 = arith.constant 224 : index
          %get3A_491 = tpu.vector_load %arg14[%get3A_489, %get3A_490] {strides = array<i32>} : memref<112x256xf32, #tpu.memory_space<vmem>>, vector<1x16xf32>,
          %get3A_492 = vector.shape_cast %get3A_491 : vector<1x16xf32> to vector<16xf32>
          %mul3A_493 = arith.mulf %gather3A_389, %get3A_492 : vector<16xf32>
          %add3A_494 = arith.addf %scan3A_384, %mul3A_493 : vector<16xf32>
          %add3A_495 = arith.addi %mul3A_227, %scan3A_369 : i32
          %get3A_496 = arith.index_cast %add3A_495 : i32 to index
          %get3A_497 = arith.constant 240 : index
          %get3A_498 = tpu.vector_load %arg14[%get3A_496, %get3A_497] {strides = array<i32>} : memref<112x256xf32, #tpu.memory_space<vmem>>, vector<1x16xf32>,
          %get3A_499 = vector.shape_cast %get3A_498 : vector<1x16xf32> to vector<16xf32>
          %mul3A_500 = arith.mulf %gather3A_389, %get3A_499 : vector<16xf32>
          %add3A_501 = arith.addf %scan3A_385, %mul3A_500 : vector<16xf32>
          scf.yield %add3A_396, %add3A_403, %add3A_410, %add3A_417, %add3A_424, %add3A_431, %add3A_438, %add3A_445, %add3A_452, %add3A_459, %add3A_466, %add3A_473, %add3A_480, %add3A_487, %add3A_494, %add3A_501 : vector<16xf32>, vector<16xf32>, vector<16xf32>, vector<16xf32>, vector<16xf32>, vector<16xf32>, vector<16xf32>, vector<16xf32>, vector<16xf32>, vector<16xf32>, vector<16xf32>, vector<16xf32>, vector<16xf32>, vector<16xf32>, vector<16xf32>, vector<16xf32>
        }
        %scan3A_268 = arith.constant 16 : i32
        %add3A_269 = arith.constant 14 : i32
        %add3A_270 = arith.addi %add3A_269, %scan3A_224 : i32
        %mul3A_271 = arith.constant 256 : i32
        %mul3A_272 = arith.muli %add3A_270, %mul3A_271 : i32
        %add3A_273 = arith.constant 0 : i32
        %add3A_274 = arith.addi %mul3A_272, %add3A_273 : i32
        %swap3A = arith.index_cast %add3A_274 : i32 to index
        %swap3A_275 = tpu.vector_load %arg15[%swap3A] {strides = array<i32>} : memref<12544xf32, #tpu.memory_space<vmem>>, vector<16xf32>,
        %swap3A_276 = vector.shape_cast %swap3A_275 : vector<16xf32> to vector<16xf32>
        %swap3A_277 = vector.shape_cast %scan3A_267#0 : vector<16xf32> to vector<16xf32>
        tpu.vector_store %arg15[%swap3A], %swap3A_277 {strides = array<i32>} : memref<12544xf32, #tpu.memory_space<vmem>>, vector<16xf32>,
        %add3A_278 = arith.constant 16 : i32
        %add3A_279 = arith.addi %mul3A_272, %add3A_278 : i32
        %swap3A_280 = arith.index_cast %add3A_279 : i32 to index
        %swap3A_281 = tpu.vector_load %arg15[%swap3A_280] {strides = array<i32>} : memref<12544xf32, #tpu.memory_space<vmem>>, vector<16xf32>,
        %swap3A_282 = vector.shape_cast %swap3A_281 : vector<16xf32> to vector<16xf32>
        %swap3A_283 = vector.shape_cast %scan3A_267#1 : vector<16xf32> to vector<16xf32>
        tpu.vector_store %arg15[%swap3A_280], %swap3A_283 {strides = array<i32>} : memref<12544xf32, #tpu.memory_space<vmem>>, vector<16xf32>,
        %add3A_284 = arith.constant 32 : i32
        %add3A_285 = arith.addi %mul3A_272, %add3A_284 : i32
        %swap3A_286 = arith.index_cast %add3A_285 : i32 to index
        %swap3A_287 = tpu.vector_load %arg15[%swap3A_286] {strides = array<i32>} : memref<12544xf32, #tpu.memory_space<vmem>>, vector<16xf32>,
        %swap3A_288 = vector.shape_cast %swap3A_287 : vector<16xf32> to vector<16xf32>
        %swap3A_289 = vector.shape_cast %scan3A_267#2 : vector<16xf32> to vector<16xf32>
        tpu.vector_store %arg15[%swap3A_286], %swap3A_289 {strides = array<i32>} : memref<12544xf32, #tpu.memory_space<vmem>>, vector<16xf32>,
        %add3A_290 = arith.constant 48 : i32
        %add3A_291 = arith.addi %mul3A_272, %add3A_290 : i32
        %swap3A_292 = arith.index_cast %add3A_291 : i32 to index
        %swap3A_293 = tpu.vector_load %arg15[%swap3A_292] {strides = array<i32>} : memref<12544xf32, #tpu.memory_space<vmem>>, vector<16xf32>,
        %swap3A_294 = vector.shape_cast %swap3A_293 : vector<16xf32> to vector<16xf32>
        %swap3A_295 = vector.shape_cast %scan3A_267#3 : vector<16xf32> to vector<16xf32>
        tpu.vector_store %arg15[%swap3A_292], %swap3A_295 {strides = array<i32>} : memref<12544xf32, #tpu.memory_space<vmem>>, vector<16xf32>,
        %add3A_296 = arith.constant 64 : i32
        %add3A_297 = arith.addi %mul3A_272, %add3A_296 : i32
        %swap3A_298 = arith.index_cast %add3A_297 : i32 to index
        %swap3A_299 = tpu.vector_load %arg15[%swap3A_298] {strides = array<i32>} : memref<12544xf32, #tpu.memory_space<vmem>>, vector<16xf32>,
        %swap3A_300 = vector.shape_cast %swap3A_299 : vector<16xf32> to vector<16xf32>
        %swap3A_301 = vector.shape_cast %scan3A_267#4 : vector<16xf32> to vector<16xf32>
        tpu.vector_store %arg15[%swap3A_298], %swap3A_301 {strides = array<i32>} : memref<12544xf32, #tpu.memory_space<vmem>>, vector<16xf32>,
        %add3A_302 = arith.constant 80 : i32
        %add3A_303 = arith.addi %mul3A_272, %add3A_302 : i32
        %swap3A_304 = arith.index_cast %add3A_303 : i32 to index
        %swap3A_305 = tpu.vector_load %arg15[%swap3A_304] {strides = array<i32>} : memref<12544xf32, #tpu.memory_space<vmem>>, vector<16xf32>,
        %swap3A_306 = vector.shape_cast %swap3A_305 : vector<16xf32> to vector<16xf32>
        %swap3A_307 = vector.shape_cast %scan3A_267#5 : vector<16xf32> to vector<16xf32>
        tpu.vector_store %arg15[%swap3A_304], %swap3A_307 {strides = array<i32>} : memref<12544xf32, #tpu.memory_space<vmem>>, vector<16xf32>,
        %add3A_308 = arith.constant 96 : i32
        %add3A_309 = arith.addi %mul3A_272, %add3A_308 : i32
        %swap3A_310 = arith.index_cast %add3A_309 : i32 to index
        %swap3A_311 = tpu.vector_load %arg15[%swap3A_310] {strides = array<i32>} : memref<12544xf32, #tpu.memory_space<vmem>>, vector<16xf32>,
        %swap3A_312 = vector.shape_cast %swap3A_311 : vector<16xf32> to vector<16xf32>
        %swap3A_313 = vector.shape_cast %scan3A_267#6 : vector<16xf32> to vector<16xf32>
        tpu.vector_store %arg15[%swap3A_310], %swap3A_313 {strides = array<i32>} : memref<12544xf32, #tpu.memory_space<vmem>>, vector<16xf32>,
        %add3A_314 = arith.constant 112 : i32
        %add3A_315 = arith.addi %mul3A_272, %add3A_314 : i32
        %swap3A_316 = arith.index_cast %add3A_315 : i32 to index
        %swap3A_317 = tpu.vector_load %arg15[%swap3A_316] {strides = array<i32>} : memref<12544xf32, #tpu.memory_space<vmem>>, vector<16xf32>,
        %swap3A_318 = vector.shape_cast %swap3A_317 : vector<16xf32> to vector<16xf32>
        %swap3A_319 = vector.shape_cast %scan3A_267#7 : vector<16xf32> to vector<16xf32>
        tpu.vector_store %arg15[%swap3A_316], %swap3A_319 {strides = array<i32>} : memref<12544xf32, #tpu.memory_space<vmem>>, vector<16xf32>,
        %add3A_320 = arith.constant 128 : i32
        %add3A_321 = arith.addi %mul3A_272, %add3A_320 : i32
        %swap3A_322 = arith.index_cast %add3A_321 : i32 to index
        %swap3A_323 = tpu.vector_load %arg15[%swap3A_322] {strides = array<i32>} : memref<12544xf32, #tpu.memory_space<vmem>>, vector<16xf32>,
        %swap3A_324 = vector.shape_cast %swap3A_323 : vector<16xf32> to vector<16xf32>
        %swap3A_325 = vector.shape_cast %scan3A_267#8 : vector<16xf32> to vector<16xf32>
        tpu.vector_store %arg15[%swap3A_322], %swap3A_325 {strides = array<i32>} : memref<12544xf32, #tpu.memory_space<vmem>>, vector<16xf32>,
        %add3A_326 = arith.constant 144 : i32
        %add3A_327 = arith.addi %mul3A_272, %add3A_326 : i32
        %swap3A_328 = arith.index_cast %add3A_327 : i32 to index
        %swap3A_329 = tpu.vector_load %arg15[%swap3A_328] {strides = array<i32>} : memref<12544xf32, #tpu.memory_space<vmem>>, vector<16xf32>,
        %swap3A_330 = vector.shape_cast %swap3A_329 : vector<16xf32> to vector<16xf32>
        %swap3A_331 = vector.shape_cast %scan3A_267#9 : vector<16xf32> to vector<16xf32>
        tpu.vector_store %arg15[%swap3A_328], %swap3A_331 {strides = array<i32>} : memref<12544xf32, #tpu.memory_space<vmem>>, vector<16xf32>,
        %add3A_332 = arith.constant 160 : i32
        %add3A_333 = arith.addi %mul3A_272, %add3A_332 : i32
        %swap3A_334 = arith.index_cast %add3A_333 : i32 to index
        %swap3A_335 = tpu.vector_load %arg15[%swap3A_334] {strides = array<i32>} : memref<12544xf32, #tpu.memory_space<vmem>>, vector<16xf32>,
        %swap3A_336 = vector.shape_cast %swap3A_335 : vector<16xf32> to vector<16xf32>
        %swap3A_337 = vector.shape_cast %scan3A_267#10 : vector<16xf32> to vector<16xf32>
        tpu.vector_store %arg15[%swap3A_334], %swap3A_337 {strides = array<i32>} : memref<12544xf32, #tpu.memory_space<vmem>>, vector<16xf32>,
        %add3A_338 = arith.constant 176 : i32
        %add3A_339 = arith.addi %mul3A_272, %add3A_338 : i32
        %swap3A_340 = arith.index_cast %add3A_339 : i32 to index
        %swap3A_341 = tpu.vector_load %arg15[%swap3A_340] {strides = array<i32>} : memref<12544xf32, #tpu.memory_space<vmem>>, vector<16xf32>,
        %swap3A_342 = vector.shape_cast %swap3A_341 : vector<16xf32> to vector<16xf32>
        %swap3A_343 = vector.shape_cast %scan3A_267#11 : vector<16xf32> to vector<16xf32>
        tpu.vector_store %arg15[%swap3A_340], %swap3A_343 {strides = array<i32>} : memref<12544xf32, #tpu.memory_space<vmem>>, vector<16xf32>,
        %add3A_344 = arith.constant 192 : i32
        %add3A_345 = arith.addi %mul3A_272, %add3A_344 : i32
        %swap3A_346 = arith.index_cast %add3A_345 : i32 to index
        %swap3A_347 = tpu.vector_load %arg15[%swap3A_346] {strides = array<i32>} : memref<12544xf32, #tpu.memory_space<vmem>>, vector<16xf32>,
        %swap3A_348 = vector.shape_cast %swap3A_347 : vector<16xf32> to vector<16xf32>
        %swap3A_349 = vector.shape_cast %scan3A_267#12 : vector<16xf32> to vector<16xf32>
        tpu.vector_store %arg15[%swap3A_346], %swap3A_349 {strides = array<i32>} : memref<12544xf32, #tpu.memory_space<vmem>>, vector<16xf32>,
        %add3A_350 = arith.constant 208 : i32
        %add3A_351 = arith.addi %mul3A_272, %add3A_350 : i32
        %swap3A_352 = arith.index_cast %add3A_351 : i32 to index
        %swap3A_353 = tpu.vector_load %arg15[%swap3A_352] {strides = array<i32>} : memref<12544xf32, #tpu.memory_space<vmem>>, vector<16xf32>,
        %swap3A_354 = vector.shape_cast %swap3A_353 : vector<16xf32> to vector<16xf32>
        %swap3A_355 = vector.shape_cast %scan3A_267#13 : vector<16xf32> to vector<16xf32>
        tpu.vector_store %arg15[%swap3A_352], %swap3A_355 {strides = array<i32>} : memref<12544xf32, #tpu.memory_space<vmem>>, vector<16xf32>,
        %add3A_356 = arith.constant 224 : i32
        %add3A_357 = arith.addi %mul3A_272, %add3A_356 : i32
        %swap3A_358 = arith.index_cast %add3A_357 : i32 to index
        %swap3A_359 = tpu.vector_load %arg15[%swap3A_358] {strides = array<i32>} : memref<12544xf32, #tpu.memory_space<vmem>>, vector<16xf32>,
        %swap3A_360 = vector.shape_cast %swap3A_359 : vector<16xf32> to vector<16xf32>
        %swap3A_361 = vector.shape_cast %scan3A_267#14 : vector<16xf32> to vector<16xf32>
        tpu.vector_store %arg15[%swap3A_358], %swap3A_361 {strides = array<i32>} : memref<12544xf32, #tpu.memory_space<vmem>>, vector<16xf32>,
        %add3A_362 = arith.constant 240 : i32
        %add3A_363 = arith.addi %mul3A_272, %add3A_362 : i32
        %swap3A_364 = arith.index_cast %add3A_363 : i32 to index
        %swap3A_365 = tpu.vector_load %arg15[%swap3A_364] {strides = array<i32>} : memref<12544xf32, #tpu.memory_space<vmem>>, vector<16xf32>,
        %swap3A_366 = vector.shape_cast %swap3A_365 : vector<16xf32> to vector<16xf32>
        %swap3A_367 = vector.shape_cast %scan3A_267#15 : vector<16xf32> to vector<16xf32>
        tpu.vector_store %arg15[%swap3A_364], %swap3A_367 {strides = array<i32>} : memref<12544xf32, #tpu.memory_space<vmem>>, vector<16xf32>,
        %scan3A_368 = arith.constant 0 : i32
        scf.yield %scan3A_368 : i32
      }
      %scan3A_158 = arith.constant 7 : i32
      %scan3A_159 = arith.constant 0 : i32
      %scan3A_160 = arith.constant 0 : i32
      %scan3A_161 = arith.constant 7 : i32
      %scan3A_162 = arith.addi %scan3A_160, %scan3A_161 : i32
      %scan3A_163 = arith.constant 1 : i32
      %scan3A_164 = scf.for %scan3A_224 = %scan3A_160 to %scan3A_162 step %scan3A_163 iter_args(%scan3A_225 = %scan3A_159) -> (i32)  : i32 {
        %convert_element_type3A_226 = arith.sitofp %scan3A_224 : i32 to f32
        %mul3A_227 = arith.constant 5.000000e-01 : f32
        %mul3A_228 = vector.broadcast %mul3A_227 : f32 to vector<16xf32>
        %mul3A_229 = arith.mulf %mul3A_228, %convert_element_type3A : vector<16xf32>
        %add3A_230 = arith.constant 5.250000e+00 : f32
        %add3A_231 = vector.broadcast %add3A_230 : f32 to vector<16xf32>
        %add3A_232 = arith.addf %add3A_231, %mul3A_229 : vector<16xf32>
        %mul3A_233 = arith.mulf %add3A_232, %div3A_80 : vector<16xf32>
        %add3A_234 = arith.addf %mul3A_53, %mul3A_233 : vector<16xf32>
        %add3A_235 = arith.constant 2.500000e-01 : f32
        %add3A_236 = arith.addf %convert_element_type3A_226, %add3A_235 : f32
        %mul3A_237 = arith.constant 5.000000e-01 : f32
        %mul3A_238 = vector.broadcast %mul3A_237 : f32 to vector<16xf32>
        %mul3A_239 = arith.mulf %mul3A_238, %convert_element_type3A_15 : vector<16xf32>
        %add3A_240 = vector.broadcast %add3A_236 : f32 to vector<16xf32>
        %add3A_241 = arith.addf %add3A_240, %mul3A_239 : vector<16xf32>
        %mul3A_242 = arith.mulf %add3A_241, %div3A_77 : vector<16xf32>
        %add3A_243 = arith.addf %mul3A_45, %mul3A_242 : vector<16xf32>
        %gt3A = arith.constant -1.000000e+00 : f32
        %gt3A_244 = vector.broadcast %gt3A : f32 to vector<16xf32>
        %gt3A_245 = arith.cmpf ogt, %add3A_234, %gt3A_244 : vector<16xf32>
        %lt3A = arith.constant 1.280000e+02 : f32
        %lt3A_246 = vector.broadcast %lt3A : f32 to vector<16xf32>
        %lt3A_247 = arith.cmpf olt, %add3A_234, %lt3A_246 : vector<16xf32>
        %and3A_248 = arith.andi %gt3A_245, %lt3A_247 : vector<16xi1>
        %gt3A_249 = arith.constant -1.000000e+00 : f32
        %gt3A_250 = vector.broadcast %gt3A_249 : f32 to vector<16xf32>
        %gt3A_251 = arith.cmpf ogt, %add3A_243, %gt3A_250 : vector<16xf32>
        %and3A_252 = arith.andi %and3A_248, %gt3A_251 : vector<16xi1>
        %lt3A_253 = arith.constant 1.280000e+02 : f32
        %lt3A_254 = vector.broadcast %lt3A_253 : f32 to vector<16xf32>
        %lt3A_255 = arith.cmpf olt, %add3A_243, %lt3A_254 : vector<16xf32>
        %and3A_256 = arith.andi %and3A_252, %lt3A_255 : vector<16xi1>
        %max3A_257 = arith.constant 0.000000e+00 : f32
        %max3A_258 = vector.broadcast %max3A_257 : f32 to vector<16xf32>
        %max3A_259 = arith.maximumf %add3A_234, %max3A_258 : vector<16xf32>
        %min3A = arith.constant 1.270000e+02 : f32
        %min3A_260 = vector.broadcast %min3A : f32 to vector<16xf32>
        %min3A_261 = arith.minimumf %max3A_259, %min3A_260 : vector<16xf32>
        %max3A_262 = arith.constant 0.000000e+00 : f32
        %max3A_263 = vector.broadcast %max3A_262 : f32 to vector<16xf32>
        %max3A_264 = arith.maximumf %add3A_243, %max3A_263 : vector<16xf32>
        %min3A_265 = arith.constant 1.270000e+02 : f32
        %min3A_266 = vector.broadcast %min3A_265 : f32 to vector<16xf32>
        %min3A_267 = arith.minimumf %max3A_264, %min3A_266 : vector<16xf32>
        %convert_element_type3A_268 = arith.fptosi %min3A_261 : vector<16xf32> to vector<16xi32>
        %convert_element_type3A_269 = arith.fptosi %min3A_267 : vector<16xf32> to vector<16xi32>
        %add3A_270 = arith.constant 1 : i32
        %add3A_271 = vector.broadcast %add3A_270 : i32 to vector<16xi32>
        %add3A_272 = arith.addi %convert_element_type3A_268, %add3A_271 : vector<16xi32>
        %min3A_273 = arith.constant 127 : i32
        %min3A_274 = vector.broadcast %min3A_273 : i32 to vector<16xi32>
        %min3A_275 = arith.minsi %add3A_272, %min3A_274 : vector<16xi32>
        %add3A_276 = arith.constant 1 : i32
        %add3A_277 = vector.broadcast %add3A_276 : i32 to vector<16xi32>
        %add3A_278 = arith.addi %convert_element_type3A_269, %add3A_277 : vector<16xi32>
        %min3A_279 = arith.constant 127 : i32
        %min3A_280 = vector.broadcast %min3A_279 : i32 to vector<16xi32>
        %min3A_281 = arith.minsi %add3A_278, %min3A_280 : vector<16xi32>
        %convert_element_type3A_282 = arith.sitofp %convert_element_type3A_268 : vector<16xi32> to vector<16xf32>
        %sub3A_283 = arith.subf %min3A_261, %convert_element_type3A_282 : vector<16xf32>
        %convert_element_type3A_284 = arith.sitofp %convert_element_type3A_269 : vector<16xi32> to vector<16xf32>
        %sub3A_285 = arith.subf %min3A_267, %convert_element_type3A_284 : vector<16xf32>
        %sub3A_286 = arith.constant 1.000000e+00 : f32
        %sub3A_287 = vector.broadcast %sub3A_286 : f32 to vector<16xf32>
        %sub3A_288 = arith.subf %sub3A_287, %sub3A_283 : vector<16xf32>
        %select_n3A = arith.select %eq3A_23, %sub3A_288, %sub3A_283 : vector<16xi1>, vector<16xf32>
        %sub3A_289 = arith.constant 1.000000e+00 : f32
        %sub3A_290 = vector.broadcast %sub3A_289 : f32 to vector<16xf32>
        %sub3A_291 = arith.subf %sub3A_290, %sub3A_285 : vector<16xf32>
        %select_n3A_292 = arith.select %eq3A_29, %sub3A_291, %sub3A_285 : vector<16xi1>, vector<16xf32>
        %select_n3A_293 = arith.select %eq3A_23, %convert_element_type3A_268, %min3A_275 : vector<16xi1>, vector<16xi32>
        %select_n3A_294 = arith.select %eq3A_29, %convert_element_type3A_269, %min3A_281 : vector<16xi1>, vector<16xi32>
        %mul3A_295 = arith.constant 128 : i32
        %mul3A_296 = vector.broadcast %mul3A_295 : i32 to vector<16xi32>
        %mul3A_297 = arith.muli %select_n3A_293, %mul3A_296 : vector<16xi32>
        %add3A_298 = arith.addi %mul3A_297, %select_n3A_294 : vector<16xi32>
        %mul3A_299 = arith.constant 16 : i32
        %mul3A_300 = arith.muli %scan3A_224, %mul3A_299 : i32
        %swap3A = arith.index_cast %mul3A_300 : i32 to index
        %swap3A_301 = tpu.vector_load %arg8[%swap3A] {strides = array<i32>} : memref<112xi32, #tpu.memory_space<vmem>>, vector<16xi32>,
        %swap3A_302 = vector.shape_cast %swap3A_301 : vector<16xi32> to vector<16xi32>
        %swap3A_303 = vector.shape_cast %add3A_298 : vector<16xi32> to vector<16xi32>
        tpu.vector_store %arg8[%swap3A], %swap3A_303 {strides = array<i32>} : memref<112xi32, #tpu.memory_space<vmem>>, vector<16xi32>,
        %mul3A_304 = arith.mulf %select_n3A, %select_n3A_292 : vector<16xf32>
        %jit3A = arith.constant 2.500000e-01 : f32
        %jit3A_305 = arith.constant 0.000000e+00 : f32
        %broadcast_in_dim3A_306 = vector.broadcast %jit3A : f32 to vector<16xf32>
        %broadcast_in_dim3A_307 = vector.broadcast %jit3A_305 : f32 to vector<16xf32>
        %select_n3A_308 = arith.select %and3A_256, %broadcast_in_dim3A_306, %broadcast_in_dim3A_307 : vector<16xi1>, vector<16xf32>
        %mul3A_309 = arith.mulf %mul3A_304, %select_n3A_308 : vector<16xf32>
        %mul3A_310 = arith.constant 16 : i32
        %mul3A_311 = arith.muli %scan3A_224, %mul3A_310 : i32
        %swap3A_312 = arith.index_cast %mul3A_311 : i32 to index
        %swap3A_313 = tpu.vector_load %arg11[%swap3A_312] {strides = array<i32>} : memref<112xf32, #tpu.memory_space<vmem>>, vector<16xf32>,
        %swap3A_314 = vector.shape_cast %swap3A_313 : vector<16xf32> to vector<16xf32>
        %swap3A_315 = vector.shape_cast %mul3A_309 : vector<16xf32> to vector<16xf32>
        tpu.vector_store %arg11[%swap3A_312], %swap3A_315 {strides = array<i32>} : memref<112xf32, #tpu.memory_space<vmem>>, vector<16xf32>,
        %scan3A_316 = arith.constant 0 : i32
        scf.yield %scan3A_316 : i32
      }
      %scan3A_165 = arith.constant 7 : i32
      %dma_start3A_166 = arith.constant 0 : i32
      %dma_start3A_167 = arith.constant 0 : i32
      %dma_start3A_168 = tpu.memref_slice %arg2[%dma_start3A_166, %dma_start3A_167] : memref<16384x256xf32, #tpu.memory_space<hbm>> -> memref<16384x256xf32, #tpu.memory_space<hbm>>
      tpu.enqueue_indirect_dma source(%dma_start3A_168 : memref<16384x256xf32, #tpu.memory_space<hbm>>) target(%arg14 : memref<112x256xf32, #tpu.memory_space<vmem>>) offsets(%arg8 : memref<112xi32, #tpu.memory_space<vmem>>) semaphore(%arg18 : memref<!tpu.dma_semaphore, #tpu.memory_space<semaphore_mem>>)
      %dma_wait3A_169 = arith.constant 0 : i32
      %dma_wait3A_170 = arith.constant 0 : i32
      %dma_wait3A_171 = tpu.memref_slice %arg2[%dma_wait3A_169, %dma_wait3A_170] : memref<16384x256xf32, #tpu.memory_space<hbm>> -> memref<16384x256xf32, #tpu.memory_space<hbm>>
      tpu.wait_indirect_dma semaphore(%arg16 : memref<!tpu.dma_semaphore, #tpu.memory_space<semaphore_mem>>) src(%dma_wait3A_171 : memref<16384x256xf32, #tpu.memory_space<hbm>>) dst(%arg12 : memref<112x256xf32, #tpu.memory_space<vmem>>)
      %scan3A_172 = arith.constant 0 : i32
      %scan3A_173 = arith.constant 0 : i32
      %scan3A_174 = arith.constant 7 : i32
      %scan3A_175 = arith.addi %scan3A_173, %scan3A_174 : i32
      %scan3A_176 = arith.constant 1 : i32
      %scan3A_177 = scf.for %scan3A_224 = %scan3A_173 to %scan3A_175 step %scan3A_176 iter_args(%scan3A_225 = %scan3A_172) -> (i32)  : i32 {
        %mul3A_226 = arith.constant 16 : i32
        %mul3A_227 = arith.muli %scan3A_224, %mul3A_226 : i32
        %get3A_228 = arith.index_cast %mul3A_227 : i32 to index
        %get3A_229 = tpu.vector_load %arg9[%get3A_228] {strides = array<i32>} : memref<112xf32, #tpu.memory_space<vmem>>, vector<16xf32>,
        %get3A_230 = vector.shape_cast %get3A_229 : vector<16xf32> to vector<16xf32>
        %broadcast_in_dim3A_231 = arith.constant 0.000000e+00 : f32
        %broadcast_in_dim3A_232 = vector.broadcast %broadcast_in_dim3A_231 : f32 to vector<16xf32>
        %broadcast_in_dim3A_233 = arith.constant 0.000000e+00 : f32
        %broadcast_in_dim3A_234 = vector.broadcast %broadcast_in_dim3A_233 : f32 to vector<16xf32>
        %broadcast_in_dim3A_235 = arith.constant 0.000000e+00 : f32
        %broadcast_in_dim3A_236 = vector.broadcast %broadcast_in_dim3A_235 : f32 to vector<16xf32>
        %broadcast_in_dim3A_237 = arith.constant 0.000000e+00 : f32
        %broadcast_in_dim3A_238 = vector.broadcast %broadcast_in_dim3A_237 : f32 to vector<16xf32>
        %broadcast_in_dim3A_239 = arith.constant 0.000000e+00 : f32
        %broadcast_in_dim3A_240 = vector.broadcast %broadcast_in_dim3A_239 : f32 to vector<16xf32>
        %broadcast_in_dim3A_241 = arith.constant 0.000000e+00 : f32
        %broadcast_in_dim3A_242 = vector.broadcast %broadcast_in_dim3A_241 : f32 to vector<16xf32>
        %broadcast_in_dim3A_243 = arith.constant 0.000000e+00 : f32
        %broadcast_in_dim3A_244 = vector.broadcast %broadcast_in_dim3A_243 : f32 to vector<16xf32>
        %broadcast_in_dim3A_245 = arith.constant 0.000000e+00 : f32
        %broadcast_in_dim3A_246 = vector.broadcast %broadcast_in_dim3A_245 : f32 to vector<16xf32>
        %broadcast_in_dim3A_247 = arith.constant 0.000000e+00 : f32
        %broadcast_in_dim3A_248 = vector.broadcast %broadcast_in_dim3A_247 : f32 to vector<16xf32>
        %broadcast_in_dim3A_249 = arith.constant 0.000000e+00 : f32
        %broadcast_in_dim3A_250 = vector.broadcast %broadcast_in_dim3A_249 : f32 to vector<16xf32>
        %broadcast_in_dim3A_251 = arith.constant 0.000000e+00 : f32
        %broadcast_in_dim3A_252 = vector.broadcast %broadcast_in_dim3A_251 : f32 to vector<16xf32>
        %broadcast_in_dim3A_253 = arith.constant 0.000000e+00 : f32
        %broadcast_in_dim3A_254 = vector.broadcast %broadcast_in_dim3A_253 : f32 to vector<16xf32>
        %broadcast_in_dim3A_255 = arith.constant 0.000000e+00 : f32
        %broadcast_in_dim3A_256 = vector.broadcast %broadcast_in_dim3A_255 : f32 to vector<16xf32>
        %broadcast_in_dim3A_257 = arith.constant 0.000000e+00 : f32
        %broadcast_in_dim3A_258 = vector.broadcast %broadcast_in_dim3A_257 : f32 to vector<16xf32>
        %broadcast_in_dim3A_259 = arith.constant 0.000000e+00 : f32
        %broadcast_in_dim3A_260 = vector.broadcast %broadcast_in_dim3A_259 : f32 to vector<16xf32>
        %broadcast_in_dim3A_261 = arith.constant 0.000000e+00 : f32
        %broadcast_in_dim3A_262 = vector.broadcast %broadcast_in_dim3A_261 : f32 to vector<16xf32>
        %scan3A_263 = arith.constant 0 : i32
        %scan3A_264 = arith.constant 16 : i32
        %scan3A_265 = arith.addi %scan3A_263, %scan3A_264 : i32
        %scan3A_266 = arith.constant 1 : i32
        %scan3A_267:16 = scf.for %scan3A_369 = %scan3A_263 to %scan3A_265 step %scan3A_266 iter_args(%scan3A_370 = %broadcast_in_dim3A_232, %scan3A_371 = %broadcast_in_dim3A_234, %scan3A_372 = %broadcast_in_dim3A_236, %scan3A_373 = %broadcast_in_dim3A_238, %scan3A_374 = %broadcast_in_dim3A_240, %scan3A_375 = %broadcast_in_dim3A_242, %scan3A_376 = %broadcast_in_dim3A_244, %scan3A_377 = %broadcast_in_dim3A_246, %scan3A_378 = %broadcast_in_dim3A_248, %scan3A_379 = %broadcast_in_dim3A_250, %scan3A_380 = %broadcast_in_dim3A_252, %scan3A_381 = %broadcast_in_dim3A_254, %scan3A_382 = %broadcast_in_dim3A_256, %scan3A_383 = %broadcast_in_dim3A_258, %scan3A_384 = %broadcast_in_dim3A_260, %scan3A_385 = %broadcast_in_dim3A_262) -> (vector<16xf32>, vector<16xf32>, vector<16xf32>, vector<16xf32>, vector<16xf32>, vector<16xf32>, vector<16xf32>, vector<16xf32>, vector<16xf32>, vector<16xf32>, vector<16xf32>, vector<16xf32>, vector<16xf32>, vector<16xf32>, vector<16xf32>, vector<16xf32>)  : i32 {
          %broadcast_in_dim3A_386 = vector.broadcast %scan3A_369 : i32 to vector<16xi32>
          %broadcast_in_dim3A_387 = vector.shape_cast %broadcast_in_dim3A_386 : vector<16xi32> to vector<16x1xi32>
          %gather3A_388 = vector.shape_cast %broadcast_in_dim3A_387 : vector<16x1xi32> to vector<16xi32>
          %gather3A_389 = tpu.dynamic_gather %get3A_230[%gather3A_388] in [0] : vector<16xf32>, vector<16xi32> -> vector<16xf32>
          %add3A_390 = arith.addi %mul3A_227, %scan3A_369 : i32
          %get3A_391 = arith.index_cast %add3A_390 : i32 to index
          %get3A_392 = arith.constant 0 : index
          %get3A_393 = tpu.vector_load %arg12[%get3A_391, %get3A_392] {strides = array<i32>} : memref<112x256xf32, #tpu.memory_space<vmem>>, vector<1x16xf32>,
          %get3A_394 = vector.shape_cast %get3A_393 : vector<1x16xf32> to vector<16xf32>
          %mul3A_395 = arith.mulf %gather3A_389, %get3A_394 : vector<16xf32>
          %add3A_396 = arith.addf %scan3A_370, %mul3A_395 : vector<16xf32>
          %add3A_397 = arith.addi %mul3A_227, %scan3A_369 : i32
          %get3A_398 = arith.index_cast %add3A_397 : i32 to index
          %get3A_399 = arith.constant 16 : index
          %get3A_400 = tpu.vector_load %arg12[%get3A_398, %get3A_399] {strides = array<i32>} : memref<112x256xf32, #tpu.memory_space<vmem>>, vector<1x16xf32>,
          %get3A_401 = vector.shape_cast %get3A_400 : vector<1x16xf32> to vector<16xf32>
          %mul3A_402 = arith.mulf %gather3A_389, %get3A_401 : vector<16xf32>
          %add3A_403 = arith.addf %scan3A_371, %mul3A_402 : vector<16xf32>
          %add3A_404 = arith.addi %mul3A_227, %scan3A_369 : i32
          %get3A_405 = arith.index_cast %add3A_404 : i32 to index
          %get3A_406 = arith.constant 32 : index
          %get3A_407 = tpu.vector_load %arg12[%get3A_405, %get3A_406] {strides = array<i32>} : memref<112x256xf32, #tpu.memory_space<vmem>>, vector<1x16xf32>,
          %get3A_408 = vector.shape_cast %get3A_407 : vector<1x16xf32> to vector<16xf32>
          %mul3A_409 = arith.mulf %gather3A_389, %get3A_408 : vector<16xf32>
          %add3A_410 = arith.addf %scan3A_372, %mul3A_409 : vector<16xf32>
          %add3A_411 = arith.addi %mul3A_227, %scan3A_369 : i32
          %get3A_412 = arith.index_cast %add3A_411 : i32 to index
          %get3A_413 = arith.constant 48 : index
          %get3A_414 = tpu.vector_load %arg12[%get3A_412, %get3A_413] {strides = array<i32>} : memref<112x256xf32, #tpu.memory_space<vmem>>, vector<1x16xf32>,
          %get3A_415 = vector.shape_cast %get3A_414 : vector<1x16xf32> to vector<16xf32>
          %mul3A_416 = arith.mulf %gather3A_389, %get3A_415 : vector<16xf32>
          %add3A_417 = arith.addf %scan3A_373, %mul3A_416 : vector<16xf32>
          %add3A_418 = arith.addi %mul3A_227, %scan3A_369 : i32
          %get3A_419 = arith.index_cast %add3A_418 : i32 to index
          %get3A_420 = arith.constant 64 : index
          %get3A_421 = tpu.vector_load %arg12[%get3A_419, %get3A_420] {strides = array<i32>} : memref<112x256xf32, #tpu.memory_space<vmem>>, vector<1x16xf32>,
          %get3A_422 = vector.shape_cast %get3A_421 : vector<1x16xf32> to vector<16xf32>
          %mul3A_423 = arith.mulf %gather3A_389, %get3A_422 : vector<16xf32>
          %add3A_424 = arith.addf %scan3A_374, %mul3A_423 : vector<16xf32>
          %add3A_425 = arith.addi %mul3A_227, %scan3A_369 : i32
          %get3A_426 = arith.index_cast %add3A_425 : i32 to index
          %get3A_427 = arith.constant 80 : index
          %get3A_428 = tpu.vector_load %arg12[%get3A_426, %get3A_427] {strides = array<i32>} : memref<112x256xf32, #tpu.memory_space<vmem>>, vector<1x16xf32>,
          %get3A_429 = vector.shape_cast %get3A_428 : vector<1x16xf32> to vector<16xf32>
          %mul3A_430 = arith.mulf %gather3A_389, %get3A_429 : vector<16xf32>
          %add3A_431 = arith.addf %scan3A_375, %mul3A_430 : vector<16xf32>
          %add3A_432 = arith.addi %mul3A_227, %scan3A_369 : i32
          %get3A_433 = arith.index_cast %add3A_432 : i32 to index
          %get3A_434 = arith.constant 96 : index
          %get3A_435 = tpu.vector_load %arg12[%get3A_433, %get3A_434] {strides = array<i32>} : memref<112x256xf32, #tpu.memory_space<vmem>>, vector<1x16xf32>,
          %get3A_436 = vector.shape_cast %get3A_435 : vector<1x16xf32> to vector<16xf32>
          %mul3A_437 = arith.mulf %gather3A_389, %get3A_436 : vector<16xf32>
          %add3A_438 = arith.addf %scan3A_376, %mul3A_437 : vector<16xf32>
          %add3A_439 = arith.addi %mul3A_227, %scan3A_369 : i32
          %get3A_440 = arith.index_cast %add3A_439 : i32 to index
          %get3A_441 = arith.constant 112 : index
          %get3A_442 = tpu.vector_load %arg12[%get3A_440, %get3A_441] {strides = array<i32>} : memref<112x256xf32, #tpu.memory_space<vmem>>, vector<1x16xf32>,
          %get3A_443 = vector.shape_cast %get3A_442 : vector<1x16xf32> to vector<16xf32>
          %mul3A_444 = arith.mulf %gather3A_389, %get3A_443 : vector<16xf32>
          %add3A_445 = arith.addf %scan3A_377, %mul3A_444 : vector<16xf32>
          %add3A_446 = arith.addi %mul3A_227, %scan3A_369 : i32
          %get3A_447 = arith.index_cast %add3A_446 : i32 to index
          %get3A_448 = arith.constant 128 : index
          %get3A_449 = tpu.vector_load %arg12[%get3A_447, %get3A_448] {strides = array<i32>} : memref<112x256xf32, #tpu.memory_space<vmem>>, vector<1x16xf32>,
          %get3A_450 = vector.shape_cast %get3A_449 : vector<1x16xf32> to vector<16xf32>
          %mul3A_451 = arith.mulf %gather3A_389, %get3A_450 : vector<16xf32>
          %add3A_452 = arith.addf %scan3A_378, %mul3A_451 : vector<16xf32>
          %add3A_453 = arith.addi %mul3A_227, %scan3A_369 : i32
          %get3A_454 = arith.index_cast %add3A_453 : i32 to index
          %get3A_455 = arith.constant 144 : index
          %get3A_456 = tpu.vector_load %arg12[%get3A_454, %get3A_455] {strides = array<i32>} : memref<112x256xf32, #tpu.memory_space<vmem>>, vector<1x16xf32>,
          %get3A_457 = vector.shape_cast %get3A_456 : vector<1x16xf32> to vector<16xf32>
          %mul3A_458 = arith.mulf %gather3A_389, %get3A_457 : vector<16xf32>
          %add3A_459 = arith.addf %scan3A_379, %mul3A_458 : vector<16xf32>
          %add3A_460 = arith.addi %mul3A_227, %scan3A_369 : i32
          %get3A_461 = arith.index_cast %add3A_460 : i32 to index
          %get3A_462 = arith.constant 160 : index
          %get3A_463 = tpu.vector_load %arg12[%get3A_461, %get3A_462] {strides = array<i32>} : memref<112x256xf32, #tpu.memory_space<vmem>>, vector<1x16xf32>,
          %get3A_464 = vector.shape_cast %get3A_463 : vector<1x16xf32> to vector<16xf32>
          %mul3A_465 = arith.mulf %gather3A_389, %get3A_464 : vector<16xf32>
          %add3A_466 = arith.addf %scan3A_380, %mul3A_465 : vector<16xf32>
          %add3A_467 = arith.addi %mul3A_227, %scan3A_369 : i32
          %get3A_468 = arith.index_cast %add3A_467 : i32 to index
          %get3A_469 = arith.constant 176 : index
          %get3A_470 = tpu.vector_load %arg12[%get3A_468, %get3A_469] {strides = array<i32>} : memref<112x256xf32, #tpu.memory_space<vmem>>, vector<1x16xf32>,
          %get3A_471 = vector.shape_cast %get3A_470 : vector<1x16xf32> to vector<16xf32>
          %mul3A_472 = arith.mulf %gather3A_389, %get3A_471 : vector<16xf32>
          %add3A_473 = arith.addf %scan3A_381, %mul3A_472 : vector<16xf32>
          %add3A_474 = arith.addi %mul3A_227, %scan3A_369 : i32
          %get3A_475 = arith.index_cast %add3A_474 : i32 to index
          %get3A_476 = arith.constant 192 : index
          %get3A_477 = tpu.vector_load %arg12[%get3A_475, %get3A_476] {strides = array<i32>} : memref<112x256xf32, #tpu.memory_space<vmem>>, vector<1x16xf32>,
          %get3A_478 = vector.shape_cast %get3A_477 : vector<1x16xf32> to vector<16xf32>
          %mul3A_479 = arith.mulf %gather3A_389, %get3A_478 : vector<16xf32>
          %add3A_480 = arith.addf %scan3A_382, %mul3A_479 : vector<16xf32>
          %add3A_481 = arith.addi %mul3A_227, %scan3A_369 : i32
          %get3A_482 = arith.index_cast %add3A_481 : i32 to index
          %get3A_483 = arith.constant 208 : index
          %get3A_484 = tpu.vector_load %arg12[%get3A_482, %get3A_483] {strides = array<i32>} : memref<112x256xf32, #tpu.memory_space<vmem>>, vector<1x16xf32>,
          %get3A_485 = vector.shape_cast %get3A_484 : vector<1x16xf32> to vector<16xf32>
          %mul3A_486 = arith.mulf %gather3A_389, %get3A_485 : vector<16xf32>
          %add3A_487 = arith.addf %scan3A_383, %mul3A_486 : vector<16xf32>
          %add3A_488 = arith.addi %mul3A_227, %scan3A_369 : i32
          %get3A_489 = arith.index_cast %add3A_488 : i32 to index
          %get3A_490 = arith.constant 224 : index
          %get3A_491 = tpu.vector_load %arg12[%get3A_489, %get3A_490] {strides = array<i32>} : memref<112x256xf32, #tpu.memory_space<vmem>>, vector<1x16xf32>,
          %get3A_492 = vector.shape_cast %get3A_491 : vector<1x16xf32> to vector<16xf32>
          %mul3A_493 = arith.mulf %gather3A_389, %get3A_492 : vector<16xf32>
          %add3A_494 = arith.addf %scan3A_384, %mul3A_493 : vector<16xf32>
          %add3A_495 = arith.addi %mul3A_227, %scan3A_369 : i32
          %get3A_496 = arith.index_cast %add3A_495 : i32 to index
          %get3A_497 = arith.constant 240 : index
          %get3A_498 = tpu.vector_load %arg12[%get3A_496, %get3A_497] {strides = array<i32>} : memref<112x256xf32, #tpu.memory_space<vmem>>, vector<1x16xf32>,
          %get3A_499 = vector.shape_cast %get3A_498 : vector<1x16xf32> to vector<16xf32>
          %mul3A_500 = arith.mulf %gather3A_389, %get3A_499 : vector<16xf32>
          %add3A_501 = arith.addf %scan3A_385, %mul3A_500 : vector<16xf32>
          scf.yield %add3A_396, %add3A_403, %add3A_410, %add3A_417, %add3A_424, %add3A_431, %add3A_438, %add3A_445, %add3A_452, %add3A_459, %add3A_466, %add3A_473, %add3A_480, %add3A_487, %add3A_494, %add3A_501 : vector<16xf32>, vector<16xf32>, vector<16xf32>, vector<16xf32>, vector<16xf32>, vector<16xf32>, vector<16xf32>, vector<16xf32>, vector<16xf32>, vector<16xf32>, vector<16xf32>, vector<16xf32>, vector<16xf32>, vector<16xf32>, vector<16xf32>, vector<16xf32>
        }
        %scan3A_268 = arith.constant 16 : i32
        %add3A_269 = arith.constant 21 : i32
        %add3A_270 = arith.addi %add3A_269, %scan3A_224 : i32
        %mul3A_271 = arith.constant 256 : i32
        %mul3A_272 = arith.muli %add3A_270, %mul3A_271 : i32
        %add3A_273 = arith.constant 0 : i32
        %add3A_274 = arith.addi %mul3A_272, %add3A_273 : i32
        %swap3A = arith.index_cast %add3A_274 : i32 to index
        %swap3A_275 = tpu.vector_load %arg15[%swap3A] {strides = array<i32>} : memref<12544xf32, #tpu.memory_space<vmem>>, vector<16xf32>,
        %swap3A_276 = vector.shape_cast %swap3A_275 : vector<16xf32> to vector<16xf32>
        %swap3A_277 = vector.shape_cast %scan3A_267#0 : vector<16xf32> to vector<16xf32>
        tpu.vector_store %arg15[%swap3A], %swap3A_277 {strides = array<i32>} : memref<12544xf32, #tpu.memory_space<vmem>>, vector<16xf32>,
        %add3A_278 = arith.constant 16 : i32
        %add3A_279 = arith.addi %mul3A_272, %add3A_278 : i32
        %swap3A_280 = arith.index_cast %add3A_279 : i32 to index
        %swap3A_281 = tpu.vector_load %arg15[%swap3A_280] {strides = array<i32>} : memref<12544xf32, #tpu.memory_space<vmem>>, vector<16xf32>,
        %swap3A_282 = vector.shape_cast %swap3A_281 : vector<16xf32> to vector<16xf32>
        %swap3A_283 = vector.shape_cast %scan3A_267#1 : vector<16xf32> to vector<16xf32>
        tpu.vector_store %arg15[%swap3A_280], %swap3A_283 {strides = array<i32>} : memref<12544xf32, #tpu.memory_space<vmem>>, vector<16xf32>,
        %add3A_284 = arith.constant 32 : i32
        %add3A_285 = arith.addi %mul3A_272, %add3A_284 : i32
        %swap3A_286 = arith.index_cast %add3A_285 : i32 to index
        %swap3A_287 = tpu.vector_load %arg15[%swap3A_286] {strides = array<i32>} : memref<12544xf32, #tpu.memory_space<vmem>>, vector<16xf32>,
        %swap3A_288 = vector.shape_cast %swap3A_287 : vector<16xf32> to vector<16xf32>
        %swap3A_289 = vector.shape_cast %scan3A_267#2 : vector<16xf32> to vector<16xf32>
        tpu.vector_store %arg15[%swap3A_286], %swap3A_289 {strides = array<i32>} : memref<12544xf32, #tpu.memory_space<vmem>>, vector<16xf32>,
        %add3A_290 = arith.constant 48 : i32
        %add3A_291 = arith.addi %mul3A_272, %add3A_290 : i32
        %swap3A_292 = arith.index_cast %add3A_291 : i32 to index
        %swap3A_293 = tpu.vector_load %arg15[%swap3A_292] {strides = array<i32>} : memref<12544xf32, #tpu.memory_space<vmem>>, vector<16xf32>,
        %swap3A_294 = vector.shape_cast %swap3A_293 : vector<16xf32> to vector<16xf32>
        %swap3A_295 = vector.shape_cast %scan3A_267#3 : vector<16xf32> to vector<16xf32>
        tpu.vector_store %arg15[%swap3A_292], %swap3A_295 {strides = array<i32>} : memref<12544xf32, #tpu.memory_space<vmem>>, vector<16xf32>,
        %add3A_296 = arith.constant 64 : i32
        %add3A_297 = arith.addi %mul3A_272, %add3A_296 : i32
        %swap3A_298 = arith.index_cast %add3A_297 : i32 to index
        %swap3A_299 = tpu.vector_load %arg15[%swap3A_298] {strides = array<i32>} : memref<12544xf32, #tpu.memory_space<vmem>>, vector<16xf32>,
        %swap3A_300 = vector.shape_cast %swap3A_299 : vector<16xf32> to vector<16xf32>
        %swap3A_301 = vector.shape_cast %scan3A_267#4 : vector<16xf32> to vector<16xf32>
        tpu.vector_store %arg15[%swap3A_298], %swap3A_301 {strides = array<i32>} : memref<12544xf32, #tpu.memory_space<vmem>>, vector<16xf32>,
        %add3A_302 = arith.constant 80 : i32
        %add3A_303 = arith.addi %mul3A_272, %add3A_302 : i32
        %swap3A_304 = arith.index_cast %add3A_303 : i32 to index
        %swap3A_305 = tpu.vector_load %arg15[%swap3A_304] {strides = array<i32>} : memref<12544xf32, #tpu.memory_space<vmem>>, vector<16xf32>,
        %swap3A_306 = vector.shape_cast %swap3A_305 : vector<16xf32> to vector<16xf32>
        %swap3A_307 = vector.shape_cast %scan3A_267#5 : vector<16xf32> to vector<16xf32>
        tpu.vector_store %arg15[%swap3A_304], %swap3A_307 {strides = array<i32>} : memref<12544xf32, #tpu.memory_space<vmem>>, vector<16xf32>,
        %add3A_308 = arith.constant 96 : i32
        %add3A_309 = arith.addi %mul3A_272, %add3A_308 : i32
        %swap3A_310 = arith.index_cast %add3A_309 : i32 to index
        %swap3A_311 = tpu.vector_load %arg15[%swap3A_310] {strides = array<i32>} : memref<12544xf32, #tpu.memory_space<vmem>>, vector<16xf32>,
        %swap3A_312 = vector.shape_cast %swap3A_311 : vector<16xf32> to vector<16xf32>
        %swap3A_313 = vector.shape_cast %scan3A_267#6 : vector<16xf32> to vector<16xf32>
        tpu.vector_store %arg15[%swap3A_310], %swap3A_313 {strides = array<i32>} : memref<12544xf32, #tpu.memory_space<vmem>>, vector<16xf32>,
        %add3A_314 = arith.constant 112 : i32
        %add3A_315 = arith.addi %mul3A_272, %add3A_314 : i32
        %swap3A_316 = arith.index_cast %add3A_315 : i32 to index
        %swap3A_317 = tpu.vector_load %arg15[%swap3A_316] {strides = array<i32>} : memref<12544xf32, #tpu.memory_space<vmem>>, vector<16xf32>,
        %swap3A_318 = vector.shape_cast %swap3A_317 : vector<16xf32> to vector<16xf32>
        %swap3A_319 = vector.shape_cast %scan3A_267#7 : vector<16xf32> to vector<16xf32>
        tpu.vector_store %arg15[%swap3A_316], %swap3A_319 {strides = array<i32>} : memref<12544xf32, #tpu.memory_space<vmem>>, vector<16xf32>,
        %add3A_320 = arith.constant 128 : i32
        %add3A_321 = arith.addi %mul3A_272, %add3A_320 : i32
        %swap3A_322 = arith.index_cast %add3A_321 : i32 to index
        %swap3A_323 = tpu.vector_load %arg15[%swap3A_322] {strides = array<i32>} : memref<12544xf32, #tpu.memory_space<vmem>>, vector<16xf32>,
        %swap3A_324 = vector.shape_cast %swap3A_323 : vector<16xf32> to vector<16xf32>
        %swap3A_325 = vector.shape_cast %scan3A_267#8 : vector<16xf32> to vector<16xf32>
        tpu.vector_store %arg15[%swap3A_322], %swap3A_325 {strides = array<i32>} : memref<12544xf32, #tpu.memory_space<vmem>>, vector<16xf32>,
        %add3A_326 = arith.constant 144 : i32
        %add3A_327 = arith.addi %mul3A_272, %add3A_326 : i32
        %swap3A_328 = arith.index_cast %add3A_327 : i32 to index
        %swap3A_329 = tpu.vector_load %arg15[%swap3A_328] {strides = array<i32>} : memref<12544xf32, #tpu.memory_space<vmem>>, vector<16xf32>,
        %swap3A_330 = vector.shape_cast %swap3A_329 : vector<16xf32> to vector<16xf32>
        %swap3A_331 = vector.shape_cast %scan3A_267#9 : vector<16xf32> to vector<16xf32>
        tpu.vector_store %arg15[%swap3A_328], %swap3A_331 {strides = array<i32>} : memref<12544xf32, #tpu.memory_space<vmem>>, vector<16xf32>,
        %add3A_332 = arith.constant 160 : i32
        %add3A_333 = arith.addi %mul3A_272, %add3A_332 : i32
        %swap3A_334 = arith.index_cast %add3A_333 : i32 to index
        %swap3A_335 = tpu.vector_load %arg15[%swap3A_334] {strides = array<i32>} : memref<12544xf32, #tpu.memory_space<vmem>>, vector<16xf32>,
        %swap3A_336 = vector.shape_cast %swap3A_335 : vector<16xf32> to vector<16xf32>
        %swap3A_337 = vector.shape_cast %scan3A_267#10 : vector<16xf32> to vector<16xf32>
        tpu.vector_store %arg15[%swap3A_334], %swap3A_337 {strides = array<i32>} : memref<12544xf32, #tpu.memory_space<vmem>>, vector<16xf32>,
        %add3A_338 = arith.constant 176 : i32
        %add3A_339 = arith.addi %mul3A_272, %add3A_338 : i32
        %swap3A_340 = arith.index_cast %add3A_339 : i32 to index
        %swap3A_341 = tpu.vector_load %arg15[%swap3A_340] {strides = array<i32>} : memref<12544xf32, #tpu.memory_space<vmem>>, vector<16xf32>,
        %swap3A_342 = vector.shape_cast %swap3A_341 : vector<16xf32> to vector<16xf32>
        %swap3A_343 = vector.shape_cast %scan3A_267#11 : vector<16xf32> to vector<16xf32>
        tpu.vector_store %arg15[%swap3A_340], %swap3A_343 {strides = array<i32>} : memref<12544xf32, #tpu.memory_space<vmem>>, vector<16xf32>,
        %add3A_344 = arith.constant 192 : i32
        %add3A_345 = arith.addi %mul3A_272, %add3A_344 : i32
        %swap3A_346 = arith.index_cast %add3A_345 : i32 to index
        %swap3A_347 = tpu.vector_load %arg15[%swap3A_346] {strides = array<i32>} : memref<12544xf32, #tpu.memory_space<vmem>>, vector<16xf32>,
        %swap3A_348 = vector.shape_cast %swap3A_347 : vector<16xf32> to vector<16xf32>
        %swap3A_349 = vector.shape_cast %scan3A_267#12 : vector<16xf32> to vector<16xf32>
        tpu.vector_store %arg15[%swap3A_346], %swap3A_349 {strides = array<i32>} : memref<12544xf32, #tpu.memory_space<vmem>>, vector<16xf32>,
        %add3A_350 = arith.constant 208 : i32
        %add3A_351 = arith.addi %mul3A_272, %add3A_350 : i32
        %swap3A_352 = arith.index_cast %add3A_351 : i32 to index
        %swap3A_353 = tpu.vector_load %arg15[%swap3A_352] {strides = array<i32>} : memref<12544xf32, #tpu.memory_space<vmem>>, vector<16xf32>,
        %swap3A_354 = vector.shape_cast %swap3A_353 : vector<16xf32> to vector<16xf32>
        %swap3A_355 = vector.shape_cast %scan3A_267#13 : vector<16xf32> to vector<16xf32>
        tpu.vector_store %arg15[%swap3A_352], %swap3A_355 {strides = array<i32>} : memref<12544xf32, #tpu.memory_space<vmem>>, vector<16xf32>,
        %add3A_356 = arith.constant 224 : i32
        %add3A_357 = arith.addi %mul3A_272, %add3A_356 : i32
        %swap3A_358 = arith.index_cast %add3A_357 : i32 to index
        %swap3A_359 = tpu.vector_load %arg15[%swap3A_358] {strides = array<i32>} : memref<12544xf32, #tpu.memory_space<vmem>>, vector<16xf32>,
        %swap3A_360 = vector.shape_cast %swap3A_359 : vector<16xf32> to vector<16xf32>
        %swap3A_361 = vector.shape_cast %scan3A_267#14 : vector<16xf32> to vector<16xf32>
        tpu.vector_store %arg15[%swap3A_358], %swap3A_361 {strides = array<i32>} : memref<12544xf32, #tpu.memory_space<vmem>>, vector<16xf32>,
        %add3A_362 = arith.constant 240 : i32
        %add3A_363 = arith.addi %mul3A_272, %add3A_362 : i32
        %swap3A_364 = arith.index_cast %add3A_363 : i32 to index
        %swap3A_365 = tpu.vector_load %arg15[%swap3A_364] {strides = array<i32>} : memref<12544xf32, #tpu.memory_space<vmem>>, vector<16xf32>,
        %swap3A_366 = vector.shape_cast %swap3A_365 : vector<16xf32> to vector<16xf32>
        %swap3A_367 = vector.shape_cast %scan3A_267#15 : vector<16xf32> to vector<16xf32>
        tpu.vector_store %arg15[%swap3A_364], %swap3A_367 {strides = array<i32>} : memref<12544xf32, #tpu.memory_space<vmem>>, vector<16xf32>,
        %scan3A_368 = arith.constant 0 : i32
        scf.yield %scan3A_368 : i32
      }
      %scan3A_178 = arith.constant 7 : i32
      %scan3A_179 = arith.constant 0 : i32
      %scan3A_180 = arith.constant 0 : i32
      %scan3A_181 = arith.constant 7 : i32
      %scan3A_182 = arith.addi %scan3A_180, %scan3A_181 : i32
      %scan3A_183 = arith.constant 1 : i32
      %scan3A_184 = scf.for %scan3A_224 = %scan3A_180 to %scan3A_182 step %scan3A_183 iter_args(%scan3A_225 = %scan3A_179) -> (i32)  : i32 {
        %convert_element_type3A_226 = arith.sitofp %scan3A_224 : i32 to f32
        %mul3A_227 = arith.constant 5.000000e-01 : f32
        %mul3A_228 = vector.broadcast %mul3A_227 : f32 to vector<16xf32>
        %mul3A_229 = arith.mulf %mul3A_228, %convert_element_type3A : vector<16xf32>
        %add3A_230 = arith.constant 6.250000e+00 : f32
        %add3A_231 = vector.broadcast %add3A_230 : f32 to vector<16xf32>
        %add3A_232 = arith.addf %add3A_231, %mul3A_229 : vector<16xf32>
        %mul3A_233 = arith.mulf %add3A_232, %div3A_80 : vector<16xf32>
        %add3A_234 = arith.addf %mul3A_53, %mul3A_233 : vector<16xf32>
        %add3A_235 = arith.constant 2.500000e-01 : f32
        %add3A_236 = arith.addf %convert_element_type3A_226, %add3A_235 : f32
        %mul3A_237 = arith.constant 5.000000e-01 : f32
        %mul3A_238 = vector.broadcast %mul3A_237 : f32 to vector<16xf32>
        %mul3A_239 = arith.mulf %mul3A_238, %convert_element_type3A_15 : vector<16xf32>
        %add3A_240 = vector.broadcast %add3A_236 : f32 to vector<16xf32>
        %add3A_241 = arith.addf %add3A_240, %mul3A_239 : vector<16xf32>
        %mul3A_242 = arith.mulf %add3A_241, %div3A_77 : vector<16xf32>
        %add3A_243 = arith.addf %mul3A_45, %mul3A_242 : vector<16xf32>
        %gt3A = arith.constant -1.000000e+00 : f32
        %gt3A_244 = vector.broadcast %gt3A : f32 to vector<16xf32>
        %gt3A_245 = arith.cmpf ogt, %add3A_234, %gt3A_244 : vector<16xf32>
        %lt3A = arith.constant 1.280000e+02 : f32
        %lt3A_246 = vector.broadcast %lt3A : f32 to vector<16xf32>
        %lt3A_247 = arith.cmpf olt, %add3A_234, %lt3A_246 : vector<16xf32>
        %and3A_248 = arith.andi %gt3A_245, %lt3A_247 : vector<16xi1>
        %gt3A_249 = arith.constant -1.000000e+00 : f32
        %gt3A_250 = vector.broadcast %gt3A_249 : f32 to vector<16xf32>
        %gt3A_251 = arith.cmpf ogt, %add3A_243, %gt3A_250 : vector<16xf32>
        %and3A_252 = arith.andi %and3A_248, %gt3A_251 : vector<16xi1>
        %lt3A_253 = arith.constant 1.280000e+02 : f32
        %lt3A_254 = vector.broadcast %lt3A_253 : f32 to vector<16xf32>
        %lt3A_255 = arith.cmpf olt, %add3A_243, %lt3A_254 : vector<16xf32>
        %and3A_256 = arith.andi %and3A_252, %lt3A_255 : vector<16xi1>
        %max3A_257 = arith.constant 0.000000e+00 : f32
        %max3A_258 = vector.broadcast %max3A_257 : f32 to vector<16xf32>
        %max3A_259 = arith.maximumf %add3A_234, %max3A_258 : vector<16xf32>
        %min3A = arith.constant 1.270000e+02 : f32
        %min3A_260 = vector.broadcast %min3A : f32 to vector<16xf32>
        %min3A_261 = arith.minimumf %max3A_259, %min3A_260 : vector<16xf32>
        %max3A_262 = arith.constant 0.000000e+00 : f32
        %max3A_263 = vector.broadcast %max3A_262 : f32 to vector<16xf32>
        %max3A_264 = arith.maximumf %add3A_243, %max3A_263 : vector<16xf32>
        %min3A_265 = arith.constant 1.270000e+02 : f32
        %min3A_266 = vector.broadcast %min3A_265 : f32 to vector<16xf32>
        %min3A_267 = arith.minimumf %max3A_264, %min3A_266 : vector<16xf32>
        %convert_element_type3A_268 = arith.fptosi %min3A_261 : vector<16xf32> to vector<16xi32>
        %convert_element_type3A_269 = arith.fptosi %min3A_267 : vector<16xf32> to vector<16xi32>
        %add3A_270 = arith.constant 1 : i32
        %add3A_271 = vector.broadcast %add3A_270 : i32 to vector<16xi32>
        %add3A_272 = arith.addi %convert_element_type3A_268, %add3A_271 : vector<16xi32>
        %min3A_273 = arith.constant 127 : i32
        %min3A_274 = vector.broadcast %min3A_273 : i32 to vector<16xi32>
        %min3A_275 = arith.minsi %add3A_272, %min3A_274 : vector<16xi32>
        %add3A_276 = arith.constant 1 : i32
        %add3A_277 = vector.broadcast %add3A_276 : i32 to vector<16xi32>
        %add3A_278 = arith.addi %convert_element_type3A_269, %add3A_277 : vector<16xi32>
        %min3A_279 = arith.constant 127 : i32
        %min3A_280 = vector.broadcast %min3A_279 : i32 to vector<16xi32>
        %min3A_281 = arith.minsi %add3A_278, %min3A_280 : vector<16xi32>
        %convert_element_type3A_282 = arith.sitofp %convert_element_type3A_268 : vector<16xi32> to vector<16xf32>
        %sub3A_283 = arith.subf %min3A_261, %convert_element_type3A_282 : vector<16xf32>
        %convert_element_type3A_284 = arith.sitofp %convert_element_type3A_269 : vector<16xi32> to vector<16xf32>
        %sub3A_285 = arith.subf %min3A_267, %convert_element_type3A_284 : vector<16xf32>
        %sub3A_286 = arith.constant 1.000000e+00 : f32
        %sub3A_287 = vector.broadcast %sub3A_286 : f32 to vector<16xf32>
        %sub3A_288 = arith.subf %sub3A_287, %sub3A_283 : vector<16xf32>
        %select_n3A = arith.select %eq3A_23, %sub3A_288, %sub3A_283 : vector<16xi1>, vector<16xf32>
        %sub3A_289 = arith.constant 1.000000e+00 : f32
        %sub3A_290 = vector.broadcast %sub3A_289 : f32 to vector<16xf32>
        %sub3A_291 = arith.subf %sub3A_290, %sub3A_285 : vector<16xf32>
        %select_n3A_292 = arith.select %eq3A_29, %sub3A_291, %sub3A_285 : vector<16xi1>, vector<16xf32>
        %select_n3A_293 = arith.select %eq3A_23, %convert_element_type3A_268, %min3A_275 : vector<16xi1>, vector<16xi32>
        %select_n3A_294 = arith.select %eq3A_29, %convert_element_type3A_269, %min3A_281 : vector<16xi1>, vector<16xi32>
        %mul3A_295 = arith.constant 128 : i32
        %mul3A_296 = vector.broadcast %mul3A_295 : i32 to vector<16xi32>
        %mul3A_297 = arith.muli %select_n3A_293, %mul3A_296 : vector<16xi32>
        %add3A_298 = arith.addi %mul3A_297, %select_n3A_294 : vector<16xi32>
        %mul3A_299 = arith.constant 16 : i32
        %mul3A_300 = arith.muli %scan3A_224, %mul3A_299 : i32
        %swap3A = arith.index_cast %mul3A_300 : i32 to index
        %swap3A_301 = tpu.vector_load %arg6[%swap3A] {strides = array<i32>} : memref<112xi32, #tpu.memory_space<vmem>>, vector<16xi32>,
        %swap3A_302 = vector.shape_cast %swap3A_301 : vector<16xi32> to vector<16xi32>
        %swap3A_303 = vector.shape_cast %add3A_298 : vector<16xi32> to vector<16xi32>
        tpu.vector_store %arg6[%swap3A], %swap3A_303 {strides = array<i32>} : memref<112xi32, #tpu.memory_space<vmem>>, vector<16xi32>,
        %mul3A_304 = arith.mulf %select_n3A, %select_n3A_292 : vector<16xf32>
        %jit3A = arith.constant 2.500000e-01 : f32
        %jit3A_305 = arith.constant 0.000000e+00 : f32
        %broadcast_in_dim3A_306 = vector.broadcast %jit3A : f32 to vector<16xf32>
        %broadcast_in_dim3A_307 = vector.broadcast %jit3A_305 : f32 to vector<16xf32>
        %select_n3A_308 = arith.select %and3A_256, %broadcast_in_dim3A_306, %broadcast_in_dim3A_307 : vector<16xi1>, vector<16xf32>
        %mul3A_309 = arith.mulf %mul3A_304, %select_n3A_308 : vector<16xf32>
        %mul3A_310 = arith.constant 16 : i32
        %mul3A_311 = arith.muli %scan3A_224, %mul3A_310 : i32
        %swap3A_312 = arith.index_cast %mul3A_311 : i32 to index
        %swap3A_313 = tpu.vector_load %arg9[%swap3A_312] {strides = array<i32>} : memref<112xf32, #tpu.memory_space<vmem>>, vector<16xf32>,
        %swap3A_314 = vector.shape_cast %swap3A_313 : vector<16xf32> to vector<16xf32>
        %swap3A_315 = vector.shape_cast %mul3A_309 : vector<16xf32> to vector<16xf32>
        tpu.vector_store %arg9[%swap3A_312], %swap3A_315 {strides = array<i32>} : memref<112xf32, #tpu.memory_space<vmem>>, vector<16xf32>,
        %scan3A_316 = arith.constant 0 : i32
        scf.yield %scan3A_316 : i32
      }
      %scan3A_185 = arith.constant 7 : i32
      %dma_start3A_186 = arith.constant 0 : i32
      %dma_start3A_187 = arith.constant 0 : i32
      %dma_start3A_188 = tpu.memref_slice %arg2[%dma_start3A_186, %dma_start3A_187] : memref<16384x256xf32, #tpu.memory_space<hbm>> -> memref<16384x256xf32, #tpu.memory_space<hbm>>
      tpu.enqueue_indirect_dma source(%dma_start3A_188 : memref<16384x256xf32, #tpu.memory_space<hbm>>) target(%arg12 : memref<112x256xf32, #tpu.memory_space<vmem>>) offsets(%arg6 : memref<112xi32, #tpu.memory_space<vmem>>) semaphore(%arg16 : memref<!tpu.dma_semaphore, #tpu.memory_space<semaphore_mem>>)
      %dma_wait3A_189 = arith.constant 0 : i32
      %dma_wait3A_190 = arith.constant 0 : i32
      %dma_wait3A_191 = tpu.memref_slice %arg2[%dma_wait3A_189, %dma_wait3A_190] : memref<16384x256xf32, #tpu.memory_space<hbm>> -> memref<16384x256xf32, #tpu.memory_space<hbm>>
      tpu.wait_indirect_dma semaphore(%arg17 : memref<!tpu.dma_semaphore, #tpu.memory_space<semaphore_mem>>) src(%dma_wait3A_191 : memref<16384x256xf32, #tpu.memory_space<hbm>>) dst(%arg13 : memref<112x256xf32, #tpu.memory_space<vmem>>)
      %scan3A_192 = arith.constant 0 : i32
      %scan3A_193 = arith.constant 0 : i32
      %scan3A_194 = arith.constant 7 : i32
      %scan3A_195 = arith.addi %scan3A_193, %scan3A_194 : i32
      %scan3A_196 = arith.constant 1 : i32
      %scan3A_197 = scf.for %scan3A_224 = %scan3A_193 to %scan3A_195 step %scan3A_196 iter_args(%scan3A_225 = %scan3A_192) -> (i32)  : i32 {
        %mul3A_226 = arith.constant 16 : i32
        %mul3A_227 = arith.muli %scan3A_224, %mul3A_226 : i32
        %get3A_228 = arith.index_cast %mul3A_227 : i32 to index
        %get3A_229 = tpu.vector_load %arg10[%get3A_228] {strides = array<i32>} : memref<112xf32, #tpu.memory_space<vmem>>, vector<16xf32>,
        %get3A_230 = vector.shape_cast %get3A_229 : vector<16xf32> to vector<16xf32>
        %broadcast_in_dim3A_231 = arith.constant 0.000000e+00 : f32
        %broadcast_in_dim3A_232 = vector.broadcast %broadcast_in_dim3A_231 : f32 to vector<16xf32>
        %broadcast_in_dim3A_233 = arith.constant 0.000000e+00 : f32
        %broadcast_in_dim3A_234 = vector.broadcast %broadcast_in_dim3A_233 : f32 to vector<16xf32>
        %broadcast_in_dim3A_235 = arith.constant 0.000000e+00 : f32
        %broadcast_in_dim3A_236 = vector.broadcast %broadcast_in_dim3A_235 : f32 to vector<16xf32>
        %broadcast_in_dim3A_237 = arith.constant 0.000000e+00 : f32
        %broadcast_in_dim3A_238 = vector.broadcast %broadcast_in_dim3A_237 : f32 to vector<16xf32>
        %broadcast_in_dim3A_239 = arith.constant 0.000000e+00 : f32
        %broadcast_in_dim3A_240 = vector.broadcast %broadcast_in_dim3A_239 : f32 to vector<16xf32>
        %broadcast_in_dim3A_241 = arith.constant 0.000000e+00 : f32
        %broadcast_in_dim3A_242 = vector.broadcast %broadcast_in_dim3A_241 : f32 to vector<16xf32>
        %broadcast_in_dim3A_243 = arith.constant 0.000000e+00 : f32
        %broadcast_in_dim3A_244 = vector.broadcast %broadcast_in_dim3A_243 : f32 to vector<16xf32>
        %broadcast_in_dim3A_245 = arith.constant 0.000000e+00 : f32
        %broadcast_in_dim3A_246 = vector.broadcast %broadcast_in_dim3A_245 : f32 to vector<16xf32>
        %broadcast_in_dim3A_247 = arith.constant 0.000000e+00 : f32
        %broadcast_in_dim3A_248 = vector.broadcast %broadcast_in_dim3A_247 : f32 to vector<16xf32>
        %broadcast_in_dim3A_249 = arith.constant 0.000000e+00 : f32
        %broadcast_in_dim3A_250 = vector.broadcast %broadcast_in_dim3A_249 : f32 to vector<16xf32>
        %broadcast_in_dim3A_251 = arith.constant 0.000000e+00 : f32
        %broadcast_in_dim3A_252 = vector.broadcast %broadcast_in_dim3A_251 : f32 to vector<16xf32>
        %broadcast_in_dim3A_253 = arith.constant 0.000000e+00 : f32
        %broadcast_in_dim3A_254 = vector.broadcast %broadcast_in_dim3A_253 : f32 to vector<16xf32>
        %broadcast_in_dim3A_255 = arith.constant 0.000000e+00 : f32
        %broadcast_in_dim3A_256 = vector.broadcast %broadcast_in_dim3A_255 : f32 to vector<16xf32>
        %broadcast_in_dim3A_257 = arith.constant 0.000000e+00 : f32
        %broadcast_in_dim3A_258 = vector.broadcast %broadcast_in_dim3A_257 : f32 to vector<16xf32>
        %broadcast_in_dim3A_259 = arith.constant 0.000000e+00 : f32
        %broadcast_in_dim3A_260 = vector.broadcast %broadcast_in_dim3A_259 : f32 to vector<16xf32>
        %broadcast_in_dim3A_261 = arith.constant 0.000000e+00 : f32
        %broadcast_in_dim3A_262 = vector.broadcast %broadcast_in_dim3A_261 : f32 to vector<16xf32>
        %scan3A_263 = arith.constant 0 : i32
        %scan3A_264 = arith.constant 16 : i32
        %scan3A_265 = arith.addi %scan3A_263, %scan3A_264 : i32
        %scan3A_266 = arith.constant 1 : i32
        %scan3A_267:16 = scf.for %scan3A_369 = %scan3A_263 to %scan3A_265 step %scan3A_266 iter_args(%scan3A_370 = %broadcast_in_dim3A_232, %scan3A_371 = %broadcast_in_dim3A_234, %scan3A_372 = %broadcast_in_dim3A_236, %scan3A_373 = %broadcast_in_dim3A_238, %scan3A_374 = %broadcast_in_dim3A_240, %scan3A_375 = %broadcast_in_dim3A_242, %scan3A_376 = %broadcast_in_dim3A_244, %scan3A_377 = %broadcast_in_dim3A_246, %scan3A_378 = %broadcast_in_dim3A_248, %scan3A_379 = %broadcast_in_dim3A_250, %scan3A_380 = %broadcast_in_dim3A_252, %scan3A_381 = %broadcast_in_dim3A_254, %scan3A_382 = %broadcast_in_dim3A_256, %scan3A_383 = %broadcast_in_dim3A_258, %scan3A_384 = %broadcast_in_dim3A_260, %scan3A_385 = %broadcast_in_dim3A_262) -> (vector<16xf32>, vector<16xf32>, vector<16xf32>, vector<16xf32>, vector<16xf32>, vector<16xf32>, vector<16xf32>, vector<16xf32>, vector<16xf32>, vector<16xf32>, vector<16xf32>, vector<16xf32>, vector<16xf32>, vector<16xf32>, vector<16xf32>, vector<16xf32>)  : i32 {
          %broadcast_in_dim3A_386 = vector.broadcast %scan3A_369 : i32 to vector<16xi32>
          %broadcast_in_dim3A_387 = vector.shape_cast %broadcast_in_dim3A_386 : vector<16xi32> to vector<16x1xi32>
          %gather3A_388 = vector.shape_cast %broadcast_in_dim3A_387 : vector<16x1xi32> to vector<16xi32>
          %gather3A_389 = tpu.dynamic_gather %get3A_230[%gather3A_388] in [0] : vector<16xf32>, vector<16xi32> -> vector<16xf32>
          %add3A_390 = arith.addi %mul3A_227, %scan3A_369 : i32
          %get3A_391 = arith.index_cast %add3A_390 : i32 to index
          %get3A_392 = arith.constant 0 : index
          %get3A_393 = tpu.vector_load %arg13[%get3A_391, %get3A_392] {strides = array<i32>} : memref<112x256xf32, #tpu.memory_space<vmem>>, vector<1x16xf32>,
          %get3A_394 = vector.shape_cast %get3A_393 : vector<1x16xf32> to vector<16xf32>
          %mul3A_395 = arith.mulf %gather3A_389, %get3A_394 : vector<16xf32>
          %add3A_396 = arith.addf %scan3A_370, %mul3A_395 : vector<16xf32>
          %add3A_397 = arith.addi %mul3A_227, %scan3A_369 : i32
          %get3A_398 = arith.index_cast %add3A_397 : i32 to index
          %get3A_399 = arith.constant 16 : index
          %get3A_400 = tpu.vector_load %arg13[%get3A_398, %get3A_399] {strides = array<i32>} : memref<112x256xf32, #tpu.memory_space<vmem>>, vector<1x16xf32>,
          %get3A_401 = vector.shape_cast %get3A_400 : vector<1x16xf32> to vector<16xf32>
          %mul3A_402 = arith.mulf %gather3A_389, %get3A_401 : vector<16xf32>
          %add3A_403 = arith.addf %scan3A_371, %mul3A_402 : vector<16xf32>
          %add3A_404 = arith.addi %mul3A_227, %scan3A_369 : i32
          %get3A_405 = arith.index_cast %add3A_404 : i32 to index
          %get3A_406 = arith.constant 32 : index
          %get3A_407 = tpu.vector_load %arg13[%get3A_405, %get3A_406] {strides = array<i32>} : memref<112x256xf32, #tpu.memory_space<vmem>>, vector<1x16xf32>,
          %get3A_408 = vector.shape_cast %get3A_407 : vector<1x16xf32> to vector<16xf32>
          %mul3A_409 = arith.mulf %gather3A_389, %get3A_408 : vector<16xf32>
          %add3A_410 = arith.addf %scan3A_372, %mul3A_409 : vector<16xf32>
          %add3A_411 = arith.addi %mul3A_227, %scan3A_369 : i32
          %get3A_412 = arith.index_cast %add3A_411 : i32 to index
          %get3A_413 = arith.constant 48 : index
          %get3A_414 = tpu.vector_load %arg13[%get3A_412, %get3A_413] {strides = array<i32>} : memref<112x256xf32, #tpu.memory_space<vmem>>, vector<1x16xf32>,
          %get3A_415 = vector.shape_cast %get3A_414 : vector<1x16xf32> to vector<16xf32>
          %mul3A_416 = arith.mulf %gather3A_389, %get3A_415 : vector<16xf32>
          %add3A_417 = arith.addf %scan3A_373, %mul3A_416 : vector<16xf32>
          %add3A_418 = arith.addi %mul3A_227, %scan3A_369 : i32
          %get3A_419 = arith.index_cast %add3A_418 : i32 to index
          %get3A_420 = arith.constant 64 : index
          %get3A_421 = tpu.vector_load %arg13[%get3A_419, %get3A_420] {strides = array<i32>} : memref<112x256xf32, #tpu.memory_space<vmem>>, vector<1x16xf32>,
          %get3A_422 = vector.shape_cast %get3A_421 : vector<1x16xf32> to vector<16xf32>
          %mul3A_423 = arith.mulf %gather3A_389, %get3A_422 : vector<16xf32>
          %add3A_424 = arith.addf %scan3A_374, %mul3A_423 : vector<16xf32>
          %add3A_425 = arith.addi %mul3A_227, %scan3A_369 : i32
          %get3A_426 = arith.index_cast %add3A_425 : i32 to index
          %get3A_427 = arith.constant 80 : index
          %get3A_428 = tpu.vector_load %arg13[%get3A_426, %get3A_427] {strides = array<i32>} : memref<112x256xf32, #tpu.memory_space<vmem>>, vector<1x16xf32>,
          %get3A_429 = vector.shape_cast %get3A_428 : vector<1x16xf32> to vector<16xf32>
          %mul3A_430 = arith.mulf %gather3A_389, %get3A_429 : vector<16xf32>
          %add3A_431 = arith.addf %scan3A_375, %mul3A_430 : vector<16xf32>
          %add3A_432 = arith.addi %mul3A_227, %scan3A_369 : i32
          %get3A_433 = arith.index_cast %add3A_432 : i32 to index
          %get3A_434 = arith.constant 96 : index
          %get3A_435 = tpu.vector_load %arg13[%get3A_433, %get3A_434] {strides = array<i32>} : memref<112x256xf32, #tpu.memory_space<vmem>>, vector<1x16xf32>,
          %get3A_436 = vector.shape_cast %get3A_435 : vector<1x16xf32> to vector<16xf32>
          %mul3A_437 = arith.mulf %gather3A_389, %get3A_436 : vector<16xf32>
          %add3A_438 = arith.addf %scan3A_376, %mul3A_437 : vector<16xf32>
          %add3A_439 = arith.addi %mul3A_227, %scan3A_369 : i32
          %get3A_440 = arith.index_cast %add3A_439 : i32 to index
          %get3A_441 = arith.constant 112 : index
          %get3A_442 = tpu.vector_load %arg13[%get3A_440, %get3A_441] {strides = array<i32>} : memref<112x256xf32, #tpu.memory_space<vmem>>, vector<1x16xf32>,
          %get3A_443 = vector.shape_cast %get3A_442 : vector<1x16xf32> to vector<16xf32>
          %mul3A_444 = arith.mulf %gather3A_389, %get3A_443 : vector<16xf32>
          %add3A_445 = arith.addf %scan3A_377, %mul3A_444 : vector<16xf32>
          %add3A_446 = arith.addi %mul3A_227, %scan3A_369 : i32
          %get3A_447 = arith.index_cast %add3A_446 : i32 to index
          %get3A_448 = arith.constant 128 : index
          %get3A_449 = tpu.vector_load %arg13[%get3A_447, %get3A_448] {strides = array<i32>} : memref<112x256xf32, #tpu.memory_space<vmem>>, vector<1x16xf32>,
          %get3A_450 = vector.shape_cast %get3A_449 : vector<1x16xf32> to vector<16xf32>
          %mul3A_451 = arith.mulf %gather3A_389, %get3A_450 : vector<16xf32>
          %add3A_452 = arith.addf %scan3A_378, %mul3A_451 : vector<16xf32>
          %add3A_453 = arith.addi %mul3A_227, %scan3A_369 : i32
          %get3A_454 = arith.index_cast %add3A_453 : i32 to index
          %get3A_455 = arith.constant 144 : index
          %get3A_456 = tpu.vector_load %arg13[%get3A_454, %get3A_455] {strides = array<i32>} : memref<112x256xf32, #tpu.memory_space<vmem>>, vector<1x16xf32>,
          %get3A_457 = vector.shape_cast %get3A_456 : vector<1x16xf32> to vector<16xf32>
          %mul3A_458 = arith.mulf %gather3A_389, %get3A_457 : vector<16xf32>
          %add3A_459 = arith.addf %scan3A_379, %mul3A_458 : vector<16xf32>
          %add3A_460 = arith.addi %mul3A_227, %scan3A_369 : i32
          %get3A_461 = arith.index_cast %add3A_460 : i32 to index
          %get3A_462 = arith.constant 160 : index
          %get3A_463 = tpu.vector_load %arg13[%get3A_461, %get3A_462] {strides = array<i32>} : memref<112x256xf32, #tpu.memory_space<vmem>>, vector<1x16xf32>,
          %get3A_464 = vector.shape_cast %get3A_463 : vector<1x16xf32> to vector<16xf32>
          %mul3A_465 = arith.mulf %gather3A_389, %get3A_464 : vector<16xf32>
          %add3A_466 = arith.addf %scan3A_380, %mul3A_465 : vector<16xf32>
          %add3A_467 = arith.addi %mul3A_227, %scan3A_369 : i32
          %get3A_468 = arith.index_cast %add3A_467 : i32 to index
          %get3A_469 = arith.constant 176 : index
          %get3A_470 = tpu.vector_load %arg13[%get3A_468, %get3A_469] {strides = array<i32>} : memref<112x256xf32, #tpu.memory_space<vmem>>, vector<1x16xf32>,
          %get3A_471 = vector.shape_cast %get3A_470 : vector<1x16xf32> to vector<16xf32>
          %mul3A_472 = arith.mulf %gather3A_389, %get3A_471 : vector<16xf32>
          %add3A_473 = arith.addf %scan3A_381, %mul3A_472 : vector<16xf32>
          %add3A_474 = arith.addi %mul3A_227, %scan3A_369 : i32
          %get3A_475 = arith.index_cast %add3A_474 : i32 to index
          %get3A_476 = arith.constant 192 : index
          %get3A_477 = tpu.vector_load %arg13[%get3A_475, %get3A_476] {strides = array<i32>} : memref<112x256xf32, #tpu.memory_space<vmem>>, vector<1x16xf32>,
          %get3A_478 = vector.shape_cast %get3A_477 : vector<1x16xf32> to vector<16xf32>
          %mul3A_479 = arith.mulf %gather3A_389, %get3A_478 : vector<16xf32>
          %add3A_480 = arith.addf %scan3A_382, %mul3A_479 : vector<16xf32>
          %add3A_481 = arith.addi %mul3A_227, %scan3A_369 : i32
          %get3A_482 = arith.index_cast %add3A_481 : i32 to index
          %get3A_483 = arith.constant 208 : index
          %get3A_484 = tpu.vector_load %arg13[%get3A_482, %get3A_483] {strides = array<i32>} : memref<112x256xf32, #tpu.memory_space<vmem>>, vector<1x16xf32>,
          %get3A_485 = vector.shape_cast %get3A_484 : vector<1x16xf32> to vector<16xf32>
          %mul3A_486 = arith.mulf %gather3A_389, %get3A_485 : vector<16xf32>
          %add3A_487 = arith.addf %scan3A_383, %mul3A_486 : vector<16xf32>
          %add3A_488 = arith.addi %mul3A_227, %scan3A_369 : i32
          %get3A_489 = arith.index_cast %add3A_488 : i32 to index
          %get3A_490 = arith.constant 224 : index
          %get3A_491 = tpu.vector_load %arg13[%get3A_489, %get3A_490] {strides = array<i32>} : memref<112x256xf32, #tpu.memory_space<vmem>>, vector<1x16xf32>,
          %get3A_492 = vector.shape_cast %get3A_491 : vector<1x16xf32> to vector<16xf32>
          %mul3A_493 = arith.mulf %gather3A_389, %get3A_492 : vector<16xf32>
          %add3A_494 = arith.addf %scan3A_384, %mul3A_493 : vector<16xf32>
          %add3A_495 = arith.addi %mul3A_227, %scan3A_369 : i32
          %get3A_496 = arith.index_cast %add3A_495 : i32 to index
          %get3A_497 = arith.constant 240 : index
          %get3A_498 = tpu.vector_load %arg13[%get3A_496, %get3A_497] {strides = array<i32>} : memref<112x256xf32, #tpu.memory_space<vmem>>, vector<1x16xf32>,
          %get3A_499 = vector.shape_cast %get3A_498 : vector<1x16xf32> to vector<16xf32>
          %mul3A_500 = arith.mulf %gather3A_389, %get3A_499 : vector<16xf32>
          %add3A_501 = arith.addf %scan3A_385, %mul3A_500 : vector<16xf32>
          scf.yield %add3A_396, %add3A_403, %add3A_410, %add3A_417, %add3A_424, %add3A_431, %add3A_438, %add3A_445, %add3A_452, %add3A_459, %add3A_466, %add3A_473, %add3A_480, %add3A_487, %add3A_494, %add3A_501 : vector<16xf32>, vector<16xf32>, vector<16xf32>, vector<16xf32>, vector<16xf32>, vector<16xf32>, vector<16xf32>, vector<16xf32>, vector<16xf32>, vector<16xf32>, vector<16xf32>, vector<16xf32>, vector<16xf32>, vector<16xf32>, vector<16xf32>, vector<16xf32>
        }
        %scan3A_268 = arith.constant 16 : i32
        %add3A_269 = arith.constant 28 : i32
        %add3A_270 = arith.addi %add3A_269, %scan3A_224 : i32
        %mul3A_271 = arith.constant 256 : i32
        %mul3A_272 = arith.muli %add3A_270, %mul3A_271 : i32
        %add3A_273 = arith.constant 0 : i32
        %add3A_274 = arith.addi %mul3A_272, %add3A_273 : i32
        %swap3A = arith.index_cast %add3A_274 : i32 to index
        %swap3A_275 = tpu.vector_load %arg15[%swap3A] {strides = array<i32>} : memref<12544xf32, #tpu.memory_space<vmem>>, vector<16xf32>,
        %swap3A_276 = vector.shape_cast %swap3A_275 : vector<16xf32> to vector<16xf32>
        %swap3A_277 = vector.shape_cast %scan3A_267#0 : vector<16xf32> to vector<16xf32>
        tpu.vector_store %arg15[%swap3A], %swap3A_277 {strides = array<i32>} : memref<12544xf32, #tpu.memory_space<vmem>>, vector<16xf32>,
        %add3A_278 = arith.constant 16 : i32
        %add3A_279 = arith.addi %mul3A_272, %add3A_278 : i32
        %swap3A_280 = arith.index_cast %add3A_279 : i32 to index
        %swap3A_281 = tpu.vector_load %arg15[%swap3A_280] {strides = array<i32>} : memref<12544xf32, #tpu.memory_space<vmem>>, vector<16xf32>,
        %swap3A_282 = vector.shape_cast %swap3A_281 : vector<16xf32> to vector<16xf32>
        %swap3A_283 = vector.shape_cast %scan3A_267#1 : vector<16xf32> to vector<16xf32>
        tpu.vector_store %arg15[%swap3A_280], %swap3A_283 {strides = array<i32>} : memref<12544xf32, #tpu.memory_space<vmem>>, vector<16xf32>,
        %add3A_284 = arith.constant 32 : i32
        %add3A_285 = arith.addi %mul3A_272, %add3A_284 : i32
        %swap3A_286 = arith.index_cast %add3A_285 : i32 to index
        %swap3A_287 = tpu.vector_load %arg15[%swap3A_286] {strides = array<i32>} : memref<12544xf32, #tpu.memory_space<vmem>>, vector<16xf32>,
        %swap3A_288 = vector.shape_cast %swap3A_287 : vector<16xf32> to vector<16xf32>
        %swap3A_289 = vector.shape_cast %scan3A_267#2 : vector<16xf32> to vector<16xf32>
        tpu.vector_store %arg15[%swap3A_286], %swap3A_289 {strides = array<i32>} : memref<12544xf32, #tpu.memory_space<vmem>>, vector<16xf32>,
        %add3A_290 = arith.constant 48 : i32
        %add3A_291 = arith.addi %mul3A_272, %add3A_290 : i32
        %swap3A_292 = arith.index_cast %add3A_291 : i32 to index
        %swap3A_293 = tpu.vector_load %arg15[%swap3A_292] {strides = array<i32>} : memref<12544xf32, #tpu.memory_space<vmem>>, vector<16xf32>,
        %swap3A_294 = vector.shape_cast %swap3A_293 : vector<16xf32> to vector<16xf32>
        %swap3A_295 = vector.shape_cast %scan3A_267#3 : vector<16xf32> to vector<16xf32>
        tpu.vector_store %arg15[%swap3A_292], %swap3A_295 {strides = array<i32>} : memref<12544xf32, #tpu.memory_space<vmem>>, vector<16xf32>,
        %add3A_296 = arith.constant 64 : i32
        %add3A_297 = arith.addi %mul3A_272, %add3A_296 : i32
        %swap3A_298 = arith.index_cast %add3A_297 : i32 to index
        %swap3A_299 = tpu.vector_load %arg15[%swap3A_298] {strides = array<i32>} : memref<12544xf32, #tpu.memory_space<vmem>>, vector<16xf32>,
        %swap3A_300 = vector.shape_cast %swap3A_299 : vector<16xf32> to vector<16xf32>
        %swap3A_301 = vector.shape_cast %scan3A_267#4 : vector<16xf32> to vector<16xf32>
        tpu.vector_store %arg15[%swap3A_298], %swap3A_301 {strides = array<i32>} : memref<12544xf32, #tpu.memory_space<vmem>>, vector<16xf32>,
        %add3A_302 = arith.constant 80 : i32
        %add3A_303 = arith.addi %mul3A_272, %add3A_302 : i32
        %swap3A_304 = arith.index_cast %add3A_303 : i32 to index
        %swap3A_305 = tpu.vector_load %arg15[%swap3A_304] {strides = array<i32>} : memref<12544xf32, #tpu.memory_space<vmem>>, vector<16xf32>,
        %swap3A_306 = vector.shape_cast %swap3A_305 : vector<16xf32> to vector<16xf32>
        %swap3A_307 = vector.shape_cast %scan3A_267#5 : vector<16xf32> to vector<16xf32>
        tpu.vector_store %arg15[%swap3A_304], %swap3A_307 {strides = array<i32>} : memref<12544xf32, #tpu.memory_space<vmem>>, vector<16xf32>,
        %add3A_308 = arith.constant 96 : i32
        %add3A_309 = arith.addi %mul3A_272, %add3A_308 : i32
        %swap3A_310 = arith.index_cast %add3A_309 : i32 to index
        %swap3A_311 = tpu.vector_load %arg15[%swap3A_310] {strides = array<i32>} : memref<12544xf32, #tpu.memory_space<vmem>>, vector<16xf32>,
        %swap3A_312 = vector.shape_cast %swap3A_311 : vector<16xf32> to vector<16xf32>
        %swap3A_313 = vector.shape_cast %scan3A_267#6 : vector<16xf32> to vector<16xf32>
        tpu.vector_store %arg15[%swap3A_310], %swap3A_313 {strides = array<i32>} : memref<12544xf32, #tpu.memory_space<vmem>>, vector<16xf32>,
        %add3A_314 = arith.constant 112 : i32
        %add3A_315 = arith.addi %mul3A_272, %add3A_314 : i32
        %swap3A_316 = arith.index_cast %add3A_315 : i32 to index
        %swap3A_317 = tpu.vector_load %arg15[%swap3A_316] {strides = array<i32>} : memref<12544xf32, #tpu.memory_space<vmem>>, vector<16xf32>,
        %swap3A_318 = vector.shape_cast %swap3A_317 : vector<16xf32> to vector<16xf32>
        %swap3A_319 = vector.shape_cast %scan3A_267#7 : vector<16xf32> to vector<16xf32>
        tpu.vector_store %arg15[%swap3A_316], %swap3A_319 {strides = array<i32>} : memref<12544xf32, #tpu.memory_space<vmem>>, vector<16xf32>,
        %add3A_320 = arith.constant 128 : i32
        %add3A_321 = arith.addi %mul3A_272, %add3A_320 : i32
        %swap3A_322 = arith.index_cast %add3A_321 : i32 to index
        %swap3A_323 = tpu.vector_load %arg15[%swap3A_322] {strides = array<i32>} : memref<12544xf32, #tpu.memory_space<vmem>>, vector<16xf32>,
        %swap3A_324 = vector.shape_cast %swap3A_323 : vector<16xf32> to vector<16xf32>
        %swap3A_325 = vector.shape_cast %scan3A_267#8 : vector<16xf32> to vector<16xf32>
        tpu.vector_store %arg15[%swap3A_322], %swap3A_325 {strides = array<i32>} : memref<12544xf32, #tpu.memory_space<vmem>>, vector<16xf32>,
        %add3A_326 = arith.constant 144 : i32
        %add3A_327 = arith.addi %mul3A_272, %add3A_326 : i32
        %swap3A_328 = arith.index_cast %add3A_327 : i32 to index
        %swap3A_329 = tpu.vector_load %arg15[%swap3A_328] {strides = array<i32>} : memref<12544xf32, #tpu.memory_space<vmem>>, vector<16xf32>,
        %swap3A_330 = vector.shape_cast %swap3A_329 : vector<16xf32> to vector<16xf32>
        %swap3A_331 = vector.shape_cast %scan3A_267#9 : vector<16xf32> to vector<16xf32>
        tpu.vector_store %arg15[%swap3A_328], %swap3A_331 {strides = array<i32>} : memref<12544xf32, #tpu.memory_space<vmem>>, vector<16xf32>,
        %add3A_332 = arith.constant 160 : i32
        %add3A_333 = arith.addi %mul3A_272, %add3A_332 : i32
        %swap3A_334 = arith.index_cast %add3A_333 : i32 to index
        %swap3A_335 = tpu.vector_load %arg15[%swap3A_334] {strides = array<i32>} : memref<12544xf32, #tpu.memory_space<vmem>>, vector<16xf32>,
        %swap3A_336 = vector.shape_cast %swap3A_335 : vector<16xf32> to vector<16xf32>
        %swap3A_337 = vector.shape_cast %scan3A_267#10 : vector<16xf32> to vector<16xf32>
        tpu.vector_store %arg15[%swap3A_334], %swap3A_337 {strides = array<i32>} : memref<12544xf32, #tpu.memory_space<vmem>>, vector<16xf32>,
        %add3A_338 = arith.constant 176 : i32
        %add3A_339 = arith.addi %mul3A_272, %add3A_338 : i32
        %swap3A_340 = arith.index_cast %add3A_339 : i32 to index
        %swap3A_341 = tpu.vector_load %arg15[%swap3A_340] {strides = array<i32>} : memref<12544xf32, #tpu.memory_space<vmem>>, vector<16xf32>,
        %swap3A_342 = vector.shape_cast %swap3A_341 : vector<16xf32> to vector<16xf32>
        %swap3A_343 = vector.shape_cast %scan3A_267#11 : vector<16xf32> to vector<16xf32>
        tpu.vector_store %arg15[%swap3A_340], %swap3A_343 {strides = array<i32>} : memref<12544xf32, #tpu.memory_space<vmem>>, vector<16xf32>,
        %add3A_344 = arith.constant 192 : i32
        %add3A_345 = arith.addi %mul3A_272, %add3A_344 : i32
        %swap3A_346 = arith.index_cast %add3A_345 : i32 to index
        %swap3A_347 = tpu.vector_load %arg15[%swap3A_346] {strides = array<i32>} : memref<12544xf32, #tpu.memory_space<vmem>>, vector<16xf32>,
        %swap3A_348 = vector.shape_cast %swap3A_347 : vector<16xf32> to vector<16xf32>
        %swap3A_349 = vector.shape_cast %scan3A_267#12 : vector<16xf32> to vector<16xf32>
        tpu.vector_store %arg15[%swap3A_346], %swap3A_349 {strides = array<i32>} : memref<12544xf32, #tpu.memory_space<vmem>>, vector<16xf32>,
        %add3A_350 = arith.constant 208 : i32
        %add3A_351 = arith.addi %mul3A_272, %add3A_350 : i32
        %swap3A_352 = arith.index_cast %add3A_351 : i32 to index
        %swap3A_353 = tpu.vector_load %arg15[%swap3A_352] {strides = array<i32>} : memref<12544xf32, #tpu.memory_space<vmem>>, vector<16xf32>,
        %swap3A_354 = vector.shape_cast %swap3A_353 : vector<16xf32> to vector<16xf32>
        %swap3A_355 = vector.shape_cast %scan3A_267#13 : vector<16xf32> to vector<16xf32>
        tpu.vector_store %arg15[%swap3A_352], %swap3A_355 {strides = array<i32>} : memref<12544xf32, #tpu.memory_space<vmem>>, vector<16xf32>,
        %add3A_356 = arith.constant 224 : i32
        %add3A_357 = arith.addi %mul3A_272, %add3A_356 : i32
        %swap3A_358 = arith.index_cast %add3A_357 : i32 to index
        %swap3A_359 = tpu.vector_load %arg15[%swap3A_358] {strides = array<i32>} : memref<12544xf32, #tpu.memory_space<vmem>>, vector<16xf32>,
        %swap3A_360 = vector.shape_cast %swap3A_359 : vector<16xf32> to vector<16xf32>
        %swap3A_361 = vector.shape_cast %scan3A_267#14 : vector<16xf32> to vector<16xf32>
        tpu.vector_store %arg15[%swap3A_358], %swap3A_361 {strides = array<i32>} : memref<12544xf32, #tpu.memory_space<vmem>>, vector<16xf32>,
        %add3A_362 = arith.constant 240 : i32
        %add3A_363 = arith.addi %mul3A_272, %add3A_362 : i32
        %swap3A_364 = arith.index_cast %add3A_363 : i32 to index
        %swap3A_365 = tpu.vector_load %arg15[%swap3A_364] {strides = array<i32>} : memref<12544xf32, #tpu.memory_space<vmem>>, vector<16xf32>,
        %swap3A_366 = vector.shape_cast %swap3A_365 : vector<16xf32> to vector<16xf32>
        %swap3A_367 = vector.shape_cast %scan3A_267#15 : vector<16xf32> to vector<16xf32>
        tpu.vector_store %arg15[%swap3A_364], %swap3A_367 {strides = array<i32>} : memref<12544xf32, #tpu.memory_space<vmem>>, vector<16xf32>,
        %scan3A_368 = arith.constant 0 : i32
        scf.yield %scan3A_368 : i32
      }
      %scan3A_198 = arith.constant 7 : i32
      %dma_wait3A_199 = arith.constant 0 : i32
      %dma_wait3A_200 = arith.constant 0 : i32
      %dma_wait3A_201 = tpu.memref_slice %arg2[%dma_wait3A_199, %dma_wait3A_200] : memref<16384x256xf32, #tpu.memory_space<hbm>> -> memref<16384x256xf32, #tpu.memory_space<hbm>>
      tpu.wait_indirect_dma semaphore(%arg18 : memref<!tpu.dma_semaphore, #tpu.memory_space<semaphore_mem>>) src(%dma_wait3A_201 : memref<16384x256xf32, #tpu.memory_space<hbm>>) dst(%arg14 : memref<112x256xf32, #tpu.memory_space<vmem>>)
      %scan3A_202 = arith.constant 0 : i32
      %scan3A_203 = arith.constant 0 : i32
      %scan3A_204 = arith.constant 7 : i32
      %scan3A_205 = arith.addi %scan3A_203, %scan3A_204 : i32
      %scan3A_206 = arith.constant 1 : i32
      %scan3A_207 = scf.for %scan3A_224 = %scan3A_203 to %scan3A_205 step %scan3A_206 iter_args(%scan3A_225 = %scan3A_202) -> (i32)  : i32 {
        %mul3A_226 = arith.constant 16 : i32
        %mul3A_227 = arith.muli %scan3A_224, %mul3A_226 : i32
        %get3A_228 = arith.index_cast %mul3A_227 : i32 to index
        %get3A_229 = tpu.vector_load %arg11[%get3A_228] {strides = array<i32>} : memref<112xf32, #tpu.memory_space<vmem>>, vector<16xf32>,
        %get3A_230 = vector.shape_cast %get3A_229 : vector<16xf32> to vector<16xf32>
        %broadcast_in_dim3A_231 = arith.constant 0.000000e+00 : f32
        %broadcast_in_dim3A_232 = vector.broadcast %broadcast_in_dim3A_231 : f32 to vector<16xf32>
        %broadcast_in_dim3A_233 = arith.constant 0.000000e+00 : f32
        %broadcast_in_dim3A_234 = vector.broadcast %broadcast_in_dim3A_233 : f32 to vector<16xf32>
        %broadcast_in_dim3A_235 = arith.constant 0.000000e+00 : f32
        %broadcast_in_dim3A_236 = vector.broadcast %broadcast_in_dim3A_235 : f32 to vector<16xf32>
        %broadcast_in_dim3A_237 = arith.constant 0.000000e+00 : f32
        %broadcast_in_dim3A_238 = vector.broadcast %broadcast_in_dim3A_237 : f32 to vector<16xf32>
        %broadcast_in_dim3A_239 = arith.constant 0.000000e+00 : f32
        %broadcast_in_dim3A_240 = vector.broadcast %broadcast_in_dim3A_239 : f32 to vector<16xf32>
        %broadcast_in_dim3A_241 = arith.constant 0.000000e+00 : f32
        %broadcast_in_dim3A_242 = vector.broadcast %broadcast_in_dim3A_241 : f32 to vector<16xf32>
        %broadcast_in_dim3A_243 = arith.constant 0.000000e+00 : f32
        %broadcast_in_dim3A_244 = vector.broadcast %broadcast_in_dim3A_243 : f32 to vector<16xf32>
        %broadcast_in_dim3A_245 = arith.constant 0.000000e+00 : f32
        %broadcast_in_dim3A_246 = vector.broadcast %broadcast_in_dim3A_245 : f32 to vector<16xf32>
        %broadcast_in_dim3A_247 = arith.constant 0.000000e+00 : f32
        %broadcast_in_dim3A_248 = vector.broadcast %broadcast_in_dim3A_247 : f32 to vector<16xf32>
        %broadcast_in_dim3A_249 = arith.constant 0.000000e+00 : f32
        %broadcast_in_dim3A_250 = vector.broadcast %broadcast_in_dim3A_249 : f32 to vector<16xf32>
        %broadcast_in_dim3A_251 = arith.constant 0.000000e+00 : f32
        %broadcast_in_dim3A_252 = vector.broadcast %broadcast_in_dim3A_251 : f32 to vector<16xf32>
        %broadcast_in_dim3A_253 = arith.constant 0.000000e+00 : f32
        %broadcast_in_dim3A_254 = vector.broadcast %broadcast_in_dim3A_253 : f32 to vector<16xf32>
        %broadcast_in_dim3A_255 = arith.constant 0.000000e+00 : f32
        %broadcast_in_dim3A_256 = vector.broadcast %broadcast_in_dim3A_255 : f32 to vector<16xf32>
        %broadcast_in_dim3A_257 = arith.constant 0.000000e+00 : f32
        %broadcast_in_dim3A_258 = vector.broadcast %broadcast_in_dim3A_257 : f32 to vector<16xf32>
        %broadcast_in_dim3A_259 = arith.constant 0.000000e+00 : f32
        %broadcast_in_dim3A_260 = vector.broadcast %broadcast_in_dim3A_259 : f32 to vector<16xf32>
        %broadcast_in_dim3A_261 = arith.constant 0.000000e+00 : f32
        %broadcast_in_dim3A_262 = vector.broadcast %broadcast_in_dim3A_261 : f32 to vector<16xf32>
        %scan3A_263 = arith.constant 0 : i32
        %scan3A_264 = arith.constant 16 : i32
        %scan3A_265 = arith.addi %scan3A_263, %scan3A_264 : i32
        %scan3A_266 = arith.constant 1 : i32
        %scan3A_267:16 = scf.for %scan3A_369 = %scan3A_263 to %scan3A_265 step %scan3A_266 iter_args(%scan3A_370 = %broadcast_in_dim3A_232, %scan3A_371 = %broadcast_in_dim3A_234, %scan3A_372 = %broadcast_in_dim3A_236, %scan3A_373 = %broadcast_in_dim3A_238, %scan3A_374 = %broadcast_in_dim3A_240, %scan3A_375 = %broadcast_in_dim3A_242, %scan3A_376 = %broadcast_in_dim3A_244, %scan3A_377 = %broadcast_in_dim3A_246, %scan3A_378 = %broadcast_in_dim3A_248, %scan3A_379 = %broadcast_in_dim3A_250, %scan3A_380 = %broadcast_in_dim3A_252, %scan3A_381 = %broadcast_in_dim3A_254, %scan3A_382 = %broadcast_in_dim3A_256, %scan3A_383 = %broadcast_in_dim3A_258, %scan3A_384 = %broadcast_in_dim3A_260, %scan3A_385 = %broadcast_in_dim3A_262) -> (vector<16xf32>, vector<16xf32>, vector<16xf32>, vector<16xf32>, vector<16xf32>, vector<16xf32>, vector<16xf32>, vector<16xf32>, vector<16xf32>, vector<16xf32>, vector<16xf32>, vector<16xf32>, vector<16xf32>, vector<16xf32>, vector<16xf32>, vector<16xf32>)  : i32 {
          %broadcast_in_dim3A_386 = vector.broadcast %scan3A_369 : i32 to vector<16xi32>
          %broadcast_in_dim3A_387 = vector.shape_cast %broadcast_in_dim3A_386 : vector<16xi32> to vector<16x1xi32>
          %gather3A_388 = vector.shape_cast %broadcast_in_dim3A_387 : vector<16x1xi32> to vector<16xi32>
          %gather3A_389 = tpu.dynamic_gather %get3A_230[%gather3A_388] in [0] : vector<16xf32>, vector<16xi32> -> vector<16xf32>
          %add3A_390 = arith.addi %mul3A_227, %scan3A_369 : i32
          %get3A_391 = arith.index_cast %add3A_390 : i32 to index
          %get3A_392 = arith.constant 0 : index
          %get3A_393 = tpu.vector_load %arg14[%get3A_391, %get3A_392] {strides = array<i32>} : memref<112x256xf32, #tpu.memory_space<vmem>>, vector<1x16xf32>,
          %get3A_394 = vector.shape_cast %get3A_393 : vector<1x16xf32> to vector<16xf32>
          %mul3A_395 = arith.mulf %gather3A_389, %get3A_394 : vector<16xf32>
          %add3A_396 = arith.addf %scan3A_370, %mul3A_395 : vector<16xf32>
          %add3A_397 = arith.addi %mul3A_227, %scan3A_369 : i32
          %get3A_398 = arith.index_cast %add3A_397 : i32 to index
          %get3A_399 = arith.constant 16 : index
          %get3A_400 = tpu.vector_load %arg14[%get3A_398, %get3A_399] {strides = array<i32>} : memref<112x256xf32, #tpu.memory_space<vmem>>, vector<1x16xf32>,
          %get3A_401 = vector.shape_cast %get3A_400 : vector<1x16xf32> to vector<16xf32>
          %mul3A_402 = arith.mulf %gather3A_389, %get3A_401 : vector<16xf32>
          %add3A_403 = arith.addf %scan3A_371, %mul3A_402 : vector<16xf32>
          %add3A_404 = arith.addi %mul3A_227, %scan3A_369 : i32
          %get3A_405 = arith.index_cast %add3A_404 : i32 to index
          %get3A_406 = arith.constant 32 : index
          %get3A_407 = tpu.vector_load %arg14[%get3A_405, %get3A_406] {strides = array<i32>} : memref<112x256xf32, #tpu.memory_space<vmem>>, vector<1x16xf32>,
          %get3A_408 = vector.shape_cast %get3A_407 : vector<1x16xf32> to vector<16xf32>
          %mul3A_409 = arith.mulf %gather3A_389, %get3A_408 : vector<16xf32>
          %add3A_410 = arith.addf %scan3A_372, %mul3A_409 : vector<16xf32>
          %add3A_411 = arith.addi %mul3A_227, %scan3A_369 : i32
          %get3A_412 = arith.index_cast %add3A_411 : i32 to index
          %get3A_413 = arith.constant 48 : index
          %get3A_414 = tpu.vector_load %arg14[%get3A_412, %get3A_413] {strides = array<i32>} : memref<112x256xf32, #tpu.memory_space<vmem>>, vector<1x16xf32>,
          %get3A_415 = vector.shape_cast %get3A_414 : vector<1x16xf32> to vector<16xf32>
          %mul3A_416 = arith.mulf %gather3A_389, %get3A_415 : vector<16xf32>
          %add3A_417 = arith.addf %scan3A_373, %mul3A_416 : vector<16xf32>
          %add3A_418 = arith.addi %mul3A_227, %scan3A_369 : i32
          %get3A_419 = arith.index_cast %add3A_418 : i32 to index
          %get3A_420 = arith.constant 64 : index
          %get3A_421 = tpu.vector_load %arg14[%get3A_419, %get3A_420] {strides = array<i32>} : memref<112x256xf32, #tpu.memory_space<vmem>>, vector<1x16xf32>,
          %get3A_422 = vector.shape_cast %get3A_421 : vector<1x16xf32> to vector<16xf32>
          %mul3A_423 = arith.mulf %gather3A_389, %get3A_422 : vector<16xf32>
          %add3A_424 = arith.addf %scan3A_374, %mul3A_423 : vector<16xf32>
          %add3A_425 = arith.addi %mul3A_227, %scan3A_369 : i32
          %get3A_426 = arith.index_cast %add3A_425 : i32 to index
          %get3A_427 = arith.constant 80 : index
          %get3A_428 = tpu.vector_load %arg14[%get3A_426, %get3A_427] {strides = array<i32>} : memref<112x256xf32, #tpu.memory_space<vmem>>, vector<1x16xf32>,
          %get3A_429 = vector.shape_cast %get3A_428 : vector<1x16xf32> to vector<16xf32>
          %mul3A_430 = arith.mulf %gather3A_389, %get3A_429 : vector<16xf32>
          %add3A_431 = arith.addf %scan3A_375, %mul3A_430 : vector<16xf32>
          %add3A_432 = arith.addi %mul3A_227, %scan3A_369 : i32
          %get3A_433 = arith.index_cast %add3A_432 : i32 to index
          %get3A_434 = arith.constant 96 : index
          %get3A_435 = tpu.vector_load %arg14[%get3A_433, %get3A_434] {strides = array<i32>} : memref<112x256xf32, #tpu.memory_space<vmem>>, vector<1x16xf32>,
          %get3A_436 = vector.shape_cast %get3A_435 : vector<1x16xf32> to vector<16xf32>
          %mul3A_437 = arith.mulf %gather3A_389, %get3A_436 : vector<16xf32>
          %add3A_438 = arith.addf %scan3A_376, %mul3A_437 : vector<16xf32>
          %add3A_439 = arith.addi %mul3A_227, %scan3A_369 : i32
          %get3A_440 = arith.index_cast %add3A_439 : i32 to index
          %get3A_441 = arith.constant 112 : index
          %get3A_442 = tpu.vector_load %arg14[%get3A_440, %get3A_441] {strides = array<i32>} : memref<112x256xf32, #tpu.memory_space<vmem>>, vector<1x16xf32>,
          %get3A_443 = vector.shape_cast %get3A_442 : vector<1x16xf32> to vector<16xf32>
          %mul3A_444 = arith.mulf %gather3A_389, %get3A_443 : vector<16xf32>
          %add3A_445 = arith.addf %scan3A_377, %mul3A_444 : vector<16xf32>
          %add3A_446 = arith.addi %mul3A_227, %scan3A_369 : i32
          %get3A_447 = arith.index_cast %add3A_446 : i32 to index
          %get3A_448 = arith.constant 128 : index
          %get3A_449 = tpu.vector_load %arg14[%get3A_447, %get3A_448] {strides = array<i32>} : memref<112x256xf32, #tpu.memory_space<vmem>>, vector<1x16xf32>,
          %get3A_450 = vector.shape_cast %get3A_449 : vector<1x16xf32> to vector<16xf32>
          %mul3A_451 = arith.mulf %gather3A_389, %get3A_450 : vector<16xf32>
          %add3A_452 = arith.addf %scan3A_378, %mul3A_451 : vector<16xf32>
          %add3A_453 = arith.addi %mul3A_227, %scan3A_369 : i32
          %get3A_454 = arith.index_cast %add3A_453 : i32 to index
          %get3A_455 = arith.constant 144 : index
          %get3A_456 = tpu.vector_load %arg14[%get3A_454, %get3A_455] {strides = array<i32>} : memref<112x256xf32, #tpu.memory_space<vmem>>, vector<1x16xf32>,
          %get3A_457 = vector.shape_cast %get3A_456 : vector<1x16xf32> to vector<16xf32>
          %mul3A_458 = arith.mulf %gather3A_389, %get3A_457 : vector<16xf32>
          %add3A_459 = arith.addf %scan3A_379, %mul3A_458 : vector<16xf32>
          %add3A_460 = arith.addi %mul3A_227, %scan3A_369 : i32
          %get3A_461 = arith.index_cast %add3A_460 : i32 to index
          %get3A_462 = arith.constant 160 : index
          %get3A_463 = tpu.vector_load %arg14[%get3A_461, %get3A_462] {strides = array<i32>} : memref<112x256xf32, #tpu.memory_space<vmem>>, vector<1x16xf32>,
          %get3A_464 = vector.shape_cast %get3A_463 : vector<1x16xf32> to vector<16xf32>
          %mul3A_465 = arith.mulf %gather3A_389, %get3A_464 : vector<16xf32>
          %add3A_466 = arith.addf %scan3A_380, %mul3A_465 : vector<16xf32>
          %add3A_467 = arith.addi %mul3A_227, %scan3A_369 : i32
          %get3A_468 = arith.index_cast %add3A_467 : i32 to index
          %get3A_469 = arith.constant 176 : index
          %get3A_470 = tpu.vector_load %arg14[%get3A_468, %get3A_469] {strides = array<i32>} : memref<112x256xf32, #tpu.memory_space<vmem>>, vector<1x16xf32>,
          %get3A_471 = vector.shape_cast %get3A_470 : vector<1x16xf32> to vector<16xf32>
          %mul3A_472 = arith.mulf %gather3A_389, %get3A_471 : vector<16xf32>
          %add3A_473 = arith.addf %scan3A_381, %mul3A_472 : vector<16xf32>
          %add3A_474 = arith.addi %mul3A_227, %scan3A_369 : i32
          %get3A_475 = arith.index_cast %add3A_474 : i32 to index
          %get3A_476 = arith.constant 192 : index
          %get3A_477 = tpu.vector_load %arg14[%get3A_475, %get3A_476] {strides = array<i32>} : memref<112x256xf32, #tpu.memory_space<vmem>>, vector<1x16xf32>,
          %get3A_478 = vector.shape_cast %get3A_477 : vector<1x16xf32> to vector<16xf32>
          %mul3A_479 = arith.mulf %gather3A_389, %get3A_478 : vector<16xf32>
          %add3A_480 = arith.addf %scan3A_382, %mul3A_479 : vector<16xf32>
          %add3A_481 = arith.addi %mul3A_227, %scan3A_369 : i32
          %get3A_482 = arith.index_cast %add3A_481 : i32 to index
          %get3A_483 = arith.constant 208 : index
          %get3A_484 = tpu.vector_load %arg14[%get3A_482, %get3A_483] {strides = array<i32>} : memref<112x256xf32, #tpu.memory_space<vmem>>, vector<1x16xf32>,
          %get3A_485 = vector.shape_cast %get3A_484 : vector<1x16xf32> to vector<16xf32>
          %mul3A_486 = arith.mulf %gather3A_389, %get3A_485 : vector<16xf32>
          %add3A_487 = arith.addf %scan3A_383, %mul3A_486 : vector<16xf32>
          %add3A_488 = arith.addi %mul3A_227, %scan3A_369 : i32
          %get3A_489 = arith.index_cast %add3A_488 : i32 to index
          %get3A_490 = arith.constant 224 : index
          %get3A_491 = tpu.vector_load %arg14[%get3A_489, %get3A_490] {strides = array<i32>} : memref<112x256xf32, #tpu.memory_space<vmem>>, vector<1x16xf32>,
          %get3A_492 = vector.shape_cast %get3A_491 : vector<1x16xf32> to vector<16xf32>
          %mul3A_493 = arith.mulf %gather3A_389, %get3A_492 : vector<16xf32>
          %add3A_494 = arith.addf %scan3A_384, %mul3A_493 : vector<16xf32>
          %add3A_495 = arith.addi %mul3A_227, %scan3A_369 : i32
          %get3A_496 = arith.index_cast %add3A_495 : i32 to index
          %get3A_497 = arith.constant 240 : index
          %get3A_498 = tpu.vector_load %arg14[%get3A_496, %get3A_497] {strides = array<i32>} : memref<112x256xf32, #tpu.memory_space<vmem>>, vector<1x16xf32>,
          %get3A_499 = vector.shape_cast %get3A_498 : vector<1x16xf32> to vector<16xf32>
          %mul3A_500 = arith.mulf %gather3A_389, %get3A_499 : vector<16xf32>
          %add3A_501 = arith.addf %scan3A_385, %mul3A_500 : vector<16xf32>
          scf.yield %add3A_396, %add3A_403, %add3A_410, %add3A_417, %add3A_424, %add3A_431, %add3A_438, %add3A_445, %add3A_452, %add3A_459, %add3A_466, %add3A_473, %add3A_480, %add3A_487, %add3A_494, %add3A_501 : vector<16xf32>, vector<16xf32>, vector<16xf32>, vector<16xf32>, vector<16xf32>, vector<16xf32>, vector<16xf32>, vector<16xf32>, vector<16xf32>, vector<16xf32>, vector<16xf32>, vector<16xf32>, vector<16xf32>, vector<16xf32>, vector<16xf32>, vector<16xf32>
        }
        %scan3A_268 = arith.constant 16 : i32
        %add3A_269 = arith.constant 35 : i32
        %add3A_270 = arith.addi %add3A_269, %scan3A_224 : i32
        %mul3A_271 = arith.constant 256 : i32
        %mul3A_272 = arith.muli %add3A_270, %mul3A_271 : i32
        %add3A_273 = arith.constant 0 : i32
        %add3A_274 = arith.addi %mul3A_272, %add3A_273 : i32
        %swap3A = arith.index_cast %add3A_274 : i32 to index
        %swap3A_275 = tpu.vector_load %arg15[%swap3A] {strides = array<i32>} : memref<12544xf32, #tpu.memory_space<vmem>>, vector<16xf32>,
        %swap3A_276 = vector.shape_cast %swap3A_275 : vector<16xf32> to vector<16xf32>
        %swap3A_277 = vector.shape_cast %scan3A_267#0 : vector<16xf32> to vector<16xf32>
        tpu.vector_store %arg15[%swap3A], %swap3A_277 {strides = array<i32>} : memref<12544xf32, #tpu.memory_space<vmem>>, vector<16xf32>,
        %add3A_278 = arith.constant 16 : i32
        %add3A_279 = arith.addi %mul3A_272, %add3A_278 : i32
        %swap3A_280 = arith.index_cast %add3A_279 : i32 to index
        %swap3A_281 = tpu.vector_load %arg15[%swap3A_280] {strides = array<i32>} : memref<12544xf32, #tpu.memory_space<vmem>>, vector<16xf32>,
        %swap3A_282 = vector.shape_cast %swap3A_281 : vector<16xf32> to vector<16xf32>
        %swap3A_283 = vector.shape_cast %scan3A_267#1 : vector<16xf32> to vector<16xf32>
        tpu.vector_store %arg15[%swap3A_280], %swap3A_283 {strides = array<i32>} : memref<12544xf32, #tpu.memory_space<vmem>>, vector<16xf32>,
        %add3A_284 = arith.constant 32 : i32
        %add3A_285 = arith.addi %mul3A_272, %add3A_284 : i32
        %swap3A_286 = arith.index_cast %add3A_285 : i32 to index
        %swap3A_287 = tpu.vector_load %arg15[%swap3A_286] {strides = array<i32>} : memref<12544xf32, #tpu.memory_space<vmem>>, vector<16xf32>,
        %swap3A_288 = vector.shape_cast %swap3A_287 : vector<16xf32> to vector<16xf32>
        %swap3A_289 = vector.shape_cast %scan3A_267#2 : vector<16xf32> to vector<16xf32>
        tpu.vector_store %arg15[%swap3A_286], %swap3A_289 {strides = array<i32>} : memref<12544xf32, #tpu.memory_space<vmem>>, vector<16xf32>,
        %add3A_290 = arith.constant 48 : i32
        %add3A_291 = arith.addi %mul3A_272, %add3A_290 : i32
        %swap3A_292 = arith.index_cast %add3A_291 : i32 to index
        %swap3A_293 = tpu.vector_load %arg15[%swap3A_292] {strides = array<i32>} : memref<12544xf32, #tpu.memory_space<vmem>>, vector<16xf32>,
        %swap3A_294 = vector.shape_cast %swap3A_293 : vector<16xf32> to vector<16xf32>
        %swap3A_295 = vector.shape_cast %scan3A_267#3 : vector<16xf32> to vector<16xf32>
        tpu.vector_store %arg15[%swap3A_292], %swap3A_295 {strides = array<i32>} : memref<12544xf32, #tpu.memory_space<vmem>>, vector<16xf32>,
        %add3A_296 = arith.constant 64 : i32
        %add3A_297 = arith.addi %mul3A_272, %add3A_296 : i32
        %swap3A_298 = arith.index_cast %add3A_297 : i32 to index
        %swap3A_299 = tpu.vector_load %arg15[%swap3A_298] {strides = array<i32>} : memref<12544xf32, #tpu.memory_space<vmem>>, vector<16xf32>,
        %swap3A_300 = vector.shape_cast %swap3A_299 : vector<16xf32> to vector<16xf32>
        %swap3A_301 = vector.shape_cast %scan3A_267#4 : vector<16xf32> to vector<16xf32>
        tpu.vector_store %arg15[%swap3A_298], %swap3A_301 {strides = array<i32>} : memref<12544xf32, #tpu.memory_space<vmem>>, vector<16xf32>,
        %add3A_302 = arith.constant 80 : i32
        %add3A_303 = arith.addi %mul3A_272, %add3A_302 : i32
        %swap3A_304 = arith.index_cast %add3A_303 : i32 to index
        %swap3A_305 = tpu.vector_load %arg15[%swap3A_304] {strides = array<i32>} : memref<12544xf32, #tpu.memory_space<vmem>>, vector<16xf32>,
        %swap3A_306 = vector.shape_cast %swap3A_305 : vector<16xf32> to vector<16xf32>
        %swap3A_307 = vector.shape_cast %scan3A_267#5 : vector<16xf32> to vector<16xf32>
        tpu.vector_store %arg15[%swap3A_304], %swap3A_307 {strides = array<i32>} : memref<12544xf32, #tpu.memory_space<vmem>>, vector<16xf32>,
        %add3A_308 = arith.constant 96 : i32
        %add3A_309 = arith.addi %mul3A_272, %add3A_308 : i32
        %swap3A_310 = arith.index_cast %add3A_309 : i32 to index
        %swap3A_311 = tpu.vector_load %arg15[%swap3A_310] {strides = array<i32>} : memref<12544xf32, #tpu.memory_space<vmem>>, vector<16xf32>,
        %swap3A_312 = vector.shape_cast %swap3A_311 : vector<16xf32> to vector<16xf32>
        %swap3A_313 = vector.shape_cast %scan3A_267#6 : vector<16xf32> to vector<16xf32>
        tpu.vector_store %arg15[%swap3A_310], %swap3A_313 {strides = array<i32>} : memref<12544xf32, #tpu.memory_space<vmem>>, vector<16xf32>,
        %add3A_314 = arith.constant 112 : i32
        %add3A_315 = arith.addi %mul3A_272, %add3A_314 : i32
        %swap3A_316 = arith.index_cast %add3A_315 : i32 to index
        %swap3A_317 = tpu.vector_load %arg15[%swap3A_316] {strides = array<i32>} : memref<12544xf32, #tpu.memory_space<vmem>>, vector<16xf32>,
        %swap3A_318 = vector.shape_cast %swap3A_317 : vector<16xf32> to vector<16xf32>
        %swap3A_319 = vector.shape_cast %scan3A_267#7 : vector<16xf32> to vector<16xf32>
        tpu.vector_store %arg15[%swap3A_316], %swap3A_319 {strides = array<i32>} : memref<12544xf32, #tpu.memory_space<vmem>>, vector<16xf32>,
        %add3A_320 = arith.constant 128 : i32
        %add3A_321 = arith.addi %mul3A_272, %add3A_320 : i32
        %swap3A_322 = arith.index_cast %add3A_321 : i32 to index
        %swap3A_323 = tpu.vector_load %arg15[%swap3A_322] {strides = array<i32>} : memref<12544xf32, #tpu.memory_space<vmem>>, vector<16xf32>,
        %swap3A_324 = vector.shape_cast %swap3A_323 : vector<16xf32> to vector<16xf32>
        %swap3A_325 = vector.shape_cast %scan3A_267#8 : vector<16xf32> to vector<16xf32>
        tpu.vector_store %arg15[%swap3A_322], %swap3A_325 {strides = array<i32>} : memref<12544xf32, #tpu.memory_space<vmem>>, vector<16xf32>,
        %add3A_326 = arith.constant 144 : i32
        %add3A_327 = arith.addi %mul3A_272, %add3A_326 : i32
        %swap3A_328 = arith.index_cast %add3A_327 : i32 to index
        %swap3A_329 = tpu.vector_load %arg15[%swap3A_328] {strides = array<i32>} : memref<12544xf32, #tpu.memory_space<vmem>>, vector<16xf32>,
        %swap3A_330 = vector.shape_cast %swap3A_329 : vector<16xf32> to vector<16xf32>
        %swap3A_331 = vector.shape_cast %scan3A_267#9 : vector<16xf32> to vector<16xf32>
        tpu.vector_store %arg15[%swap3A_328], %swap3A_331 {strides = array<i32>} : memref<12544xf32, #tpu.memory_space<vmem>>, vector<16xf32>,
        %add3A_332 = arith.constant 160 : i32
        %add3A_333 = arith.addi %mul3A_272, %add3A_332 : i32
        %swap3A_334 = arith.index_cast %add3A_333 : i32 to index
        %swap3A_335 = tpu.vector_load %arg15[%swap3A_334] {strides = array<i32>} : memref<12544xf32, #tpu.memory_space<vmem>>, vector<16xf32>,
        %swap3A_336 = vector.shape_cast %swap3A_335 : vector<16xf32> to vector<16xf32>
        %swap3A_337 = vector.shape_cast %scan3A_267#10 : vector<16xf32> to vector<16xf32>
        tpu.vector_store %arg15[%swap3A_334], %swap3A_337 {strides = array<i32>} : memref<12544xf32, #tpu.memory_space<vmem>>, vector<16xf32>,
        %add3A_338 = arith.constant 176 : i32
        %add3A_339 = arith.addi %mul3A_272, %add3A_338 : i32
        %swap3A_340 = arith.index_cast %add3A_339 : i32 to index
        %swap3A_341 = tpu.vector_load %arg15[%swap3A_340] {strides = array<i32>} : memref<12544xf32, #tpu.memory_space<vmem>>, vector<16xf32>,
        %swap3A_342 = vector.shape_cast %swap3A_341 : vector<16xf32> to vector<16xf32>
        %swap3A_343 = vector.shape_cast %scan3A_267#11 : vector<16xf32> to vector<16xf32>
        tpu.vector_store %arg15[%swap3A_340], %swap3A_343 {strides = array<i32>} : memref<12544xf32, #tpu.memory_space<vmem>>, vector<16xf32>,
        %add3A_344 = arith.constant 192 : i32
        %add3A_345 = arith.addi %mul3A_272, %add3A_344 : i32
        %swap3A_346 = arith.index_cast %add3A_345 : i32 to index
        %swap3A_347 = tpu.vector_load %arg15[%swap3A_346] {strides = array<i32>} : memref<12544xf32, #tpu.memory_space<vmem>>, vector<16xf32>,
        %swap3A_348 = vector.shape_cast %swap3A_347 : vector<16xf32> to vector<16xf32>
        %swap3A_349 = vector.shape_cast %scan3A_267#12 : vector<16xf32> to vector<16xf32>
        tpu.vector_store %arg15[%swap3A_346], %swap3A_349 {strides = array<i32>} : memref<12544xf32, #tpu.memory_space<vmem>>, vector<16xf32>,
        %add3A_350 = arith.constant 208 : i32
        %add3A_351 = arith.addi %mul3A_272, %add3A_350 : i32
        %swap3A_352 = arith.index_cast %add3A_351 : i32 to index
        %swap3A_353 = tpu.vector_load %arg15[%swap3A_352] {strides = array<i32>} : memref<12544xf32, #tpu.memory_space<vmem>>, vector<16xf32>,
        %swap3A_354 = vector.shape_cast %swap3A_353 : vector<16xf32> to vector<16xf32>
        %swap3A_355 = vector.shape_cast %scan3A_267#13 : vector<16xf32> to vector<16xf32>
        tpu.vector_store %arg15[%swap3A_352], %swap3A_355 {strides = array<i32>} : memref<12544xf32, #tpu.memory_space<vmem>>, vector<16xf32>,
        %add3A_356 = arith.constant 224 : i32
        %add3A_357 = arith.addi %mul3A_272, %add3A_356 : i32
        %swap3A_358 = arith.index_cast %add3A_357 : i32 to index
        %swap3A_359 = tpu.vector_load %arg15[%swap3A_358] {strides = array<i32>} : memref<12544xf32, #tpu.memory_space<vmem>>, vector<16xf32>,
        %swap3A_360 = vector.shape_cast %swap3A_359 : vector<16xf32> to vector<16xf32>
        %swap3A_361 = vector.shape_cast %scan3A_267#14 : vector<16xf32> to vector<16xf32>
        tpu.vector_store %arg15[%swap3A_358], %swap3A_361 {strides = array<i32>} : memref<12544xf32, #tpu.memory_space<vmem>>, vector<16xf32>,
        %add3A_362 = arith.constant 240 : i32
        %add3A_363 = arith.addi %mul3A_272, %add3A_362 : i32
        %swap3A_364 = arith.index_cast %add3A_363 : i32 to index
        %swap3A_365 = tpu.vector_load %arg15[%swap3A_364] {strides = array<i32>} : memref<12544xf32, #tpu.memory_space<vmem>>, vector<16xf32>,
        %swap3A_366 = vector.shape_cast %swap3A_365 : vector<16xf32> to vector<16xf32>
        %swap3A_367 = vector.shape_cast %scan3A_267#15 : vector<16xf32> to vector<16xf32>
        tpu.vector_store %arg15[%swap3A_364], %swap3A_367 {strides = array<i32>} : memref<12544xf32, #tpu.memory_space<vmem>>, vector<16xf32>,
        %scan3A_368 = arith.constant 0 : i32
        scf.yield %scan3A_368 : i32
      }
      %scan3A_208 = arith.constant 7 : i32
      %dma_wait3A_209 = arith.constant 0 : i32
      %dma_wait3A_210 = arith.constant 0 : i32
      %dma_wait3A_211 = tpu.memref_slice %arg2[%dma_wait3A_209, %dma_wait3A_210] : memref<16384x256xf32, #tpu.memory_space<hbm>> -> memref<16384x256xf32, #tpu.memory_space<hbm>>
      tpu.wait_indirect_dma semaphore(%arg16 : memref<!tpu.dma_semaphore, #tpu.memory_space<semaphore_mem>>) src(%dma_wait3A_211 : memref<16384x256xf32, #tpu.memory_space<hbm>>) dst(%arg12 : memref<112x256xf32, #tpu.memory_space<vmem>>)
      %scan3A_212 = arith.constant 0 : i32
      %scan3A_213 = arith.constant 0 : i32
      %scan3A_214 = arith.constant 7 : i32
      %scan3A_215 = arith.addi %scan3A_213, %scan3A_214 : i32
      %scan3A_216 = arith.constant 1 : i32
      %scan3A_217 = scf.for %scan3A_224 = %scan3A_213 to %scan3A_215 step %scan3A_216 iter_args(%scan3A_225 = %scan3A_212) -> (i32)  : i32 {
        %mul3A_226 = arith.constant 16 : i32
        %mul3A_227 = arith.muli %scan3A_224, %mul3A_226 : i32
        %get3A_228 = arith.index_cast %mul3A_227 : i32 to index
        %get3A_229 = tpu.vector_load %arg9[%get3A_228] {strides = array<i32>} : memref<112xf32, #tpu.memory_space<vmem>>, vector<16xf32>,
        %get3A_230 = vector.shape_cast %get3A_229 : vector<16xf32> to vector<16xf32>
        %broadcast_in_dim3A_231 = arith.constant 0.000000e+00 : f32
        %broadcast_in_dim3A_232 = vector.broadcast %broadcast_in_dim3A_231 : f32 to vector<16xf32>
        %broadcast_in_dim3A_233 = arith.constant 0.000000e+00 : f32
        %broadcast_in_dim3A_234 = vector.broadcast %broadcast_in_dim3A_233 : f32 to vector<16xf32>
        %broadcast_in_dim3A_235 = arith.constant 0.000000e+00 : f32
        %broadcast_in_dim3A_236 = vector.broadcast %broadcast_in_dim3A_235 : f32 to vector<16xf32>
        %broadcast_in_dim3A_237 = arith.constant 0.000000e+00 : f32
        %broadcast_in_dim3A_238 = vector.broadcast %broadcast_in_dim3A_237 : f32 to vector<16xf32>
        %broadcast_in_dim3A_239 = arith.constant 0.000000e+00 : f32
        %broadcast_in_dim3A_240 = vector.broadcast %broadcast_in_dim3A_239 : f32 to vector<16xf32>
        %broadcast_in_dim3A_241 = arith.constant 0.000000e+00 : f32
        %broadcast_in_dim3A_242 = vector.broadcast %broadcast_in_dim3A_241 : f32 to vector<16xf32>
        %broadcast_in_dim3A_243 = arith.constant 0.000000e+00 : f32
        %broadcast_in_dim3A_244 = vector.broadcast %broadcast_in_dim3A_243 : f32 to vector<16xf32>
        %broadcast_in_dim3A_245 = arith.constant 0.000000e+00 : f32
        %broadcast_in_dim3A_246 = vector.broadcast %broadcast_in_dim3A_245 : f32 to vector<16xf32>
        %broadcast_in_dim3A_247 = arith.constant 0.000000e+00 : f32
        %broadcast_in_dim3A_248 = vector.broadcast %broadcast_in_dim3A_247 : f32 to vector<16xf32>
        %broadcast_in_dim3A_249 = arith.constant 0.000000e+00 : f32
        %broadcast_in_dim3A_250 = vector.broadcast %broadcast_in_dim3A_249 : f32 to vector<16xf32>
        %broadcast_in_dim3A_251 = arith.constant 0.000000e+00 : f32
        %broadcast_in_dim3A_252 = vector.broadcast %broadcast_in_dim3A_251 : f32 to vector<16xf32>
        %broadcast_in_dim3A_253 = arith.constant 0.000000e+00 : f32
        %broadcast_in_dim3A_254 = vector.broadcast %broadcast_in_dim3A_253 : f32 to vector<16xf32>
        %broadcast_in_dim3A_255 = arith.constant 0.000000e+00 : f32
        %broadcast_in_dim3A_256 = vector.broadcast %broadcast_in_dim3A_255 : f32 to vector<16xf32>
        %broadcast_in_dim3A_257 = arith.constant 0.000000e+00 : f32
        %broadcast_in_dim3A_258 = vector.broadcast %broadcast_in_dim3A_257 : f32 to vector<16xf32>
        %broadcast_in_dim3A_259 = arith.constant 0.000000e+00 : f32
        %broadcast_in_dim3A_260 = vector.broadcast %broadcast_in_dim3A_259 : f32 to vector<16xf32>
        %broadcast_in_dim3A_261 = arith.constant 0.000000e+00 : f32
        %broadcast_in_dim3A_262 = vector.broadcast %broadcast_in_dim3A_261 : f32 to vector<16xf32>
        %scan3A_263 = arith.constant 0 : i32
        %scan3A_264 = arith.constant 16 : i32
        %scan3A_265 = arith.addi %scan3A_263, %scan3A_264 : i32
        %scan3A_266 = arith.constant 1 : i32
        %scan3A_267:16 = scf.for %scan3A_369 = %scan3A_263 to %scan3A_265 step %scan3A_266 iter_args(%scan3A_370 = %broadcast_in_dim3A_232, %scan3A_371 = %broadcast_in_dim3A_234, %scan3A_372 = %broadcast_in_dim3A_236, %scan3A_373 = %broadcast_in_dim3A_238, %scan3A_374 = %broadcast_in_dim3A_240, %scan3A_375 = %broadcast_in_dim3A_242, %scan3A_376 = %broadcast_in_dim3A_244, %scan3A_377 = %broadcast_in_dim3A_246, %scan3A_378 = %broadcast_in_dim3A_248, %scan3A_379 = %broadcast_in_dim3A_250, %scan3A_380 = %broadcast_in_dim3A_252, %scan3A_381 = %broadcast_in_dim3A_254, %scan3A_382 = %broadcast_in_dim3A_256, %scan3A_383 = %broadcast_in_dim3A_258, %scan3A_384 = %broadcast_in_dim3A_260, %scan3A_385 = %broadcast_in_dim3A_262) -> (vector<16xf32>, vector<16xf32>, vector<16xf32>, vector<16xf32>, vector<16xf32>, vector<16xf32>, vector<16xf32>, vector<16xf32>, vector<16xf32>, vector<16xf32>, vector<16xf32>, vector<16xf32>, vector<16xf32>, vector<16xf32>, vector<16xf32>, vector<16xf32>)  : i32 {
          %broadcast_in_dim3A_386 = vector.broadcast %scan3A_369 : i32 to vector<16xi32>
          %broadcast_in_dim3A_387 = vector.shape_cast %broadcast_in_dim3A_386 : vector<16xi32> to vector<16x1xi32>
          %gather3A_388 = vector.shape_cast %broadcast_in_dim3A_387 : vector<16x1xi32> to vector<16xi32>
          %gather3A_389 = tpu.dynamic_gather %get3A_230[%gather3A_388] in [0] : vector<16xf32>, vector<16xi32> -> vector<16xf32>
          %add3A_390 = arith.addi %mul3A_227, %scan3A_369 : i32
          %get3A_391 = arith.index_cast %add3A_390 : i32 to index
          %get3A_392 = arith.constant 0 : index
          %get3A_393 = tpu.vector_load %arg12[%get3A_391, %get3A_392] {strides = array<i32>} : memref<112x256xf32, #tpu.memory_space<vmem>>, vector<1x16xf32>,
          %get3A_394 = vector.shape_cast %get3A_393 : vector<1x16xf32> to vector<16xf32>
          %mul3A_395 = arith.mulf %gather3A_389, %get3A_394 : vector<16xf32>
          %add3A_396 = arith.addf %scan3A_370, %mul3A_395 : vector<16xf32>
          %add3A_397 = arith.addi %mul3A_227, %scan3A_369 : i32
          %get3A_398 = arith.index_cast %add3A_397 : i32 to index
          %get3A_399 = arith.constant 16 : index
          %get3A_400 = tpu.vector_load %arg12[%get3A_398, %get3A_399] {strides = array<i32>} : memref<112x256xf32, #tpu.memory_space<vmem>>, vector<1x16xf32>,
          %get3A_401 = vector.shape_cast %get3A_400 : vector<1x16xf32> to vector<16xf32>
          %mul3A_402 = arith.mulf %gather3A_389, %get3A_401 : vector<16xf32>
          %add3A_403 = arith.addf %scan3A_371, %mul3A_402 : vector<16xf32>
          %add3A_404 = arith.addi %mul3A_227, %scan3A_369 : i32
          %get3A_405 = arith.index_cast %add3A_404 : i32 to index
          %get3A_406 = arith.constant 32 : index
          %get3A_407 = tpu.vector_load %arg12[%get3A_405, %get3A_406] {strides = array<i32>} : memref<112x256xf32, #tpu.memory_space<vmem>>, vector<1x16xf32>,
          %get3A_408 = vector.shape_cast %get3A_407 : vector<1x16xf32> to vector<16xf32>
          %mul3A_409 = arith.mulf %gather3A_389, %get3A_408 : vector<16xf32>
          %add3A_410 = arith.addf %scan3A_372, %mul3A_409 : vector<16xf32>
          %add3A_411 = arith.addi %mul3A_227, %scan3A_369 : i32
          %get3A_412 = arith.index_cast %add3A_411 : i32 to index
          %get3A_413 = arith.constant 48 : index
          %get3A_414 = tpu.vector_load %arg12[%get3A_412, %get3A_413] {strides = array<i32>} : memref<112x256xf32, #tpu.memory_space<vmem>>, vector<1x16xf32>,
          %get3A_415 = vector.shape_cast %get3A_414 : vector<1x16xf32> to vector<16xf32>
          %mul3A_416 = arith.mulf %gather3A_389, %get3A_415 : vector<16xf32>
          %add3A_417 = arith.addf %scan3A_373, %mul3A_416 : vector<16xf32>
          %add3A_418 = arith.addi %mul3A_227, %scan3A_369 : i32
          %get3A_419 = arith.index_cast %add3A_418 : i32 to index
          %get3A_420 = arith.constant 64 : index
          %get3A_421 = tpu.vector_load %arg12[%get3A_419, %get3A_420] {strides = array<i32>} : memref<112x256xf32, #tpu.memory_space<vmem>>, vector<1x16xf32>,
          %get3A_422 = vector.shape_cast %get3A_421 : vector<1x16xf32> to vector<16xf32>
          %mul3A_423 = arith.mulf %gather3A_389, %get3A_422 : vector<16xf32>
          %add3A_424 = arith.addf %scan3A_374, %mul3A_423 : vector<16xf32>
          %add3A_425 = arith.addi %mul3A_227, %scan3A_369 : i32
          %get3A_426 = arith.index_cast %add3A_425 : i32 to index
          %get3A_427 = arith.constant 80 : index
          %get3A_428 = tpu.vector_load %arg12[%get3A_426, %get3A_427] {strides = array<i32>} : memref<112x256xf32, #tpu.memory_space<vmem>>, vector<1x16xf32>,
          %get3A_429 = vector.shape_cast %get3A_428 : vector<1x16xf32> to vector<16xf32>
          %mul3A_430 = arith.mulf %gather3A_389, %get3A_429 : vector<16xf32>
          %add3A_431 = arith.addf %scan3A_375, %mul3A_430 : vector<16xf32>
          %add3A_432 = arith.addi %mul3A_227, %scan3A_369 : i32
          %get3A_433 = arith.index_cast %add3A_432 : i32 to index
          %get3A_434 = arith.constant 96 : index
          %get3A_435 = tpu.vector_load %arg12[%get3A_433, %get3A_434] {strides = array<i32>} : memref<112x256xf32, #tpu.memory_space<vmem>>, vector<1x16xf32>,
          %get3A_436 = vector.shape_cast %get3A_435 : vector<1x16xf32> to vector<16xf32>
          %mul3A_437 = arith.mulf %gather3A_389, %get3A_436 : vector<16xf32>
          %add3A_438 = arith.addf %scan3A_376, %mul3A_437 : vector<16xf32>
          %add3A_439 = arith.addi %mul3A_227, %scan3A_369 : i32
          %get3A_440 = arith.index_cast %add3A_439 : i32 to index
          %get3A_441 = arith.constant 112 : index
          %get3A_442 = tpu.vector_load %arg12[%get3A_440, %get3A_441] {strides = array<i32>} : memref<112x256xf32, #tpu.memory_space<vmem>>, vector<1x16xf32>,
          %get3A_443 = vector.shape_cast %get3A_442 : vector<1x16xf32> to vector<16xf32>
          %mul3A_444 = arith.mulf %gather3A_389, %get3A_443 : vector<16xf32>
          %add3A_445 = arith.addf %scan3A_377, %mul3A_444 : vector<16xf32>
          %add3A_446 = arith.addi %mul3A_227, %scan3A_369 : i32
          %get3A_447 = arith.index_cast %add3A_446 : i32 to index
          %get3A_448 = arith.constant 128 : index
          %get3A_449 = tpu.vector_load %arg12[%get3A_447, %get3A_448] {strides = array<i32>} : memref<112x256xf32, #tpu.memory_space<vmem>>, vector<1x16xf32>,
          %get3A_450 = vector.shape_cast %get3A_449 : vector<1x16xf32> to vector<16xf32>
          %mul3A_451 = arith.mulf %gather3A_389, %get3A_450 : vector<16xf32>
          %add3A_452 = arith.addf %scan3A_378, %mul3A_451 : vector<16xf32>
          %add3A_453 = arith.addi %mul3A_227, %scan3A_369 : i32
          %get3A_454 = arith.index_cast %add3A_453 : i32 to index
          %get3A_455 = arith.constant 144 : index
          %get3A_456 = tpu.vector_load %arg12[%get3A_454, %get3A_455] {strides = array<i32>} : memref<112x256xf32, #tpu.memory_space<vmem>>, vector<1x16xf32>,
          %get3A_457 = vector.shape_cast %get3A_456 : vector<1x16xf32> to vector<16xf32>
          %mul3A_458 = arith.mulf %gather3A_389, %get3A_457 : vector<16xf32>
          %add3A_459 = arith.addf %scan3A_379, %mul3A_458 : vector<16xf32>
          %add3A_460 = arith.addi %mul3A_227, %scan3A_369 : i32
          %get3A_461 = arith.index_cast %add3A_460 : i32 to index
          %get3A_462 = arith.constant 160 : index
          %get3A_463 = tpu.vector_load %arg12[%get3A_461, %get3A_462] {strides = array<i32>} : memref<112x256xf32, #tpu.memory_space<vmem>>, vector<1x16xf32>,
          %get3A_464 = vector.shape_cast %get3A_463 : vector<1x16xf32> to vector<16xf32>
          %mul3A_465 = arith.mulf %gather3A_389, %get3A_464 : vector<16xf32>
          %add3A_466 = arith.addf %scan3A_380, %mul3A_465 : vector<16xf32>
          %add3A_467 = arith.addi %mul3A_227, %scan3A_369 : i32
          %get3A_468 = arith.index_cast %add3A_467 : i32 to index
          %get3A_469 = arith.constant 176 : index
          %get3A_470 = tpu.vector_load %arg12[%get3A_468, %get3A_469] {strides = array<i32>} : memref<112x256xf32, #tpu.memory_space<vmem>>, vector<1x16xf32>,
          %get3A_471 = vector.shape_cast %get3A_470 : vector<1x16xf32> to vector<16xf32>
          %mul3A_472 = arith.mulf %gather3A_389, %get3A_471 : vector<16xf32>
          %add3A_473 = arith.addf %scan3A_381, %mul3A_472 : vector<16xf32>
          %add3A_474 = arith.addi %mul3A_227, %scan3A_369 : i32
          %get3A_475 = arith.index_cast %add3A_474 : i32 to index
          %get3A_476 = arith.constant 192 : index
          %get3A_477 = tpu.vector_load %arg12[%get3A_475, %get3A_476] {strides = array<i32>} : memref<112x256xf32, #tpu.memory_space<vmem>>, vector<1x16xf32>,
          %get3A_478 = vector.shape_cast %get3A_477 : vector<1x16xf32> to vector<16xf32>
          %mul3A_479 = arith.mulf %gather3A_389, %get3A_478 : vector<16xf32>
          %add3A_480 = arith.addf %scan3A_382, %mul3A_479 : vector<16xf32>
          %add3A_481 = arith.addi %mul3A_227, %scan3A_369 : i32
          %get3A_482 = arith.index_cast %add3A_481 : i32 to index
          %get3A_483 = arith.constant 208 : index
          %get3A_484 = tpu.vector_load %arg12[%get3A_482, %get3A_483] {strides = array<i32>} : memref<112x256xf32, #tpu.memory_space<vmem>>, vector<1x16xf32>,
          %get3A_485 = vector.shape_cast %get3A_484 : vector<1x16xf32> to vector<16xf32>
          %mul3A_486 = arith.mulf %gather3A_389, %get3A_485 : vector<16xf32>
          %add3A_487 = arith.addf %scan3A_383, %mul3A_486 : vector<16xf32>
          %add3A_488 = arith.addi %mul3A_227, %scan3A_369 : i32
          %get3A_489 = arith.index_cast %add3A_488 : i32 to index
          %get3A_490 = arith.constant 224 : index
          %get3A_491 = tpu.vector_load %arg12[%get3A_489, %get3A_490] {strides = array<i32>} : memref<112x256xf32, #tpu.memory_space<vmem>>, vector<1x16xf32>,
          %get3A_492 = vector.shape_cast %get3A_491 : vector<1x16xf32> to vector<16xf32>
          %mul3A_493 = arith.mulf %gather3A_389, %get3A_492 : vector<16xf32>
          %add3A_494 = arith.addf %scan3A_384, %mul3A_493 : vector<16xf32>
          %add3A_495 = arith.addi %mul3A_227, %scan3A_369 : i32
          %get3A_496 = arith.index_cast %add3A_495 : i32 to index
          %get3A_497 = arith.constant 240 : index
          %get3A_498 = tpu.vector_load %arg12[%get3A_496, %get3A_497] {strides = array<i32>} : memref<112x256xf32, #tpu.memory_space<vmem>>, vector<1x16xf32>,
          %get3A_499 = vector.shape_cast %get3A_498 : vector<1x16xf32> to vector<16xf32>
          %mul3A_500 = arith.mulf %gather3A_389, %get3A_499 : vector<16xf32>
          %add3A_501 = arith.addf %scan3A_385, %mul3A_500 : vector<16xf32>
          scf.yield %add3A_396, %add3A_403, %add3A_410, %add3A_417, %add3A_424, %add3A_431, %add3A_438, %add3A_445, %add3A_452, %add3A_459, %add3A_466, %add3A_473, %add3A_480, %add3A_487, %add3A_494, %add3A_501 : vector<16xf32>, vector<16xf32>, vector<16xf32>, vector<16xf32>, vector<16xf32>, vector<16xf32>, vector<16xf32>, vector<16xf32>, vector<16xf32>, vector<16xf32>, vector<16xf32>, vector<16xf32>, vector<16xf32>, vector<16xf32>, vector<16xf32>, vector<16xf32>
        }
        %scan3A_268 = arith.constant 16 : i32
        %add3A_269 = arith.constant 42 : i32
        %add3A_270 = arith.addi %add3A_269, %scan3A_224 : i32
        %mul3A_271 = arith.constant 256 : i32
        %mul3A_272 = arith.muli %add3A_270, %mul3A_271 : i32
        %add3A_273 = arith.constant 0 : i32
        %add3A_274 = arith.addi %mul3A_272, %add3A_273 : i32
        %swap3A = arith.index_cast %add3A_274 : i32 to index
        %swap3A_275 = tpu.vector_load %arg15[%swap3A] {strides = array<i32>} : memref<12544xf32, #tpu.memory_space<vmem>>, vector<16xf32>,
        %swap3A_276 = vector.shape_cast %swap3A_275 : vector<16xf32> to vector<16xf32>
        %swap3A_277 = vector.shape_cast %scan3A_267#0 : vector<16xf32> to vector<16xf32>
        tpu.vector_store %arg15[%swap3A], %swap3A_277 {strides = array<i32>} : memref<12544xf32, #tpu.memory_space<vmem>>, vector<16xf32>,
        %add3A_278 = arith.constant 16 : i32
        %add3A_279 = arith.addi %mul3A_272, %add3A_278 : i32
        %swap3A_280 = arith.index_cast %add3A_279 : i32 to index
        %swap3A_281 = tpu.vector_load %arg15[%swap3A_280] {strides = array<i32>} : memref<12544xf32, #tpu.memory_space<vmem>>, vector<16xf32>,
        %swap3A_282 = vector.shape_cast %swap3A_281 : vector<16xf32> to vector<16xf32>
        %swap3A_283 = vector.shape_cast %scan3A_267#1 : vector<16xf32> to vector<16xf32>
        tpu.vector_store %arg15[%swap3A_280], %swap3A_283 {strides = array<i32>} : memref<12544xf32, #tpu.memory_space<vmem>>, vector<16xf32>,
        %add3A_284 = arith.constant 32 : i32
        %add3A_285 = arith.addi %mul3A_272, %add3A_284 : i32
        %swap3A_286 = arith.index_cast %add3A_285 : i32 to index
        %swap3A_287 = tpu.vector_load %arg15[%swap3A_286] {strides = array<i32>} : memref<12544xf32, #tpu.memory_space<vmem>>, vector<16xf32>,
        %swap3A_288 = vector.shape_cast %swap3A_287 : vector<16xf32> to vector<16xf32>
        %swap3A_289 = vector.shape_cast %scan3A_267#2 : vector<16xf32> to vector<16xf32>
        tpu.vector_store %arg15[%swap3A_286], %swap3A_289 {strides = array<i32>} : memref<12544xf32, #tpu.memory_space<vmem>>, vector<16xf32>,
        %add3A_290 = arith.constant 48 : i32
        %add3A_291 = arith.addi %mul3A_272, %add3A_290 : i32
        %swap3A_292 = arith.index_cast %add3A_291 : i32 to index
        %swap3A_293 = tpu.vector_load %arg15[%swap3A_292] {strides = array<i32>} : memref<12544xf32, #tpu.memory_space<vmem>>, vector<16xf32>,
        %swap3A_294 = vector.shape_cast %swap3A_293 : vector<16xf32> to vector<16xf32>
        %swap3A_295 = vector.shape_cast %scan3A_267#3 : vector<16xf32> to vector<16xf32>
        tpu.vector_store %arg15[%swap3A_292], %swap3A_295 {strides = array<i32>} : memref<12544xf32, #tpu.memory_space<vmem>>, vector<16xf32>,
        %add3A_296 = arith.constant 64 : i32
        %add3A_297 = arith.addi %mul3A_272, %add3A_296 : i32
        %swap3A_298 = arith.index_cast %add3A_297 : i32 to index
        %swap3A_299 = tpu.vector_load %arg15[%swap3A_298] {strides = array<i32>} : memref<12544xf32, #tpu.memory_space<vmem>>, vector<16xf32>,
        %swap3A_300 = vector.shape_cast %swap3A_299 : vector<16xf32> to vector<16xf32>
        %swap3A_301 = vector.shape_cast %scan3A_267#4 : vector<16xf32> to vector<16xf32>
        tpu.vector_store %arg15[%swap3A_298], %swap3A_301 {strides = array<i32>} : memref<12544xf32, #tpu.memory_space<vmem>>, vector<16xf32>,
        %add3A_302 = arith.constant 80 : i32
        %add3A_303 = arith.addi %mul3A_272, %add3A_302 : i32
        %swap3A_304 = arith.index_cast %add3A_303 : i32 to index
        %swap3A_305 = tpu.vector_load %arg15[%swap3A_304] {strides = array<i32>} : memref<12544xf32, #tpu.memory_space<vmem>>, vector<16xf32>,
        %swap3A_306 = vector.shape_cast %swap3A_305 : vector<16xf32> to vector<16xf32>
        %swap3A_307 = vector.shape_cast %scan3A_267#5 : vector<16xf32> to vector<16xf32>
        tpu.vector_store %arg15[%swap3A_304], %swap3A_307 {strides = array<i32>} : memref<12544xf32, #tpu.memory_space<vmem>>, vector<16xf32>,
        %add3A_308 = arith.constant 96 : i32
        %add3A_309 = arith.addi %mul3A_272, %add3A_308 : i32
        %swap3A_310 = arith.index_cast %add3A_309 : i32 to index
        %swap3A_311 = tpu.vector_load %arg15[%swap3A_310] {strides = array<i32>} : memref<12544xf32, #tpu.memory_space<vmem>>, vector<16xf32>,
        %swap3A_312 = vector.shape_cast %swap3A_311 : vector<16xf32> to vector<16xf32>
        %swap3A_313 = vector.shape_cast %scan3A_267#6 : vector<16xf32> to vector<16xf32>
        tpu.vector_store %arg15[%swap3A_310], %swap3A_313 {strides = array<i32>} : memref<12544xf32, #tpu.memory_space<vmem>>, vector<16xf32>,
        %add3A_314 = arith.constant 112 : i32
        %add3A_315 = arith.addi %mul3A_272, %add3A_314 : i32
        %swap3A_316 = arith.index_cast %add3A_315 : i32 to index
        %swap3A_317 = tpu.vector_load %arg15[%swap3A_316] {strides = array<i32>} : memref<12544xf32, #tpu.memory_space<vmem>>, vector<16xf32>,
        %swap3A_318 = vector.shape_cast %swap3A_317 : vector<16xf32> to vector<16xf32>
        %swap3A_319 = vector.shape_cast %scan3A_267#7 : vector<16xf32> to vector<16xf32>
        tpu.vector_store %arg15[%swap3A_316], %swap3A_319 {strides = array<i32>} : memref<12544xf32, #tpu.memory_space<vmem>>, vector<16xf32>,
        %add3A_320 = arith.constant 128 : i32
        %add3A_321 = arith.addi %mul3A_272, %add3A_320 : i32
        %swap3A_322 = arith.index_cast %add3A_321 : i32 to index
        %swap3A_323 = tpu.vector_load %arg15[%swap3A_322] {strides = array<i32>} : memref<12544xf32, #tpu.memory_space<vmem>>, vector<16xf32>,
        %swap3A_324 = vector.shape_cast %swap3A_323 : vector<16xf32> to vector<16xf32>
        %swap3A_325 = vector.shape_cast %scan3A_267#8 : vector<16xf32> to vector<16xf32>
        tpu.vector_store %arg15[%swap3A_322], %swap3A_325 {strides = array<i32>} : memref<12544xf32, #tpu.memory_space<vmem>>, vector<16xf32>,
        %add3A_326 = arith.constant 144 : i32
        %add3A_327 = arith.addi %mul3A_272, %add3A_326 : i32
        %swap3A_328 = arith.index_cast %add3A_327 : i32 to index
        %swap3A_329 = tpu.vector_load %arg15[%swap3A_328] {strides = array<i32>} : memref<12544xf32, #tpu.memory_space<vmem>>, vector<16xf32>,
        %swap3A_330 = vector.shape_cast %swap3A_329 : vector<16xf32> to vector<16xf32>
        %swap3A_331 = vector.shape_cast %scan3A_267#9 : vector<16xf32> to vector<16xf32>
        tpu.vector_store %arg15[%swap3A_328], %swap3A_331 {strides = array<i32>} : memref<12544xf32, #tpu.memory_space<vmem>>, vector<16xf32>,
        %add3A_332 = arith.constant 160 : i32
        %add3A_333 = arith.addi %mul3A_272, %add3A_332 : i32
        %swap3A_334 = arith.index_cast %add3A_333 : i32 to index
        %swap3A_335 = tpu.vector_load %arg15[%swap3A_334] {strides = array<i32>} : memref<12544xf32, #tpu.memory_space<vmem>>, vector<16xf32>,
        %swap3A_336 = vector.shape_cast %swap3A_335 : vector<16xf32> to vector<16xf32>
        %swap3A_337 = vector.shape_cast %scan3A_267#10 : vector<16xf32> to vector<16xf32>
        tpu.vector_store %arg15[%swap3A_334], %swap3A_337 {strides = array<i32>} : memref<12544xf32, #tpu.memory_space<vmem>>, vector<16xf32>,
        %add3A_338 = arith.constant 176 : i32
        %add3A_339 = arith.addi %mul3A_272, %add3A_338 : i32
        %swap3A_340 = arith.index_cast %add3A_339 : i32 to index
        %swap3A_341 = tpu.vector_load %arg15[%swap3A_340] {strides = array<i32>} : memref<12544xf32, #tpu.memory_space<vmem>>, vector<16xf32>,
        %swap3A_342 = vector.shape_cast %swap3A_341 : vector<16xf32> to vector<16xf32>
        %swap3A_343 = vector.shape_cast %scan3A_267#11 : vector<16xf32> to vector<16xf32>
        tpu.vector_store %arg15[%swap3A_340], %swap3A_343 {strides = array<i32>} : memref<12544xf32, #tpu.memory_space<vmem>>, vector<16xf32>,
        %add3A_344 = arith.constant 192 : i32
        %add3A_345 = arith.addi %mul3A_272, %add3A_344 : i32
        %swap3A_346 = arith.index_cast %add3A_345 : i32 to index
        %swap3A_347 = tpu.vector_load %arg15[%swap3A_346] {strides = array<i32>} : memref<12544xf32, #tpu.memory_space<vmem>>, vector<16xf32>,
        %swap3A_348 = vector.shape_cast %swap3A_347 : vector<16xf32> to vector<16xf32>
        %swap3A_349 = vector.shape_cast %scan3A_267#12 : vector<16xf32> to vector<16xf32>
        tpu.vector_store %arg15[%swap3A_346], %swap3A_349 {strides = array<i32>} : memref<12544xf32, #tpu.memory_space<vmem>>, vector<16xf32>,
        %add3A_350 = arith.constant 208 : i32
        %add3A_351 = arith.addi %mul3A_272, %add3A_350 : i32
        %swap3A_352 = arith.index_cast %add3A_351 : i32 to index
        %swap3A_353 = tpu.vector_load %arg15[%swap3A_352] {strides = array<i32>} : memref<12544xf32, #tpu.memory_space<vmem>>, vector<16xf32>,
        %swap3A_354 = vector.shape_cast %swap3A_353 : vector<16xf32> to vector<16xf32>
        %swap3A_355 = vector.shape_cast %scan3A_267#13 : vector<16xf32> to vector<16xf32>
        tpu.vector_store %arg15[%swap3A_352], %swap3A_355 {strides = array<i32>} : memref<12544xf32, #tpu.memory_space<vmem>>, vector<16xf32>,
        %add3A_356 = arith.constant 224 : i32
        %add3A_357 = arith.addi %mul3A_272, %add3A_356 : i32
        %swap3A_358 = arith.index_cast %add3A_357 : i32 to index
        %swap3A_359 = tpu.vector_load %arg15[%swap3A_358] {strides = array<i32>} : memref<12544xf32, #tpu.memory_space<vmem>>, vector<16xf32>,
        %swap3A_360 = vector.shape_cast %swap3A_359 : vector<16xf32> to vector<16xf32>
        %swap3A_361 = vector.shape_cast %scan3A_267#14 : vector<16xf32> to vector<16xf32>
        tpu.vector_store %arg15[%swap3A_358], %swap3A_361 {strides = array<i32>} : memref<12544xf32, #tpu.memory_space<vmem>>, vector<16xf32>,
        %add3A_362 = arith.constant 240 : i32
        %add3A_363 = arith.addi %mul3A_272, %add3A_362 : i32
        %swap3A_364 = arith.index_cast %add3A_363 : i32 to index
        %swap3A_365 = tpu.vector_load %arg15[%swap3A_364] {strides = array<i32>} : memref<12544xf32, #tpu.memory_space<vmem>>, vector<16xf32>,
        %swap3A_366 = vector.shape_cast %swap3A_365 : vector<16xf32> to vector<16xf32>
        %swap3A_367 = vector.shape_cast %scan3A_267#15 : vector<16xf32> to vector<16xf32>
        tpu.vector_store %arg15[%swap3A_364], %swap3A_367 {strides = array<i32>} : memref<12544xf32, #tpu.memory_space<vmem>>, vector<16xf32>,
        %scan3A_368 = arith.constant 0 : i32
        scf.yield %scan3A_368 : i32
      }
      %scan3A_218 = arith.constant 7 : i32
      %mul3A_219 = arith.constant 32 : i32
      %mul3A_220 = arith.muli %add3A, %mul3A_219 : i32
      %add3A_221 = arith.addi %mul3A_220, %scan3A_35 : i32
      %mul3A_222 = arith.constant 12544 : i32
      %mul3A_223 = arith.muli %add3A_221, %mul3A_222 : i32
      "tpu.region"() ({
        %run_scoped3A = tpu.sem_alloc : memref<!tpu.dma_semaphore, #tpu.memory_space<semaphore_mem>>
        %dma_start3A_224 = tpu.memref_slice %arg4[%mul3A_223] : memref<12845056xf32, #tpu.memory_space<hbm>> -> memref<12544xf32, #tpu.memory_space<hbm>>
        %dma_start3A_225 = tpu.memref_slice %arg4[%mul3A_223] : memref<12845056xf32, #tpu.memory_space<hbm>> -> memref<12544xf32, #tpu.memory_space<hbm>>
        tpu.enqueue_dma source(%arg15 : memref<12544xf32, #tpu.memory_space<vmem>>) target(%dma_start3A_225 : memref<12544xf32, #tpu.memory_space<hbm>>) target_semaphore(%run_scoped3A : memref<!tpu.dma_semaphore, #tpu.memory_space<semaphore_mem>>)
        %dma_wait3A_226 = tpu.memref_slice %arg4[%mul3A_223] : memref<12845056xf32, #tpu.memory_space<hbm>> -> memref<12544xf32, #tpu.memory_space<hbm>>
        %dma_wait3A_227 = tpu.memref_slice %arg4[%mul3A_223] : memref<12845056xf32, #tpu.memory_space<hbm>> -> memref<12544xf32, #tpu.memory_space<hbm>>
        tpu.wait_dma2 semaphore(%run_scoped3A : memref<!tpu.dma_semaphore, #tpu.memory_space<semaphore_mem>>) src(%arg15 : memref<12544xf32, #tpu.memory_space<vmem>>) dst(%dma_wait3A_227 : memref<12544xf32, #tpu.memory_space<hbm>>)
        tpu.yield
      }) : () -> ()
    }
    %scan3A_34 = arith.constant 32 : i32
    return
  }
}

module attributes {stable_mosaic.version = 14 : i64} {
  func.func @_tr_body(%arg0: i32, %arg1: memref<40x49x256xf32, #tpu.memory_space<vmem>>, %arg2: memref<40x256x49xf32, #tpu.memory_space<vmem>>) attributes {dimension_semantics = [#tpu.dimension_semantics<arbitrary>], iteration_bounds = array<i64: 25>, scalar_prefetch = 0 : i64, scratch_operands = 0 : i64, tpu.core_type = #tpu.core_type<tc>, window_params = [{transform_indices = @transform_0, window_bounds = array<i64: 40, 49, 256>}, {transform_indices = @transform_1, window_bounds = array<i64: 40, 256, 49>}]} {
    %get3A = arith.constant 0 : index
    %get3A_0 = arith.constant 0 : index
    %get3A_1 = arith.constant 0 : index
    %get3A_2 = vector.load %arg1[%get3A, %get3A_0, %get3A_1] : memref<40x49x256xf32, #tpu.memory_space<vmem>>, vector<40x49x256xf32>
    %transpose3A = tpu.transpose %get3A_2, [0, 2, 1] : vector<40x49x256xf32> -> vector<40x256x49xf32>
    %swap3A = arith.constant 0 : index
    %swap3A_3 = arith.constant 0 : index
    %swap3A_4 = arith.constant 0 : index
    %swap3A_5 = vector.load %arg2[%swap3A, %swap3A_3, %swap3A_4] : memref<40x256x49xf32, #tpu.memory_space<vmem>>, vector<40x256x49xf32>
    tpu.vector_store %arg2[%swap3A, %swap3A_3, %swap3A_4], %transpose3A {strides = array<i32>} : memref<40x256x49xf32, #tpu.memory_space<vmem>>, vector<40x256x49xf32>,
    return
  }
  func.func @transform_0(%arg0: i32) -> (i32, i32, i32) {
    %c0_i32 = arith.constant 0 : i32
    %c0_i32_0 = arith.constant 0 : i32
    %c0_i32_1 = arith.constant 0 : i32
    return %arg0, %c0_i32, %c0_i32_0 : i32, i32, i32
  }
  func.func @transform_1(%arg0: i32) -> (i32, i32, i32) {
    %c0_i32 = arith.constant 0 : i32
    %c0_i32_0 = arith.constant 0 : i32
    %c0_i32_1 = arith.constant 0 : i32
    return %arg0, %c0_i32, %c0_i32_0 : i32, i32, i32
  }
}

</mosaic_0001>

<sc_bundles>
// kernel: kernel.4.cloned.1.call-start
scs
__scs_entry_jumppad:
0x0: {  	(pc) =	sbr.rel $0x88, $3  }
0x1: {  	(tag) =	ssettag $0x0;
	lr =	simm.s32 $0x1  }
0x2: {  	[smem:$0x3F9F] =	sst lr;
	_ =	strace $0xD0000000  }
0x3: {  	_ = 	snop  }
0x4: {  	_ = 	snop  }
0x5: {  	_ = 	snop  }
0x6: {  	_ = 	snop  }
0x7: {  	_ = 	snop  }
__scs_overlays_trampoline_lowered:
0x8: {  	[smem:$0x3FAE] =	sst s0  }
0x9: {  	[smem:$0x3FAF] =	sst s1  }
0xa: {  	[smem:$0x3FB0] =	sst s2  }
0xb: {  	[smem:$0x3FB1] =	sst s3  }
0xc: {  	[smem:$0x3FB2] =	sst s4  }
0xd: {  	[smem:$0x3FB3] =	sst s5  }
0xe: {  	[smem:$0x3FB4] =	sst s6  }
0xf: {  	[smem:$0x3FB5] =	sst s7  }
0x10: {  	[smem:$0x3FB6] =	sst s8  }
0x11: {  	[smem:$0x3FB7] =	sst s9;
	s0 =	simm.s32 @!p0 $0x0  }
0x12: {  	s1 =	sld [smem:$0x3F9D];
	s0 =	simm.s32 @p0 $0x1  }
0x13: {  	[smem:$0x3FB8] =	sst s0;
	s0 =	simm.s32 @!p1 $0x0  }
0x14: {  	s2 =	sld [smem:$0x3F9C];
	s0 =	simm.s32 @p1 $0x1  }
0x15: {  	[smem:$0x3FB9] =	sst s0;
	s0 =	simm.s32 @!p2 $0x0  }
0x16: {  	s3 =	sld [smem:$0x3FDB];
	s0 =	simm.s32 @p2 $0x1  }
0x17: {  	s4 =	simm.s32 $0x1BF5;
	[smem:$0x3FBB] =	sst s0  }
0x18: {  	s0 =	sld [smem:$0x3F9E];
	_ =	swait.ge [sflag:s4], $0x0  }
0x19: {  	s7 =	sld [smem:$0x3F9F]  }
0x1a: {  	s8 =	sadd.s32 $0xFFFFE003, lr  }
0x1b: {  	s9 =	sadd.s32 $0xFFFFFEF7, lr;
	s5 =	simm.s32 $0xFFFFFFFF;
	p2 =	slt.u32 s8, $0xFFFFF086  }
0x1c: {  	p1 =	slt.u32 s9, $0xF7A;
	s5 =	simm.s32 @!p2 $0x0  }
0x1d: {  	s5 =	simm.s32 @p1 $0x1;
	p0 =	seq.s32 s7, s2  }
0x1e: {  	s7 =	smul.u32 @!p0 $0xF7A, s2;
	p2 =	seq.s32 @!p0 s5, $0x0  }
0x1f: {  	s9 =	smul.u32 $0xF7A, s1;
	s8 =	simm.s32 @!p0 $0x1BF5;
	p2 =	por !p2, p0  }
0x20: {  	[sflag:s8] =	ssyncset.s32 @!p0 $0xFFFFF086;
	s6 =	sadd.s32 @!p0 s3, s7;
	s7 =	simm.s32 @!p0 $0x108  }
0x21: {  	s3 =	sadd.s32 s3, s9;
	s6 =	sadd.s32 @!p0 $0x88, s6;
	s7 =	simm.s32 @p2 $0x1082  }
0x22: {  	[simem:s7], [sflag:s8] =	dma.local @!p0 [hbm:s6], $0xF7A  }
0x23: {  	s9 =	sor.u32 $0xD0000000, s2;
	s6 =	simm.s32 $0x108;
	_ =	swait.ge @!p0 [sflag:s8], $0x0  }
0x24: {  	s3 =	sadd.s32 $0x88, s3;
	s6 =	simm.s32 @!p1 $0x1082;
	[sflag:s4] =	ssyncset.s32 $0xFFFFF086  }
0x25: {  	[simem:s6], [sflag:s4] =	dma.local [hbm:s3], $0xF7A  }
0x26: {  	[smem:$0x3F9F] =	sst s1;
	(tag) =	ssettag s2;
	_ =	strace s9  }
0x27: {  	s1 =	sld [smem:$0x3FAF]  }
0x28: {  	s2 =	sld [smem:$0x3FB0]  }
0x29: {  	s4 =	sld [smem:$0x3FB2]  }
0x2a: {  	p0 =	seq.s32 s5, $0x0;
	s5 =	sld [smem:$0x3FB3]  }
0x2b: {  	s6 =	sld [smem:$0x3FB4]  }
0x2c: {  	s7 =	sld [smem:$0x3FB5]  }
0x2d: {  	s3 =	simm.s32 $0x108;
	s8 =	sld [smem:$0x3FB6]  }
0x2e: {  	s3 =	simm.s32 @!p0 $0x1082;
	s9 =	sld [smem:$0x3FB7]  }
0x2f: {  	lr =	sadd.s32 s0, s3;
	s0 =	sld [smem:$0x3FAE]  }
0x30: {  	s3 =	sld [smem:$0x3FB1]  }
0x31: {  	[smem:$0x3FBA] =	sst s10  }
0x32: {  	s10 =	sld [smem:$0x3FB8];
	_ =	sdelay $0x3  }
0x33: {  	p0 =	seq.s32 s10, $0x1;
	s10 =	sld [smem:$0x3FBA];
	_ =	sdelay $0x3  }
0x34: {  	[smem:$0x3FBA] =	sst s10  }
0x35: {  	s10 =	sld [smem:$0x3FB9];
	_ =	sdelay $0x3  }
0x36: {  	p1 =	seq.s32 s10, $0x1;
	s10 =	sld [smem:$0x3FBA];
	_ =	sdelay $0x3  }
0x37: {  	[smem:$0x3FBA] =	sst s10  }
0x38: {  	s10 =	sld [smem:$0x3FBB]  }
0x39: {  	_ = 	snop;
	(pc) =	sbr.ind lr, $3  }
0x3a: {  	_ = 	snop  }
0x3b: {  	_ = 	snop  }
0x3c: {  	p2 =	seq.s32 s10, $0x1;
	s10 =	sld [smem:$0x3FBA]  }
0x3d: {  	_ =	shalt  }
0x3e: {  	_ =	shalt  }
0x3f: {  	_ =	shalt  }
0x40: {  	_ =	shalt  }
0x41: {  	_ =	shalt  }
0x42: {  	_ =	shalt  }
0x43: {  	_ =	shalt  }
0x44: {  	_ =	shalt  }
0x45: {  	_ =	shalt  }
0x46: {  	_ =	shalt  }
0x47: {  	_ =	shalt  }
0x48: {  	_ =	shalt  }
0x49: {  	_ =	shalt  }
0x4a: {  	_ =	shalt  }
0x4b: {  	_ =	shalt  }
0x4c: {  	_ =	shalt  }
0x4d: {  	_ =	shalt  }
0x4e: {  	_ =	shalt  }
0x4f: {  	_ =	shalt  }
0x50: {  	_ =	shalt  }
0x51: {  	_ =	shalt  }
0x52: {  	_ =	shalt  }
0x53: {  	_ =	shalt  }
0x54: {  	_ =	shalt  }
0x55: {  	_ =	shalt  }
0x56: {  	_ =	shalt  }
0x57: {  	_ =	shalt  }
0x58: {  	_ =	shalt  }
0x59: {  	_ =	shalt  }
0x5a: {  	_ =	shalt  }
0x5b: {  	_ =	shalt  }
0x5c: {  	_ =	shalt  }
0x5d: {  	_ =	shalt  }
0x5e: {  	_ =	shalt  }
0x5f: {  	_ =	shalt  }
0x60: {  	_ =	shalt  }
0x61: {  	_ =	shalt  }
0x62: {  	_ =	shalt  }
0x63: {  	_ =	shalt  }
0x64: {  	_ =	shalt  }
0x65: {  	_ =	shalt  }
0x66: {  	_ =	shalt  }
0x67: {  	_ =	shalt  }
0x68: {  	_ =	shalt  }
0x69: {  	_ =	shalt  }
0x6a: {  	_ =	shalt  }
0x6b: {  	_ =	shalt  }
0x6c: {  	_ =	shalt  }
0x6d: {  	_ =	shalt  }
0x6e: {  	_ =	shalt  }
0x6f: {  	_ =	shalt  }
0x70: {  	_ =	shalt  }
0x71: {  	_ =	shalt  }
0x72: {  	_ =	shalt  }
0x73: {  	_ =	shalt  }
0x74: {  	_ =	shalt  }
0x75: {  	_ =	shalt  }
0x76: {  	_ =	shalt  }
0x77: {  	_ =	shalt  }
0x78: {  	_ =	shalt  }
0x79: {  	_ =	shalt  }
0x7a: {  	_ =	shalt  }
0x7b: {  	_ =	shalt  }
0x7c: {  	_ =	shalt  }
0x7d: {  	_ =	shalt  }
0x7e: {  	_ =	shalt  }
0x7f: {  	_ =	shalt  }
0x80: {  	_ =	shalt  }
0x81: {  	_ =	shalt  }
0x82: {  	_ =	shalt  }
0x83: {  	_ =	shalt  }
0x84: {  	_ =	shalt  }
0x85: {  	_ =	shalt  }
0x86: {  	_ =	shalt  }
0x87: {  	_ =	shalt  }
.Lfunc_end0:
.L_simem_size_0:
called_computation_lowered:
.L_overlay_start_0:
0x88: {  	s2 =	sld [smem:$0x3FD9]  }
0x89: {  	s3 =	sld [smem:$0x3FFE];
	_ =	sdelay $0x1  }
0x8a: {  	s1 =	srdreg.scid  }
0x8b: {  	s0 =	sand.u32 $0x1, s1  }
0x8c: {  	s17 =	sshll.u32 s0, $0xA;
	s2 =	sadd.s32 s3, s2  }
0x8d: {  	s2 =	sadd.s32 s2, s17  }
0x8e: {  	[smem:$0x3FC6] =	sst s2  }
0x8f: {  	_ = 	snop  }
0x90: {  	s2 =	sld [smem:$0x3FD0];
	(tm) =	ssettm $0x1  }
0x91: {  	s18 =	sld [smem:$0x3FFB];
	_ =	sdelay $0x3  }
0x92: {  	_ =	strace s18  }
0x93: {  	s3 =	sld [smem:$0x3FFC];
	_ =	sdelay $0x3  }
0x94: {  	_ =	strace s3  }
0x95: {  	s3 =	sld [smem:$0x3FFD];
	_ =	sdelay $0x3  }
0x96: {  	_ =	strace s3  }
0x97: {  	_ =	strace $0x8FFFFFFF  }
0x98: {  	s19 =	sld [smem:$0x3FDB];
	_ =	sdelay $0x1  }
0x99: {  	s4 =	simm.s32 $_scs_section_size  }
0x9a: {  	s5 =	simm.s32 $_size__tile_overlayer_lowered;
	s6 =	simm.s32 $_tile_overlayer_lowered  }
0x9b: {  	s22 =	simm.s32 $0x1BFF;
	s21 =	sshll.u32 s6, $0x1;
	s3 =	sadd.s32 s4, s19  }
0x9c: {  	s7 =	simm.s32 $0x0;
	s20 =	sshll.u32 s5, $0x1;
	s5 =	sadd.s32 s21, s3  }
0x9d: {  	[timem:s7], [sflag:s22] =	dma.local [hbm:s5], s20  }
0x9e: {  	_ =	swait.ge [sflag:s22], s20  }
0x9f: {  	s4 =	ssub.s32 $0x0, s20;
	[sflag:s22] =	ssyncset.done $0x0  }
0xa0: {  	[sflag:s22] =	ssyncadd.s32 s4;
	_ =	sdelay $0x1  }
0xa1: {  	s23 =	simm.s32 $0x1B8B  }
0xa2: {  	_ =	swait.ge [sflag:s23], $0x1  }
0xa3: {  	[sflag:s23] =	ssyncset.done $0x0  }
0xa4: {  	s25 =	simm.s32 $0x1B8E;
	s24 =	sld [smem:$0x3FFE];
	[sflag:s23] =	ssyncadd.s32 $0xFFFFFFFF  }
0xa5: {  	s26 =	simm.s32 $execute0_lowered;
	[smem:$0x3FD2] =	sst s25  }
0xa6: {  	s5 =	sshll.u32 s26, $0x1;
	_ =	strace $0x80000046;
	[dreg:$0x1] =	wrdreg $0xFFFFFFFF  }
0xa7: {  	s28 =	simm.s32 $_size_execute0_lowered;
	s3 =	sadd.s32 s3, s5;
	[dreg:$0x0] =	wrdreg $0x0  }
0xa8: {  	s5 =	sshll.u32 s28, $0x1;
	[dreg:$0x2] =	wrdreg s3  }
0xa9: {  	[dreg:$0x3] =	wrdreg s5  }
0xaa: {  	[dreg:$0x4] =	wrdreg $0xC0  }
0xab: {  	_ =	task [dreg:s7], $0x5FFFF  }
0xac: {  	[dreg:$0x1] =	wrdreg $0xFFFFFFFF  }
0xad: {  	[dreg:$0x0] =	wrdreg $0x60  }
0xae: {  	[dreg:$0x2] =	wrdreg s2  }
0xaf: {  	[dreg:$0x3] =	wrdreg s24  }
0xb0: {  	[dreg:$0x4] =	wrdreg $0x9  }
0xb1: {  	_ =	task.clear_ibuf [dreg:s7], $0x5FFFF;
	_ =	strace $0x90000046  }
0xb2: {  	s29 =	simm.s32 $0x9;
	_ =	strace $0x80000048  }
0xb3: {  	_ =	swait.ge [sflag:s29], $0x1  }
0xb4: {  	[sflag:s29] =	ssyncadd.s32 $0xFFFFFFFF  }
0xb5: {  	_ =	strace $0x90000048  }
0xb6: {  	_ =	sfence  }
0xb7: {  	s30 =	sld [smem:$0x0];
	_ =	sdelay $0x2  }
0xb8: {  	s31 =	sshll.u32 s1, $0xD;
	s1 =	sshrl.u32 s1, $0x2  }
0xb9: {  	s3 =	sand.u32 $0x4000, s31;
	s1 =	sadd.s32 s1, s30  }
0xba: {  	s0 =	sor.u32 s3, s0;
	s1 =	sshll.u32 s1, $0x11  }
0xbb: {  	s0 =	sor.u32 s1, s0  }
0xbc: {  	s0 =	sadd.s32 $0x8F2B, s0  }
0xbd: {  	[sflag:s0] =	ssyncadd.remote.s32 $0x1  }
0xbe: {  	_ =	sfence.sel $0xFFFF  }
0xbf: {  	[dreg:$0x0] =	wrdreg $0xFFFFFFFF;
	(pc) =	sbr.abs _section_cstart, $3  }
0xc0: {  	[dreg:$0x1] =	wrdreg $0xFFFFFFFF  }
0xc1: {  	_ =	task.clear_ibuf [dreg:s7], $0x2FFFF;
	_ =	strace $0x9FFFFFFF  }
0xc2: {  	(tm) =	ssettm $0x7FFFFFFF  }
0xc3: {  	_ =	shalt  }
tec
execute0_lowered:
.L_overlay_start_1:
0x0: {  	(tag) =	ssettag $0x1  }
0x1: {  	v0 =	vimm.f32 $7.000000000e+00  }
0x2: {  	v1 =	vimm.s32 $0x1;
	v2 =	vimm.s32 $0x2;
	vm0 =	vcmask $0x1710  }
0x3: {  	vm1 =	vcmask $0x700;
	v3 =	vimm.s32 $0x3;
	v5 =	vimm.f32 $7.500000000e-01  }
0x4: {  	v4 =	vimm.f32 $5.000000000e-01;
	vm2 =	vcmask $0x300;
	vm3 =	vcmask $0x2F20  }
0x5: {  	s1 =	rddreg [dreg:$0x0];
	v6 =	vimm.f32 $0.0e+00;
	v9 =	vlaneseq.u32;
	v10 =	vimm.f32 $1.750000000e+00  }
0x6: {  	s0 =	rddreg [dreg:$0x1];
	s2 =	srdreg.scid;
	s5 =	simm.s32 $0x0;
	v11 =	vimm.f32 $2.750000000e+00;
	v12 =	vimm.f32 $3.750000000e+00;
	v14 =	vimm.f32 $4.750000000e+00  }
0x7: {  	s4 =	stileid.u32;
	s8 =	simm.s32 $0x4;
	s9 =	simm.s32 $0x400;
	v15 =	vimm.f32 $5.750000000e+00;
	v16 =	vimm.f32 $6.750000000e+00;
	vm0 =	vmor vm1, vm0  }
0x8: {  	s10 =	simm.s32 $0xC00;
	s11 =	simm.s32 $0x1400;
	[smem:$0x7FF] =	sst s5;
	vm1 =	vcmask $0x2720;
	v7 =	vand.u32 $0x7, v9;
	v8 =	vshrl.u32 v9, $0x3  }
0x9: {  	s12 =	simm.s32 $0x1C00;
	s13 =	simm.s32 $0x2400;
	v9 =	vor.u32 $0x8, v9;
	_ =	strace $0x80000047;
	vm0 =	vmor vm0, vm1;
	vm1 =	vcmask $0x3730  }
0xa: {  	s14 =	simm.s32 $0x2C00;
	s15 =	simm.s32 $0x3400;
	s16 =	simm.s32 $0x3C00;
	(erf) = vrcp.f32 v0;
	vm0 =	vmor vm0, vm1;
	vm1 =	vcmask $0xF00  }
0xb: {  	s17 =	simm.s32 $0x4400;
	s18 =	simm.s32 $0x4C00;
	s19 =	simm.s32 $0x5400;
	v8 =	vmul.u32 $0x8, v8;
	v4 =	vsel vm1, $0x0, v4;
	vm1 =	vcmask $0xB08  }
0xc: {  	s20 =	simm.s32 $0x5C00;
	s21 =	simm.s32 $0x6400;
	s2 =	sand.u32 $0x1, s2;
	v0 =	vimm.s32 $0x0;
	vm1 =	vmor vm2, vm1;
	vm2 =	vcmask $0x1310  }
0xd: {  	s22 =	simm.s32 $0x6C00;
	s6 =	simm.s32 $0x2;
	s3 =	sshll.u32 s2, $0x4;
	v4 =	vsel vm3, $0x0, v4;
	vm3 =	vcmask $0x1F00;
	vm1 =	vmor vm1, vm2  }
0xe: {  	s23 =	simm.s32 $0x3;
	s2 =	ssub.s32 $0x2, s2;
	s3 =	sor.u32 s4, s3;
	vm2 =	vcmask $0x1B18;
	v5 =	vsel vm3, $0x3E800000, v5;
	v10 =	vsel vm3, $0x3FA00000, v10  }
0xf: {  	s28 =	sshrl.u32 s2, $0x1;
	s4 =	sshll.u32 s3, $0x4;
	s31 =	sshll.u32 s3, $0x5;
	v11 =	vsel vm3, $0x40100000, v11;
	vm1 =	vmor vm1, vm2;
	vm2 =	vcmask $0x2320  }
0x10: {  	s4 =	sadd.s32 s4, s0;
	s0 =	sadd.s32 $0x600, s0;
	[dreg:$0x5] =	wrdreg s31;
	v12 =	vsel vm3, $0x40500000, v12;
	vm1 =	vmor vm1, vm2;
	vm2 =	vcmask $0x2B28  }
0x11: {  	s29 =	ssub.s32 s2, s28;
	[dreg:$0x3] =	wrdreg s0;
	s30 =	sadd.s32 $0x400, s4;
	v14 =	vsel vm3, $0x40880000, v14;
	vm1 =	vmor vm1, vm2;
	vm2 =	vcmask $0x3330  }
0x12: {  	s3 =	simm.s32 $0x14C00;
	s0 =	smax.u32 s29, $0x1;
	v15 =	vsel vm3, $0x40A80000, v15;
	[dreg:$0x4] =	wrdreg s30;
	vm1 =	vmor vm1, vm2;
	vm2 =	vcmask $0x3B38  }
0x13: {  	s2 =	simm.s32 $0x0;
	s4 =	simm.s32 $0x1;
	v16 =	vsel vm3, $0x40C80000, v16;
	[dreg:$0x6] =	wrdreg s0;
	vm1 =	vmor vm1, vm2;
	vm2 =	vmmov $0xffff;
	v13 =	vpop (erf)  }
.LBB2_1:
0x14: {  	[dreg:$0x7] =	wrdreg s2  }
0x15: {  	s0 =	simm.s32 $0x0;
	s31 =	rddreg [dreg:$0x4]  }
0x16: {  	[tilespmem:s0], [sflag:$0x4] =	stream.linear.gather [hbm4b:s31+s0], $0x80, $0x38;
	[tilespmem:$0x18500] =	vst v63  }
0x17: {  	_ =	swait.ge [sflag:s8], $0x80  }
0x18: {  	[sflag:s8] =	ssyncset.done $0x0  }
0x19: {  	s24 =	simm.s32 $0x0;
	[sflag:s8] =	ssyncadd.s32 $0xFFFFFF80  }
.LBB2_2:
0x1a: {  	s0 =	sshll.u32 s24, $0x2  }
0x1b: {  	s0 =	sand.u32 $0x3FFFFFFC, s0  }
0x1c: {  	v17 =	vld [tilespmem:s0+$0x0];
	_ =	sdelay $0x4  }
0x1d: {  	v18 =	vperm.xlane v17, v1;
	v20 =	vperm.xlane v17, v3;
	_ =	sdelay $0x1  }
0x1e: {  	v19 =	vmul.f32 $6.400000000e+01, v18;
	v18 =	vmul.f32 $6.400000000e+01, v20;
	_ =	sdelay $0x1  }
0x1f: {  	v22 =	vperm.xlane v17, v2;
	v18 =	vsub.f32 v18, v19  }
0x20: {  	v21 =	vperm.xlane v17, v0  }
0x21: {  	v17 =	vmax.f32 v18, $1.000000000e+00;
	v18 =	vmul.f32 $6.400000000e+01, v22  }
0x22: {  	s26 =	simm.s32 $0x0;
	v20 =	vmul.f32 v17, v13;
	v17 =	vmul.f32 $6.400000000e+01, v21  }
0x23: {  	s0 =	scvt.s32.f32 s26  }
0x24: {  	v21 =	vmul.f32 v5, v20;
	v18 =	vsub.f32 v18, v17  }
0x25: {  	s0 =	sadd.f32 $2.500000000e-01, s0  }
0x26: {  	v21 =	vadd.f32 v21, v19;
	v18 =	vmax.f32 v18, $1.000000000e+00  }
0x27: {  	s29 =	simm.s32 $0x1;
	v23 =	vadd.f32 s0, v4;
	v18 =	vmul.f32 v18, v13  }
0x28: {  	s0 =	scvt.s32.f32 s29;
	v22 =	vmax.f32 v21, $0.0e+00  }
0x29: {  	v22 =	vmin.f32 v22, $1.270000000e+02;
	v23 =	vmul.f32 v23, v18  }
0x2a: {  	s0 =	sadd.f32 $2.500000000e-01, s0;
	v24 =	vtrunc.f32 v22  }
0x2b: {  	v24 =	vcvt.f32.s32 v24;
	v25 =	vadd.f32 v23, v17  }
0x2c: {  	vm3 =	vgt.f32 v21, $-1.000000000e+00;
	vm4 =	vlt.f32 v21, $1.280000000e+02;
	v21 =	vadd.f32 s0, v4  }
0x2d: {  	vm3 =	vmand vm3, vm4;
	v23 =	vcvt.s32.f32 v24;
	v26 =	vmax.f32 v25, $0.0e+00  }
0x2e: {  	s2 =	simm.s32 $0x2;
	v21 =	vmul.f32 v21, v18;
	v27 =	vadd.s32 $0x1, v24;
	v26 =	vmin.f32 v26, $1.270000000e+02  }
0x2f: {  	s30 =	scvt.s32.f32 s2;
	vm4 =	vlt.s32 v27, $0x7F;
	v22 =	vsub.f32 v22, v23;
	v23 =	vtrunc.f32 v26  }
0x30: {  	vm5 =	vlt.f32 v25, $1.280000000e+02;
	v29 =	vcvt.f32.s32 v23;
	v23 =	vnsel vm4, $0x7F, v27  }
0x31: {  	s0 =	sadd.f32 $2.500000000e-01, s30;
	vm6 =	vgt.f32 v25, $-1.000000000e+00;
	v28 =	vsub.f32 $1.000000000e+00, v22;
	v24 =	vsel vm0, v24, v23  }
0x32: {  	v23 =	vadd.f32 v21, v17;
	v27 =	vcvt.s32.f32 v29;
	v21 =	vshll.u32 v24, $0x7  }
0x33: {  	s31 =	simm.s32 $0x3;
	v24 =	vadd.s32 $0x1, v29;
	v22 =	vsel vm0, v28, v22;
	v28 =	vadd.f32 s0, v4  }
0x34: {  	vm4 =	vlt.s32 v24, $0x7F;
	s0 =	scvt.s32.f32 s31;
	v26 =	vsub.f32 v26, v27;
	v27 =	vmax.f32 v23, $0.0e+00  }
0x35: {  	v25 =	vnsel vm4, $0x7F, v24;
	vm4 =	vmand vm3, vm6;
	v31 =	vmin.f32 v27, $1.270000000e+02  }
0x36: {  	v30 =	vmul.f32 v28, v18;
	s0 =	sadd.f32 $2.500000000e-01, s0;
	v27 =	vsub.f32 $1.000000000e+00, v26;
	v28 =	vtrunc.f32 v31  }
0x37: {  	vm4 =	vmand vm5, vm4;
	v24 =	vcvt.f32.s32 v28  }
0x38: {  	v33 =	vsel vm4, $0x3E800000, v6;
	v28 =	vadd.f32 s0, v4;
	v26 =	vsel vm1, v27, v26  }
0x39: {  	v27 =	vsel vm1, v29, v25;
	v26 =	vmul.f32 v26, v22;
	v32 =	vcvt.s32.f32 v24  }
0x3a: {  	s28 =	simm.s32 $0x280;
	s25 =	simm.s32 $0x290;
	v25 =	vadd.f32 v30, v17;
	v29 =	vadd.s32 $0x1, v24;
	v28 =	vmul.f32 v28, v18  }
0x3b: {  	s2 =	simm.s32 $0x4;
	s26 =	simm.s32 $0x100;
	s0 =	simm.s32 $0x100;
	vm4 =	vlt.s32 v29, $0x7F;
	v30 =	vsub.f32 v31, v32;
	v26 =	vmul.f32 v26, v33  }
.LBB2_3:
0x3c: {  	s7 =	smov.u32 s2  }
0x3d: {  	s5 =	scvt.s32.f32 s2;
	v31 =	vmax.f32 v25, $0.0e+00;
	v27 =	vadd.s32 v21, v27;
	s26 =	sadd.s32 $0x10, s26;
	s7 =	sadd.s32 $0x1, s2  }
0x3e: {  	p0 =	sne.s32 s2, $0x6;
	vm5 =	vlt.f32 v23, $1.280000000e+02;
	v31 =	vmin.f32 v31, $1.270000000e+02;
	v32 =	vsub.f32 $1.000000000e+00, v30;
	[tilespmem:s0+$0x0] =	vst v27;
	s0 =	smov.u32 s26  }
0x3f: {  	vm6 =	vgt.f32 v23, $-1.000000000e+00;
	v29 =	vnsel vm4, $0x7F, v29;
	v23 =	vmovc v25;
	s2 =	sadd.f32 $2.500000000e-01, s5;
	v27 =	vtrunc.f32 v31;
	[tilespmem:s28+$0x0] =	vst v26;
	s28 =	smov.u32 s25  }
.Ltmp0:
0x40: {  	vm4 =	vmand vm3, vm6;
	v25 =	vcvt.f32.s32 v27;
	v26 =	vsel vm1, v32, v30;
	(pc) =	sbr.rel @p0 .LBB2_3-.Ltmp0, $4  }
0x41: {  	v27 =	vsel vm1, v24, v29;
	v30 =	vadd.f32 s2, v4;
	v26 =	vmul.f32 v26, v22  }
0x42: {  	vm4 =	vmand vm5, vm4;
	v29 =	vadd.s32 $0x1, v25;
	v32 =	vcvt.s32.f32 v25;
	v24 =	vmovc v25  }
0x43: {  	v33 =	vsel vm4, $0x3E800000, v6;
	v25 =	vadd.f32 v28, v17;
	v28 =	vmul.f32 v30, v18  }
0x44: {  	s25 =	sadd.s32 $0x10, s25;
	s2 =	smov.u32 s7;
	vm4 =	vlt.s32 v29, $0x7F;
	v26 =	vmul.f32 v26, v33;
	v30 =	vsub.f32 v31, v32  }
0x45: {  	v31 =	vmax.f32 v25, $0.0e+00  }
0x46: {  	v31 =	vmin.f32 v31, $1.270000000e+02  }
0x47: {  	v32 =	vtrunc.f32 v31  }
0x48: {  	v33 =	vsub.f32 $1.000000000e+00, v30;
	v32 =	vcvt.f32.s32 v32  }
0x49: {  	vm5 =	vlt.f32 v23, $1.280000000e+02;
	vm6 =	vgt.f32 v23, $-1.000000000e+00;
	v23 =	vadd.f32 v28, v17  }
0x4a: {  	v28 =	vnsel vm4, $0x7F, v29;
	v29 =	vsel vm1, v33, v30;
	v30 =	vcvt.s32.f32 v32  }
0x4b: {  	v27 =	vadd.s32 v21, v27;
	vm4 =	vmand vm3, vm6;
	v58 =	vmax.f32 v23, $0.0e+00  }
0x4c: {  	v24 =	vsel vm1, v24, v28;
	v30 =	vsub.f32 v31, v30;
	v31 =	vmin.f32 v58, $1.270000000e+02  }
0x4d: {  	vm4 =	vmand vm5, vm4;
	v24 =	vadd.s32 v21, v24;
	v35 =	vtrunc.f32 v31  }
0x4e: {  	vm5 =	vlt.f32 v25, $1.280000000e+02;
	v29 =	vmul.f32 v29, v22;
	v35 =	vcvt.f32.s32 v35  }
0x4f: {  	vm6 =	vlt.f32 v23, $1.280000000e+02;
	v34 =	vsel vm4, $0x3E800000, v6;
	v59 =	vadd.s32 $0x1, v32  }
0x50: {  	vm4 =	vlt.s32 v59, $0x7F;
	v28 =	vmul.f32 v29, v34;
	v60 =	vcvt.s32.f32 v35  }
0x51: {  	v29 =	vnsel vm4, $0x7F, v59;
	vm4 =	vgt.f32 v25, $-1.000000000e+00;
	v36 =	vsub.f32 $1.000000000e+00, v30  }
0x52: {  	v29 =	vsel vm1, v32, v29;
	vm4 =	vmand vm3, vm4;
	v25 =	vsub.f32 v31, v60  }
0x53: {  	vm4 =	vmand vm5, vm4;
	vm5 =	vgt.f32 v23, $-1.000000000e+00;
	v30 =	vsel vm1, v36, v30  }
0x54: {  	[tilespmem:s0+$0x0] =	vst v27;
	vm3 =	vmand vm3, vm5;
	v30 =	vmul.f32 v30, v22;
	v32 =	vsub.f32 $1.000000000e+00, v25  }
0x55: {  	s2 =	sadd.s32 $0x10, s26;
	[tilespmem:s28+$0x0] =	vst v26;
	v27 =	vsel vm4, $0x3E800000, v6;
	vm3 =	vmand vm6, vm3;
	v31 =	vadd.s32 $0x1, v35  }
0x56: {  	[tilespmem:s2+$0x0] =	vst v24;
	vm4 =	vlt.s32 v31, $0x7F;
	v26 =	vmul.f32 v30, v27;
	v23 =	vsel vm1, v32, v25  }
0x57: {  	s0 =	sadd.s32 $0x10, s2;
	[tilespmem:s25+$0x0] =	vst v28;
	v27 =	vadd.s32 v21, v29;
	v24 =	vnsel vm4, $0x7F, v31;
	v22 =	vmul.f32 v23, v22  }
0x58: {  	s2 =	sadd.s32 $0x10, s25;
	[tilespmem:s0+$0x0] =	vst v27;
	v23 =	vsel vm1, v35, v24;
	v24 =	vsel vm3, $0x3E800000, v6  }
0x59: {  	s0 =	sadd.s32 $0x10, s0;
	[tilespmem:s2+$0x0] =	vst v26;
	v21 =	vadd.s32 v21, v23;
	v22 =	vmul.f32 v22, v24  }
0x5a: {  	s2 =	sadd.s32 $0x10, s2;
	[tilespmem:s0+$0x0] =	vst v21  }
0x5b: {  	[tilespmem:s2+$0x0] =	vst v22  }
0x5c: {  	v21 =	vld [tilespmem:$0x100];
	_ =	sdelay $0x4  }
0x5d: {  	v22 =	vshll.u32 v21, $0x1  }
0x5e: {  	v21 =	vand.u32 $0x7, v21;
	v22 =	vand.u32 $0xFFFFFFF0, v22  }
0x5f: {  	v21 =	vor.u32 v21, v22  }
0x60: {  	v22 =	vperm.xlane v21, v7;
	_ =	sdelay $0x1  }
0x61: {  	v21 =	vperm.xlane v21, v9;
	v22 =	vadd.s32 v8, v22;
	_ =	sdelay $0x1  }
0x62: {  	v21 =	vadd.s32 v8, v21;
	_ =	sdelay $0x1  }
0x63: {  	s5 =	simm.s32 $0x0  }
0x64: {  	[tilespmem:s9], [sflag:$0x1] =	stream.indirect_vreg.gather [hbm4b:s1+s5], $0x80, v22, vm2, $0xb8;
	[tilespmem:$0x18500] =	vst v63  }
0x65: {  	_ = 	snop  }
0x66: {  	[tilespmem:s10], [sflag:$0x1] =	stream.indirect_vreg.gather [hbm4b:s1+s5], $0x80, v21, vm2, $0xb8;
	[tilespmem:$0x18500] =	vst v63  }
0x67: {  	v21 =	vld [tilespmem:$0x110];
	_ =	sdelay $0x4  }
0x68: {  	v22 =	vshll.u32 v21, $0x1  }
0x69: {  	v21 =	vand.u32 $0x7, v21;
	v22 =	vand.u32 $0xFFFFFFF0, v22  }
0x6a: {  	v21 =	vor.u32 v21, v22  }
0x6b: {  	v22 =	vperm.xlane v21, v7;
	_ =	sdelay $0x1  }
0x6c: {  	v21 =	vperm.xlane v21, v9;
	v22 =	vadd.s32 v8, v22;
	_ =	sdelay $0x1  }
0x6d: {  	v21 =	vadd.s32 v8, v21;
	_ =	sdelay $0x2  }
0x6e: {  	[tilespmem:s11], [sflag:$0x1] =	stream.indirect_vreg.gather [hbm4b:s1+s5], $0x80, v22, vm2, $0xb8;
	[tilespmem:$0x18500] =	vst v63  }
0x6f: {  	_ = 	snop  }
0x70: {  	[tilespmem:s12], [sflag:$0x1] =	stream.indirect_vreg.gather [hbm4b:s1+s5], $0x80, v21, vm2, $0xb8;
	[tilespmem:$0x18500] =	vst v63  }
0x71: {  	v21 =	vld [tilespmem:$0x120];
	_ =	sdelay $0x4  }
0x72: {  	v22 =	vshll.u32 v21, $0x1  }
0x73: {  	v21 =	vand.u32 $0x7, v21;
	v22 =	vand.u32 $0xFFFFFFF0, v22  }
0x74: {  	v21 =	vor.u32 v21, v22  }
0x75: {  	v22 =	vperm.xlane v21, v7;
	_ =	sdelay $0x1  }
0x76: {  	v21 =	vperm.xlane v21, v9;
	v22 =	vadd.s32 v8, v22;
	_ =	sdelay $0x1  }
0x77: {  	v21 =	vadd.s32 v8, v21;
	_ =	sdelay $0x2  }
0x78: {  	[tilespmem:s13], [sflag:$0x1] =	stream.indirect_vreg.gather [hbm4b:s1+s5], $0x80, v22, vm2, $0xb8;
	[tilespmem:$0x18500] =	vst v63  }
0x79: {  	_ = 	snop  }
0x7a: {  	[tilespmem:s14], [sflag:$0x1] =	stream.indirect_vreg.gather [hbm4b:s1+s5], $0x80, v21, vm2, $0xb8;
	[tilespmem:$0x18500] =	vst v63  }
0x7b: {  	v21 =	vld [tilespmem:$0x130];
	_ =	sdelay $0x4  }
0x7c: {  	v22 =	vshll.u32 v21, $0x1  }
0x7d: {  	v21 =	vand.u32 $0x7, v21;
	v22 =	vand.u32 $0xFFFFFFF0, v22  }
0x7e: {  	v21 =	vor.u32 v21, v22  }
0x7f: {  	v22 =	vperm.xlane v21, v7;
	_ =	sdelay $0x1  }
0x80: {  	v21 =	vperm.xlane v21, v9;
	v22 =	vadd.s32 v8, v22;
	_ =	sdelay $0x1  }
0x81: {  	v21 =	vadd.s32 v8, v21;
	_ =	sdelay $0x2  }
0x82: {  	[tilespmem:s15], [sflag:$0x1] =	stream.indirect_vreg.gather [hbm4b:s1+s5], $0x80, v22, vm2, $0xb8;
	[tilespmem:$0x18500] =	vst v63  }
0x83: {  	_ = 	snop  }
0x84: {  	[tilespmem:s16], [sflag:$0x1] =	stream.indirect_vreg.gather [hbm4b:s1+s5], $0x80, v21, vm2, $0xb8;
	[tilespmem:$0x18500] =	vst v63  }
0x85: {  	v21 =	vld [tilespmem:$0x140];
	_ =	sdelay $0x4  }
0x86: {  	v22 =	vshll.u32 v21, $0x1  }
0x87: {  	v21 =	vand.u32 $0x7, v21;
	v22 =	vand.u32 $0xFFFFFFF0, v22  }
0x88: {  	v21 =	vor.u32 v21, v22  }
0x89: {  	v22 =	vperm.xlane v21, v7;
	_ =	sdelay $0x1  }
0x8a: {  	v21 =	vperm.xlane v21, v9;
	v22 =	vadd.s32 v8, v22;
	_ =	sdelay $0x1  }
0x8b: {  	v21 =	vadd.s32 v8, v21;
	_ =	sdelay $0x2  }
0x8c: {  	[tilespmem:s17], [sflag:$0x1] =	stream.indirect_vreg.gather [hbm4b:s1+s5], $0x80, v22, vm2, $0xb8;
	[tilespmem:$0x18500] =	vst v63  }
0x8d: {  	_ = 	snop  }
0x8e: {  	[tilespmem:s18], [sflag:$0x1] =	stream.indirect_vreg.gather [hbm4b:s1+s5], $0x80, v21, vm2, $0xb8;
	[tilespmem:$0x18500] =	vst v63  }
0x8f: {  	v21 =	vld [tilespmem:$0x150];
	_ =	sdelay $0x4  }
0x90: {  	v22 =	vshll.u32 v21, $0x1  }
0x91: {  	v21 =	vand.u32 $0x7, v21;
	v22 =	vand.u32 $0xFFFFFFF0, v22  }
0x92: {  	v21 =	vor.u32 v21, v22  }
0x93: {  	v22 =	vperm.xlane v21, v7;
	_ =	sdelay $0x1  }
0x94: {  	v21 =	vperm.xlane v21, v9;
	v22 =	vadd.s32 v8, v22;
	_ =	sdelay $0x1  }
0x95: {  	v21 =	vadd.s32 v8, v21;
	_ =	sdelay $0x2  }
0x96: {  	[tilespmem:s19], [sflag:$0x1] =	stream.indirect_vreg.gather [hbm4b:s1+s5], $0x80, v22, vm2, $0xb8;
	[tilespmem:$0x18500] =	vst v63  }
0x97: {  	s7 =	scvt.s32.f32 s5  }
0x98: {  	[tilespmem:s20], [sflag:$0x1] =	stream.indirect_vreg.gather [hbm4b:s1+s5], $0x80, v21, vm2, $0xb8;
	[tilespmem:$0x18500] =	vst v63  }
0x99: {  	s0 =	sadd.f32 $2.500000000e-01, s7;
	v22 =	vmul.f32 v10, v20;
	v21 =	vld [tilespmem:$0x160];
	_ =	sdelay $0x1  }
0x9a: {  	v24 =	vadd.f32 s0, v4;
	v22 =	vadd.f32 v22, v19;
	_ =	sdelay $0x1  }
0x9b: {  	v24 =	vmul.f32 v24, v18;
	v23 =	vmax.f32 v22, $0.0e+00  }
0x9c: {  	v23 =	vmin.f32 v23, $1.270000000e+02;
	v25 =	vand.u32 $0x7, v21;
	v21 =	vshll.u32 v21, $0x1  }
0x9d: {  	s26 =	simm.s32 $0x1;
	v24 =	vadd.f32 v24, v17;
	v26 =	vtrunc.f32 v23;
	v21 =	vand.u32 $0xFFFFFFF0, v21  }
0x9e: {  	s0 =	scvt.s32.f32 s26;
	vm3 =	vgt.f32 v22, $-1.000000000e+00;
	v21 =	vor.u32 v25, v21;
	v25 =	vcvt.f32.s32 v26  }
0x9f: {  	vm4 =	vlt.f32 v22, $1.280000000e+02;
	v26 =	vperm.xlane v21, v7;
	v21 =	vperm.xlane v21, v9  }
0xa0: {  	s29 =	simm.s32 $0x2;
	s0 =	sadd.f32 $2.500000000e-01, s0;
	vm3 =	vmand vm3, vm4;
	v27 =	vcvt.s32.f32 v25;
	v29 =	vadd.s32 $0x1, v25  }
0xa1: {  	s30 =	scvt.s32.f32 s29;
	v28 =	vadd.s32 v8, v21;
	v21 =	vmax.f32 v24, $0.0e+00;
	vm4 =	vlt.s32 v29, $0x7F  }
0xa2: {  	v23 =	vsub.f32 v23, v27;
	v27 =	vmin.f32 v21, $1.270000000e+02;
	v21 =	vadd.f32 s0, v4  }
0xa3: {  	s0 =	sadd.f32 $2.500000000e-01, s30;
	v29 =	vnsel vm4, $0x7F, v29;
	v22 =	vtrunc.f32 v27  }
0xa4: {  	v30 =	vsub.f32 $1.000000000e+00, v23;
	v31 =	vcvt.f32.s32 v22;
	v21 =	vmul.f32 v21, v18  }
0xa5: {  	s31 =	simm.s32 $0x3;
	v26 =	vadd.s32 v8, v26;
	v25 =	vsel vm0, v25, v29;
	v29 =	vadd.f32 s0, v4  }
0xa6: {  	s0 =	scvt.s32.f32 s31;
	v22 =	vsel vm0, v30, v23;
	v30 =	vcvt.s32.f32 v31;
	v23 =	vadd.f32 v21, v17  }
0xa7: {  	vm5 =	vlt.f32 v24, $1.280000000e+02;
	v21 =	vshll.u32 v25, $0x7;
	v25 =	vadd.s32 $0x1, v31  }
0xa8: {  	s0 =	sadd.f32 $2.500000000e-01, s0;
	v27 =	vsub.f32 v27, v30;
	v30 =	vmul.f32 v29, v18;
	v29 =	vmax.f32 v23, $0.0e+00  }
0xa9: {  	vm6 =	vgt.f32 v24, $-1.000000000e+00;
	vm4 =	vlt.s32 v25, $0x7F;
	v61 =	vmin.f32 v29, $1.270000000e+02  }
0xaa: {  	[tilespmem:s21], [sflag:$0x1] =	stream.indirect_vreg.gather [hbm4b:s1+s5], $0x80, v26, vm2, $0xb8;
	v62 =	vadd.f32 s0, v4;
	v29 =	vsub.f32 $1.000000000e+00, v27;
	v24 =	vtrunc.f32 v61;
	[tilespmem:$0x18500] =	vst v63  }
0xab: {  	v25 =	vnsel vm4, $0x7F, v25;
	vm4 =	vmand vm3, vm6;
	v24 =	vcvt.f32.s32 v24  }
0xac: {  	[tilespmem:s22], [sflag:$0x1] =	stream.indirect_vreg.gather [hbm4b:s1+s5], $0x80, v28, vm2, $0xb8;
	vm4 =	vmand vm5, vm4;
	v28 =	vmul.f32 v62, v18;
	v26 =	vsel vm1, v29, v27;
	[tilespmem:$0x18500] =	vst v63  }
0xad: {  	v27 =	vsel vm1, v31, v25;
	v26 =	vmul.f32 v26, v22;
	v31 =	vcvt.s32.f32 v24  }
0xae: {  	s28 =	simm.s32 $0x300;
	s25 =	simm.s32 $0x310;
	v63 =	vsel vm4, $0x3E800000, v6;
	v25 =	vadd.f32 v30, v17;
	v29 =	vadd.s32 $0x1, v24  }
0xaf: {  	s26 =	simm.s32 $0x180;
	s2 =	simm.s32 $0x4;
	s0 =	simm.s32 $0x180;
	vm4 =	vlt.s32 v29, $0x7F;
	v30 =	vsub.f32 v61, v31;
	v26 =	vmul.f32 v26, v63  }
.LBB2_5:
0xb0: {  	s7 =	smov.u32 s2  }
0xb1: {  	s5 =	scvt.s32.f32 s2;
	v31 =	vmax.f32 v25, $0.0e+00;
	v27 =	vadd.s32 v21, v27;
	s26 =	sadd.s32 $0x10, s26;
	s7 =	sadd.s32 $0x1, s2  }
0xb2: {  	p0 =	sne.s32 s2, $0x6;
	vm5 =	vlt.f32 v23, $1.280000000e+02;
	v31 =	vmin.f32 v31, $1.270000000e+02;
	v32 =	vsub.f32 $1.000000000e+00, v30;
	[tilespmem:s0+$0x0] =	vst v27;
	s0 =	smov.u32 s26  }
0xb3: {  	vm6 =	vgt.f32 v23, $-1.000000000e+00;
	v29 =	vnsel vm4, $0x7F, v29;
	v23 =	vmovc v25;
	s2 =	sadd.f32 $2.500000000e-01, s5;
	v27 =	vtrunc.f32 v31;
	[tilespmem:s28+$0x0] =	vst v26;
	s28 =	smov.u32 s25  }
.Ltmp1:
0xb4: {  	vm4 =	vmand vm3, vm6;
	v25 =	vcvt.f32.s32 v27;
	v26 =	vsel vm1, v32, v30;
	(pc) =	sbr.rel @p0 .LBB2_5-.Ltmp1, $4  }
0xb5: {  	v27 =	vsel vm1, v24, v29;
	v30 =	vadd.f32 s2, v4;
	v26 =	vmul.f32 v26, v22  }
0xb6: {  	vm4 =	vmand vm5, vm4;
	v29 =	vadd.s32 $0x1, v25;
	v32 =	vcvt.s32.f32 v25;
	v24 =	vmovc v25  }
0xb7: {  	v33 =	vsel vm4, $0x3E800000, v6;
	v25 =	vadd.f32 v28, v17;
	v28 =	vmul.f32 v30, v18  }
0xb8: {  	s25 =	sadd.s32 $0x10, s25;
	s2 =	smov.u32 s7;
	vm4 =	vlt.s32 v29, $0x7F;
	v26 =	vmul.f32 v26, v33;
	v30 =	vsub.f32 v31, v32  }
0xb9: {  	v31 =	vmax.f32 v25, $0.0e+00  }
0xba: {  	v31 =	vmin.f32 v31, $1.270000000e+02  }
0xbb: {  	v32 =	vtrunc.f32 v31  }
0xbc: {  	v33 =	vsub.f32 $1.000000000e+00, v30;
	v32 =	vcvt.f32.s32 v32  }
0xbd: {  	vm5 =	vlt.f32 v23, $1.280000000e+02;
	vm6 =	vgt.f32 v23, $-1.000000000e+00;
	v23 =	vadd.f32 v28, v17  }
0xbe: {  	v28 =	vnsel vm4, $0x7F, v29;
	v29 =	vsel vm1, v33, v30;
	v30 =	vcvt.s32.f32 v32  }
0xbf: {  	v27 =	vadd.s32 v21, v27;
	vm4 =	vmand vm3, vm6;
	v58 =	vmax.f32 v23, $0.0e+00  }
0xc0: {  	v24 =	vsel vm1, v24, v28;
	v30 =	vsub.f32 v31, v30;
	v31 =	vmin.f32 v58, $1.270000000e+02  }
0xc1: {  	vm4 =	vmand vm5, vm4;
	v24 =	vadd.s32 v21, v24;
	v35 =	vtrunc.f32 v31  }
0xc2: {  	vm5 =	vlt.f32 v25, $1.280000000e+02;
	v29 =	vmul.f32 v29, v22;
	v35 =	vcvt.f32.s32 v35  }
0xc3: {  	vm6 =	vlt.f32 v23, $1.280000000e+02;
	v34 =	vsel vm4, $0x3E800000, v6;
	v59 =	vadd.s32 $0x1, v32  }
0xc4: {  	vm4 =	vlt.s32 v59, $0x7F;
	v28 =	vmul.f32 v29, v34;
	v60 =	vcvt.s32.f32 v35  }
0xc5: {  	v29 =	vnsel vm4, $0x7F, v59;
	vm4 =	vgt.f32 v25, $-1.000000000e+00;
	v36 =	vsub.f32 $1.000000000e+00, v30  }
0xc6: {  	v29 =	vsel vm1, v32, v29;
	vm4 =	vmand vm3, vm4;
	v25 =	vsub.f32 v31, v60  }
0xc7: {  	vm4 =	vmand vm5, vm4;
	vm5 =	vgt.f32 v23, $-1.000000000e+00;
	v30 =	vsel vm1, v36, v30  }
0xc8: {  	[tilespmem:s0+$0x0] =	vst v27;
	vm3 =	vmand vm3, vm5;
	v30 =	vmul.f32 v30, v22;
	v32 =	vsub.f32 $1.000000000e+00, v25  }
0xc9: {  	s5 =	sadd.s32 $0x10, s26;
	[tilespmem:s28+$0x0] =	vst v26;
	v27 =	vsel vm4, $0x3E800000, v6;
	vm3 =	vmand vm6, vm3;
	v31 =	vadd.s32 $0x1, v35  }
0xca: {  	[tilespmem:s5+$0x0] =	vst v24;
	vm4 =	vlt.s32 v31, $0x7F;
	v26 =	vmul.f32 v30, v27;
	v23 =	vsel vm1, v32, v25  }
0xcb: {  	s0 =	sadd.s32 $0x10, s5;
	[tilespmem:s25+$0x0] =	vst v28;
	v27 =	vadd.s32 v21, v29;
	v24 =	vnsel vm4, $0x7F, v31;
	v22 =	vmul.f32 v23, v22  }
0xcc: {  	s2 =	sadd.s32 $0x10, s25;
	[tilespmem:s0+$0x0] =	vst v27;
	v23 =	vsel vm1, v35, v24;
	v24 =	vsel vm3, $0x3E800000, v6  }
0xcd: {  	s0 =	sadd.s32 $0x10, s0;
	[tilespmem:s2+$0x0] =	vst v26;
	v21 =	vadd.s32 v21, v23;
	v22 =	vmul.f32 v22, v24  }
0xce: {  	s2 =	sadd.s32 $0x10, s2;
	[tilespmem:s0+$0x0] =	vst v21  }
0xcf: {  	[tilespmem:s2+$0x0] =	vst v22  }
0xd0: {  	v21 =	vld [tilespmem:$0x180];
	_ =	sdelay $0x4  }
0xd1: {  	v22 =	vshll.u32 v21, $0x1  }
0xd2: {  	v21 =	vand.u32 $0x7, v21;
	v22 =	vand.u32 $0xFFFFFFF0, v22  }
0xd3: {  	v21 =	vor.u32 v21, v22  }
0xd4: {  	v22 =	vperm.xlane v21, v7;
	_ =	sdelay $0x1  }
0xd5: {  	v21 =	vperm.xlane v21, v9;
	v22 =	vadd.s32 v8, v22;
	_ =	sdelay $0x1  }
0xd6: {  	v21 =	vadd.s32 v8, v21;
	_ =	sdelay $0x1  }
0xd7: {  	s7 =	simm.s32 $0x7400;
	s25 =	simm.s32 $0x0  }
0xd8: {  	[tilespmem:s7], [sflag:$0x2] =	stream.indirect_vreg.gather [hbm4b:s1+s25], $0x80, v22, vm2, $0xb8;
	[tilespmem:$0x18500] =	vst v63  }
0xd9: {  	s26 =	simm.s32 $0x7C00  }
0xda: {  	[tilespmem:s26], [sflag:$0x2] =	stream.indirect_vreg.gather [hbm4b:s1+s25], $0x80, v21, vm2, $0xb8;
	[tilespmem:$0x18500] =	vst v63  }
0xdb: {  	v21 =	vld [tilespmem:$0x190];
	_ =	sdelay $0x4  }
0xdc: {  	v22 =	vshll.u32 v21, $0x1  }
0xdd: {  	v21 =	vand.u32 $0x7, v21;
	v22 =	vand.u32 $0xFFFFFFF0, v22  }
0xde: {  	v21 =	vor.u32 v21, v22  }
0xdf: {  	v22 =	vperm.xlane v21, v7;
	_ =	sdelay $0x1  }
0xe0: {  	v21 =	vperm.xlane v21, v9;
	v22 =	vadd.s32 v8, v22;
	_ =	sdelay $0x1  }
0xe1: {  	v21 =	vadd.s32 v8, v21;
	_ =	sdelay $0x1  }
0xe2: {  	s29 =	simm.s32 $0x8400  }
0xe3: {  	[tilespmem:s29], [sflag:$0x2] =	stream.indirect_vreg.gather [hbm4b:s1+s25], $0x80, v22, vm2, $0xb8;
	[tilespmem:$0x18500] =	vst v63  }
0xe4: {  	s30 =	simm.s32 $0x8C00  }
0xe5: {  	[tilespmem:s30], [sflag:$0x2] =	stream.indirect_vreg.gather [hbm4b:s1+s25], $0x80, v21, vm2, $0xb8;
	[tilespmem:$0x18500] =	vst v63  }
0xe6: {  	v21 =	vld [tilespmem:$0x1A0];
	_ =	sdelay $0x4  }
0xe7: {  	v22 =	vshll.u32 v21, $0x1  }
0xe8: {  	v21 =	vand.u32 $0x7, v21;
	v22 =	vand.u32 $0xFFFFFFF0, v22  }
0xe9: {  	v21 =	vor.u32 v21, v22  }
0xea: {  	v22 =	vperm.xlane v21, v7;
	_ =	sdelay $0x1  }
0xeb: {  	v21 =	vperm.xlane v21, v9;
	v22 =	vadd.s32 v8, v22;
	_ =	sdelay $0x1  }
0xec: {  	v21 =	vadd.s32 v8, v21;
	_ =	sdelay $0x1  }
0xed: {  	s31 =	simm.s32 $0x9400  }
0xee: {  	[tilespmem:s31], [sflag:$0x2] =	stream.indirect_vreg.gather [hbm4b:s1+s25], $0x80, v22, vm2, $0xb8;
	[tilespmem:$0x18500] =	vst v63  }
0xef: {  	s2 =	simm.s32 $0x9C00  }
0xf0: {  	[tilespmem:s2], [sflag:$0x2] =	stream.indirect_vreg.gather [hbm4b:s1+s25], $0x80, v21, vm2, $0xb8;
	[tilespmem:$0x18500] =	vst v63  }
0xf1: {  	v21 =	vld [tilespmem:$0x1B0];
	_ =	sdelay $0x4  }
0xf2: {  	v22 =	vshll.u32 v21, $0x1  }
0xf3: {  	v21 =	vand.u32 $0x7, v21;
	v22 =	vand.u32 $0xFFFFFFF0, v22  }
0xf4: {  	v21 =	vor.u32 v21, v22  }
0xf5: {  	v22 =	vperm.xlane v21, v7;
	_ =	sdelay $0x1  }
0xf6: {  	v21 =	vperm.xlane v21, v9;
	v22 =	vadd.s32 v8, v22;
	_ =	sdelay $0x1  }
0xf7: {  	v21 =	vadd.s32 v8, v21;
	_ =	sdelay $0x1  }
0xf8: {  	s5 =	simm.s32 $0xA400  }
0xf9: {  	[tilespmem:s5], [sflag:$0x2] =	stream.indirect_vreg.gather [hbm4b:s1+s25], $0x80, v22, vm2, $0xb8;
	[tilespmem:$0x18500] =	vst v63  }
0xfa: {  	s7 =	simm.s32 $0xAC00  }
0xfb: {  	[tilespmem:s7], [sflag:$0x2] =	stream.indirect_vreg.gather [hbm4b:s1+s25], $0x80, v21, vm2, $0xb8;
	[tilespmem:$0x18500] =	vst v63  }
0xfc: {  	v21 =	vld [tilespmem:$0x1C0];
	_ =	sdelay $0x4  }
0xfd: {  	v22 =	vshll.u32 v21, $0x1  }
0xfe: {  	v21 =	vand.u32 $0x7, v21;
	v22 =	vand.u32 $0xFFFFFFF0, v22  }
0xff: {  	v21 =	vor.u32 v21, v22  }
0x100: {  	v22 =	vperm.xlane v21, v7;
	_ =	sdelay $0x1  }
0x101: {  	v21 =	vperm.xlane v21, v9;
	v22 =	vadd.s32 v8, v22;
	_ =	sdelay $0x1  }
0x102: {  	v21 =	vadd.s32 v8, v21;
	_ =	sdelay $0x1  }
0x103: {  	s26 =	simm.s32 $0xB400  }
0x104: {  	[tilespmem:s26], [sflag:$0x2] =	stream.indirect_vreg.gather [hbm4b:s1+s25], $0x80, v22, vm2, $0xb8;
	[tilespmem:$0x18500] =	vst v63  }
0x105: {  	s29 =	simm.s32 $0xBC00  }
0x106: {  	[tilespmem:s29], [sflag:$0x2] =	stream.indirect_vreg.gather [hbm4b:s1+s25], $0x80, v21, vm2, $0xb8;
	[tilespmem:$0x18500] =	vst v63  }
0x107: {  	v21 =	vld [tilespmem:$0x1D0];
	_ =	sdelay $0x4  }
0x108: {  	v22 =	vshll.u32 v21, $0x1  }
0x109: {  	v21 =	vand.u32 $0x7, v21;
	v22 =	vand.u32 $0xFFFFFFF0, v22  }
0x10a: {  	v21 =	vor.u32 v21, v22  }
0x10b: {  	v22 =	vperm.xlane v21, v7;
	_ =	sdelay $0x1  }
0x10c: {  	v21 =	vperm.xlane v21, v9;
	v22 =	vadd.s32 v8, v22;
	_ =	sdelay $0x1  }
0x10d: {  	v21 =	vadd.s32 v8, v21;
	_ =	sdelay $0x1  }
0x10e: {  	s30 =	simm.s32 $0xC400  }
0x10f: {  	[tilespmem:s30], [sflag:$0x2] =	stream.indirect_vreg.gather [hbm4b:s1+s25], $0x80, v22, vm2, $0xb8;
	[tilespmem:$0x18500] =	vst v63  }
0x110: {  	s31 =	simm.s32 $0xCC00;
	s2 =	scvt.s32.f32 s25  }
0x111: {  	[tilespmem:s31], [sflag:$0x2] =	stream.indirect_vreg.gather [hbm4b:s1+s25], $0x80, v21, vm2, $0xb8;
	[tilespmem:$0x18500] =	vst v63  }
0x112: {  	s0 =	sadd.f32 $2.500000000e-01, s2;
	v22 =	vmul.f32 v11, v20;
	v21 =	vld [tilespmem:$0x1E0];
	_ =	sdelay $0x1  }
0x113: {  	v24 =	vadd.f32 s0, v4;
	v22 =	vadd.f32 v22, v19;
	_ =	sdelay $0x1  }
0x114: {  	v24 =	vmul.f32 v24, v18;
	v23 =	vmax.f32 v22, $0.0e+00  }
0x115: {  	v23 =	vmin.f32 v23, $1.270000000e+02;
	v25 =	vand.u32 $0x7, v21;
	v21 =	vshll.u32 v21, $0x1  }
0x116: {  	v24 =	vadd.f32 v24, v17;
	s5 =	simm.s32 $0x1;
	v26 =	vtrunc.f32 v23;
	v21 =	vand.u32 $0xFFFFFFF0, v21  }
0x117: {  	s0 =	scvt.s32.f32 s5;
	vm3 =	vgt.f32 v22, $-1.000000000e+00;
	v21 =	vor.u32 v25, v21;
	v25 =	vcvt.f32.s32 v26  }
0x118: {  	vm4 =	vlt.f32 v22, $1.280000000e+02;
	v26 =	vperm.xlane v21, v7;
	v21 =	vperm.xlane v21, v9  }
0x119: {  	s7 =	simm.s32 $0x2;
	s0 =	sadd.f32 $2.500000000e-01, s0;
	vm3 =	vmand vm3, vm4;
	v27 =	vcvt.s32.f32 v25;
	v29 =	vadd.s32 $0x1, v25  }
0x11a: {  	s26 =	scvt.s32.f32 s7;
	v28 =	vadd.s32 v8, v21;
	v21 =	vmax.f32 v24, $0.0e+00;
	vm4 =	vlt.s32 v29, $0x7F  }
0x11b: {  	v23 =	vsub.f32 v23, v27;
	v27 =	vmin.f32 v21, $1.270000000e+02;
	v21 =	vadd.f32 s0, v4  }
0x11c: {  	s0 =	sadd.f32 $2.500000000e-01, s26;
	v29 =	vnsel vm4, $0x7F, v29;
	v22 =	vtrunc.f32 v27  }
0x11d: {  	v30 =	vsub.f32 $1.000000000e+00, v23;
	v31 =	vcvt.f32.s32 v22;
	v21 =	vmul.f32 v21, v18  }
0x11e: {  	s29 =	simm.s32 $0x3;
	v26 =	vadd.s32 v8, v26;
	v25 =	vsel vm0, v25, v29;
	v29 =	vadd.f32 s0, v4  }
0x11f: {  	s0 =	scvt.s32.f32 s29;
	v22 =	vsel vm0, v30, v23;
	v30 =	vcvt.s32.f32 v31;
	v23 =	vadd.f32 v21, v17  }
0x120: {  	vm5 =	vlt.f32 v24, $1.280000000e+02;
	v21 =	vshll.u32 v25, $0x7;
	v25 =	vadd.s32 $0x1, v31  }
0x121: {  	s0 =	sadd.f32 $2.500000000e-01, s0;
	v27 =	vsub.f32 v27, v30;
	v30 =	vmul.f32 v29, v18;
	v29 =	vmax.f32 v23, $0.0e+00  }
0x122: {  	vm6 =	vgt.f32 v24, $-1.000000000e+00;
	s30 =	simm.s32 $0xD400;
	vm4 =	vlt.s32 v25, $0x7F;
	v61 =	vmin.f32 v29, $1.270000000e+02  }
0x123: {  	[tilespmem:s30], [sflag:$0x2] =	stream.indirect_vreg.gather [hbm4b:s1+s25], $0x80, v26, vm2, $0xb8;
	v62 =	vadd.f32 s0, v4;
	v29 =	vsub.f32 $1.000000000e+00, v27;
	v24 =	vtrunc.f32 v61;
	[tilespmem:$0x18500] =	vst v63  }
0x124: {  	s31 =	simm.s32 $0xDC00;
	v25 =	vnsel vm4, $0x7F, v25;
	vm4 =	vmand vm3, vm6;
	v24 =	vcvt.f32.s32 v24  }
0x125: {  	[tilespmem:s31], [sflag:$0x2] =	stream.indirect_vreg.gather [hbm4b:s1+s25], $0x80, v28, vm2, $0xb8;
	vm4 =	vmand vm5, vm4;
	v28 =	vmul.f32 v62, v18;
	v26 =	vsel vm1, v29, v27;
	[tilespmem:$0x18500] =	vst v63  }
0x126: {  	v27 =	vsel vm1, v31, v25;
	v26 =	vmul.f32 v26, v22;
	v31 =	vcvt.s32.f32 v24  }
0x127: {  	s28 =	simm.s32 $0x380;
	s2 =	simm.s32 $0x4;
	v63 =	vsel vm4, $0x3E800000, v6;
	v25 =	vadd.f32 v30, v17;
	v29 =	vadd.s32 $0x1, v24  }
0x128: {  	s26 =	simm.s32 $0x200;
	s25 =	simm.s32 $0x390;
	s0 =	simm.s32 $0x200;
	vm4 =	vlt.s32 v29, $0x7F;
	v30 =	vsub.f32 v61, v31;
	v26 =	vmul.f32 v26, v63  }
.LBB2_7:
0x129: {  	s7 =	smov.u32 s2  }
0x12a: {  	s5 =	scvt.s32.f32 s2;
	v31 =	vmax.f32 v25, $0.0e+00;
	v27 =	vadd.s32 v21, v27;
	s26 =	sadd.s32 $0x10, s26;
	s7 =	sadd.s32 $0x1, s2  }
0x12b: {  	p0 =	sne.s32 s2, $0x6;
	vm5 =	vlt.f32 v23, $1.280000000e+02;
	v31 =	vmin.f32 v31, $1.270000000e+02;
	v32 =	vsub.f32 $1.000000000e+00, v30;
	[tilespmem:s0+$0x0] =	vst v27;
	s0 =	smov.u32 s26  }
0x12c: {  	vm6 =	vgt.f32 v23, $-1.000000000e+00;
	v29 =	vnsel vm4, $0x7F, v29;
	v23 =	vmovc v25;
	s2 =	sadd.f32 $2.500000000e-01, s5;
	v27 =	vtrunc.f32 v31;
	[tilespmem:s28+$0x0] =	vst v26;
	s28 =	smov.u32 s25  }
.Ltmp2:
0x12d: {  	vm4 =	vmand vm3, vm6;
	v25 =	vcvt.f32.s32 v27;
	v26 =	vsel vm1, v32, v30;
	(pc) =	sbr.rel @p0 .LBB2_7-.Ltmp2, $4  }
0x12e: {  	v27 =	vsel vm1, v24, v29;
	v30 =	vadd.f32 s2, v4;
	v26 =	vmul.f32 v26, v22  }
0x12f: {  	vm4 =	vmand vm5, vm4;
	v29 =	vadd.s32 $0x1, v25;
	v32 =	vcvt.s32.f32 v25;
	v24 =	vmovc v25  }
0x130: {  	v33 =	vsel vm4, $0x3E800000, v6;
	v25 =	vadd.f32 v28, v17;
	v28 =	vmul.f32 v30, v18  }
0x131: {  	s25 =	sadd.s32 $0x10, s25;
	s2 =	smov.u32 s7;
	vm4 =	vlt.s32 v29, $0x7F;
	v26 =	vmul.f32 v26, v33;
	v30 =	vsub.f32 v31, v32  }
0x132: {  	v31 =	vmax.f32 v25, $0.0e+00;
	vm5 =	vlt.f32 v23, $1.280000000e+02  }
0x133: {  	vm6 =	vgt.f32 v23, $-1.000000000e+00;
	v23 =	vadd.f32 v28, v17;
	v48 =	vnsel vm4, $0x7F, v29  }
0x134: {  	v27 =	vadd.s32 v21, v27;
	vm11 =	vgt.f32 v25, $-1.000000000e+00;
	vm12 =	vlt.f32 v25, $1.280000000e+02  }
0x135: {  	v31 =	vmin.f32 v31, $1.270000000e+02;
	v33 =	vsub.f32 $1.000000000e+00, v30;
	vm9 =	vmand vm3, vm6  }
0x136: {  	v24 =	vsel vm1, v24, v48;
	v32 =	vtrunc.f32 v31;
	v51 =	vmax.f32 v23, $0.0e+00  }
0x137: {  	vm4 =	vmand vm5, vm9;
	v32 =	vcvt.f32.s32 v32;
	v52 =	vmin.f32 v51, $1.270000000e+02  }
0x138: {  	v24 =	vadd.s32 v21, v24;
	vm14 =	vgt.f32 v23, $-1.000000000e+00;
	v35 =	vtrunc.f32 v52  }
0x139: {  	vm15 =	vlt.f32 v23, $1.280000000e+02;
	v50 =	vcvt.s32.f32 v32;
	v35 =	vcvt.f32.s32 v35  }
0x13a: {  	v49 =	vsel vm1, v33, v30;
	v34 =	vsel vm4, $0x3E800000, v6;
	vm4 =	vmand vm3, vm11  }
0x13b: {  	vm3 =	vmand vm3, vm14;
	v30 =	vsub.f32 v31, v50;
	v56 =	vcvt.s32.f32 v35  }
0x13c: {  	v29 =	vmul.f32 v49, v22;
	vm4 =	vmand vm12, vm4;
	v53 =	vadd.s32 $0x1, v32  }
0x13d: {  	vm10 =	vlt.s32 v53, $0x7F;
	v36 =	vsub.f32 $1.000000000e+00, v30;
	v57 =	vsub.f32 v52, v56  }
0x13e: {  	vm3 =	vmand vm15, vm3;
	v54 =	vmul.f32 v29, v34;
	v55 =	vnsel vm10, $0x7F, v53  }
0x13f: {  	[tilespmem:s0+$0x0] =	vst v27;
	v29 =	vsel vm1, v32, v55;
	v30 =	vsel vm1, v36, v30;
	v32 =	vsub.f32 $1.000000000e+00, v57  }
0x140: {  	s2 =	sadd.s32 $0x10, s26;
	[tilespmem:s28+$0x0] =	vst v26;
	v59 =	vsel vm4, $0x3E800000, v6;
	v58 =	vadd.s32 $0x1, v35;
	v30 =	vmul.f32 v30, v22  }
0x141: {  	[tilespmem:s2+$0x0] =	vst v24;
	vm13 =	vlt.s32 v58, $0x7F;
	v61 =	vadd.s32 v21, v29;
	v23 =	vsel vm1, v32, v57  }
0x142: {  	s0 =	sadd.s32 $0x10, s2;
	[tilespmem:s25+$0x0] =	vst v54;
	v62 =	vnsel vm13, $0x7F, v58;
	v60 =	vmul.f32 v30, v59;
	v22 =	vmul.f32 v23, v22  }
0x143: {  	s2 =	sadd.s32 $0x10, s25;
	v63 =	vsel vm3, $0x3E800000, v6;
	[tilespmem:s0+$0x0] =	vst v61;
	v23 =	vsel vm1, v35, v62  }
0x144: {  	s0 =	sadd.s32 $0x10, s0;
	v21 =	vadd.s32 v21, v23;
	[tilespmem:s2+$0x0] =	vst v60;
	v22 =	vmul.f32 v22, v63  }
0x145: {  	s2 =	sadd.s32 $0x10, s2;
	[tilespmem:s0+$0x0] =	vst v21  }
0x146: {  	[tilespmem:s2+$0x0] =	vst v22  }
0x147: {  	v21 =	vld [tilespmem:$0x200];
	_ =	sdelay $0x4  }
0x148: {  	v22 =	vshll.u32 v21, $0x1  }
0x149: {  	v21 =	vand.u32 $0x7, v21;
	v22 =	vand.u32 $0xFFFFFFF0, v22  }
0x14a: {  	v21 =	vor.u32 v21, v22  }
0x14b: {  	v22 =	vperm.xlane v21, v7;
	_ =	sdelay $0x1  }
0x14c: {  	v21 =	vperm.xlane v21, v9;
	v22 =	vadd.s32 v8, v22;
	_ =	sdelay $0x1  }
0x14d: {  	v21 =	vadd.s32 v8, v21;
	_ =	sdelay $0x1  }
0x14e: {  	s5 =	simm.s32 $0xE400;
	s25 =	simm.s32 $0x0  }
0x14f: {  	[tilespmem:s5], [sflag:$0x3] =	stream.indirect_vreg.gather [hbm4b:s1+s25], $0x80, v22, vm2, $0xb8;
	[tilespmem:$0x18500] =	vst v63  }
0x150: {  	s7 =	simm.s32 $0xEC00  }
0x151: {  	[tilespmem:s7], [sflag:$0x3] =	stream.indirect_vreg.gather [hbm4b:s1+s25], $0x80, v21, vm2, $0xb8;
	[tilespmem:$0x18500] =	vst v63  }
0x152: {  	v21 =	vld [tilespmem:$0x210];
	_ =	sdelay $0x4  }
0x153: {  	v22 =	vshll.u32 v21, $0x1  }
0x154: {  	v21 =	vand.u32 $0x7, v21;
	v22 =	vand.u32 $0xFFFFFFF0, v22  }
0x155: {  	v21 =	vor.u32 v21, v22  }
0x156: {  	v22 =	vperm.xlane v21, v7;
	_ =	sdelay $0x1  }
0x157: {  	v21 =	vperm.xlane v21, v9;
	v22 =	vadd.s32 v8, v22;
	_ =	sdelay $0x1  }
0x158: {  	v21 =	vadd.s32 v8, v21;
	_ =	sdelay $0x1  }
0x159: {  	s26 =	simm.s32 $0xF400  }
0x15a: {  	[tilespmem:s26], [sflag:$0x3] =	stream.indirect_vreg.gather [hbm4b:s1+s25], $0x80, v22, vm2, $0xb8;
	[tilespmem:$0x18500] =	vst v63  }
0x15b: {  	s29 =	simm.s32 $0xFC00  }
0x15c: {  	[tilespmem:s29], [sflag:$0x3] =	stream.indirect_vreg.gather [hbm4b:s1+s25], $0x80, v21, vm2, $0xb8;
	[tilespmem:$0x18500] =	vst v63  }
0x15d: {  	v21 =	vld [tilespmem:$0x220];
	_ =	sdelay $0x4  }
0x15e: {  	v22 =	vshll.u32 v21, $0x1  }
0x15f: {  	v21 =	vand.u32 $0x7, v21;
	v22 =	vand.u32 $0xFFFFFFF0, v22  }
0x160: {  	v21 =	vor.u32 v21, v22  }
0x161: {  	v22 =	vperm.xlane v21, v7;
	_ =	sdelay $0x1  }
0x162: {  	v21 =	vperm.xlane v21, v9;
	v22 =	vadd.s32 v8, v22;
	_ =	sdelay $0x1  }
0x163: {  	v21 =	vadd.s32 v8, v21;
	_ =	sdelay $0x1  }
0x164: {  	s30 =	simm.s32 $0x10400  }
0x165: {  	[tilespmem:s30], [sflag:$0x3] =	stream.indirect_vreg.gather [hbm4b:s1+s25], $0x80, v22, vm2, $0xb8;
	[tilespmem:$0x18500] =	vst v63  }
0x166: {  	s31 =	simm.s32 $0x10C00  }
0x167: {  	[tilespmem:s31], [sflag:$0x3] =	stream.indirect_vreg.gather [hbm4b:s1+s25], $0x80, v21, vm2, $0xb8;
	[tilespmem:$0x18500] =	vst v63  }
0x168: {  	v21 =	vld [tilespmem:$0x230];
	_ =	sdelay $0x4  }
0x169: {  	v22 =	vshll.u32 v21, $0x1  }
0x16a: {  	v21 =	vand.u32 $0x7, v21;
	v22 =	vand.u32 $0xFFFFFFF0, v22  }
0x16b: {  	v21 =	vor.u32 v21, v22  }
0x16c: {  	v22 =	vperm.xlane v21, v7;
	_ =	sdelay $0x1  }
0x16d: {  	v21 =	vperm.xlane v21, v9;
	v22 =	vadd.s32 v8, v22;
	_ =	sdelay $0x1  }
0x16e: {  	v21 =	vadd.s32 v8, v21;
	_ =	sdelay $0x1  }
0x16f: {  	s2 =	simm.s32 $0x11400  }
0x170: {  	[tilespmem:s2], [sflag:$0x3] =	stream.indirect_vreg.gather [hbm4b:s1+s25], $0x80, v22, vm2, $0xb8;
	[tilespmem:$0x18500] =	vst v63  }
0x171: {  	s5 =	simm.s32 $0x11C00  }
0x172: {  	[tilespmem:s5], [sflag:$0x3] =	stream.indirect_vreg.gather [hbm4b:s1+s25], $0x80, v21, vm2, $0xb8;
	[tilespmem:$0x18500] =	vst v63  }
0x173: {  	v21 =	vld [tilespmem:$0x240];
	_ =	sdelay $0x4  }
0x174: {  	v22 =	vshll.u32 v21, $0x1  }
0x175: {  	v21 =	vand.u32 $0x7, v21;
	v22 =	vand.u32 $0xFFFFFFF0, v22  }
0x176: {  	v21 =	vor.u32 v21, v22  }
0x177: {  	v22 =	vperm.xlane v21, v7;
	_ =	sdelay $0x1  }
0x178: {  	v21 =	vperm.xlane v21, v9;
	v22 =	vadd.s32 v8, v22;
	_ =	sdelay $0x1  }
0x179: {  	v21 =	vadd.s32 v8, v21;
	_ =	sdelay $0x1  }
0x17a: {  	s7 =	simm.s32 $0x12400  }
0x17b: {  	[tilespmem:s7], [sflag:$0x3] =	stream.indirect_vreg.gather [hbm4b:s1+s25], $0x80, v22, vm2, $0xb8;
	[tilespmem:$0x18500] =	vst v63  }
0x17c: {  	s26 =	simm.s32 $0x12C00  }
0x17d: {  	[tilespmem:s26], [sflag:$0x3] =	stream.indirect_vreg.gather [hbm4b:s1+s25], $0x80, v21, vm2, $0xb8;
	[tilespmem:$0x18500] =	vst v63  }
0x17e: {  	v21 =	vld [tilespmem:$0x250];
	_ =	sdelay $0x4  }
0x17f: {  	v22 =	vshll.u32 v21, $0x1  }
0x180: {  	v21 =	vand.u32 $0x7, v21;
	v22 =	vand.u32 $0xFFFFFFF0, v22  }
0x181: {  	v21 =	vor.u32 v21, v22  }
0x182: {  	v22 =	vperm.xlane v21, v7;
	_ =	sdelay $0x1  }
0x183: {  	v21 =	vperm.xlane v21, v9;
	v22 =	vadd.s32 v8, v22;
	_ =	sdelay $0x1  }
0x184: {  	v21 =	vadd.s32 v8, v21;
	_ =	sdelay $0x1  }
0x185: {  	s29 =	simm.s32 $0x13400  }
0x186: {  	[tilespmem:s29], [sflag:$0x3] =	stream.indirect_vreg.gather [hbm4b:s1+s25], $0x80, v22, vm2, $0xb8;
	[tilespmem:$0x18500] =	vst v63  }
0x187: {  	s30 =	simm.s32 $0x13C00  }
0x188: {  	[tilespmem:s30], [sflag:$0x3] =	stream.indirect_vreg.gather [hbm4b:s1+s25], $0x80, v21, vm2, $0xb8;
	[tilespmem:$0x18500] =	vst v63  }
0x189: {  	v21 =	vld [tilespmem:$0x260];
	_ =	sdelay $0x4  }
0x18a: {  	v22 =	vshll.u32 v21, $0x1  }
0x18b: {  	v21 =	vand.u32 $0x7, v21;
	v22 =	vand.u32 $0xFFFFFFF0, v22  }
0x18c: {  	v21 =	vor.u32 v21, v22  }
0x18d: {  	v22 =	vperm.xlane v21, v7;
	_ =	sdelay $0x1  }
0x18e: {  	v21 =	vperm.xlane v21, v9;
	v22 =	vadd.s32 v8, v22;
	_ =	sdelay $0x1  }
0x18f: {  	v21 =	vadd.s32 v8, v21;
	_ =	sdelay $0x1  }
0x190: {  	s31 =	simm.s32 $0x14400  }
0x191: {  	[tilespmem:s31], [sflag:$0x3] =	stream.indirect_vreg.gather [hbm4b:s1+s25], $0x80, v22, vm2, $0xb8;
	[tilespmem:$0x18500] =	vst v63  }
0x192: {  	_ = 	snop  }
0x193: {  	[tilespmem:s3], [sflag:$0x3] =	stream.indirect_vreg.gather [hbm4b:s1+s25], $0x80, v21, vm2, $0xb8;
	[tilespmem:$0x18500] =	vst v63  }
0x194: {  	_ =	swait.ge [sflag:s4], $0x7000  }
0x195: {  	[sflag:s4] =	ssyncset.done $0x0  }
0x196: {  	s28 =	simm.s32 $0x0;
	s26 =	simm.s32 $0x0;
	[sflag:s4] =	ssyncadd.s32 $0xFFFF9000  }
.LBB2_9:
0x197: {  	s0 =	sshll.u32 s28, $0x4;
	s2 =	sand.u32 $0x7800, s26;
	s5 =	sand.u32 $0x380, s25  }
0x198: {  	v25 =	vld [tilespmem:s0+$0x280];
	s29 =	sor.u32 s5, s2  }
0x199: {  	v21 =	vld [tilespmem:s29+$0x870]  }
0x19a: {  	v23 =	vld [tilespmem:s29+$0x400]  }
0x19b: {  	v24 =	vld [tilespmem:s29+$0x410]  }
0x19c: {  	v26 =	vld [tilespmem:s29+$0x420]  }
0x19d: {  	v36 =	vld [tilespmem:s29+$0x470]  }
0x19e: {  	v22 =	vmov s25;
	v37 =	vld [tilespmem:s29+$0x800]  }
0x19f: {  	v27 =	vld [tilespmem:s29+$0x430];
	v22 =	vperm.xlane v25, v22  }
0x1a0: {  	v28 =	vld [tilespmem:s29+$0x440]  }
0x1a1: {  	v33 =	vimm.f32 $0.0e+00;
	v29 =	vld [tilespmem:s29+$0x450];
	v21 =	vmul.f32 v21, v22  }
0x1a2: {  	v38 =	vimm.f32 $0.0e+00;
	v31 =	vld [tilespmem:s29+$0x460];
	v23 =	vmul.f32 v23, v22;
	v24 =	vmul.f32 v24, v22  }
0x1a3: {  	v44 =	vmul.f32 v36, v22;
	v45 =	vmul.f32 v37, v22;
	v37 =	vimm.f32 $0.0e+00  }
0x1a4: {  	v36 =	vimm.f32 $0.0e+00;
	v21 =	vadd.f32 v21, v33;
	v35 =	vadd.f32 v23, v33  }
0x1a5: {  	v43 =	vld [tilespmem:s29+$0x810];
	v23 =	vmul.f32 v26, v22;
	v26 =	vmul.f32 v27, v22;
	v34 =	vadd.f32 v24, v33  }
0x1a6: {  	v42 =	vld [tilespmem:s29+$0x820];
	v24 =	vmul.f32 v28, v22;
	v27 =	vmul.f32 v29, v22;
	v28 =	vimm.f32 $0.0e+00  }
0x1a7: {  	v39 =	vld [tilespmem:s29+$0x830];
	v32 =	vadd.f32 v23, v33;
	v30 =	vadd.f32 v26, v33;
	v23 =	vmul.f32 v31, v22  }
0x1a8: {  	s30 =	simm.s32 $0x1;
	s31 =	simm.s32 $0x80;
	s0 =	sadd.s32 $0x100, s26;
	v40 =	vld [tilespmem:s29+$0x840];
	v29 =	vadd.f32 v24, v33;
	v27 =	vadd.f32 v27, v33;
	v31 =	vimm.f32 $0.0e+00  }
0x1a9: {  	s7 =	sand.u32 $0x380, s31;
	s2 =	simm.s32 $0x2;
	s5 =	sand.u32 $0x7800, s0;
	v41 =	vld [tilespmem:s29+$0x850];
	v24 =	vimm.f32 $0.0e+00;
	v26 =	vadd.f32 v23, v33;
	v23 =	vimm.f32 $0.0e+00  }
.LBB2_10:
0x1aa: {  	p0 =	sne.s32 s2, $0xF;
	v33 =	vadd.f32 v44, v33;
	v43 =	vmul.f32 v43, v22;
	v44 =	vld [tilespmem:s29+$0x860];
	s29 =	sor.u32 s7, s5  }
0x1ab: {  	v46 =	vld [tilespmem:s29+$0x870];
	v38 =	vadd.f32 v45, v38;
	v42 =	vmul.f32 v42, v22  }
0x1ac: {  	v45 =	vld [tilespmem:s29+$0x400];
	v37 =	vadd.f32 v43, v37;
	v39 =	vmul.f32 v39, v22  }
0x1ad: {  	v43 =	vmov s30;
	s30 =	smov.u32 s2;
	v47 =	vld [tilespmem:s29+$0x410];
	v36 =	vadd.f32 v42, v36;
	v40 =	vmul.f32 v40, v22  }
0x1ae: {  	v42 =	vperm.xlane v25, v43;
	v43 =	vld [tilespmem:s29+$0x420];
	v31 =	vadd.f32 v39, v31;
	v39 =	vmul.f32 v41, v22  }
0x1af: {  	v41 =	vld [tilespmem:s29+$0x430];
	v28 =	vadd.f32 v40, v28;
	v40 =	vmul.f32 v44, v22  }
0x1b0: {  	v22 =	vmov v42;
	v44 =	vld [tilespmem:s29+$0x440];
	v46 =	vmul.f32 v46, v42;
	v24 =	vadd.f32 v39, v24  }
0x1b1: {  	v39 =	vmul.f32 v45, v22;
	v42 =	vld [tilespmem:s29+$0x450];
	v23 =	vadd.f32 v40, v23  }
0x1b2: {  	v40 =	vmul.f32 v47, v22;
	v45 =	vld [tilespmem:s29+$0x460];
	v21 =	vadd.f32 v46, v21  }
0x1b3: {  	v35 =	vadd.f32 v39, v35;
	v39 =	vmul.f32 v43, v22;
	v46 =	vld [tilespmem:s29+$0x470]  }
0x1b4: {  	v34 =	vadd.f32 v40, v34;
	v40 =	vmul.f32 v41, v22;
	v41 =	vld [tilespmem:s29+$0x800]  }
.Ltmp3:
0x1b5: {  	v32 =	vadd.f32 v39, v32;
	v39 =	vmul.f32 v44, v22;
	v43 =	vld [tilespmem:s29+$0x810];
	(pc) =	sbr.rel @p0 .LBB2_10-.Ltmp3, $4  }
0x1b6: {  	v30 =	vadd.f32 v40, v30;
	v40 =	vmul.f32 v42, v22;
	v42 =	vld [tilespmem:s29+$0x820]  }
0x1b7: {  	v29 =	vadd.f32 v39, v29;
	v45 =	vmul.f32 v45, v22;
	v39 =	vld [tilespmem:s29+$0x830]  }
0x1b8: {  	s31 =	sadd.s32 $0x80, s31;
	s0 =	sadd.s32 $0x100, s0;
	v27 =	vadd.f32 v40, v27;
	v44 =	vmul.f32 v46, v22;
	v40 =	vld [tilespmem:s29+$0x840]  }
0x1b9: {  	s5 =	sand.u32 $0x7800, s0;
	s7 =	sand.u32 $0x380, s31;
	s2 =	sadd.s32 $0x1, s2;
	v26 =	vadd.f32 v45, v26;
	v45 =	vmul.f32 v41, v22;
	v41 =	vld [tilespmem:s29+$0x850]  }
0x1ba: {  	s0 =	sor.u32 s7, s5;
	v46 =	vld [tilespmem:s29+$0x860]  }
0x1bb: {  	v47 =	vld [tilespmem:s0+$0x870]  }
0x1bc: {  	v48 =	vld [tilespmem:s0+$0x400]  }
0x1bd: {  	v49 =	vld [tilespmem:s0+$0x410]  }
0x1be: {  	v50 =	vld [tilespmem:s0+$0x420]  }
0x1bf: {  	v51 =	vld [tilespmem:s0+$0x430]  }
0x1c0: {  	v52 =	vld [tilespmem:s0+$0x440]  }
0x1c1: {  	v53 =	vld [tilespmem:s0+$0x450]  }
0x1c2: {  	v54 =	vld [tilespmem:s0+$0x460]  }
0x1c3: {  	v56 =	vmov s30;
	v55 =	vld [tilespmem:s0+$0x470]  }
0x1c4: {  	v57 =	vld [tilespmem:s0+$0x800];
	v25 =	vperm.xlane v25, v56  }
0x1c5: {  	v56 =	vld [tilespmem:s0+$0x810]  }
0x1c6: {  	v58 =	vld [tilespmem:s0+$0x820];
	v48 =	vmul.f32 v48, v25  }
0x1c7: {  	v33 =	vadd.f32 v44, v33;
	v59 =	vld [tilespmem:s0+$0x830];
	v61 =	vmul.f32 v49, v25  }
0x1c8: {  	s2 =	sshll.u32 s28, $0x8;
	v43 =	vmul.f32 v43, v22;
	v49 =	vld [tilespmem:s0+$0x840];
	v62 =	vmul.f32 v50, v25;
	v35 =	vadd.f32 v48, v35  }
0x1c9: {  	v38 =	vadd.f32 v45, v38;
	s31 =	sand.u32 $0x3FFFFF00, s2;
	v63 =	vmul.f32 v51, v25;
	v50 =	vld [tilespmem:s0+$0x860];
	v34 =	vadd.f32 v61, v34  }
0x1ca: {  	v37 =	vadd.f32 v43, v37;
	v60 =	vmul.f32 v52, v25;
	v48 =	vld [tilespmem:s0+$0x850];
	v32 =	vadd.f32 v62, v32;
	[tilespmem:s31+$0x15400] =	vst v35  }
0x1cb: {  	v43 =	vmul.f32 v40, v22;
	v44 =	vmul.f32 v57, v25;
	v30 =	vadd.f32 v63, v30;
	[tilespmem:s31+$0x15410] =	vst v34  }
0x1cc: {  	v51 =	vmul.f32 v42, v22;
	v52 =	vmul.f32 v56, v25;
	v29 =	vadd.f32 v60, v29;
	[tilespmem:s31+$0x15420] =	vst v32  }
0x1cd: {  	v61 =	vmul.f32 v53, v25;
	v62 =	vmul.f32 v54, v25;
	v54 =	vadd.f32 v44, v38;
	[tilespmem:s31+$0x15430] =	vst v30  }
0x1ce: {  	v42 =	vmul.f32 v55, v25;
	v55 =	vmul.f32 v58, v25;
	v57 =	vadd.f32 v52, v37;
	[tilespmem:s31+$0x15440] =	vst v29  }
0x1cf: {  	v58 =	vmul.f32 v59, v25;
	v63 =	vmul.f32 v39, v22;
	v27 =	vadd.f32 v61, v27;
	[tilespmem:s31+$0x15480] =	vst v54  }
0x1d0: {  	v53 =	vmul.f32 v41, v22;
	v35 =	vadd.f32 v51, v36;
	v26 =	vadd.f32 v62, v26;
	[tilespmem:s31+$0x15490] =	vst v57  }
0x1d1: {  	v22 =	vmul.f32 v46, v22;
	v45 =	vadd.f32 v63, v31;
	v51 =	vadd.f32 v42, v33;
	[tilespmem:s31+$0x15450] =	vst v27  }
0x1d2: {  	v56 =	vadd.f32 v43, v28;
	v60 =	vmul.f32 v49, v25;
	[tilespmem:s31+$0x15460] =	vst v26;
	v59 =	vadd.f32 v55, v35  }
0x1d3: {  	s28 =	sadd.s32 $0x1, s28;
	v22 =	vadd.f32 v22, v23;
	v63 =	vmul.f32 v50, v25;
	[tilespmem:s31+$0x15470] =	vst v51;
	v61 =	vadd.f32 v58, v45  }
0x1d4: {  	p0 =	seq.s32 s28, $0x7;
	v24 =	vadd.f32 v53, v24;
	v62 =	vmul.f32 v48, v25;
	v23 =	vadd.f32 v60, v56;
	[tilespmem:s31+$0x154A0] =	vst v59  }
.Ltmp4:
0x1d5: {  	v25 =	vmul.f32 v47, v25;
	v22 =	vadd.f32 v63, v22;
	[tilespmem:s31+$0x154B0] =	vst v61;
	(pc) =	sbr.rel @!p0 .LBB2_9-.Ltmp4, $4  }
0x1d6: {  	v24 =	vadd.f32 v62, v24;
	[tilespmem:s31+$0x154C0] =	vst v23  }
0x1d7: {  	v21 =	vadd.f32 v25, v21;
	[tilespmem:s31+$0x154E0] =	vst v22  }
0x1d8: {  	[tilespmem:s31+$0x154D0] =	vst v24  }
0x1d9: {  	s26 =	sadd.s32 $0x1000, s26;
	[tilespmem:s31+$0x154F0] =	vst v21  }
0x1da: {  	v21 =	vmul.f32 v12, v20;
	_ =	sdelay $0x1  }
0x1db: {  	v21 =	vadd.f32 v21, v19;
	_ =	sdelay $0x1  }
0x1dc: {  	v22 =	vmax.f32 v21, $0.0e+00  }
0x1dd: {  	v22 =	vmin.f32 v22, $1.270000000e+02  }
0x1de: {  	v23 =	vtrunc.f32 v22  }
0x1df: {  	v23 =	vcvt.f32.s32 v23  }
0x1e0: {  	s0 =	simm.s32 $0x0  }
0x1e1: {  	s0 =	scvt.s32.f32 s0;
	v24 =	vcvt.s32.f32 v23;
	v25 =	vadd.s32 $0x1, v23  }
0x1e2: {  	vm3 =	vlt.s32 v25, $0x7F  }
0x1e3: {  	s0 =	sadd.f32 $2.500000000e-01, s0;
	v22 =	vsub.f32 v22, v24;
	v24 =	vnsel vm3, $0x7F, v25  }
0x1e4: {  	vm4 =	vlt.f32 v21, $1.280000000e+02;
	v23 =	vsel vm0, v23, v24  }
0x1e5: {  	vm3 =	vgt.f32 v21, $-1.000000000e+00;
	v21 =	vshll.u32 v23, $0x7;
	v23 =	vadd.f32 s0, v4;
	_ =	sdelay $0x1  }
0x1e6: {  	s29 =	simm.s32 $0x1;
	v23 =	vmul.f32 v23, v18  }
0x1e7: {  	s0 =	scvt.s32.f32 s29  }
0x1e8: {  	v24 =	vadd.f32 v23, v17  }
0x1e9: {  	v25 =	vsub.f32 $1.000000000e+00, v22;
	s0 =	sadd.f32 $2.500000000e-01, s0  }
0x1ea: {  	v23 =	vmax.f32 v24, $0.0e+00  }
0x1eb: {  	s2 =	simm.s32 $0x2;
	v22 =	vsel vm0, v25, v22;
	v25 =	vmin.f32 v23, $1.270000000e+02;
	v23 =	vadd.f32 s0, v4  }
0x1ec: {  	s30 =	scvt.s32.f32 s2;
	v26 =	vtrunc.f32 v25  }
0x1ed: {  	v26 =	vcvt.f32.s32 v26;
	v23 =	vmul.f32 v23, v18  }
0x1ee: {  	vm3 =	vmand vm3, vm4;
	s0 =	sadd.f32 $2.500000000e-01, s30  }
0x1ef: {  	vm5 =	vlt.f32 v24, $1.280000000e+02;
	v27 =	vcvt.s32.f32 v26;
	v23 =	vadd.f32 v23, v17  }
0x1f0: {  	s31 =	simm.s32 $0x3;
	vm6 =	vgt.f32 v24, $-1.000000000e+00;
	v28 =	vadd.f32 s0, v4;
	v29 =	vadd.s32 $0x1, v26  }
0x1f1: {  	s0 =	scvt.s32.f32 s31;
	vm4 =	vlt.s32 v29, $0x7F;
	v25 =	vsub.f32 v25, v27;
	v27 =	vmax.f32 v23, $0.0e+00  }
0x1f2: {  	v30 =	vmul.f32 v28, v18;
	v29 =	vnsel vm4, $0x7F, v29;
	v31 =	vmin.f32 v27, $1.270000000e+02  }
0x1f3: {  	s0 =	sadd.f32 $2.500000000e-01, s0;
	vm4 =	vmand vm3, vm6;
	v27 =	vsub.f32 $1.000000000e+00, v25;
	v28 =	vtrunc.f32 v31  }
0x1f4: {  	vm4 =	vmand vm5, vm4;
	v24 =	vcvt.f32.s32 v28  }
0x1f5: {  	v33 =	vsel vm4, $0x3E800000, v6;
	v28 =	vadd.f32 s0, v4;
	v25 =	vsel vm1, v27, v25  }
0x1f6: {  	v27 =	vsel vm1, v26, v29;
	v26 =	vmul.f32 v25, v22;
	v32 =	vcvt.s32.f32 v24  }
0x1f7: {  	s25 =	simm.s32 $0x100;
	s26 =	simm.s32 $0x280;
	v29 =	vadd.s32 $0x1, v24;
	v28 =	vmul.f32 v28, v18;
	v25 =	vadd.f32 v30, v17  }
0x1f8: {  	s28 =	simm.s32 $0x290;
	s2 =	simm.s32 $0x4;
	s0 =	simm.s32 $0x100;
	vm4 =	vlt.s32 v29, $0x7F;
	v30 =	vsub.f32 v31, v32;
	v26 =	vmul.f32 v26, v33  }
.LBB2_13:
0x1f9: {  	s7 =	smov.u32 s2  }
0x1fa: {  	s5 =	scvt.s32.f32 s2;
	v31 =	vmax.f32 v25, $0.0e+00;
	v27 =	vadd.s32 v21, v27;
	s25 =	sadd.s32 $0x10, s25;
	s7 =	sadd.s32 $0x1, s2  }
0x1fb: {  	p0 =	sne.s32 s2, $0x6;
	vm5 =	vlt.f32 v23, $1.280000000e+02;
	v31 =	vmin.f32 v31, $1.270000000e+02;
	v32 =	vsub.f32 $1.000000000e+00, v30;
	[tilespmem:s0+$0x0] =	vst v27;
	s0 =	smov.u32 s25  }
0x1fc: {  	vm6 =	vgt.f32 v23, $-1.000000000e+00;
	v29 =	vnsel vm4, $0x7F, v29;
	v23 =	vmovc v25;
	s2 =	sadd.f32 $2.500000000e-01, s5;
	v27 =	vtrunc.f32 v31;
	[tilespmem:s26+$0x0] =	vst v26;
	s26 =	smov.u32 s28  }
.Ltmp5:
0x1fd: {  	vm4 =	vmand vm3, vm6;
	v25 =	vcvt.f32.s32 v27;
	v26 =	vsel vm1, v32, v30;
	(pc) =	sbr.rel @p0 .LBB2_13-.Ltmp5, $4  }
0x1fe: {  	v27 =	vsel vm1, v24, v29;
	v30 =	vadd.f32 s2, v4;
	v26 =	vmul.f32 v26, v22  }
0x1ff: {  	vm4 =	vmand vm5, vm4;
	v29 =	vadd.s32 $0x1, v25;
	v32 =	vcvt.s32.f32 v25;
	v24 =	vmovc v25  }
0x200: {  	v33 =	vsel vm4, $0x3E800000, v6;
	v25 =	vadd.f32 v28, v17;
	v28 =	vmul.f32 v30, v18  }
0x201: {  	s28 =	sadd.s32 $0x10, s28;
	s2 =	smov.u32 s7;
	vm4 =	vlt.s32 v29, $0x7F;
	v26 =	vmul.f32 v26, v33;
	v30 =	vsub.f32 v31, v32  }
0x202: {  	v31 =	vmax.f32 v25, $0.0e+00;
	vm5 =	vlt.f32 v23, $1.280000000e+02  }
0x203: {  	vm6 =	vgt.f32 v23, $-1.000000000e+00;
	v23 =	vadd.f32 v28, v17;
	v48 =	vnsel vm4, $0x7F, v29  }
0x204: {  	v27 =	vadd.s32 v21, v27;
	vm11 =	vgt.f32 v25, $-1.000000000e+00;
	vm12 =	vlt.f32 v25, $1.280000000e+02  }
0x205: {  	v31 =	vmin.f32 v31, $1.270000000e+02;
	v33 =	vsub.f32 $1.000000000e+00, v30;
	vm9 =	vmand vm3, vm6  }
0x206: {  	v24 =	vsel vm1, v24, v48;
	v32 =	vtrunc.f32 v31;
	v51 =	vmax.f32 v23, $0.0e+00  }
0x207: {  	vm4 =	vmand vm5, vm9;
	v32 =	vcvt.f32.s32 v32;
	v52 =	vmin.f32 v51, $1.270000000e+02  }
0x208: {  	v24 =	vadd.s32 v21, v24;
	vm14 =	vgt.f32 v23, $-1.000000000e+00;
	v35 =	vtrunc.f32 v52  }
0x209: {  	vm15 =	vlt.f32 v23, $1.280000000e+02;
	v50 =	vcvt.s32.f32 v32;
	v35 =	vcvt.f32.s32 v35  }
0x20a: {  	v49 =	vsel vm1, v33, v30;
	v34 =	vsel vm4, $0x3E800000, v6;
	vm4 =	vmand vm3, vm11  }
0x20b: {  	vm3 =	vmand vm3, vm14;
	v30 =	vsub.f32 v31, v50;
	v56 =	vcvt.s32.f32 v35  }
0x20c: {  	v29 =	vmul.f32 v49, v22;
	vm4 =	vmand vm12, vm4;
	v53 =	vadd.s32 $0x1, v32  }
0x20d: {  	vm10 =	vlt.s32 v53, $0x7F;
	v36 =	vsub.f32 $1.000000000e+00, v30;
	v57 =	vsub.f32 v52, v56  }
0x20e: {  	vm3 =	vmand vm15, vm3;
	v54 =	vmul.f32 v29, v34;
	v55 =	vnsel vm10, $0x7F, v53  }
0x20f: {  	[tilespmem:s0+$0x0] =	vst v27;
	v29 =	vsel vm1, v32, v55;
	v30 =	vsel vm1, v36, v30;
	v32 =	vsub.f32 $1.000000000e+00, v57  }
0x210: {  	s31 =	sadd.s32 $0x10, s25;
	[tilespmem:s26+$0x0] =	vst v26;
	v59 =	vsel vm4, $0x3E800000, v6;
	v58 =	vadd.s32 $0x1, v35;
	v30 =	vmul.f32 v30, v22  }
0x211: {  	[tilespmem:s31+$0x0] =	vst v24;
	vm13 =	vlt.s32 v58, $0x7F;
	v61 =	vadd.s32 v21, v29;
	v23 =	vsel vm1, v32, v57  }
0x212: {  	s0 =	sadd.s32 $0x10, s31;
	[tilespmem:s28+$0x0] =	vst v54;
	v62 =	vnsel vm13, $0x7F, v58;
	v60 =	vmul.f32 v30, v59;
	v22 =	vmul.f32 v23, v22  }
0x213: {  	s2 =	sadd.s32 $0x10, s28;
	v63 =	vsel vm3, $0x3E800000, v6;
	[tilespmem:s0+$0x0] =	vst v61;
	v23 =	vsel vm1, v35, v62  }
0x214: {  	s0 =	sadd.s32 $0x10, s0;
	v21 =	vadd.s32 v21, v23;
	[tilespmem:s2+$0x0] =	vst v60;
	v22 =	vmul.f32 v22, v63  }
0x215: {  	s2 =	sadd.s32 $0x10, s2;
	[tilespmem:s0+$0x0] =	vst v21  }
0x216: {  	[tilespmem:s2+$0x0] =	vst v22  }
0x217: {  	v21 =	vld [tilespmem:$0x100];
	_ =	sdelay $0x4  }
0x218: {  	v22 =	vshll.u32 v21, $0x1  }
0x219: {  	v21 =	vand.u32 $0x7, v21;
	v22 =	vand.u32 $0xFFFFFFF0, v22  }
0x21a: {  	v21 =	vor.u32 v21, v22  }
0x21b: {  	v22 =	vperm.xlane v21, v7;
	_ =	sdelay $0x1  }
0x21c: {  	v21 =	vperm.xlane v21, v9;
	v22 =	vadd.s32 v8, v22;
	_ =	sdelay $0x1  }
0x21d: {  	v21 =	vadd.s32 v8, v21;
	_ =	sdelay $0x1  }
0x21e: {  	s25 =	simm.s32 $0x0  }
0x21f: {  	[tilespmem:s9], [sflag:$0x1] =	stream.indirect_vreg.gather [hbm4b:s1+s25], $0x80, v22, vm2, $0xb8;
	[tilespmem:$0x18500] =	vst v63  }
0x220: {  	_ = 	snop  }
0x221: {  	[tilespmem:s10], [sflag:$0x1] =	stream.indirect_vreg.gather [hbm4b:s1+s25], $0x80, v21, vm2, $0xb8;
	[tilespmem:$0x18500] =	vst v63  }
0x222: {  	v21 =	vld [tilespmem:$0x110];
	_ =	sdelay $0x4  }
0x223: {  	v22 =	vshll.u32 v21, $0x1  }
0x224: {  	v21 =	vand.u32 $0x7, v21;
	v22 =	vand.u32 $0xFFFFFFF0, v22  }
0x225: {  	v21 =	vor.u32 v21, v22  }
0x226: {  	v22 =	vperm.xlane v21, v7;
	_ =	sdelay $0x1  }
0x227: {  	v21 =	vperm.xlane v21, v9;
	v22 =	vadd.s32 v8, v22;
	_ =	sdelay $0x1  }
0x228: {  	v21 =	vadd.s32 v8, v21;
	_ =	sdelay $0x2  }
0x229: {  	[tilespmem:s11], [sflag:$0x1] =	stream.indirect_vreg.gather [hbm4b:s1+s25], $0x80, v22, vm2, $0xb8;
	[tilespmem:$0x18500] =	vst v63  }
0x22a: {  	_ = 	snop  }
0x22b: {  	[tilespmem:s12], [sflag:$0x1] =	stream.indirect_vreg.gather [hbm4b:s1+s25], $0x80, v21, vm2, $0xb8;
	[tilespmem:$0x18500] =	vst v63  }
0x22c: {  	v21 =	vld [tilespmem:$0x120];
	_ =	sdelay $0x4  }
0x22d: {  	v22 =	vshll.u32 v21, $0x1  }
0x22e: {  	v21 =	vand.u32 $0x7, v21;
	v22 =	vand.u32 $0xFFFFFFF0, v22  }
0x22f: {  	v21 =	vor.u32 v21, v22  }
0x230: {  	v22 =	vperm.xlane v21, v7;
	_ =	sdelay $0x1  }
0x231: {  	v21 =	vperm.xlane v21, v9;
	v22 =	vadd.s32 v8, v22;
	_ =	sdelay $0x1  }
0x232: {  	v21 =	vadd.s32 v8, v21;
	_ =	sdelay $0x2  }
0x233: {  	[tilespmem:s13], [sflag:$0x1] =	stream.indirect_vreg.gather [hbm4b:s1+s25], $0x80, v22, vm2, $0xb8;
	[tilespmem:$0x18500] =	vst v63  }
0x234: {  	_ = 	snop  }
0x235: {  	[tilespmem:s14], [sflag:$0x1] =	stream.indirect_vreg.gather [hbm4b:s1+s25], $0x80, v21, vm2, $0xb8;
	[tilespmem:$0x18500] =	vst v63  }
0x236: {  	v21 =	vld [tilespmem:$0x130];
	_ =	sdelay $0x4  }
0x237: {  	v22 =	vshll.u32 v21, $0x1  }
0x238: {  	v21 =	vand.u32 $0x7, v21;
	v22 =	vand.u32 $0xFFFFFFF0, v22  }
0x239: {  	v21 =	vor.u32 v21, v22  }
0x23a: {  	v22 =	vperm.xlane v21, v7;
	_ =	sdelay $0x1  }
0x23b: {  	v21 =	vperm.xlane v21, v9;
	v22 =	vadd.s32 v8, v22;
	_ =	sdelay $0x1  }
0x23c: {  	v21 =	vadd.s32 v8, v21;
	_ =	sdelay $0x2  }
0x23d: {  	[tilespmem:s15], [sflag:$0x1] =	stream.indirect_vreg.gather [hbm4b:s1+s25], $0x80, v22, vm2, $0xb8;
	[tilespmem:$0x18500] =	vst v63  }
0x23e: {  	_ = 	snop  }
0x23f: {  	[tilespmem:s16], [sflag:$0x1] =	stream.indirect_vreg.gather [hbm4b:s1+s25], $0x80, v21, vm2, $0xb8;
	[tilespmem:$0x18500] =	vst v63  }
0x240: {  	v21 =	vld [tilespmem:$0x140];
	_ =	sdelay $0x4  }
0x241: {  	v22 =	vshll.u32 v21, $0x1  }
0x242: {  	v21 =	vand.u32 $0x7, v21;
	v22 =	vand.u32 $0xFFFFFFF0, v22  }
0x243: {  	v21 =	vor.u32 v21, v22  }
0x244: {  	v22 =	vperm.xlane v21, v7;
	_ =	sdelay $0x1  }
0x245: {  	v21 =	vperm.xlane v21, v9;
	v22 =	vadd.s32 v8, v22;
	_ =	sdelay $0x1  }
0x246: {  	v21 =	vadd.s32 v8, v21;
	_ =	sdelay $0x2  }
0x247: {  	[tilespmem:s17], [sflag:$0x1] =	stream.indirect_vreg.gather [hbm4b:s1+s25], $0x80, v22, vm2, $0xb8;
	[tilespmem:$0x18500] =	vst v63  }
0x248: {  	_ = 	snop  }
0x249: {  	[tilespmem:s18], [sflag:$0x1] =	stream.indirect_vreg.gather [hbm4b:s1+s25], $0x80, v21, vm2, $0xb8;
	[tilespmem:$0x18500] =	vst v63  }
0x24a: {  	v21 =	vld [tilespmem:$0x150];
	_ =	sdelay $0x4  }
0x24b: {  	v22 =	vshll.u32 v21, $0x1  }
0x24c: {  	v21 =	vand.u32 $0x7, v21;
	v22 =	vand.u32 $0xFFFFFFF0, v22  }
0x24d: {  	v21 =	vor.u32 v21, v22  }
0x24e: {  	v22 =	vperm.xlane v21, v7;
	_ =	sdelay $0x1  }
0x24f: {  	v21 =	vperm.xlane v21, v9;
	v22 =	vadd.s32 v8, v22;
	_ =	sdelay $0x1  }
0x250: {  	v21 =	vadd.s32 v8, v21;
	_ =	sdelay $0x2  }
0x251: {  	[tilespmem:s19], [sflag:$0x1] =	stream.indirect_vreg.gather [hbm4b:s1+s25], $0x80, v22, vm2, $0xb8;
	[tilespmem:$0x18500] =	vst v63  }
0x252: {  	_ = 	snop  }
0x253: {  	[tilespmem:s20], [sflag:$0x1] =	stream.indirect_vreg.gather [hbm4b:s1+s25], $0x80, v21, vm2, $0xb8;
	[tilespmem:$0x18500] =	vst v63  }
0x254: {  	v21 =	vld [tilespmem:$0x160];
	_ =	sdelay $0x4  }
0x255: {  	v22 =	vshll.u32 v21, $0x1  }
0x256: {  	v21 =	vand.u32 $0x7, v21;
	v22 =	vand.u32 $0xFFFFFFF0, v22  }
0x257: {  	v21 =	vor.u32 v21, v22  }
0x258: {  	v22 =	vperm.xlane v21, v7;
	_ =	sdelay $0x1  }
0x259: {  	v21 =	vperm.xlane v21, v9;
	v22 =	vadd.s32 v8, v22;
	_ =	sdelay $0x1  }
0x25a: {  	v21 =	vadd.s32 v8, v21;
	_ =	sdelay $0x2  }
0x25b: {  	[tilespmem:s21], [sflag:$0x1] =	stream.indirect_vreg.gather [hbm4b:s1+s25], $0x80, v22, vm2, $0xb8;
	[tilespmem:$0x18500] =	vst v63  }
0x25c: {  	_ = 	snop  }
0x25d: {  	[tilespmem:s22], [sflag:$0x1] =	stream.indirect_vreg.gather [hbm4b:s1+s25], $0x80, v21, vm2, $0xb8;
	[tilespmem:$0x18500] =	vst v63  }
0x25e: {  	_ =	swait.ge [sflag:s6], $0x7000  }
0x25f: {  	[sflag:s6] =	ssyncset.done $0x0  }
0x260: {  	s26 =	simm.s32 $0x0;
	s28 =	simm.s32 $0x0;
	[sflag:s6] =	ssyncadd.s32 $0xFFFF9000  }
.LBB2_15:
0x261: {  	s0 =	sshll.u32 s28, $0x4;
	s2 =	sand.u32 $0x7800, s26;
	s5 =	sand.u32 $0x380, s25  }
0x262: {  	v25 =	vld [tilespmem:s0+$0x300];
	s29 =	sor.u32 s5, s2  }
0x263: {  	v21 =	vld [tilespmem:s29+$0x7870]  }
0x264: {  	v23 =	vld [tilespmem:s29+$0x7400]  }
0x265: {  	v24 =	vld [tilespmem:s29+$0x7410]  }
0x266: {  	v26 =	vld [tilespmem:s29+$0x7420]  }
0x267: {  	v36 =	vld [tilespmem:s29+$0x7470]  }
0x268: {  	v22 =	vmov s25;
	v37 =	vld [tilespmem:s29+$0x7800]  }
0x269: {  	v27 =	vld [tilespmem:s29+$0x7430];
	v22 =	vperm.xlane v25, v22  }
0x26a: {  	v28 =	vld [tilespmem:s29+$0x7440]  }
0x26b: {  	v33 =	vimm.f32 $0.0e+00;
	v29 =	vld [tilespmem:s29+$0x7450];
	v21 =	vmul.f32 v21, v22  }
0x26c: {  	v38 =	vimm.f32 $0.0e+00;
	v31 =	vld [tilespmem:s29+$0x7460];
	v23 =	vmul.f32 v23, v22;
	v24 =	vmul.f32 v24, v22  }
0x26d: {  	v44 =	vmul.f32 v36, v22;
	v45 =	vmul.f32 v37, v22;
	v37 =	vimm.f32 $0.0e+00  }
0x26e: {  	v36 =	vimm.f32 $0.0e+00;
	v21 =	vadd.f32 v21, v33;
	v35 =	vadd.f32 v23, v33  }
0x26f: {  	v43 =	vld [tilespmem:s29+$0x7810];
	v23 =	vmul.f32 v26, v22;
	v26 =	vmul.f32 v27, v22;
	v34 =	vadd.f32 v24, v33  }
0x270: {  	v42 =	vld [tilespmem:s29+$0x7820];
	v24 =	vmul.f32 v28, v22;
	v27 =	vmul.f32 v29, v22;
	v28 =	vimm.f32 $0.0e+00  }
0x271: {  	v39 =	vld [tilespmem:s29+$0x7830];
	v32 =	vadd.f32 v23, v33;
	v30 =	vadd.f32 v26, v33;
	v23 =	vmul.f32 v31, v22  }
0x272: {  	s30 =	simm.s32 $0x1;
	s31 =	simm.s32 $0x80;
	s0 =	sadd.s32 $0x100, s26;
	v40 =	vld [tilespmem:s29+$0x7840];
	v29 =	vadd.f32 v24, v33;
	v27 =	vadd.f32 v27, v33;
	v31 =	vimm.f32 $0.0e+00  }
0x273: {  	s7 =	sand.u32 $0x380, s31;
	s2 =	simm.s32 $0x2;
	s5 =	sand.u32 $0x7800, s0;
	v41 =	vld [tilespmem:s29+$0x7850];
	v24 =	vimm.f32 $0.0e+00;
	v26 =	vadd.f32 v23, v33;
	v23 =	vimm.f32 $0.0e+00  }
.LBB2_16:
0x274: {  	p0 =	sne.s32 s2, $0xF;
	v33 =	vadd.f32 v44, v33;
	v43 =	vmul.f32 v43, v22;
	v44 =	vld [tilespmem:s29+$0x7860];
	s29 =	sor.u32 s7, s5  }
0x275: {  	v46 =	vld [tilespmem:s29+$0x7870];
	v38 =	vadd.f32 v45, v38;
	v42 =	vmul.f32 v42, v22  }
0x276: {  	v45 =	vld [tilespmem:s29+$0x7400];
	v37 =	vadd.f32 v43, v37;
	v39 =	vmul.f32 v39, v22  }
0x277: {  	v43 =	vmov s30;
	s30 =	smov.u32 s2;
	v47 =	vld [tilespmem:s29+$0x7410];
	v36 =	vadd.f32 v42, v36;
	v40 =	vmul.f32 v40, v22  }
0x278: {  	v42 =	vperm.xlane v25, v43;
	v43 =	vld [tilespmem:s29+$0x7420];
	v31 =	vadd.f32 v39, v31;
	v39 =	vmul.f32 v41, v22  }
0x279: {  	v41 =	vld [tilespmem:s29+$0x7430];
	v28 =	vadd.f32 v40, v28;
	v40 =	vmul.f32 v44, v22  }
0x27a: {  	v22 =	vmov v42;
	v44 =	vld [tilespmem:s29+$0x7440];
	v46 =	vmul.f32 v46, v42;
	v24 =	vadd.f32 v39, v24  }
0x27b: {  	v39 =	vmul.f32 v45, v22;
	v42 =	vld [tilespmem:s29+$0x7450];
	v23 =	vadd.f32 v40, v23  }
0x27c: {  	v40 =	vmul.f32 v47, v22;
	v45 =	vld [tilespmem:s29+$0x7460];
	v21 =	vadd.f32 v46, v21  }
0x27d: {  	v35 =	vadd.f32 v39, v35;
	v39 =	vmul.f32 v43, v22;
	v46 =	vld [tilespmem:s29+$0x7470]  }
0x27e: {  	v34 =	vadd.f32 v40, v34;
	v40 =	vmul.f32 v41, v22;
	v41 =	vld [tilespmem:s29+$0x7800]  }
.Ltmp6:
0x27f: {  	v32 =	vadd.f32 v39, v32;
	v39 =	vmul.f32 v44, v22;
	v43 =	vld [tilespmem:s29+$0x7810];
	(pc) =	sbr.rel @p0 .LBB2_16-.Ltmp6, $4  }
0x280: {  	v30 =	vadd.f32 v40, v30;
	v40 =	vmul.f32 v42, v22;
	v42 =	vld [tilespmem:s29+$0x7820]  }
0x281: {  	v29 =	vadd.f32 v39, v29;
	v45 =	vmul.f32 v45, v22;
	v39 =	vld [tilespmem:s29+$0x7830]  }
0x282: {  	s31 =	sadd.s32 $0x80, s31;
	s0 =	sadd.s32 $0x100, s0;
	v27 =	vadd.f32 v40, v27;
	v44 =	vmul.f32 v46, v22;
	v40 =	vld [tilespmem:s29+$0x7840]  }
0x283: {  	s5 =	sand.u32 $0x7800, s0;
	s7 =	sand.u32 $0x380, s31;
	s2 =	sadd.s32 $0x1, s2;
	v26 =	vadd.f32 v45, v26;
	v45 =	vmul.f32 v41, v22;
	v41 =	vld [tilespmem:s29+$0x7850]  }
0x284: {  	s0 =	sor.u32 s7, s5;
	v46 =	vld [tilespmem:s29+$0x7860]  }
0x285: {  	v47 =	vld [tilespmem:s0+$0x7870]  }
0x286: {  	v48 =	vld [tilespmem:s0+$0x7400]  }
0x287: {  	v49 =	vld [tilespmem:s0+$0x7410]  }
0x288: {  	v50 =	vld [tilespmem:s0+$0x7420]  }
0x289: {  	v51 =	vld [tilespmem:s0+$0x7430]  }
0x28a: {  	v52 =	vld [tilespmem:s0+$0x7440]  }
0x28b: {  	v53 =	vld [tilespmem:s0+$0x7450]  }
0x28c: {  	v54 =	vld [tilespmem:s0+$0x7460]  }
0x28d: {  	v56 =	vmov s30;
	v55 =	vld [tilespmem:s0+$0x7470]  }
0x28e: {  	v57 =	vld [tilespmem:s0+$0x7800];
	v25 =	vperm.xlane v25, v56  }
0x28f: {  	v56 =	vld [tilespmem:s0+$0x7810]  }
0x290: {  	v58 =	vld [tilespmem:s0+$0x7820];
	v48 =	vmul.f32 v48, v25  }
0x291: {  	v33 =	vadd.f32 v44, v33;
	v59 =	vld [tilespmem:s0+$0x7830];
	v61 =	vmul.f32 v49, v25  }
0x292: {  	s2 =	sshll.u32 s28, $0x8;
	v43 =	vmul.f32 v43, v22;
	v49 =	vld [tilespmem:s0+$0x7840];
	v62 =	vmul.f32 v50, v25;
	v35 =	vadd.f32 v48, v35  }
0x293: {  	v38 =	vadd.f32 v45, v38;
	s31 =	sand.u32 $0x3FFFFF00, s2;
	v63 =	vmul.f32 v51, v25;
	v50 =	vld [tilespmem:s0+$0x7860];
	v34 =	vadd.f32 v61, v34  }
0x294: {  	v37 =	vadd.f32 v43, v37;
	v60 =	vmul.f32 v52, v25;
	v48 =	vld [tilespmem:s0+$0x7850];
	v32 =	vadd.f32 v62, v32;
	[tilespmem:s31+$0x15B00] =	vst v35  }
0x295: {  	v43 =	vmul.f32 v40, v22;
	v44 =	vmul.f32 v57, v25;
	v30 =	vadd.f32 v63, v30;
	[tilespmem:s31+$0x15B10] =	vst v34  }
0x296: {  	v51 =	vmul.f32 v42, v22;
	v52 =	vmul.f32 v56, v25;
	v29 =	vadd.f32 v60, v29;
	[tilespmem:s31+$0x15B20] =	vst v32  }
0x297: {  	v61 =	vmul.f32 v53, v25;
	v62 =	vmul.f32 v54, v25;
	v54 =	vadd.f32 v44, v38;
	[tilespmem:s31+$0x15B30] =	vst v30  }
0x298: {  	v42 =	vmul.f32 v55, v25;
	v55 =	vmul.f32 v58, v25;
	v57 =	vadd.f32 v52, v37;
	[tilespmem:s31+$0x15B40] =	vst v29  }
0x299: {  	v58 =	vmul.f32 v59, v25;
	v63 =	vmul.f32 v39, v22;
	v27 =	vadd.f32 v61, v27;
	[tilespmem:s31+$0x15B80] =	vst v54  }
0x29a: {  	v53 =	vmul.f32 v41, v22;
	v35 =	vadd.f32 v51, v36;
	v26 =	vadd.f32 v62, v26;
	[tilespmem:s31+$0x15B90] =	vst v57  }
0x29b: {  	v22 =	vmul.f32 v46, v22;
	v45 =	vadd.f32 v63, v31;
	v51 =	vadd.f32 v42, v33;
	[tilespmem:s31+$0x15B50] =	vst v27  }
0x29c: {  	v56 =	vadd.f32 v43, v28;
	v60 =	vmul.f32 v49, v25;
	[tilespmem:s31+$0x15B60] =	vst v26;
	v59 =	vadd.f32 v55, v35  }
0x29d: {  	s28 =	sadd.s32 $0x1, s28;
	v22 =	vadd.f32 v22, v23;
	v63 =	vmul.f32 v50, v25;
	[tilespmem:s31+$0x15B70] =	vst v51;
	v61 =	vadd.f32 v58, v45  }
0x29e: {  	p0 =	seq.s32 s28, $0x7;
	v24 =	vadd.f32 v53, v24;
	v62 =	vmul.f32 v48, v25;
	v23 =	vadd.f32 v60, v56;
	[tilespmem:s31+$0x15BA0] =	vst v59  }
.Ltmp7:
0x29f: {  	v25 =	vmul.f32 v47, v25;
	v22 =	vadd.f32 v63, v22;
	[tilespmem:s31+$0x15BB0] =	vst v61;
	(pc) =	sbr.rel @!p0 .LBB2_15-.Ltmp7, $4  }
0x2a0: {  	v24 =	vadd.f32 v62, v24;
	[tilespmem:s31+$0x15BC0] =	vst v23  }
0x2a1: {  	v21 =	vadd.f32 v25, v21;
	[tilespmem:s31+$0x15BE0] =	vst v22  }
0x2a2: {  	[tilespmem:s31+$0x15BD0] =	vst v24  }
0x2a3: {  	s26 =	sadd.s32 $0x1000, s26;
	[tilespmem:s31+$0x15BF0] =	vst v21  }
0x2a4: {  	v21 =	vmul.f32 v14, v20;
	_ =	sdelay $0x1  }
0x2a5: {  	v21 =	vadd.f32 v21, v19;
	_ =	sdelay $0x1  }
0x2a6: {  	v22 =	vmax.f32 v21, $0.0e+00  }
0x2a7: {  	v22 =	vmin.f32 v22, $1.270000000e+02  }
0x2a8: {  	v23 =	vtrunc.f32 v22  }
0x2a9: {  	v23 =	vcvt.f32.s32 v23  }
0x2aa: {  	s0 =	simm.s32 $0x0  }
0x2ab: {  	s0 =	scvt.s32.f32 s0;
	v24 =	vcvt.s32.f32 v23;
	v25 =	vadd.s32 $0x1, v23  }
0x2ac: {  	vm3 =	vlt.s32 v25, $0x7F  }
0x2ad: {  	s0 =	sadd.f32 $2.500000000e-01, s0;
	v22 =	vsub.f32 v22, v24;
	v24 =	vnsel vm3, $0x7F, v25  }
0x2ae: {  	vm4 =	vlt.f32 v21, $1.280000000e+02;
	v23 =	vsel vm0, v23, v24  }
0x2af: {  	vm3 =	vgt.f32 v21, $-1.000000000e+00;
	v21 =	vshll.u32 v23, $0x7;
	v23 =	vadd.f32 s0, v4;
	_ =	sdelay $0x1  }
0x2b0: {  	s29 =	simm.s32 $0x1;
	v23 =	vmul.f32 v23, v18  }
0x2b1: {  	s0 =	scvt.s32.f32 s29  }
0x2b2: {  	v24 =	vadd.f32 v23, v17  }
0x2b3: {  	v25 =	vsub.f32 $1.000000000e+00, v22;
	s0 =	sadd.f32 $2.500000000e-01, s0  }
0x2b4: {  	v23 =	vmax.f32 v24, $0.0e+00  }
0x2b5: {  	s2 =	simm.s32 $0x2;
	v22 =	vsel vm0, v25, v22;
	v25 =	vmin.f32 v23, $1.270000000e+02;
	v23 =	vadd.f32 s0, v4  }
0x2b6: {  	s30 =	scvt.s32.f32 s2;
	v26 =	vtrunc.f32 v25  }
0x2b7: {  	v26 =	vcvt.f32.s32 v26;
	v23 =	vmul.f32 v23, v18  }
0x2b8: {  	vm3 =	vmand vm3, vm4;
	s0 =	sadd.f32 $2.500000000e-01, s30  }
0x2b9: {  	vm5 =	vlt.f32 v24, $1.280000000e+02;
	v27 =	vcvt.s32.f32 v26;
	v23 =	vadd.f32 v23, v17  }
0x2ba: {  	s31 =	simm.s32 $0x3;
	vm6 =	vgt.f32 v24, $-1.000000000e+00;
	v28 =	vadd.f32 s0, v4;
	v29 =	vadd.s32 $0x1, v26  }
0x2bb: {  	s0 =	scvt.s32.f32 s31;
	vm4 =	vlt.s32 v29, $0x7F;
	v25 =	vsub.f32 v25, v27;
	v27 =	vmax.f32 v23, $0.0e+00  }
0x2bc: {  	v30 =	vmul.f32 v28, v18;
	v29 =	vnsel vm4, $0x7F, v29;
	v31 =	vmin.f32 v27, $1.270000000e+02  }
0x2bd: {  	s0 =	sadd.f32 $2.500000000e-01, s0;
	vm4 =	vmand vm3, vm6;
	v27 =	vsub.f32 $1.000000000e+00, v25;
	v28 =	vtrunc.f32 v31  }
0x2be: {  	vm4 =	vmand vm5, vm4;
	v24 =	vcvt.f32.s32 v28  }
0x2bf: {  	v33 =	vsel vm4, $0x3E800000, v6;
	v28 =	vadd.f32 s0, v4;
	v25 =	vsel vm1, v27, v25  }
0x2c0: {  	v27 =	vsel vm1, v26, v29;
	v26 =	vmul.f32 v25, v22;
	v32 =	vcvt.s32.f32 v24  }
0x2c1: {  	s25 =	simm.s32 $0x180;
	s26 =	simm.s32 $0x300;
	v29 =	vadd.s32 $0x1, v24;
	v28 =	vmul.f32 v28, v18;
	v25 =	vadd.f32 v30, v17  }
0x2c2: {  	s28 =	simm.s32 $0x310;
	s2 =	simm.s32 $0x4;
	s0 =	simm.s32 $0x180;
	vm4 =	vlt.s32 v29, $0x7F;
	v30 =	vsub.f32 v31, v32;
	v26 =	vmul.f32 v26, v33  }
.LBB2_19:
0x2c3: {  	s7 =	smov.u32 s2  }
0x2c4: {  	s5 =	scvt.s32.f32 s2;
	v31 =	vmax.f32 v25, $0.0e+00;
	v27 =	vadd.s32 v21, v27;
	s25 =	sadd.s32 $0x10, s25;
	s7 =	sadd.s32 $0x1, s2  }
0x2c5: {  	p0 =	sne.s32 s2, $0x6;
	vm5 =	vlt.f32 v23, $1.280000000e+02;
	v31 =	vmin.f32 v31, $1.270000000e+02;
	v32 =	vsub.f32 $1.000000000e+00, v30;
	[tilespmem:s0+$0x0] =	vst v27;
	s0 =	smov.u32 s25  }
0x2c6: {  	vm6 =	vgt.f32 v23, $-1.000000000e+00;
	v29 =	vnsel vm4, $0x7F, v29;
	v23 =	vmovc v25;
	s2 =	sadd.f32 $2.500000000e-01, s5;
	v27 =	vtrunc.f32 v31;
	[tilespmem:s26+$0x0] =	vst v26;
	s26 =	smov.u32 s28  }
.Ltmp8:
0x2c7: {  	vm4 =	vmand vm3, vm6;
	v25 =	vcvt.f32.s32 v27;
	v26 =	vsel vm1, v32, v30;
	(pc) =	sbr.rel @p0 .LBB2_19-.Ltmp8, $4  }
0x2c8: {  	v27 =	vsel vm1, v24, v29;
	v30 =	vadd.f32 s2, v4;
	v26 =	vmul.f32 v26, v22  }
0x2c9: {  	vm4 =	vmand vm5, vm4;
	v29 =	vadd.s32 $0x1, v25;
	v32 =	vcvt.s32.f32 v25;
	v24 =	vmovc v25  }
0x2ca: {  	v33 =	vsel vm4, $0x3E800000, v6;
	v25 =	vadd.f32 v28, v17;
	v28 =	vmul.f32 v30, v18  }
0x2cb: {  	s28 =	sadd.s32 $0x10, s28;
	s2 =	smov.u32 s7;
	vm4 =	vlt.s32 v29, $0x7F;
	v26 =	vmul.f32 v26, v33;
	v30 =	vsub.f32 v31, v32  }
0x2cc: {  	v31 =	vmax.f32 v25, $0.0e+00;
	vm5 =	vlt.f32 v23, $1.280000000e+02  }
0x2cd: {  	vm6 =	vgt.f32 v23, $-1.000000000e+00;
	v23 =	vadd.f32 v28, v17;
	v48 =	vnsel vm4, $0x7F, v29  }
0x2ce: {  	v27 =	vadd.s32 v21, v27;
	vm11 =	vgt.f32 v25, $-1.000000000e+00;
	vm12 =	vlt.f32 v25, $1.280000000e+02  }
0x2cf: {  	v31 =	vmin.f32 v31, $1.270000000e+02;
	v33 =	vsub.f32 $1.000000000e+00, v30;
	vm9 =	vmand vm3, vm6  }
0x2d0: {  	v24 =	vsel vm1, v24, v48;
	v32 =	vtrunc.f32 v31;
	v51 =	vmax.f32 v23, $0.0e+00  }
0x2d1: {  	vm4 =	vmand vm5, vm9;
	v32 =	vcvt.f32.s32 v32;
	v52 =	vmin.f32 v51, $1.270000000e+02  }
0x2d2: {  	v24 =	vadd.s32 v21, v24;
	vm14 =	vgt.f32 v23, $-1.000000000e+00;
	v35 =	vtrunc.f32 v52  }
0x2d3: {  	vm15 =	vlt.f32 v23, $1.280000000e+02;
	v50 =	vcvt.s32.f32 v32;
	v35 =	vcvt.f32.s32 v35  }
0x2d4: {  	v49 =	vsel vm1, v33, v30;
	v34 =	vsel vm4, $0x3E800000, v6;
	vm4 =	vmand vm3, vm11  }
0x2d5: {  	vm3 =	vmand vm3, vm14;
	v30 =	vsub.f32 v31, v50;
	v56 =	vcvt.s32.f32 v35  }
0x2d6: {  	v29 =	vmul.f32 v49, v22;
	vm4 =	vmand vm12, vm4;
	v53 =	vadd.s32 $0x1, v32  }
0x2d7: {  	vm10 =	vlt.s32 v53, $0x7F;
	v36 =	vsub.f32 $1.000000000e+00, v30;
	v57 =	vsub.f32 v52, v56  }
0x2d8: {  	vm3 =	vmand vm15, vm3;
	v54 =	vmul.f32 v29, v34;
	v55 =	vnsel vm10, $0x7F, v53  }
0x2d9: {  	[tilespmem:s0+$0x0] =	vst v27;
	v29 =	vsel vm1, v32, v55;
	v30 =	vsel vm1, v36, v30;
	v32 =	vsub.f32 $1.000000000e+00, v57  }
0x2da: {  	s31 =	sadd.s32 $0x10, s25;
	[tilespmem:s26+$0x0] =	vst v26;
	v59 =	vsel vm4, $0x3E800000, v6;
	v58 =	vadd.s32 $0x1, v35;
	v30 =	vmul.f32 v30, v22  }
0x2db: {  	[tilespmem:s31+$0x0] =	vst v24;
	vm13 =	vlt.s32 v58, $0x7F;
	v61 =	vadd.s32 v21, v29;
	v23 =	vsel vm1, v32, v57  }
0x2dc: {  	s0 =	sadd.s32 $0x10, s31;
	[tilespmem:s28+$0x0] =	vst v54;
	v62 =	vnsel vm13, $0x7F, v58;
	v60 =	vmul.f32 v30, v59;
	v22 =	vmul.f32 v23, v22  }
0x2dd: {  	s2 =	sadd.s32 $0x10, s28;
	v63 =	vsel vm3, $0x3E800000, v6;
	[tilespmem:s0+$0x0] =	vst v61;
	v23 =	vsel vm1, v35, v62  }
0x2de: {  	s0 =	sadd.s32 $0x10, s0;
	v21 =	vadd.s32 v21, v23;
	[tilespmem:s2+$0x0] =	vst v60;
	v22 =	vmul.f32 v22, v63  }
0x2df: {  	s2 =	sadd.s32 $0x10, s2;
	[tilespmem:s0+$0x0] =	vst v21  }
0x2e0: {  	[tilespmem:s2+$0x0] =	vst v22  }
0x2e1: {  	v21 =	vld [tilespmem:$0x180];
	_ =	sdelay $0x4  }
0x2e2: {  	v22 =	vshll.u32 v21, $0x1  }
0x2e3: {  	v21 =	vand.u32 $0x7, v21;
	v22 =	vand.u32 $0xFFFFFFF0, v22  }
0x2e4: {  	v21 =	vor.u32 v21, v22  }
0x2e5: {  	v22 =	vperm.xlane v21, v7;
	_ =	sdelay $0x1  }
0x2e6: {  	v21 =	vperm.xlane v21, v9;
	v22 =	vadd.s32 v8, v22;
	_ =	sdelay $0x1  }
0x2e7: {  	v21 =	vadd.s32 v8, v21;
	_ =	sdelay $0x1  }
0x2e8: {  	s25 =	simm.s32 $0x0;
	s2 =	simm.s32 $0x7400  }
0x2e9: {  	[tilespmem:s2], [sflag:$0x2] =	stream.indirect_vreg.gather [hbm4b:s1+s25], $0x80, v22, vm2, $0xb8;
	[tilespmem:$0x18500] =	vst v63  }
0x2ea: {  	s5 =	simm.s32 $0x7C00  }
0x2eb: {  	[tilespmem:s5], [sflag:$0x2] =	stream.indirect_vreg.gather [hbm4b:s1+s25], $0x80, v21, vm2, $0xb8;
	[tilespmem:$0x18500] =	vst v63  }
0x2ec: {  	v21 =	vld [tilespmem:$0x190];
	_ =	sdelay $0x4  }
0x2ed: {  	v22 =	vshll.u32 v21, $0x1  }
0x2ee: {  	v21 =	vand.u32 $0x7, v21;
	v22 =	vand.u32 $0xFFFFFFF0, v22  }
0x2ef: {  	v21 =	vor.u32 v21, v22  }
0x2f0: {  	v22 =	vperm.xlane v21, v7;
	_ =	sdelay $0x1  }
0x2f1: {  	v21 =	vperm.xlane v21, v9;
	v22 =	vadd.s32 v8, v22;
	_ =	sdelay $0x1  }
0x2f2: {  	v21 =	vadd.s32 v8, v21;
	_ =	sdelay $0x1  }
0x2f3: {  	s7 =	simm.s32 $0x8400  }
0x2f4: {  	[tilespmem:s7], [sflag:$0x2] =	stream.indirect_vreg.gather [hbm4b:s1+s25], $0x80, v22, vm2, $0xb8;
	[tilespmem:$0x18500] =	vst v63  }
0x2f5: {  	s26 =	simm.s32 $0x8C00  }
0x2f6: {  	[tilespmem:s26], [sflag:$0x2] =	stream.indirect_vreg.gather [hbm4b:s1+s25], $0x80, v21, vm2, $0xb8;
	[tilespmem:$0x18500] =	vst v63  }
0x2f7: {  	v21 =	vld [tilespmem:$0x1A0];
	_ =	sdelay $0x4  }
0x2f8: {  	v22 =	vshll.u32 v21, $0x1  }
0x2f9: {  	v21 =	vand.u32 $0x7, v21;
	v22 =	vand.u32 $0xFFFFFFF0, v22  }
0x2fa: {  	v21 =	vor.u32 v21, v22  }
0x2fb: {  	v22 =	vperm.xlane v21, v7;
	_ =	sdelay $0x1  }
0x2fc: {  	v21 =	vperm.xlane v21, v9;
	v22 =	vadd.s32 v8, v22;
	_ =	sdelay $0x1  }
0x2fd: {  	v21 =	vadd.s32 v8, v21;
	_ =	sdelay $0x1  }
0x2fe: {  	s29 =	simm.s32 $0x9400  }
0x2ff: {  	[tilespmem:s29], [sflag:$0x2] =	stream.indirect_vreg.gather [hbm4b:s1+s25], $0x80, v22, vm2, $0xb8;
	[tilespmem:$0x18500] =	vst v63  }
0x300: {  	s30 =	simm.s32 $0x9C00  }
0x301: {  	[tilespmem:s30], [sflag:$0x2] =	stream.indirect_vreg.gather [hbm4b:s1+s25], $0x80, v21, vm2, $0xb8;
	[tilespmem:$0x18500] =	vst v63  }
0x302: {  	v21 =	vld [tilespmem:$0x1B0];
	_ =	sdelay $0x4  }
0x303: {  	v22 =	vshll.u32 v21, $0x1  }
0x304: {  	v21 =	vand.u32 $0x7, v21;
	v22 =	vand.u32 $0xFFFFFFF0, v22  }
0x305: {  	v21 =	vor.u32 v21, v22  }
0x306: {  	v22 =	vperm.xlane v21, v7;
	_ =	sdelay $0x1  }
0x307: {  	v21 =	vperm.xlane v21, v9;
	v22 =	vadd.s32 v8, v22;
	_ =	sdelay $0x1  }
0x308: {  	v21 =	vadd.s32 v8, v21;
	_ =	sdelay $0x1  }
0x309: {  	s31 =	simm.s32 $0xA400  }
0x30a: {  	[tilespmem:s31], [sflag:$0x2] =	stream.indirect_vreg.gather [hbm4b:s1+s25], $0x80, v22, vm2, $0xb8;
	[tilespmem:$0x18500] =	vst v63  }
0x30b: {  	s2 =	simm.s32 $0xAC00  }
0x30c: {  	[tilespmem:s2], [sflag:$0x2] =	stream.indirect_vreg.gather [hbm4b:s1+s25], $0x80, v21, vm2, $0xb8;
	[tilespmem:$0x18500] =	vst v63  }
0x30d: {  	v21 =	vld [tilespmem:$0x1C0];
	_ =	sdelay $0x4  }
0x30e: {  	v22 =	vshll.u32 v21, $0x1  }
0x30f: {  	v21 =	vand.u32 $0x7, v21;
	v22 =	vand.u32 $0xFFFFFFF0, v22  }
0x310: {  	v21 =	vor.u32 v21, v22  }
0x311: {  	v22 =	vperm.xlane v21, v7;
	_ =	sdelay $0x1  }
0x312: {  	v21 =	vperm.xlane v21, v9;
	v22 =	vadd.s32 v8, v22;
	_ =	sdelay $0x1  }
0x313: {  	v21 =	vadd.s32 v8, v21;
	_ =	sdelay $0x1  }
0x314: {  	s5 =	simm.s32 $0xB400  }
0x315: {  	[tilespmem:s5], [sflag:$0x2] =	stream.indirect_vreg.gather [hbm4b:s1+s25], $0x80, v22, vm2, $0xb8;
	[tilespmem:$0x18500] =	vst v63  }
0x316: {  	s7 =	simm.s32 $0xBC00  }
0x317: {  	[tilespmem:s7], [sflag:$0x2] =	stream.indirect_vreg.gather [hbm4b:s1+s25], $0x80, v21, vm2, $0xb8;
	[tilespmem:$0x18500] =	vst v63  }
0x318: {  	v21 =	vld [tilespmem:$0x1D0];
	_ =	sdelay $0x4  }
0x319: {  	v22 =	vshll.u32 v21, $0x1  }
0x31a: {  	v21 =	vand.u32 $0x7, v21;
	v22 =	vand.u32 $0xFFFFFFF0, v22  }
0x31b: {  	v21 =	vor.u32 v21, v22  }
0x31c: {  	v22 =	vperm.xlane v21, v7;
	_ =	sdelay $0x1  }
0x31d: {  	v21 =	vperm.xlane v21, v9;
	v22 =	vadd.s32 v8, v22;
	_ =	sdelay $0x1  }
0x31e: {  	v21 =	vadd.s32 v8, v21;
	_ =	sdelay $0x1  }
0x31f: {  	s26 =	simm.s32 $0xC400  }
0x320: {  	[tilespmem:s26], [sflag:$0x2] =	stream.indirect_vreg.gather [hbm4b:s1+s25], $0x80, v22, vm2, $0xb8;
	[tilespmem:$0x18500] =	vst v63  }
0x321: {  	s29 =	simm.s32 $0xCC00  }
0x322: {  	[tilespmem:s29], [sflag:$0x2] =	stream.indirect_vreg.gather [hbm4b:s1+s25], $0x80, v21, vm2, $0xb8;
	[tilespmem:$0x18500] =	vst v63  }
0x323: {  	v21 =	vld [tilespmem:$0x1E0];
	_ =	sdelay $0x4  }
0x324: {  	v22 =	vshll.u32 v21, $0x1  }
0x325: {  	v21 =	vand.u32 $0x7, v21;
	v22 =	vand.u32 $0xFFFFFFF0, v22  }
0x326: {  	v21 =	vor.u32 v21, v22  }
0x327: {  	v22 =	vperm.xlane v21, v7;
	_ =	sdelay $0x1  }
0x328: {  	v21 =	vperm.xlane v21, v9;
	v22 =	vadd.s32 v8, v22;
	_ =	sdelay $0x1  }
0x329: {  	v21 =	vadd.s32 v8, v21;
	_ =	sdelay $0x1  }
0x32a: {  	s30 =	simm.s32 $0xD400  }
0x32b: {  	[tilespmem:s30], [sflag:$0x2] =	stream.indirect_vreg.gather [hbm4b:s1+s25], $0x80, v22, vm2, $0xb8;
	[tilespmem:$0x18500] =	vst v63  }
0x32c: {  	s31 =	simm.s32 $0xDC00  }
0x32d: {  	[tilespmem:s31], [sflag:$0x2] =	stream.indirect_vreg.gather [hbm4b:s1+s25], $0x80, v21, vm2, $0xb8;
	[tilespmem:$0x18500] =	vst v63  }
0x32e: {  	_ =	swait.ge [sflag:s23], $0x7000  }
0x32f: {  	[sflag:s23] =	ssyncset.done $0x0  }
0x330: {  	s28 =	simm.s32 $0x0;
	s26 =	simm.s32 $0x0;
	[sflag:s23] =	ssyncadd.s32 $0xFFFF9000  }
.LBB2_21:
0x331: {  	s0 =	sshll.u32 s28, $0x4;
	s2 =	sand.u32 $0x7800, s26;
	s5 =	sand.u32 $0x380, s25  }
0x332: {  	v25 =	vld [tilespmem:s0+$0x380];
	s29 =	sor.u32 s5, s2  }
0x333: {  	v21 =	vld [tilespmem:s29+$0xE870]  }
0x334: {  	v23 =	vld [tilespmem:s29+$0xE400]  }
0x335: {  	v24 =	vld [tilespmem:s29+$0xE410]  }
0x336: {  	v26 =	vld [tilespmem:s29+$0xE420]  }
0x337: {  	v36 =	vld [tilespmem:s29+$0xE470]  }
0x338: {  	v22 =	vmov s25;
	v37 =	vld [tilespmem:s29+$0xE800]  }
0x339: {  	v27 =	vld [tilespmem:s29+$0xE430];
	v22 =	vperm.xlane v25, v22  }
0x33a: {  	v28 =	vld [tilespmem:s29+$0xE440]  }
0x33b: {  	v33 =	vimm.f32 $0.0e+00;
	v29 =	vld [tilespmem:s29+$0xE450];
	v21 =	vmul.f32 v21, v22  }
0x33c: {  	v38 =	vimm.f32 $0.0e+00;
	v31 =	vld [tilespmem:s29+$0xE460];
	v23 =	vmul.f32 v23, v22;
	v24 =	vmul.f32 v24, v22  }
0x33d: {  	v44 =	vmul.f32 v36, v22;
	v45 =	vmul.f32 v37, v22;
	v37 =	vimm.f32 $0.0e+00  }
0x33e: {  	v36 =	vimm.f32 $0.0e+00;
	v21 =	vadd.f32 v21, v33;
	v35 =	vadd.f32 v23, v33  }
0x33f: {  	v43 =	vld [tilespmem:s29+$0xE810];
	v23 =	vmul.f32 v26, v22;
	v26 =	vmul.f32 v27, v22;
	v34 =	vadd.f32 v24, v33  }
0x340: {  	v42 =	vld [tilespmem:s29+$0xE820];
	v24 =	vmul.f32 v28, v22;
	v27 =	vmul.f32 v29, v22;
	v28 =	vimm.f32 $0.0e+00  }
0x341: {  	v39 =	vld [tilespmem:s29+$0xE830];
	v32 =	vadd.f32 v23, v33;
	v30 =	vadd.f32 v26, v33;
	v23 =	vmul.f32 v31, v22  }
0x342: {  	s30 =	simm.s32 $0x1;
	s31 =	simm.s32 $0x80;
	s0 =	sadd.s32 $0x100, s26;
	v40 =	vld [tilespmem:s29+$0xE840];
	v29 =	vadd.f32 v24, v33;
	v27 =	vadd.f32 v27, v33;
	v31 =	vimm.f32 $0.0e+00  }
0x343: {  	s7 =	sand.u32 $0x380, s31;
	s2 =	simm.s32 $0x2;
	s5 =	sand.u32 $0x7800, s0;
	v41 =	vld [tilespmem:s29+$0xE850];
	v24 =	vimm.f32 $0.0e+00;
	v26 =	vadd.f32 v23, v33;
	v23 =	vimm.f32 $0.0e+00  }
.LBB2_22:
0x344: {  	p0 =	sne.s32 s2, $0xF;
	v33 =	vadd.f32 v44, v33;
	v43 =	vmul.f32 v43, v22;
	v44 =	vld [tilespmem:s29+$0xE860];
	s29 =	sor.u32 s7, s5  }
0x345: {  	v46 =	vld [tilespmem:s29+$0xE870];
	v38 =	vadd.f32 v45, v38;
	v42 =	vmul.f32 v42, v22  }
0x346: {  	v45 =	vld [tilespmem:s29+$0xE400];
	v37 =	vadd.f32 v43, v37;
	v39 =	vmul.f32 v39, v22  }
0x347: {  	v43 =	vmov s30;
	s30 =	smov.u32 s2;
	v47 =	vld [tilespmem:s29+$0xE410];
	v36 =	vadd.f32 v42, v36;
	v40 =	vmul.f32 v40, v22  }
0x348: {  	v42 =	vperm.xlane v25, v43;
	v43 =	vld [tilespmem:s29+$0xE420];
	v31 =	vadd.f32 v39, v31;
	v39 =	vmul.f32 v41, v22  }
0x349: {  	v41 =	vld [tilespmem:s29+$0xE430];
	v28 =	vadd.f32 v40, v28;
	v40 =	vmul.f32 v44, v22  }
0x34a: {  	v22 =	vmov v42;
	v44 =	vld [tilespmem:s29+$0xE440];
	v46 =	vmul.f32 v46, v42;
	v24 =	vadd.f32 v39, v24  }
0x34b: {  	v39 =	vmul.f32 v45, v22;
	v42 =	vld [tilespmem:s29+$0xE450];
	v23 =	vadd.f32 v40, v23  }
0x34c: {  	v40 =	vmul.f32 v47, v22;
	v45 =	vld [tilespmem:s29+$0xE460];
	v21 =	vadd.f32 v46, v21  }
0x34d: {  	v35 =	vadd.f32 v39, v35;
	v39 =	vmul.f32 v43, v22;
	v46 =	vld [tilespmem:s29+$0xE470]  }
0x34e: {  	v34 =	vadd.f32 v40, v34;
	v40 =	vmul.f32 v41, v22;
	v41 =	vld [tilespmem:s29+$0xE800]  }
.Ltmp9:
0x34f: {  	v32 =	vadd.f32 v39, v32;
	v39 =	vmul.f32 v44, v22;
	v43 =	vld [tilespmem:s29+$0xE810];
	(pc) =	sbr.rel @p0 .LBB2_22-.Ltmp9, $4  }
0x350: {  	v30 =	vadd.f32 v40, v30;
	v40 =	vmul.f32 v42, v22;
	v42 =	vld [tilespmem:s29+$0xE820]  }
0x351: {  	v29 =	vadd.f32 v39, v29;
	v45 =	vmul.f32 v45, v22;
	v39 =	vld [tilespmem:s29+$0xE830]  }
0x352: {  	s31 =	sadd.s32 $0x80, s31;
	s0 =	sadd.s32 $0x100, s0;
	v27 =	vadd.f32 v40, v27;
	v44 =	vmul.f32 v46, v22;
	v40 =	vld [tilespmem:s29+$0xE840]  }
0x353: {  	s5 =	sand.u32 $0x7800, s0;
	s7 =	sand.u32 $0x380, s31;
	s2 =	sadd.s32 $0x1, s2;
	v26 =	vadd.f32 v45, v26;
	v45 =	vmul.f32 v41, v22;
	v41 =	vld [tilespmem:s29+$0xE850]  }
0x354: {  	s0 =	sor.u32 s7, s5;
	v46 =	vld [tilespmem:s29+$0xE860]  }
0x355: {  	v47 =	vld [tilespmem:s0+$0xE870]  }
0x356: {  	v48 =	vld [tilespmem:s0+$0xE400]  }
0x357: {  	v49 =	vld [tilespmem:s0+$0xE410]  }
0x358: {  	v50 =	vld [tilespmem:s0+$0xE420]  }
0x359: {  	v51 =	vld [tilespmem:s0+$0xE430]  }
0x35a: {  	v52 =	vld [tilespmem:s0+$0xE440]  }
0x35b: {  	v53 =	vld [tilespmem:s0+$0xE450]  }
0x35c: {  	v54 =	vld [tilespmem:s0+$0xE460]  }
0x35d: {  	v56 =	vmov s30;
	v55 =	vld [tilespmem:s0+$0xE470]  }
0x35e: {  	v57 =	vld [tilespmem:s0+$0xE800];
	v25 =	vperm.xlane v25, v56  }
0x35f: {  	v56 =	vld [tilespmem:s0+$0xE810]  }
0x360: {  	v58 =	vld [tilespmem:s0+$0xE820];
	v48 =	vmul.f32 v48, v25  }
0x361: {  	v33 =	vadd.f32 v44, v33;
	v59 =	vld [tilespmem:s0+$0xE830];
	v61 =	vmul.f32 v49, v25  }
0x362: {  	s2 =	sshll.u32 s28, $0x8;
	v43 =	vmul.f32 v43, v22;
	v49 =	vld [tilespmem:s0+$0xE840];
	v62 =	vmul.f32 v50, v25;
	v35 =	vadd.f32 v48, v35  }
0x363: {  	v38 =	vadd.f32 v45, v38;
	s31 =	sand.u32 $0x3FFFFF00, s2;
	v63 =	vmul.f32 v51, v25;
	v50 =	vld [tilespmem:s0+$0xE860];
	v34 =	vadd.f32 v61, v34  }
0x364: {  	v37 =	vadd.f32 v43, v37;
	v60 =	vmul.f32 v52, v25;
	v48 =	vld [tilespmem:s0+$0xE850];
	v32 =	vadd.f32 v62, v32;
	[tilespmem:s31+$0x16200] =	vst v35  }
0x365: {  	v43 =	vmul.f32 v40, v22;
	v44 =	vmul.f32 v57, v25;
	v30 =	vadd.f32 v63, v30;
	[tilespmem:s31+$0x16210] =	vst v34  }
0x366: {  	v51 =	vmul.f32 v42, v22;
	v52 =	vmul.f32 v56, v25;
	v29 =	vadd.f32 v60, v29;
	[tilespmem:s31+$0x16220] =	vst v32  }
0x367: {  	v61 =	vmul.f32 v53, v25;
	v62 =	vmul.f32 v54, v25;
	v54 =	vadd.f32 v44, v38;
	[tilespmem:s31+$0x16230] =	vst v30  }
0x368: {  	v42 =	vmul.f32 v55, v25;
	v55 =	vmul.f32 v58, v25;
	v57 =	vadd.f32 v52, v37;
	[tilespmem:s31+$0x16240] =	vst v29  }
0x369: {  	v58 =	vmul.f32 v59, v25;
	v63 =	vmul.f32 v39, v22;
	v27 =	vadd.f32 v61, v27;
	[tilespmem:s31+$0x16280] =	vst v54  }
0x36a: {  	v53 =	vmul.f32 v41, v22;
	v35 =	vadd.f32 v51, v36;
	v26 =	vadd.f32 v62, v26;
	[tilespmem:s31+$0x16290] =	vst v57  }
0x36b: {  	v22 =	vmul.f32 v46, v22;
	v45 =	vadd.f32 v63, v31;
	v51 =	vadd.f32 v42, v33;
	[tilespmem:s31+$0x16250] =	vst v27  }
0x36c: {  	v56 =	vadd.f32 v43, v28;
	v60 =	vmul.f32 v49, v25;
	[tilespmem:s31+$0x16260] =	vst v26;
	v59 =	vadd.f32 v55, v35  }
0x36d: {  	s28 =	sadd.s32 $0x1, s28;
	v22 =	vadd.f32 v22, v23;
	v63 =	vmul.f32 v50, v25;
	[tilespmem:s31+$0x16270] =	vst v51;
	v61 =	vadd.f32 v58, v45  }
0x36e: {  	p0 =	seq.s32 s28, $0x7;
	v24 =	vadd.f32 v53, v24;
	v62 =	vmul.f32 v48, v25;
	v23 =	vadd.f32 v60, v56;
	[tilespmem:s31+$0x162A0] =	vst v59  }
.Ltmp10:
0x36f: {  	v25 =	vmul.f32 v47, v25;
	v22 =	vadd.f32 v63, v22;
	[tilespmem:s31+$0x162B0] =	vst v61;
	(pc) =	sbr.rel @!p0 .LBB2_21-.Ltmp10, $4  }
0x370: {  	v24 =	vadd.f32 v62, v24;
	[tilespmem:s31+$0x162C0] =	vst v23  }
0x371: {  	v21 =	vadd.f32 v25, v21;
	[tilespmem:s31+$0x162E0] =	vst v22  }
0x372: {  	[tilespmem:s31+$0x162D0] =	vst v24  }
0x373: {  	s26 =	sadd.s32 $0x1000, s26;
	[tilespmem:s31+$0x162F0] =	vst v21  }
0x374: {  	v21 =	vmul.f32 v15, v20;
	_ =	sdelay $0x1  }
0x375: {  	v21 =	vadd.f32 v21, v19;
	_ =	sdelay $0x1  }
0x376: {  	v22 =	vmax.f32 v21, $0.0e+00  }
0x377: {  	v22 =	vmin.f32 v22, $1.270000000e+02  }
0x378: {  	v23 =	vtrunc.f32 v22  }
0x379: {  	v23 =	vcvt.f32.s32 v23  }
0x37a: {  	s0 =	simm.s32 $0x0  }
0x37b: {  	s0 =	scvt.s32.f32 s0;
	v24 =	vcvt.s32.f32 v23;
	v25 =	vadd.s32 $0x1, v23  }
0x37c: {  	vm3 =	vlt.s32 v25, $0x7F  }
0x37d: {  	s0 =	sadd.f32 $2.500000000e-01, s0;
	v22 =	vsub.f32 v22, v24;
	v24 =	vnsel vm3, $0x7F, v25  }
0x37e: {  	vm4 =	vlt.f32 v21, $1.280000000e+02;
	v23 =	vsel vm0, v23, v24  }
0x37f: {  	vm3 =	vgt.f32 v21, $-1.000000000e+00;
	v21 =	vshll.u32 v23, $0x7;
	v23 =	vadd.f32 s0, v4;
	_ =	sdelay $0x1  }
0x380: {  	s29 =	simm.s32 $0x1;
	v23 =	vmul.f32 v23, v18  }
0x381: {  	s0 =	scvt.s32.f32 s29  }
0x382: {  	v24 =	vadd.f32 v23, v17  }
0x383: {  	v25 =	vsub.f32 $1.000000000e+00, v22;
	s0 =	sadd.f32 $2.500000000e-01, s0  }
0x384: {  	v23 =	vmax.f32 v24, $0.0e+00  }
0x385: {  	s2 =	simm.s32 $0x2;
	v22 =	vsel vm0, v25, v22;
	v25 =	vmin.f32 v23, $1.270000000e+02;
	v23 =	vadd.f32 s0, v4  }
0x386: {  	s30 =	scvt.s32.f32 s2;
	v26 =	vtrunc.f32 v25  }
0x387: {  	v26 =	vcvt.f32.s32 v26;
	v23 =	vmul.f32 v23, v18  }
0x388: {  	vm3 =	vmand vm3, vm4;
	s0 =	sadd.f32 $2.500000000e-01, s30  }
0x389: {  	vm5 =	vlt.f32 v24, $1.280000000e+02;
	v27 =	vcvt.s32.f32 v26;
	v23 =	vadd.f32 v23, v17  }
0x38a: {  	s31 =	simm.s32 $0x3;
	vm6 =	vgt.f32 v24, $-1.000000000e+00;
	v28 =	vadd.f32 s0, v4;
	v29 =	vadd.s32 $0x1, v26  }
0x38b: {  	s0 =	scvt.s32.f32 s31;
	vm4 =	vlt.s32 v29, $0x7F;
	v25 =	vsub.f32 v25, v27;
	v27 =	vmax.f32 v23, $0.0e+00  }
0x38c: {  	v30 =	vmul.f32 v28, v18;
	v29 =	vnsel vm4, $0x7F, v29;
	v31 =	vmin.f32 v27, $1.270000000e+02  }
0x38d: {  	s0 =	sadd.f32 $2.500000000e-01, s0;
	vm4 =	vmand vm3, vm6;
	v27 =	vsub.f32 $1.000000000e+00, v25;
	v28 =	vtrunc.f32 v31  }
0x38e: {  	vm4 =	vmand vm5, vm4;
	v24 =	vcvt.f32.s32 v28  }
0x38f: {  	v33 =	vsel vm4, $0x3E800000, v6;
	v28 =	vadd.f32 s0, v4;
	v25 =	vsel vm1, v27, v25  }
0x390: {  	v27 =	vsel vm1, v26, v29;
	v26 =	vmul.f32 v25, v22;
	v32 =	vcvt.s32.f32 v24  }
0x391: {  	s25 =	simm.s32 $0x200;
	s26 =	simm.s32 $0x380;
	v29 =	vadd.s32 $0x1, v24;
	v28 =	vmul.f32 v28, v18;
	v25 =	vadd.f32 v30, v17  }
0x392: {  	s28 =	simm.s32 $0x390;
	s2 =	simm.s32 $0x4;
	s0 =	simm.s32 $0x200;
	vm4 =	vlt.s32 v29, $0x7F;
	v30 =	vsub.f32 v31, v32;
	v26 =	vmul.f32 v26, v33  }
.LBB2_25:
0x393: {  	s7 =	smov.u32 s2  }
0x394: {  	s5 =	scvt.s32.f32 s2;
	v31 =	vmax.f32 v25, $0.0e+00;
	v27 =	vadd.s32 v21, v27;
	s25 =	sadd.s32 $0x10, s25;
	s7 =	sadd.s32 $0x1, s2  }
0x395: {  	p0 =	sne.s32 s2, $0x6;
	vm5 =	vlt.f32 v23, $1.280000000e+02;
	v31 =	vmin.f32 v31, $1.270000000e+02;
	v32 =	vsub.f32 $1.000000000e+00, v30;
	[tilespmem:s0+$0x0] =	vst v27;
	s0 =	smov.u32 s25  }
0x396: {  	vm6 =	vgt.f32 v23, $-1.000000000e+00;
	v29 =	vnsel vm4, $0x7F, v29;
	v23 =	vmovc v25;
	s2 =	sadd.f32 $2.500000000e-01, s5;
	v27 =	vtrunc.f32 v31;
	[tilespmem:s26+$0x0] =	vst v26;
	s26 =	smov.u32 s28  }
.Ltmp11:
0x397: {  	vm4 =	vmand vm3, vm6;
	v25 =	vcvt.f32.s32 v27;
	v26 =	vsel vm1, v32, v30;
	(pc) =	sbr.rel @p0 .LBB2_25-.Ltmp11, $4  }
0x398: {  	v27 =	vsel vm1, v24, v29;
	v30 =	vadd.f32 s2, v4;
	v26 =	vmul.f32 v26, v22  }
0x399: {  	vm4 =	vmand vm5, vm4;
	v29 =	vadd.s32 $0x1, v25;
	v32 =	vcvt.s32.f32 v25;
	v24 =	vmovc v25  }
0x39a: {  	v33 =	vsel vm4, $0x3E800000, v6;
	v25 =	vadd.f32 v28, v17;
	v28 =	vmul.f32 v30, v18  }
0x39b: {  	s28 =	sadd.s32 $0x10, s28;
	s2 =	smov.u32 s7;
	vm4 =	vlt.s32 v29, $0x7F;
	v26 =	vmul.f32 v26, v33;
	v30 =	vsub.f32 v31, v32  }
0x39c: {  	v31 =	vmax.f32 v25, $0.0e+00;
	vm5 =	vlt.f32 v23, $1.280000000e+02  }
0x39d: {  	vm6 =	vgt.f32 v23, $-1.000000000e+00;
	v23 =	vadd.f32 v28, v17;
	v48 =	vnsel vm4, $0x7F, v29  }
0x39e: {  	v27 =	vadd.s32 v21, v27;
	vm11 =	vgt.f32 v25, $-1.000000000e+00;
	vm12 =	vlt.f32 v25, $1.280000000e+02  }
0x39f: {  	v31 =	vmin.f32 v31, $1.270000000e+02;
	v33 =	vsub.f32 $1.000000000e+00, v30;
	vm9 =	vmand vm3, vm6  }
0x3a0: {  	v24 =	vsel vm1, v24, v48;
	v32 =	vtrunc.f32 v31;
	v51 =	vmax.f32 v23, $0.0e+00  }
0x3a1: {  	vm4 =	vmand vm5, vm9;
	v32 =	vcvt.f32.s32 v32;
	v52 =	vmin.f32 v51, $1.270000000e+02  }
0x3a2: {  	v24 =	vadd.s32 v21, v24;
	vm14 =	vgt.f32 v23, $-1.000000000e+00;
	v35 =	vtrunc.f32 v52  }
0x3a3: {  	vm15 =	vlt.f32 v23, $1.280000000e+02;
	v50 =	vcvt.s32.f32 v32;
	v35 =	vcvt.f32.s32 v35  }
0x3a4: {  	v49 =	vsel vm1, v33, v30;
	v34 =	vsel vm4, $0x3E800000, v6;
	vm4 =	vmand vm3, vm11  }
0x3a5: {  	vm3 =	vmand vm3, vm14;
	v30 =	vsub.f32 v31, v50;
	v56 =	vcvt.s32.f32 v35  }
0x3a6: {  	v29 =	vmul.f32 v49, v22;
	vm4 =	vmand vm12, vm4;
	v53 =	vadd.s32 $0x1, v32  }
0x3a7: {  	vm10 =	vlt.s32 v53, $0x7F;
	v36 =	vsub.f32 $1.000000000e+00, v30;
	v57 =	vsub.f32 v52, v56  }
0x3a8: {  	vm3 =	vmand vm15, vm3;
	v54 =	vmul.f32 v29, v34;
	v55 =	vnsel vm10, $0x7F, v53  }
0x3a9: {  	[tilespmem:s0+$0x0] =	vst v27;
	v29 =	vsel vm1, v32, v55;
	v30 =	vsel vm1, v36, v30;
	v32 =	vsub.f32 $1.000000000e+00, v57  }
0x3aa: {  	s2 =	sadd.s32 $0x10, s25;
	[tilespmem:s26+$0x0] =	vst v26;
	v59 =	vsel vm4, $0x3E800000, v6;
	v58 =	vadd.s32 $0x1, v35;
	v30 =	vmul.f32 v30, v22  }
0x3ab: {  	[tilespmem:s2+$0x0] =	vst v24;
	vm13 =	vlt.s32 v58, $0x7F;
	v61 =	vadd.s32 v21, v29;
	v23 =	vsel vm1, v32, v57  }
0x3ac: {  	s0 =	sadd.s32 $0x10, s2;
	[tilespmem:s28+$0x0] =	vst v54;
	v62 =	vnsel vm13, $0x7F, v58;
	v60 =	vmul.f32 v30, v59;
	v22 =	vmul.f32 v23, v22  }
0x3ad: {  	s2 =	sadd.s32 $0x10, s28;
	v63 =	vsel vm3, $0x3E800000, v6;
	[tilespmem:s0+$0x0] =	vst v61;
	v23 =	vsel vm1, v35, v62  }
0x3ae: {  	s0 =	sadd.s32 $0x10, s0;
	v21 =	vadd.s32 v21, v23;
	[tilespmem:s2+$0x0] =	vst v60;
	v22 =	vmul.f32 v22, v63  }
0x3af: {  	s2 =	sadd.s32 $0x10, s2;
	[tilespmem:s0+$0x0] =	vst v21  }
0x3b0: {  	[tilespmem:s2+$0x0] =	vst v22  }
0x3b1: {  	v21 =	vld [tilespmem:$0x200];
	_ =	sdelay $0x4  }
0x3b2: {  	v22 =	vshll.u32 v21, $0x1  }
0x3b3: {  	v21 =	vand.u32 $0x7, v21;
	v22 =	vand.u32 $0xFFFFFFF0, v22  }
0x3b4: {  	v21 =	vor.u32 v21, v22  }
0x3b5: {  	v22 =	vperm.xlane v21, v7;
	_ =	sdelay $0x1  }
0x3b6: {  	v21 =	vperm.xlane v21, v9;
	v22 =	vadd.s32 v8, v22;
	_ =	sdelay $0x1  }
0x3b7: {  	v21 =	vadd.s32 v8, v21;
	_ =	sdelay $0x1  }
0x3b8: {  	s25 =	simm.s32 $0x0;
	s5 =	simm.s32 $0xE400  }
0x3b9: {  	[tilespmem:s5], [sflag:$0x3] =	stream.indirect_vreg.gather [hbm4b:s1+s25], $0x80, v22, vm2, $0xb8;
	[tilespmem:$0x18500] =	vst v63  }
0x3ba: {  	s7 =	simm.s32 $0xEC00  }
0x3bb: {  	[tilespmem:s7], [sflag:$0x3] =	stream.indirect_vreg.gather [hbm4b:s1+s25], $0x80, v21, vm2, $0xb8;
	[tilespmem:$0x18500] =	vst v63  }
0x3bc: {  	v21 =	vld [tilespmem:$0x210];
	_ =	sdelay $0x4  }
0x3bd: {  	v22 =	vshll.u32 v21, $0x1  }
0x3be: {  	v21 =	vand.u32 $0x7, v21;
	v22 =	vand.u32 $0xFFFFFFF0, v22  }
0x3bf: {  	v21 =	vor.u32 v21, v22  }
0x3c0: {  	v22 =	vperm.xlane v21, v7;
	_ =	sdelay $0x1  }
0x3c1: {  	v21 =	vperm.xlane v21, v9;
	v22 =	vadd.s32 v8, v22;
	_ =	sdelay $0x1  }
0x3c2: {  	v21 =	vadd.s32 v8, v21;
	_ =	sdelay $0x1  }
0x3c3: {  	s26 =	simm.s32 $0xF400  }
0x3c4: {  	[tilespmem:s26], [sflag:$0x3] =	stream.indirect_vreg.gather [hbm4b:s1+s25], $0x80, v22, vm2, $0xb8;
	[tilespmem:$0x18500] =	vst v63  }
0x3c5: {  	s29 =	simm.s32 $0xFC00  }
0x3c6: {  	[tilespmem:s29], [sflag:$0x3] =	stream.indirect_vreg.gather [hbm4b:s1+s25], $0x80, v21, vm2, $0xb8;
	[tilespmem:$0x18500] =	vst v63  }
0x3c7: {  	v21 =	vld [tilespmem:$0x220];
	_ =	sdelay $0x4  }
0x3c8: {  	v22 =	vshll.u32 v21, $0x1  }
0x3c9: {  	v21 =	vand.u32 $0x7, v21;
	v22 =	vand.u32 $0xFFFFFFF0, v22  }
0x3ca: {  	v21 =	vor.u32 v21, v22  }
0x3cb: {  	v22 =	vperm.xlane v21, v7;
	_ =	sdelay $0x1  }
0x3cc: {  	v21 =	vperm.xlane v21, v9;
	v22 =	vadd.s32 v8, v22;
	_ =	sdelay $0x1  }
0x3cd: {  	v21 =	vadd.s32 v8, v21;
	_ =	sdelay $0x1  }
0x3ce: {  	s30 =	simm.s32 $0x10400  }
0x3cf: {  	[tilespmem:s30], [sflag:$0x3] =	stream.indirect_vreg.gather [hbm4b:s1+s25], $0x80, v22, vm2, $0xb8;
	[tilespmem:$0x18500] =	vst v63  }
0x3d0: {  	s31 =	simm.s32 $0x10C00  }
0x3d1: {  	[tilespmem:s31], [sflag:$0x3] =	stream.indirect_vreg.gather [hbm4b:s1+s25], $0x80, v21, vm2, $0xb8;
	[tilespmem:$0x18500] =	vst v63  }
0x3d2: {  	v21 =	vld [tilespmem:$0x230];
	_ =	sdelay $0x4  }
0x3d3: {  	v22 =	vshll.u32 v21, $0x1  }
0x3d4: {  	v21 =	vand.u32 $0x7, v21;
	v22 =	vand.u32 $0xFFFFFFF0, v22  }
0x3d5: {  	v21 =	vor.u32 v21, v22  }
0x3d6: {  	v22 =	vperm.xlane v21, v7;
	_ =	sdelay $0x1  }
0x3d7: {  	v21 =	vperm.xlane v21, v9;
	v22 =	vadd.s32 v8, v22;
	_ =	sdelay $0x1  }
0x3d8: {  	v21 =	vadd.s32 v8, v21;
	_ =	sdelay $0x1  }
0x3d9: {  	s2 =	simm.s32 $0x11400  }
0x3da: {  	[tilespmem:s2], [sflag:$0x3] =	stream.indirect_vreg.gather [hbm4b:s1+s25], $0x80, v22, vm2, $0xb8;
	[tilespmem:$0x18500] =	vst v63  }
0x3db: {  	s5 =	simm.s32 $0x11C00  }
0x3dc: {  	[tilespmem:s5], [sflag:$0x3] =	stream.indirect_vreg.gather [hbm4b:s1+s25], $0x80, v21, vm2, $0xb8;
	[tilespmem:$0x18500] =	vst v63  }
0x3dd: {  	v21 =	vld [tilespmem:$0x240];
	_ =	sdelay $0x4  }
0x3de: {  	v22 =	vshll.u32 v21, $0x1  }
0x3df: {  	v21 =	vand.u32 $0x7, v21;
	v22 =	vand.u32 $0xFFFFFFF0, v22  }
0x3e0: {  	v21 =	vor.u32 v21, v22  }
0x3e1: {  	v22 =	vperm.xlane v21, v7;
	_ =	sdelay $0x1  }
0x3e2: {  	v21 =	vperm.xlane v21, v9;
	v22 =	vadd.s32 v8, v22;
	_ =	sdelay $0x1  }
0x3e3: {  	v21 =	vadd.s32 v8, v21;
	_ =	sdelay $0x1  }
0x3e4: {  	s7 =	simm.s32 $0x12400  }
0x3e5: {  	[tilespmem:s7], [sflag:$0x3] =	stream.indirect_vreg.gather [hbm4b:s1+s25], $0x80, v22, vm2, $0xb8;
	[tilespmem:$0x18500] =	vst v63  }
0x3e6: {  	s26 =	simm.s32 $0x12C00  }
0x3e7: {  	[tilespmem:s26], [sflag:$0x3] =	stream.indirect_vreg.gather [hbm4b:s1+s25], $0x80, v21, vm2, $0xb8;
	[tilespmem:$0x18500] =	vst v63  }
0x3e8: {  	v21 =	vld [tilespmem:$0x250];
	_ =	sdelay $0x4  }
0x3e9: {  	v22 =	vshll.u32 v21, $0x1  }
0x3ea: {  	v21 =	vand.u32 $0x7, v21;
	v22 =	vand.u32 $0xFFFFFFF0, v22  }
0x3eb: {  	v21 =	vor.u32 v21, v22  }
0x3ec: {  	v22 =	vperm.xlane v21, v7;
	_ =	sdelay $0x1  }
0x3ed: {  	v21 =	vperm.xlane v21, v9;
	v22 =	vadd.s32 v8, v22;
	_ =	sdelay $0x1  }
0x3ee: {  	v21 =	vadd.s32 v8, v21;
	_ =	sdelay $0x1  }
0x3ef: {  	s29 =	simm.s32 $0x13400  }
0x3f0: {  	[tilespmem:s29], [sflag:$0x3] =	stream.indirect_vreg.gather [hbm4b:s1+s25], $0x80, v22, vm2, $0xb8;
	[tilespmem:$0x18500] =	vst v63  }
0x3f1: {  	s30 =	simm.s32 $0x13C00  }
0x3f2: {  	[tilespmem:s30], [sflag:$0x3] =	stream.indirect_vreg.gather [hbm4b:s1+s25], $0x80, v21, vm2, $0xb8;
	[tilespmem:$0x18500] =	vst v63  }
0x3f3: {  	v21 =	vld [tilespmem:$0x260];
	_ =	sdelay $0x4  }
0x3f4: {  	v22 =	vshll.u32 v21, $0x1  }
0x3f5: {  	v21 =	vand.u32 $0x7, v21;
	v22 =	vand.u32 $0xFFFFFFF0, v22  }
0x3f6: {  	v21 =	vor.u32 v21, v22  }
0x3f7: {  	v22 =	vperm.xlane v21, v7;
	_ =	sdelay $0x1  }
0x3f8: {  	v21 =	vperm.xlane v21, v9;
	v22 =	vadd.s32 v8, v22;
	_ =	sdelay $0x1  }
0x3f9: {  	v21 =	vadd.s32 v8, v21;
	_ =	sdelay $0x1  }
0x3fa: {  	s31 =	simm.s32 $0x14400  }
0x3fb: {  	[tilespmem:s31], [sflag:$0x3] =	stream.indirect_vreg.gather [hbm4b:s1+s25], $0x80, v22, vm2, $0xb8;
	[tilespmem:$0x18500] =	vst v63  }
0x3fc: {  	_ = 	snop  }
0x3fd: {  	[tilespmem:s3], [sflag:$0x3] =	stream.indirect_vreg.gather [hbm4b:s1+s25], $0x80, v21, vm2, $0xb8;
	[tilespmem:$0x18500] =	vst v63  }
0x3fe: {  	_ =	swait.ge [sflag:s4], $0x7000  }
0x3ff: {  	[sflag:s4] =	ssyncset.done $0x0  }
0x400: {  	s28 =	simm.s32 $0x0;
	s26 =	simm.s32 $0x0;
	[sflag:s4] =	ssyncadd.s32 $0xFFFF9000  }
.LBB2_27:
0x401: {  	s0 =	sshll.u32 s28, $0x4;
	s2 =	sand.u32 $0x7800, s26;
	s5 =	sand.u32 $0x380, s25  }
0x402: {  	v25 =	vld [tilespmem:s0+$0x280];
	s29 =	sor.u32 s5, s2  }
0x403: {  	v21 =	vld [tilespmem:s29+$0x870]  }
0x404: {  	v23 =	vld [tilespmem:s29+$0x400]  }
0x405: {  	v24 =	vld [tilespmem:s29+$0x410]  }
0x406: {  	v26 =	vld [tilespmem:s29+$0x420]  }
0x407: {  	v36 =	vld [tilespmem:s29+$0x470]  }
0x408: {  	v22 =	vmov s25;
	v37 =	vld [tilespmem:s29+$0x800]  }
0x409: {  	v27 =	vld [tilespmem:s29+$0x430];
	v22 =	vperm.xlane v25, v22  }
0x40a: {  	v28 =	vld [tilespmem:s29+$0x440]  }
0x40b: {  	v33 =	vimm.f32 $0.0e+00;
	v29 =	vld [tilespmem:s29+$0x450];
	v21 =	vmul.f32 v21, v22  }
0x40c: {  	v38 =	vimm.f32 $0.0e+00;
	v31 =	vld [tilespmem:s29+$0x460];
	v23 =	vmul.f32 v23, v22;
	v24 =	vmul.f32 v24, v22  }
0x40d: {  	v44 =	vmul.f32 v36, v22;
	v45 =	vmul.f32 v37, v22;
	v37 =	vimm.f32 $0.0e+00  }
0x40e: {  	v36 =	vimm.f32 $0.0e+00;
	v21 =	vadd.f32 v21, v33;
	v35 =	vadd.f32 v23, v33  }
0x40f: {  	v43 =	vld [tilespmem:s29+$0x810];
	v23 =	vmul.f32 v26, v22;
	v26 =	vmul.f32 v27, v22;
	v34 =	vadd.f32 v24, v33  }
0x410: {  	v42 =	vld [tilespmem:s29+$0x820];
	v24 =	vmul.f32 v28, v22;
	v27 =	vmul.f32 v29, v22;
	v28 =	vimm.f32 $0.0e+00  }
0x411: {  	v39 =	vld [tilespmem:s29+$0x830];
	v32 =	vadd.f32 v23, v33;
	v30 =	vadd.f32 v26, v33;
	v23 =	vmul.f32 v31, v22  }
0x412: {  	s30 =	simm.s32 $0x1;
	s31 =	simm.s32 $0x80;
	s0 =	sadd.s32 $0x100, s26;
	v40 =	vld [tilespmem:s29+$0x840];
	v29 =	vadd.f32 v24, v33;
	v27 =	vadd.f32 v27, v33;
	v31 =	vimm.f32 $0.0e+00  }
0x413: {  	s7 =	sand.u32 $0x380, s31;
	s2 =	simm.s32 $0x2;
	s5 =	sand.u32 $0x7800, s0;
	v41 =	vld [tilespmem:s29+$0x850];
	v24 =	vimm.f32 $0.0e+00;
	v26 =	vadd.f32 v23, v33;
	v23 =	vimm.f32 $0.0e+00  }
.LBB2_28:
0x414: {  	p0 =	sne.s32 s2, $0xF;
	v33 =	vadd.f32 v44, v33;
	v43 =	vmul.f32 v43, v22;
	v44 =	vld [tilespmem:s29+$0x860];
	s29 =	sor.u32 s7, s5  }
0x415: {  	v46 =	vld [tilespmem:s29+$0x870];
	v38 =	vadd.f32 v45, v38;
	v42 =	vmul.f32 v42, v22  }
0x416: {  	v45 =	vld [tilespmem:s29+$0x400];
	v37 =	vadd.f32 v43, v37;
	v39 =	vmul.f32 v39, v22  }
0x417: {  	v43 =	vmov s30;
	s30 =	smov.u32 s2;
	v47 =	vld [tilespmem:s29+$0x410];
	v36 =	vadd.f32 v42, v36;
	v40 =	vmul.f32 v40, v22  }
0x418: {  	v42 =	vperm.xlane v25, v43;
	v43 =	vld [tilespmem:s29+$0x420];
	v31 =	vadd.f32 v39, v31;
	v39 =	vmul.f32 v41, v22  }
0x419: {  	v41 =	vld [tilespmem:s29+$0x430];
	v28 =	vadd.f32 v40, v28;
	v40 =	vmul.f32 v44, v22  }
0x41a: {  	v22 =	vmov v42;
	v44 =	vld [tilespmem:s29+$0x440];
	v46 =	vmul.f32 v46, v42;
	v24 =	vadd.f32 v39, v24  }
0x41b: {  	v39 =	vmul.f32 v45, v22;
	v42 =	vld [tilespmem:s29+$0x450];
	v23 =	vadd.f32 v40, v23  }
0x41c: {  	v40 =	vmul.f32 v47, v22;
	v45 =	vld [tilespmem:s29+$0x460];
	v21 =	vadd.f32 v46, v21  }
0x41d: {  	v35 =	vadd.f32 v39, v35;
	v39 =	vmul.f32 v43, v22;
	v46 =	vld [tilespmem:s29+$0x470]  }
0x41e: {  	v34 =	vadd.f32 v40, v34;
	v40 =	vmul.f32 v41, v22;
	v41 =	vld [tilespmem:s29+$0x800]  }
.Ltmp12:
0x41f: {  	v32 =	vadd.f32 v39, v32;
	v39 =	vmul.f32 v44, v22;
	v43 =	vld [tilespmem:s29+$0x810];
	(pc) =	sbr.rel @p0 .LBB2_28-.Ltmp12, $4  }
0x420: {  	v30 =	vadd.f32 v40, v30;
	v40 =	vmul.f32 v42, v22;
	v42 =	vld [tilespmem:s29+$0x820]  }
0x421: {  	v29 =	vadd.f32 v39, v29;
	v45 =	vmul.f32 v45, v22;
	v39 =	vld [tilespmem:s29+$0x830]  }
0x422: {  	s31 =	sadd.s32 $0x80, s31;
	s0 =	sadd.s32 $0x100, s0;
	v27 =	vadd.f32 v40, v27;
	v44 =	vmul.f32 v46, v22;
	v40 =	vld [tilespmem:s29+$0x840]  }
0x423: {  	s5 =	sand.u32 $0x7800, s0;
	s7 =	sand.u32 $0x380, s31;
	s2 =	sadd.s32 $0x1, s2;
	v26 =	vadd.f32 v45, v26;
	v45 =	vmul.f32 v41, v22;
	v41 =	vld [tilespmem:s29+$0x850]  }
0x424: {  	s0 =	sor.u32 s7, s5;
	v46 =	vld [tilespmem:s29+$0x860]  }
0x425: {  	v47 =	vld [tilespmem:s0+$0x870]  }
0x426: {  	v48 =	vld [tilespmem:s0+$0x400]  }
0x427: {  	v49 =	vld [tilespmem:s0+$0x410]  }
0x428: {  	v50 =	vld [tilespmem:s0+$0x420]  }
0x429: {  	v51 =	vld [tilespmem:s0+$0x430]  }
0x42a: {  	v52 =	vld [tilespmem:s0+$0x440]  }
0x42b: {  	v53 =	vld [tilespmem:s0+$0x450]  }
0x42c: {  	v54 =	vld [tilespmem:s0+$0x460]  }
0x42d: {  	v56 =	vmov s30;
	v55 =	vld [tilespmem:s0+$0x470]  }
0x42e: {  	v57 =	vld [tilespmem:s0+$0x800];
	v25 =	vperm.xlane v25, v56  }
0x42f: {  	v56 =	vld [tilespmem:s0+$0x810]  }
0x430: {  	v58 =	vld [tilespmem:s0+$0x820];
	v48 =	vmul.f32 v48, v25  }
0x431: {  	v33 =	vadd.f32 v44, v33;
	v59 =	vld [tilespmem:s0+$0x830];
	v61 =	vmul.f32 v49, v25  }
0x432: {  	s2 =	sshll.u32 s28, $0x8;
	v43 =	vmul.f32 v43, v22;
	v49 =	vld [tilespmem:s0+$0x840];
	v62 =	vmul.f32 v50, v25;
	v35 =	vadd.f32 v48, v35  }
0x433: {  	v38 =	vadd.f32 v45, v38;
	s31 =	sand.u32 $0x3FFFFF00, s2;
	v63 =	vmul.f32 v51, v25;
	v50 =	vld [tilespmem:s0+$0x860];
	v34 =	vadd.f32 v61, v34  }
0x434: {  	v37 =	vadd.f32 v43, v37;
	v60 =	vmul.f32 v52, v25;
	v48 =	vld [tilespmem:s0+$0x850];
	v32 =	vadd.f32 v62, v32;
	[tilespmem:s31+$0x16900] =	vst v35  }
0x435: {  	v43 =	vmul.f32 v40, v22;
	v44 =	vmul.f32 v57, v25;
	v30 =	vadd.f32 v63, v30;
	[tilespmem:s31+$0x16910] =	vst v34  }
0x436: {  	v51 =	vmul.f32 v42, v22;
	v52 =	vmul.f32 v56, v25;
	v29 =	vadd.f32 v60, v29;
	[tilespmem:s31+$0x16920] =	vst v32  }
0x437: {  	v61 =	vmul.f32 v53, v25;
	v62 =	vmul.f32 v54, v25;
	v54 =	vadd.f32 v44, v38;
	[tilespmem:s31+$0x16930] =	vst v30  }
0x438: {  	v42 =	vmul.f32 v55, v25;
	v55 =	vmul.f32 v58, v25;
	v57 =	vadd.f32 v52, v37;
	[tilespmem:s31+$0x16940] =	vst v29  }
0x439: {  	v58 =	vmul.f32 v59, v25;
	v63 =	vmul.f32 v39, v22;
	v27 =	vadd.f32 v61, v27;
	[tilespmem:s31+$0x16980] =	vst v54  }
0x43a: {  	v53 =	vmul.f32 v41, v22;
	v35 =	vadd.f32 v51, v36;
	v26 =	vadd.f32 v62, v26;
	[tilespmem:s31+$0x16990] =	vst v57  }
0x43b: {  	v22 =	vmul.f32 v46, v22;
	v45 =	vadd.f32 v63, v31;
	v51 =	vadd.f32 v42, v33;
	[tilespmem:s31+$0x16950] =	vst v27  }
0x43c: {  	v56 =	vadd.f32 v43, v28;
	v60 =	vmul.f32 v49, v25;
	[tilespmem:s31+$0x16960] =	vst v26;
	v59 =	vadd.f32 v55, v35  }
0x43d: {  	s28 =	sadd.s32 $0x1, s28;
	v22 =	vadd.f32 v22, v23;
	v63 =	vmul.f32 v50, v25;
	[tilespmem:s31+$0x16970] =	vst v51;
	v61 =	vadd.f32 v58, v45  }
0x43e: {  	p0 =	seq.s32 s28, $0x7;
	v24 =	vadd.f32 v53, v24;
	v62 =	vmul.f32 v48, v25;
	v23 =	vadd.f32 v60, v56;
	[tilespmem:s31+$0x169A0] =	vst v59  }
.Ltmp13:
0x43f: {  	v25 =	vmul.f32 v47, v25;
	v22 =	vadd.f32 v63, v22;
	[tilespmem:s31+$0x169B0] =	vst v61;
	(pc) =	sbr.rel @!p0 .LBB2_27-.Ltmp13, $4  }
0x440: {  	v24 =	vadd.f32 v62, v24;
	[tilespmem:s31+$0x169C0] =	vst v23  }
0x441: {  	v21 =	vadd.f32 v25, v21;
	[tilespmem:s31+$0x169E0] =	vst v22  }
0x442: {  	[tilespmem:s31+$0x169D0] =	vst v24  }
0x443: {  	s26 =	sadd.s32 $0x1000, s26;
	[tilespmem:s31+$0x169F0] =	vst v21  }
0x444: {  	v20 =	vmul.f32 v16, v20;
	_ =	sdelay $0x1  }
0x445: {  	v19 =	vadd.f32 v20, v19;
	_ =	sdelay $0x1  }
0x446: {  	v20 =	vmax.f32 v19, $0.0e+00  }
0x447: {  	v20 =	vmin.f32 v20, $1.270000000e+02  }
0x448: {  	v21 =	vtrunc.f32 v20  }
0x449: {  	v21 =	vcvt.f32.s32 v21  }
0x44a: {  	s0 =	simm.s32 $0x0  }
0x44b: {  	s0 =	scvt.s32.f32 s0;
	v22 =	vcvt.s32.f32 v21;
	v23 =	vadd.s32 $0x1, v21  }
0x44c: {  	vm3 =	vlt.s32 v23, $0x7F  }
0x44d: {  	s0 =	sadd.f32 $2.500000000e-01, s0;
	v20 =	vsub.f32 v20, v22;
	v22 =	vnsel vm3, $0x7F, v23  }
0x44e: {  	vm4 =	vlt.f32 v19, $1.280000000e+02;
	v21 =	vsel vm0, v21, v22  }
0x44f: {  	vm3 =	vgt.f32 v19, $-1.000000000e+00;
	v19 =	vshll.u32 v21, $0x7;
	v21 =	vadd.f32 s0, v4;
	_ =	sdelay $0x1  }
0x450: {  	s29 =	simm.s32 $0x1;
	v21 =	vmul.f32 v21, v18  }
0x451: {  	s0 =	scvt.s32.f32 s29  }
0x452: {  	v22 =	vadd.f32 v21, v17  }
0x453: {  	v23 =	vsub.f32 $1.000000000e+00, v20;
	s0 =	sadd.f32 $2.500000000e-01, s0  }
0x454: {  	s2 =	simm.s32 $0x2;
	v21 =	vmax.f32 v22, $0.0e+00  }
0x455: {  	s30 =	scvt.s32.f32 s2;
	v20 =	vsel vm0, v23, v20;
	v23 =	vmin.f32 v21, $1.270000000e+02;
	v21 =	vadd.f32 s0, v4  }
0x456: {  	v24 =	vtrunc.f32 v23  }
0x457: {  	s0 =	sadd.f32 $2.500000000e-01, s30;
	v24 =	vcvt.f32.s32 v24;
	v21 =	vmul.f32 v21, v18;
	_ =	sdelay $0x1  }
0x458: {  	v26 =	vadd.f32 s0, v4;
	v25 =	vcvt.s32.f32 v24;
	v21 =	vadd.f32 v21, v17  }
0x459: {  	s31 =	simm.s32 $0x3;
	vm3 =	vmand vm3, vm4;
	vm5 =	vlt.f32 v22, $1.280000000e+02;
	v27 =	vadd.s32 $0x1, v24  }
0x45a: {  	s0 =	scvt.s32.f32 s31;
	v23 =	vsub.f32 v23, v25;
	v25 =	vmul.f32 v26, v18;
	v26 =	vmax.f32 v21, $0.0e+00  }
0x45b: {  	vm6 =	vgt.f32 v22, $-1.000000000e+00;
	vm4 =	vlt.s32 v27, $0x7F;
	v28 =	vmin.f32 v26, $1.270000000e+02  }
0x45c: {  	s0 =	sadd.f32 $2.500000000e-01, s0;
	v27 =	vnsel vm4, $0x7F, v27;
	v26 =	vsub.f32 $1.000000000e+00, v23;
	v29 =	vtrunc.f32 v28  }
0x45d: {  	vm4 =	vmand vm3, vm6;
	v24 =	vsel vm1, v24, v27;
	v22 =	vcvt.f32.s32 v29  }
0x45e: {  	vm4 =	vmand vm5, vm4;
	v23 =	vsel vm1, v26, v23;
	v26 =	vadd.f32 s0, v4  }
0x45f: {  	v25 =	vadd.f32 v25, v17;
	v23 =	vmul.f32 v23, v20;
	v29 =	vcvt.s32.f32 v22  }
0x460: {  	s25 =	simm.s32 $0x100;
	s26 =	simm.s32 $0x280;
	v30 =	vsel vm4, $0x3E800000, v6;
	v27 =	vadd.s32 $0x1, v22;
	v26 =	vmul.f32 v26, v18  }
0x461: {  	s28 =	simm.s32 $0x290;
	s2 =	simm.s32 $0x4;
	s0 =	simm.s32 $0x100;
	vm4 =	vlt.s32 v27, $0x7F;
	v28 =	vsub.f32 v28, v29;
	v23 =	vmul.f32 v23, v30  }
.LBB2_31:
0x462: {  	s7 =	smov.u32 s2  }
0x463: {  	s5 =	scvt.s32.f32 s2;
	v29 =	vmax.f32 v25, $0.0e+00;
	v24 =	vadd.s32 v19, v24;
	s25 =	sadd.s32 $0x10, s25;
	s7 =	sadd.s32 $0x1, s2  }
0x464: {  	p0 =	sne.s32 s2, $0x6;
	vm5 =	vlt.f32 v21, $1.280000000e+02;
	v29 =	vmin.f32 v29, $1.270000000e+02;
	v30 =	vsub.f32 $1.000000000e+00, v28;
	[tilespmem:s0+$0x0] =	vst v24;
	s0 =	smov.u32 s25  }
0x465: {  	vm6 =	vgt.f32 v21, $-1.000000000e+00;
	v27 =	vnsel vm4, $0x7F, v27;
	v21 =	vmovc v25;
	s2 =	sadd.f32 $2.500000000e-01, s5;
	v24 =	vtrunc.f32 v29;
	[tilespmem:s26+$0x0] =	vst v23;
	s26 =	smov.u32 s28  }
.Ltmp14:
0x466: {  	vm4 =	vmand vm3, vm6;
	v23 =	vcvt.f32.s32 v24;
	v25 =	vsel vm1, v30, v28;
	(pc) =	sbr.rel @p0 .LBB2_31-.Ltmp14, $4  }
0x467: {  	v24 =	vsel vm1, v22, v27;
	v28 =	vadd.f32 s2, v4;
	v30 =	vmul.f32 v25, v20  }
0x468: {  	vm4 =	vmand vm5, vm4;
	v27 =	vadd.s32 $0x1, v23;
	v31 =	vcvt.s32.f32 v23;
	v22 =	vmovc v23  }
0x469: {  	v25 =	vadd.f32 v26, v17;
	v23 =	vsel vm4, $0x3E800000, v6;
	v26 =	vmul.f32 v28, v18  }
0x46a: {  	s28 =	sadd.s32 $0x10, s28;
	s2 =	smov.u32 s7;
	vm4 =	vlt.s32 v27, $0x7F;
	v23 =	vmul.f32 v30, v23;
	v28 =	vsub.f32 v29, v31  }
0x46b: {  	v18 =	vmax.f32 v25, $0.0e+00;
	vm5 =	vlt.f32 v21, $1.280000000e+02  }
0x46c: {  	vm6 =	vgt.f32 v21, $-1.000000000e+00;
	v17 =	vadd.f32 v26, v17;
	v48 =	vnsel vm4, $0x7F, v27  }
0x46d: {  	vm10 =	vlt.f32 v25, $1.280000000e+02;
	vm11 =	vgt.f32 v25, $-1.000000000e+00;
	v24 =	vadd.s32 v19, v24  }
0x46e: {  	v18 =	vmin.f32 v18, $1.270000000e+02;
	v30 =	vsub.f32 $1.000000000e+00, v28;
	vm9 =	vmand vm3, vm6  }
0x46f: {  	v21 =	vsel vm1, v22, v48;
	v29 =	vtrunc.f32 v18;
	v51 =	vmax.f32 v17, $0.0e+00  }
0x470: {  	vm4 =	vmand vm5, vm9;
	v29 =	vcvt.f32.s32 v29;
	v52 =	vmin.f32 v51, $1.270000000e+02  }
0x471: {  	v21 =	vadd.s32 v19, v21;
	v49 =	vsel vm1, v30, v28;
	v28 =	vtrunc.f32 v52  }
0x472: {  	vm5 =	vmand vm3, vm11;
	v50 =	vcvt.s32.f32 v29;
	v28 =	vcvt.f32.s32 v28  }
0x473: {  	vm14 =	vgt.f32 v17, $-1.000000000e+00;
	vm15 =	vlt.f32 v17, $1.280000000e+02;
	v53 =	vsel vm4, $0x3E800000, v6  }
0x474: {  	v26 =	vmul.f32 v49, v20;
	v18 =	vsub.f32 v18, v50;
	v56 =	vcvt.s32.f32 v28  }
0x475: {  	vm4 =	vmand vm10, vm5;
	vm3 =	vmand vm3, vm14;
	v55 =	vadd.s32 $0x1, v29  }
0x476: {  	v22 =	vmul.f32 v26, v53;
	v54 =	vsub.f32 $1.000000000e+00, v18;
	v26 =	vsub.f32 v52, v56  }
0x477: {  	v58 =	vsel vm4, $0x3E800000, v6;
	vm3 =	vmand vm15, vm3;
	vm12 =	vlt.s32 v55, $0x7F  }
0x478: {  	[tilespmem:s0+$0x0] =	vst v24;
	v25 =	vnsel vm12, $0x7F, v55;
	v18 =	vsel vm1, v54, v18;
	v59 =	vsub.f32 $1.000000000e+00, v26  }
0x479: {  	s31 =	sadd.s32 $0x10, s25;
	[tilespmem:s26+$0x0] =	vst v23;
	v57 =	vadd.s32 $0x1, v28;
	v25 =	vsel vm1, v29, v25;
	v18 =	vmul.f32 v18, v20  }
0x47a: {  	[tilespmem:s31+$0x0] =	vst v21;
	vm13 =	vlt.s32 v57, $0x7F;
	v60 =	vadd.s32 v19, v25;
	v17 =	vsel vm1, v59, v26  }
0x47b: {  	s0 =	sadd.s32 $0x10, s31;
	[tilespmem:s28+$0x0] =	vst v22;
	v61 =	vnsel vm13, $0x7F, v57;
	v18 =	vmul.f32 v18, v58;
	v17 =	vmul.f32 v17, v20  }
0x47c: {  	s2 =	sadd.s32 $0x10, s28;
	v63 =	vsel vm3, $0x3E800000, v6;
	[tilespmem:s0+$0x0] =	vst v60;
	v62 =	vsel vm1, v28, v61  }
0x47d: {  	s0 =	sadd.s32 $0x10, s0;
	[tilespmem:s2+$0x0] =	vst v18;
	v17 =	vmul.f32 v17, v63;
	v18 =	vadd.s32 v19, v62  }
0x47e: {  	s2 =	sadd.s32 $0x10, s2;
	[tilespmem:s0+$0x0] =	vst v18  }
0x47f: {  	[tilespmem:s2+$0x0] =	vst v17  }
0x480: {  	v17 =	vld [tilespmem:$0x100];
	_ =	sdelay $0x4  }
0x481: {  	v18 =	vshll.u32 v17, $0x1  }
0x482: {  	v17 =	vand.u32 $0x7, v17;
	v18 =	vand.u32 $0xFFFFFFF0, v18  }
0x483: {  	v17 =	vor.u32 v17, v18  }
0x484: {  	v18 =	vperm.xlane v17, v7;
	_ =	sdelay $0x1  }
0x485: {  	v17 =	vperm.xlane v17, v9;
	v18 =	vadd.s32 v8, v18;
	_ =	sdelay $0x1  }
0x486: {  	v17 =	vadd.s32 v8, v17;
	_ =	sdelay $0x1  }
0x487: {  	s25 =	simm.s32 $0x0  }
0x488: {  	[tilespmem:s9], [sflag:$0x1] =	stream.indirect_vreg.gather [hbm4b:s1+s25], $0x80, v18, vm2, $0xb8;
	[tilespmem:$0x18500] =	vst v63  }
0x489: {  	_ = 	snop  }
0x48a: {  	[tilespmem:s10], [sflag:$0x1] =	stream.indirect_vreg.gather [hbm4b:s1+s25], $0x80, v17, vm2, $0xb8;
	[tilespmem:$0x18500] =	vst v63  }
0x48b: {  	v17 =	vld [tilespmem:$0x110];
	_ =	sdelay $0x4  }
0x48c: {  	v18 =	vshll.u32 v17, $0x1  }
0x48d: {  	v17 =	vand.u32 $0x7, v17;
	v18 =	vand.u32 $0xFFFFFFF0, v18  }
0x48e: {  	v17 =	vor.u32 v17, v18  }
0x48f: {  	v18 =	vperm.xlane v17, v7;
	_ =	sdelay $0x1  }
0x490: {  	v17 =	vperm.xlane v17, v9;
	v18 =	vadd.s32 v8, v18;
	_ =	sdelay $0x1  }
0x491: {  	v17 =	vadd.s32 v8, v17;
	_ =	sdelay $0x2  }
0x492: {  	[tilespmem:s11], [sflag:$0x1] =	stream.indirect_vreg.gather [hbm4b:s1+s25], $0x80, v18, vm2, $0xb8;
	[tilespmem:$0x18500] =	vst v63  }
0x493: {  	_ = 	snop  }
0x494: {  	[tilespmem:s12], [sflag:$0x1] =	stream.indirect_vreg.gather [hbm4b:s1+s25], $0x80, v17, vm2, $0xb8;
	[tilespmem:$0x18500] =	vst v63  }
0x495: {  	v17 =	vld [tilespmem:$0x120];
	_ =	sdelay $0x4  }
0x496: {  	v18 =	vshll.u32 v17, $0x1  }
0x497: {  	v17 =	vand.u32 $0x7, v17;
	v18 =	vand.u32 $0xFFFFFFF0, v18  }
0x498: {  	v17 =	vor.u32 v17, v18  }
0x499: {  	v18 =	vperm.xlane v17, v7;
	_ =	sdelay $0x1  }
0x49a: {  	v17 =	vperm.xlane v17, v9;
	v18 =	vadd.s32 v8, v18;
	_ =	sdelay $0x1  }
0x49b: {  	v17 =	vadd.s32 v8, v17;
	_ =	sdelay $0x2  }
0x49c: {  	[tilespmem:s13], [sflag:$0x1] =	stream.indirect_vreg.gather [hbm4b:s1+s25], $0x80, v18, vm2, $0xb8;
	[tilespmem:$0x18500] =	vst v63  }
0x49d: {  	_ = 	snop  }
0x49e: {  	[tilespmem:s14], [sflag:$0x1] =	stream.indirect_vreg.gather [hbm4b:s1+s25], $0x80, v17, vm2, $0xb8;
	[tilespmem:$0x18500] =	vst v63  }
0x49f: {  	v17 =	vld [tilespmem:$0x130];
	_ =	sdelay $0x4  }
0x4a0: {  	v18 =	vshll.u32 v17, $0x1  }
0x4a1: {  	v17 =	vand.u32 $0x7, v17;
	v18 =	vand.u32 $0xFFFFFFF0, v18  }
0x4a2: {  	v17 =	vor.u32 v17, v18  }
0x4a3: {  	v18 =	vperm.xlane v17, v7;
	_ =	sdelay $0x1  }
0x4a4: {  	v17 =	vperm.xlane v17, v9;
	v18 =	vadd.s32 v8, v18;
	_ =	sdelay $0x1  }
0x4a5: {  	v17 =	vadd.s32 v8, v17;
	_ =	sdelay $0x2  }
0x4a6: {  	[tilespmem:s15], [sflag:$0x1] =	stream.indirect_vreg.gather [hbm4b:s1+s25], $0x80, v18, vm2, $0xb8;
	[tilespmem:$0x18500] =	vst v63  }
0x4a7: {  	_ = 	snop  }
0x4a8: {  	[tilespmem:s16], [sflag:$0x1] =	stream.indirect_vreg.gather [hbm4b:s1+s25], $0x80, v17, vm2, $0xb8;
	[tilespmem:$0x18500] =	vst v63  }
0x4a9: {  	v17 =	vld [tilespmem:$0x140];
	_ =	sdelay $0x4  }
0x4aa: {  	v18 =	vshll.u32 v17, $0x1  }
0x4ab: {  	v17 =	vand.u32 $0x7, v17;
	v18 =	vand.u32 $0xFFFFFFF0, v18  }
0x4ac: {  	v17 =	vor.u32 v17, v18  }
0x4ad: {  	v18 =	vperm.xlane v17, v7;
	_ =	sdelay $0x1  }
0x4ae: {  	v17 =	vperm.xlane v17, v9;
	v18 =	vadd.s32 v8, v18;
	_ =	sdelay $0x1  }
0x4af: {  	v17 =	vadd.s32 v8, v17;
	_ =	sdelay $0x2  }
0x4b0: {  	[tilespmem:s17], [sflag:$0x1] =	stream.indirect_vreg.gather [hbm4b:s1+s25], $0x80, v18, vm2, $0xb8;
	[tilespmem:$0x18500] =	vst v63  }
0x4b1: {  	_ = 	snop  }
0x4b2: {  	[tilespmem:s18], [sflag:$0x1] =	stream.indirect_vreg.gather [hbm4b:s1+s25], $0x80, v17, vm2, $0xb8;
	[tilespmem:$0x18500] =	vst v63  }
0x4b3: {  	v17 =	vld [tilespmem:$0x150];
	_ =	sdelay $0x4  }
0x4b4: {  	v18 =	vshll.u32 v17, $0x1  }
0x4b5: {  	v17 =	vand.u32 $0x7, v17;
	v18 =	vand.u32 $0xFFFFFFF0, v18  }
0x4b6: {  	v17 =	vor.u32 v17, v18  }
0x4b7: {  	v18 =	vperm.xlane v17, v7;
	_ =	sdelay $0x1  }
0x4b8: {  	v17 =	vperm.xlane v17, v9;
	v18 =	vadd.s32 v8, v18;
	_ =	sdelay $0x1  }
0x4b9: {  	v17 =	vadd.s32 v8, v17;
	_ =	sdelay $0x2  }
0x4ba: {  	[tilespmem:s19], [sflag:$0x1] =	stream.indirect_vreg.gather [hbm4b:s1+s25], $0x80, v18, vm2, $0xb8;
	[tilespmem:$0x18500] =	vst v63  }
0x4bb: {  	_ = 	snop  }
0x4bc: {  	[tilespmem:s20], [sflag:$0x1] =	stream.indirect_vreg.gather [hbm4b:s1+s25], $0x80, v17, vm2, $0xb8;
	[tilespmem:$0x18500] =	vst v63  }
0x4bd: {  	v17 =	vld [tilespmem:$0x160];
	_ =	sdelay $0x4  }
0x4be: {  	v18 =	vshll.u32 v17, $0x1  }
0x4bf: {  	v17 =	vand.u32 $0x7, v17;
	v18 =	vand.u32 $0xFFFFFFF0, v18  }
0x4c0: {  	v17 =	vor.u32 v17, v18  }
0x4c1: {  	v18 =	vperm.xlane v17, v7;
	_ =	sdelay $0x1  }
0x4c2: {  	v17 =	vperm.xlane v17, v9;
	v18 =	vadd.s32 v8, v18;
	_ =	sdelay $0x1  }
0x4c3: {  	v17 =	vadd.s32 v8, v17;
	_ =	sdelay $0x2  }
0x4c4: {  	[tilespmem:s21], [sflag:$0x1] =	stream.indirect_vreg.gather [hbm4b:s1+s25], $0x80, v18, vm2, $0xb8;
	[tilespmem:$0x18500] =	vst v63  }
0x4c5: {  	_ = 	snop  }
0x4c6: {  	[tilespmem:s22], [sflag:$0x1] =	stream.indirect_vreg.gather [hbm4b:s1+s25], $0x80, v17, vm2, $0xb8;
	[tilespmem:$0x18500] =	vst v63  }
0x4c7: {  	_ =	swait.ge [sflag:s6], $0x7000  }
0x4c8: {  	[sflag:s6] =	ssyncset.done $0x0  }
0x4c9: {  	s26 =	simm.s32 $0x0;
	s28 =	simm.s32 $0x0;
	[sflag:s6] =	ssyncadd.s32 $0xFFFF9000  }
.LBB2_33:
0x4ca: {  	s0 =	sshll.u32 s28, $0x4;
	s2 =	sand.u32 $0x7800, s26;
	s5 =	sand.u32 $0x380, s25  }
0x4cb: {  	v21 =	vld [tilespmem:s0+$0x300];
	s29 =	sor.u32 s5, s2  }
0x4cc: {  	v17 =	vld [tilespmem:s29+$0x7870]  }
0x4cd: {  	v19 =	vld [tilespmem:s29+$0x7400]  }
0x4ce: {  	v20 =	vld [tilespmem:s29+$0x7410]  }
0x4cf: {  	v22 =	vld [tilespmem:s29+$0x7420]  }
0x4d0: {  	v32 =	vld [tilespmem:s29+$0x7470]  }
0x4d1: {  	v18 =	vmov s25;
	v33 =	vld [tilespmem:s29+$0x7800]  }
0x4d2: {  	v23 =	vld [tilespmem:s29+$0x7430];
	v18 =	vperm.xlane v21, v18  }
0x4d3: {  	v24 =	vld [tilespmem:s29+$0x7440]  }
0x4d4: {  	v29 =	vimm.f32 $0.0e+00;
	v25 =	vld [tilespmem:s29+$0x7450];
	v17 =	vmul.f32 v17, v18  }
0x4d5: {  	v34 =	vimm.f32 $0.0e+00;
	v27 =	vld [tilespmem:s29+$0x7460];
	v19 =	vmul.f32 v19, v18;
	v20 =	vmul.f32 v20, v18  }
0x4d6: {  	v40 =	vmul.f32 v32, v18;
	v41 =	vmul.f32 v33, v18;
	v33 =	vimm.f32 $0.0e+00  }
0x4d7: {  	v32 =	vimm.f32 $0.0e+00;
	v17 =	vadd.f32 v17, v29;
	v31 =	vadd.f32 v19, v29  }
0x4d8: {  	v39 =	vld [tilespmem:s29+$0x7810];
	v19 =	vmul.f32 v22, v18;
	v22 =	vmul.f32 v23, v18;
	v30 =	vadd.f32 v20, v29  }
0x4d9: {  	v38 =	vld [tilespmem:s29+$0x7820];
	v20 =	vmul.f32 v24, v18;
	v23 =	vmul.f32 v25, v18;
	v24 =	vimm.f32 $0.0e+00  }
0x4da: {  	v35 =	vld [tilespmem:s29+$0x7830];
	v28 =	vadd.f32 v19, v29;
	v26 =	vadd.f32 v22, v29;
	v19 =	vmul.f32 v27, v18  }
0x4db: {  	s30 =	simm.s32 $0x1;
	s31 =	simm.s32 $0x80;
	s0 =	sadd.s32 $0x100, s26;
	v36 =	vld [tilespmem:s29+$0x7840];
	v25 =	vadd.f32 v20, v29;
	v23 =	vadd.f32 v23, v29;
	v27 =	vimm.f32 $0.0e+00  }
0x4dc: {  	s7 =	sand.u32 $0x380, s31;
	s2 =	simm.s32 $0x2;
	s5 =	sand.u32 $0x7800, s0;
	v37 =	vld [tilespmem:s29+$0x7850];
	v20 =	vimm.f32 $0.0e+00;
	v22 =	vadd.f32 v19, v29;
	v19 =	vimm.f32 $0.0e+00  }
.LBB2_34:
0x4dd: {  	p0 =	sne.s32 s2, $0xF;
	v29 =	vadd.f32 v40, v29;
	v39 =	vmul.f32 v39, v18;
	v40 =	vld [tilespmem:s29+$0x7860];
	s29 =	sor.u32 s7, s5  }
0x4de: {  	v42 =	vld [tilespmem:s29+$0x7870];
	v34 =	vadd.f32 v41, v34;
	v38 =	vmul.f32 v38, v18  }
0x4df: {  	v41 =	vld [tilespmem:s29+$0x7400];
	v33 =	vadd.f32 v39, v33;
	v35 =	vmul.f32 v35, v18  }
0x4e0: {  	v39 =	vmov s30;
	s30 =	smov.u32 s2;
	v43 =	vld [tilespmem:s29+$0x7410];
	v32 =	vadd.f32 v38, v32;
	v36 =	vmul.f32 v36, v18  }
0x4e1: {  	v38 =	vperm.xlane v21, v39;
	v39 =	vld [tilespmem:s29+$0x7420];
	v27 =	vadd.f32 v35, v27;
	v35 =	vmul.f32 v37, v18  }
0x4e2: {  	v37 =	vld [tilespmem:s29+$0x7430];
	v24 =	vadd.f32 v36, v24;
	v36 =	vmul.f32 v40, v18  }
0x4e3: {  	v18 =	vmov v38;
	v40 =	vld [tilespmem:s29+$0x7440];
	v42 =	vmul.f32 v42, v38;
	v20 =	vadd.f32 v35, v20  }
0x4e4: {  	v35 =	vmul.f32 v41, v18;
	v38 =	vld [tilespmem:s29+$0x7450];
	v19 =	vadd.f32 v36, v19  }
0x4e5: {  	v36 =	vmul.f32 v43, v18;
	v41 =	vld [tilespmem:s29+$0x7460];
	v17 =	vadd.f32 v42, v17  }
0x4e6: {  	v31 =	vadd.f32 v35, v31;
	v35 =	vmul.f32 v39, v18;
	v42 =	vld [tilespmem:s29+$0x7470]  }
0x4e7: {  	v30 =	vadd.f32 v36, v30;
	v36 =	vmul.f32 v37, v18;
	v37 =	vld [tilespmem:s29+$0x7800]  }
.Ltmp15:
0x4e8: {  	v28 =	vadd.f32 v35, v28;
	v35 =	vmul.f32 v40, v18;
	v39 =	vld [tilespmem:s29+$0x7810];
	(pc) =	sbr.rel @p0 .LBB2_34-.Ltmp15, $4  }
0x4e9: {  	v26 =	vadd.f32 v36, v26;
	v36 =	vmul.f32 v38, v18;
	v38 =	vld [tilespmem:s29+$0x7820]  }
0x4ea: {  	v25 =	vadd.f32 v35, v25;
	v41 =	vmul.f32 v41, v18;
	v35 =	vld [tilespmem:s29+$0x7830]  }
0x4eb: {  	s31 =	sadd.s32 $0x80, s31;
	s0 =	sadd.s32 $0x100, s0;
	v23 =	vadd.f32 v36, v23;
	v40 =	vmul.f32 v42, v18;
	v36 =	vld [tilespmem:s29+$0x7840]  }
0x4ec: {  	s5 =	sand.u32 $0x7800, s0;
	s7 =	sand.u32 $0x380, s31;
	s2 =	sadd.s32 $0x1, s2;
	v22 =	vadd.f32 v41, v22;
	v41 =	vmul.f32 v37, v18;
	v37 =	vld [tilespmem:s29+$0x7850]  }
0x4ed: {  	s0 =	sor.u32 s7, s5;
	v42 =	vld [tilespmem:s29+$0x7860]  }
0x4ee: {  	v43 =	vld [tilespmem:s0+$0x7870]  }
0x4ef: {  	v44 =	vld [tilespmem:s0+$0x7400]  }
0x4f0: {  	v45 =	vld [tilespmem:s0+$0x7410]  }
0x4f1: {  	v46 =	vld [tilespmem:s0+$0x7420]  }
0x4f2: {  	v47 =	vld [tilespmem:s0+$0x7430]  }
0x4f3: {  	v48 =	vld [tilespmem:s0+$0x7440]  }
0x4f4: {  	v49 =	vld [tilespmem:s0+$0x7450]  }
0x4f5: {  	v50 =	vld [tilespmem:s0+$0x7460]  }
0x4f6: {  	v52 =	vmov s30;
	v51 =	vld [tilespmem:s0+$0x7470]  }
0x4f7: {  	v53 =	vld [tilespmem:s0+$0x7800];
	v21 =	vperm.xlane v21, v52  }
0x4f8: {  	v57 =	vld [tilespmem:s0+$0x7810]  }
0x4f9: {  	v54 =	vld [tilespmem:s0+$0x7820];
	v44 =	vmul.f32 v44, v21  }
0x4fa: {  	v29 =	vadd.f32 v40, v29;
	v55 =	vld [tilespmem:s0+$0x7830];
	v58 =	vmul.f32 v45, v21  }
0x4fb: {  	s2 =	sshll.u32 s28, $0x8;
	v39 =	vmul.f32 v39, v18;
	v45 =	vld [tilespmem:s0+$0x7840];
	v59 =	vmul.f32 v46, v21;
	v31 =	vadd.f32 v44, v31  }
0x4fc: {  	v34 =	vadd.f32 v41, v34;
	s31 =	sand.u32 $0x3FFFFF00, s2;
	v60 =	vmul.f32 v47, v21;
	v46 =	vld [tilespmem:s0+$0x7860];
	v30 =	vadd.f32 v58, v30  }
0x4fd: {  	v61 =	vmul.f32 v38, v18;
	v62 =	vmul.f32 v48, v21;
	v44 =	vld [tilespmem:s0+$0x7850];
	v28 =	vadd.f32 v59, v28;
	[tilespmem:s31+$0x17000] =	vst v31  }
0x4fe: {  	v33 =	vadd.f32 v39, v33;
	v63 =	vmul.f32 v49, v21;
	v26 =	vadd.f32 v60, v26;
	[tilespmem:s31+$0x17010] =	vst v30  }
0x4ff: {  	v40 =	vmul.f32 v35, v18;
	v39 =	vmul.f32 v50, v21;
	v25 =	vadd.f32 v62, v25;
	[tilespmem:s31+$0x17020] =	vst v28  }
0x500: {  	v52 =	vmul.f32 v37, v18;
	v41 =	vmul.f32 v51, v21;
	v23 =	vadd.f32 v63, v23;
	[tilespmem:s31+$0x17030] =	vst v26  }
0x501: {  	v47 =	vmul.f32 v36, v18;
	v48 =	vmul.f32 v53, v21;
	v22 =	vadd.f32 v39, v22;
	[tilespmem:s31+$0x17040] =	vst v25  }
0x502: {  	v49 =	vadd.f32 v40, v27;
	v51 =	vmul.f32 v57, v21;
	v50 =	vadd.f32 v41, v29;
	[tilespmem:s31+$0x17050] =	vst v23  }
0x503: {  	v54 =	vmul.f32 v54, v21;
	v53 =	vadd.f32 v48, v34;
	v58 =	vmul.f32 v55, v21;
	[tilespmem:s31+$0x17060] =	vst v22  }
0x504: {  	v18 =	vmul.f32 v42, v18;
	v57 =	vadd.f32 v51, v33;
	v31 =	vadd.f32 v61, v32;
	[tilespmem:s31+$0x17070] =	vst v50  }
0x505: {  	v56 =	vadd.f32 v47, v24;
	[tilespmem:s31+$0x17080] =	vst v53;
	v61 =	vadd.f32 v58, v49;
	v60 =	vmul.f32 v45, v21  }
0x506: {  	s28 =	sadd.s32 $0x1, s28;
	v18 =	vadd.f32 v18, v19;
	[tilespmem:s31+$0x17090] =	vst v57;
	v63 =	vmul.f32 v46, v21;
	v59 =	vadd.f32 v54, v31  }
0x507: {  	p0 =	sne.s32 s28, $0x7;
	v20 =	vadd.f32 v52, v20;
	[tilespmem:s31+$0x170B0] =	vst v61;
	v62 =	vmul.f32 v44, v21;
	v19 =	vadd.f32 v60, v56  }
.Ltmp16:
0x508: {  	v21 =	vmul.f32 v43, v21;
	v18 =	vadd.f32 v63, v18;
	[tilespmem:s31+$0x170A0] =	vst v59;
	(pc) =	sbr.rel @p0 .LBB2_33-.Ltmp16, $4  }
0x509: {  	v20 =	vadd.f32 v62, v20;
	[tilespmem:s31+$0x170C0] =	vst v19  }
0x50a: {  	v17 =	vadd.f32 v21, v17;
	[tilespmem:s31+$0x170E0] =	vst v18  }
0x50b: {  	[tilespmem:s31+$0x170D0] =	vst v20  }
0x50c: {  	s26 =	sadd.s32 $0x1000, s26;
	[tilespmem:s31+$0x170F0] =	vst v17  }
0x50d: {  	_ =	swait.ge [sflag:s23], $0x7000  }
0x50e: {  	s25 =	simm.s32 $0x0;
	[sflag:s23] =	ssyncset.done $0x0  }
0x50f: {  	s26 =	simm.s32 $0x0;
	s28 =	simm.s32 $0x0;
	[sflag:s23] =	ssyncadd.s32 $0xFFFF9000  }
.LBB2_37:
0x510: {  	s0 =	sshll.u32 s28, $0x4;
	s2 =	sand.u32 $0x7800, s26;
	s5 =	sand.u32 $0x380, s25  }
0x511: {  	v21 =	vld [tilespmem:s0+$0x380];
	s29 =	sor.u32 s5, s2  }
0x512: {  	v17 =	vld [tilespmem:s29+$0xE870]  }
0x513: {  	v19 =	vld [tilespmem:s29+$0xE400]  }
0x514: {  	v20 =	vld [tilespmem:s29+$0xE410]  }
0x515: {  	v22 =	vld [tilespmem:s29+$0xE420]  }
0x516: {  	v32 =	vld [tilespmem:s29+$0xE470]  }
0x517: {  	v18 =	vmov s25;
	v33 =	vld [tilespmem:s29+$0xE800]  }
0x518: {  	v23 =	vld [tilespmem:s29+$0xE430];
	v18 =	vperm.xlane v21, v18  }
0x519: {  	v24 =	vld [tilespmem:s29+$0xE440]  }
0x51a: {  	v29 =	vimm.f32 $0.0e+00;
	v25 =	vld [tilespmem:s29+$0xE450];
	v17 =	vmul.f32 v17, v18  }
0x51b: {  	v34 =	vimm.f32 $0.0e+00;
	v27 =	vld [tilespmem:s29+$0xE460];
	v19 =	vmul.f32 v19, v18;
	v20 =	vmul.f32 v20, v18  }
0x51c: {  	v40 =	vmul.f32 v32, v18;
	v41 =	vmul.f32 v33, v18;
	v33 =	vimm.f32 $0.0e+00  }
0x51d: {  	v32 =	vimm.f32 $0.0e+00;
	v17 =	vadd.f32 v17, v29;
	v31 =	vadd.f32 v19, v29  }
0x51e: {  	v39 =	vld [tilespmem:s29+$0xE810];
	v19 =	vmul.f32 v22, v18;
	v22 =	vmul.f32 v23, v18;
	v30 =	vadd.f32 v20, v29  }
0x51f: {  	v38 =	vld [tilespmem:s29+$0xE820];
	v20 =	vmul.f32 v24, v18;
	v23 =	vmul.f32 v25, v18;
	v24 =	vimm.f32 $0.0e+00  }
0x520: {  	v35 =	vld [tilespmem:s29+$0xE830];
	v28 =	vadd.f32 v19, v29;
	v26 =	vadd.f32 v22, v29;
	v19 =	vmul.f32 v27, v18  }
0x521: {  	s30 =	simm.s32 $0x1;
	s31 =	simm.s32 $0x80;
	s0 =	sadd.s32 $0x100, s26;
	v36 =	vld [tilespmem:s29+$0xE840];
	v25 =	vadd.f32 v20, v29;
	v23 =	vadd.f32 v23, v29;
	v27 =	vimm.f32 $0.0e+00  }
0x522: {  	s7 =	sand.u32 $0x380, s31;
	s2 =	simm.s32 $0x2;
	s5 =	sand.u32 $0x7800, s0;
	v37 =	vld [tilespmem:s29+$0xE850];
	v20 =	vimm.f32 $0.0e+00;
	v22 =	vadd.f32 v19, v29;
	v19 =	vimm.f32 $0.0e+00  }
.LBB2_38:
0x523: {  	p0 =	sne.s32 s2, $0xF;
	v29 =	vadd.f32 v40, v29;
	v39 =	vmul.f32 v39, v18;
	v40 =	vld [tilespmem:s29+$0xE860];
	s29 =	sor.u32 s7, s5  }
0x524: {  	v42 =	vld [tilespmem:s29+$0xE870];
	v34 =	vadd.f32 v41, v34;
	v38 =	vmul.f32 v38, v18  }
0x525: {  	v41 =	vld [tilespmem:s29+$0xE400];
	v33 =	vadd.f32 v39, v33;
	v35 =	vmul.f32 v35, v18  }
0x526: {  	v39 =	vmov s30;
	s30 =	smov.u32 s2;
	v43 =	vld [tilespmem:s29+$0xE410];
	v32 =	vadd.f32 v38, v32;
	v36 =	vmul.f32 v36, v18  }
0x527: {  	v38 =	vperm.xlane v21, v39;
	v39 =	vld [tilespmem:s29+$0xE420];
	v27 =	vadd.f32 v35, v27;
	v35 =	vmul.f32 v37, v18  }
0x528: {  	v37 =	vld [tilespmem:s29+$0xE430];
	v24 =	vadd.f32 v36, v24;
	v36 =	vmul.f32 v40, v18  }
0x529: {  	v18 =	vmov v38;
	v40 =	vld [tilespmem:s29+$0xE440];
	v42 =	vmul.f32 v42, v38;
	v20 =	vadd.f32 v35, v20  }
0x52a: {  	v35 =	vmul.f32 v41, v18;
	v38 =	vld [tilespmem:s29+$0xE450];
	v19 =	vadd.f32 v36, v19  }
0x52b: {  	v36 =	vmul.f32 v43, v18;
	v41 =	vld [tilespmem:s29+$0xE460];
	v17 =	vadd.f32 v42, v17  }
0x52c: {  	v31 =	vadd.f32 v35, v31;
	v35 =	vmul.f32 v39, v18;
	v42 =	vld [tilespmem:s29+$0xE470]  }
0x52d: {  	v30 =	vadd.f32 v36, v30;
	v36 =	vmul.f32 v37, v18;
	v37 =	vld [tilespmem:s29+$0xE800]  }
.Ltmp17:
0x52e: {  	v28 =	vadd.f32 v35, v28;
	v35 =	vmul.f32 v40, v18;
	v39 =	vld [tilespmem:s29+$0xE810];
	(pc) =	sbr.rel @p0 .LBB2_38-.Ltmp17, $4  }
0x52f: {  	v26 =	vadd.f32 v36, v26;
	v36 =	vmul.f32 v38, v18;
	v38 =	vld [tilespmem:s29+$0xE820]  }
0x530: {  	v25 =	vadd.f32 v35, v25;
	v41 =	vmul.f32 v41, v18;
	v35 =	vld [tilespmem:s29+$0xE830]  }
0x531: {  	s31 =	sadd.s32 $0x80, s31;
	s0 =	sadd.s32 $0x100, s0;
	v23 =	vadd.f32 v36, v23;
	v40 =	vmul.f32 v42, v18;
	v36 =	vld [tilespmem:s29+$0xE840]  }
0x532: {  	s5 =	sand.u32 $0x7800, s0;
	s7 =	sand.u32 $0x380, s31;
	s2 =	sadd.s32 $0x1, s2;
	v22 =	vadd.f32 v41, v22;
	v41 =	vmul.f32 v37, v18;
	v37 =	vld [tilespmem:s29+$0xE850]  }
0x533: {  	s0 =	sor.u32 s7, s5;
	v42 =	vld [tilespmem:s29+$0xE860]  }
0x534: {  	v43 =	vld [tilespmem:s0+$0xE870]  }
0x535: {  	v44 =	vld [tilespmem:s0+$0xE400]  }
0x536: {  	v45 =	vld [tilespmem:s0+$0xE410]  }
0x537: {  	v46 =	vld [tilespmem:s0+$0xE420]  }
0x538: {  	v47 =	vld [tilespmem:s0+$0xE430]  }
0x539: {  	v48 =	vld [tilespmem:s0+$0xE440]  }
0x53a: {  	v49 =	vld [tilespmem:s0+$0xE450]  }
0x53b: {  	v50 =	vld [tilespmem:s0+$0xE460]  }
0x53c: {  	v52 =	vmov s30;
	v51 =	vld [tilespmem:s0+$0xE470]  }
0x53d: {  	v53 =	vld [tilespmem:s0+$0xE800];
	v21 =	vperm.xlane v21, v52  }
0x53e: {  	v57 =	vld [tilespmem:s0+$0xE810]  }
0x53f: {  	v54 =	vld [tilespmem:s0+$0xE820];
	v44 =	vmul.f32 v44, v21  }
0x540: {  	v29 =	vadd.f32 v40, v29;
	v55 =	vld [tilespmem:s0+$0xE830];
	v58 =	vmul.f32 v45, v21  }
0x541: {  	s2 =	sshll.u32 s28, $0x8;
	v39 =	vmul.f32 v39, v18;
	v45 =	vld [tilespmem:s0+$0xE840];
	v59 =	vmul.f32 v46, v21;
	v31 =	vadd.f32 v44, v31  }
0x542: {  	v34 =	vadd.f32 v41, v34;
	s31 =	sand.u32 $0x3FFFFF00, s2;
	v60 =	vmul.f32 v47, v21;
	v46 =	vld [tilespmem:s0+$0xE860];
	v30 =	vadd.f32 v58, v30  }
0x543: {  	v61 =	vmul.f32 v38, v18;
	v62 =	vmul.f32 v48, v21;
	v44 =	vld [tilespmem:s0+$0xE850];
	v28 =	vadd.f32 v59, v28;
	[tilespmem:s31+$0x17700] =	vst v31  }
0x544: {  	v33 =	vadd.f32 v39, v33;
	v63 =	vmul.f32 v49, v21;
	v26 =	vadd.f32 v60, v26;
	[tilespmem:s31+$0x17710] =	vst v30  }
0x545: {  	v40 =	vmul.f32 v35, v18;
	v39 =	vmul.f32 v50, v21;
	v25 =	vadd.f32 v62, v25;
	[tilespmem:s31+$0x17720] =	vst v28  }
0x546: {  	v52 =	vmul.f32 v37, v18;
	v41 =	vmul.f32 v51, v21;
	v23 =	vadd.f32 v63, v23;
	[tilespmem:s31+$0x17730] =	vst v26  }
0x547: {  	v47 =	vmul.f32 v36, v18;
	v48 =	vmul.f32 v53, v21;
	v22 =	vadd.f32 v39, v22;
	[tilespmem:s31+$0x17740] =	vst v25  }
0x548: {  	v49 =	vadd.f32 v40, v27;
	v51 =	vmul.f32 v57, v21;
	v50 =	vadd.f32 v41, v29;
	[tilespmem:s31+$0x17750] =	vst v23  }
0x549: {  	v54 =	vmul.f32 v54, v21;
	v53 =	vadd.f32 v48, v34;
	v58 =	vmul.f32 v55, v21;
	[tilespmem:s31+$0x17760] =	vst v22  }
0x54a: {  	v18 =	vmul.f32 v42, v18;
	v57 =	vadd.f32 v51, v33;
	v31 =	vadd.f32 v61, v32;
	[tilespmem:s31+$0x17770] =	vst v50  }
0x54b: {  	v56 =	vadd.f32 v47, v24;
	[tilespmem:s31+$0x17780] =	vst v53;
	v61 =	vadd.f32 v58, v49;
	v60 =	vmul.f32 v45, v21  }
0x54c: {  	s28 =	sadd.s32 $0x1, s28;
	v18 =	vadd.f32 v18, v19;
	[tilespmem:s31+$0x17790] =	vst v57;
	v63 =	vmul.f32 v46, v21;
	v59 =	vadd.f32 v54, v31  }
0x54d: {  	p0 =	sne.s32 s28, $0x7;
	v20 =	vadd.f32 v52, v20;
	[tilespmem:s31+$0x177B0] =	vst v61;
	v62 =	vmul.f32 v44, v21;
	v19 =	vadd.f32 v60, v56  }
.Ltmp18:
0x54e: {  	v21 =	vmul.f32 v43, v21;
	v18 =	vadd.f32 v63, v18;
	[tilespmem:s31+$0x177A0] =	vst v59;
	(pc) =	sbr.rel @p0 .LBB2_37-.Ltmp18, $4  }
0x54f: {  	v20 =	vadd.f32 v62, v20;
	[tilespmem:s31+$0x177C0] =	vst v19  }
0x550: {  	v17 =	vadd.f32 v21, v17;
	[tilespmem:s31+$0x177E0] =	vst v18  }
0x551: {  	[tilespmem:s31+$0x177D0] =	vst v20  }
0x552: {  	s26 =	sadd.s32 $0x1000, s26;
	[tilespmem:s31+$0x177F0] =	vst v17  }
0x553: {  	_ =	swait.ge [sflag:s4], $0x7000  }
0x554: {  	s25 =	simm.s32 $0x0;
	[sflag:s4] =	ssyncset.done $0x0  }
0x555: {  	s26 =	simm.s32 $0x0;
	s28 =	simm.s32 $0x0;
	[sflag:s4] =	ssyncadd.s32 $0xFFFF9000  }
.LBB2_41:
0x556: {  	s0 =	sshll.u32 s28, $0x4;
	s2 =	sand.u32 $0x7800, s26;
	s5 =	sand.u32 $0x380, s25  }
0x557: {  	v21 =	vld [tilespmem:s0+$0x280];
	s29 =	sor.u32 s5, s2  }
0x558: {  	v17 =	vld [tilespmem:s29+$0x870]  }
0x559: {  	v19 =	vld [tilespmem:s29+$0x400]  }
0x55a: {  	v20 =	vld [tilespmem:s29+$0x410]  }
0x55b: {  	v22 =	vld [tilespmem:s29+$0x420]  }
0x55c: {  	v32 =	vld [tilespmem:s29+$0x470]  }
0x55d: {  	v18 =	vmov s25;
	v33 =	vld [tilespmem:s29+$0x800]  }
0x55e: {  	v23 =	vld [tilespmem:s29+$0x430];
	v18 =	vperm.xlane v21, v18  }
0x55f: {  	v24 =	vld [tilespmem:s29+$0x440]  }
0x560: {  	v29 =	vimm.f32 $0.0e+00;
	v25 =	vld [tilespmem:s29+$0x450];
	v17 =	vmul.f32 v17, v18  }
0x561: {  	v34 =	vimm.f32 $0.0e+00;
	v27 =	vld [tilespmem:s29+$0x460];
	v19 =	vmul.f32 v19, v18;
	v20 =	vmul.f32 v20, v18  }
0x562: {  	v40 =	vmul.f32 v32, v18;
	v41 =	vmul.f32 v33, v18;
	v33 =	vimm.f32 $0.0e+00  }
0x563: {  	v32 =	vimm.f32 $0.0e+00;
	v17 =	vadd.f32 v17, v29;
	v31 =	vadd.f32 v19, v29  }
0x564: {  	v39 =	vld [tilespmem:s29+$0x810];
	v19 =	vmul.f32 v22, v18;
	v22 =	vmul.f32 v23, v18;
	v30 =	vadd.f32 v20, v29  }
0x565: {  	v38 =	vld [tilespmem:s29+$0x820];
	v20 =	vmul.f32 v24, v18;
	v23 =	vmul.f32 v25, v18;
	v24 =	vimm.f32 $0.0e+00  }
0x566: {  	v35 =	vld [tilespmem:s29+$0x830];
	v28 =	vadd.f32 v19, v29;
	v26 =	vadd.f32 v22, v29;
	v19 =	vmul.f32 v27, v18  }
0x567: {  	s30 =	simm.s32 $0x1;
	s31 =	simm.s32 $0x80;
	s0 =	sadd.s32 $0x100, s26;
	v36 =	vld [tilespmem:s29+$0x840];
	v25 =	vadd.f32 v20, v29;
	v23 =	vadd.f32 v23, v29;
	v27 =	vimm.f32 $0.0e+00  }
0x568: {  	s7 =	sand.u32 $0x380, s31;
	s2 =	simm.s32 $0x2;
	s5 =	sand.u32 $0x7800, s0;
	v37 =	vld [tilespmem:s29+$0x850];
	v20 =	vimm.f32 $0.0e+00;
	v22 =	vadd.f32 v19, v29;
	v19 =	vimm.f32 $0.0e+00  }
.LBB2_42:
0x569: {  	p0 =	sne.s32 s2, $0xF;
	v29 =	vadd.f32 v40, v29;
	v39 =	vmul.f32 v39, v18;
	v40 =	vld [tilespmem:s29+$0x860];
	s29 =	sor.u32 s7, s5  }
0x56a: {  	v42 =	vld [tilespmem:s29+$0x870];
	v34 =	vadd.f32 v41, v34;
	v38 =	vmul.f32 v38, v18  }
0x56b: {  	v41 =	vld [tilespmem:s29+$0x400];
	v33 =	vadd.f32 v39, v33;
	v35 =	vmul.f32 v35, v18  }
0x56c: {  	v39 =	vmov s30;
	s30 =	smov.u32 s2;
	v43 =	vld [tilespmem:s29+$0x410];
	v32 =	vadd.f32 v38, v32;
	v36 =	vmul.f32 v36, v18  }
0x56d: {  	v38 =	vperm.xlane v21, v39;
	v39 =	vld [tilespmem:s29+$0x420];
	v27 =	vadd.f32 v35, v27;
	v35 =	vmul.f32 v37, v18  }
0x56e: {  	v37 =	vld [tilespmem:s29+$0x430];
	v24 =	vadd.f32 v36, v24;
	v36 =	vmul.f32 v40, v18  }
0x56f: {  	v18 =	vmov v38;
	v40 =	vld [tilespmem:s29+$0x440];
	v42 =	vmul.f32 v42, v38;
	v20 =	vadd.f32 v35, v20  }
0x570: {  	v35 =	vmul.f32 v41, v18;
	v38 =	vld [tilespmem:s29+$0x450];
	v19 =	vadd.f32 v36, v19  }
0x571: {  	v36 =	vmul.f32 v43, v18;
	v41 =	vld [tilespmem:s29+$0x460];
	v17 =	vadd.f32 v42, v17  }
0x572: {  	v31 =	vadd.f32 v35, v31;
	v35 =	vmul.f32 v39, v18;
	v42 =	vld [tilespmem:s29+$0x470]  }
0x573: {  	v30 =	vadd.f32 v36, v30;
	v36 =	vmul.f32 v37, v18;
	v37 =	vld [tilespmem:s29+$0x800]  }
.Ltmp19:
0x574: {  	v28 =	vadd.f32 v35, v28;
	v35 =	vmul.f32 v40, v18;
	v39 =	vld [tilespmem:s29+$0x810];
	(pc) =	sbr.rel @p0 .LBB2_42-.Ltmp19, $4  }
0x575: {  	v26 =	vadd.f32 v36, v26;
	v36 =	vmul.f32 v38, v18;
	v38 =	vld [tilespmem:s29+$0x820]  }
0x576: {  	v25 =	vadd.f32 v35, v25;
	v41 =	vmul.f32 v41, v18;
	v35 =	vld [tilespmem:s29+$0x830]  }
0x577: {  	s31 =	sadd.s32 $0x80, s31;
	s0 =	sadd.s32 $0x100, s0;
	v23 =	vadd.f32 v36, v23;
	v40 =	vmul.f32 v42, v18;
	v36 =	vld [tilespmem:s29+$0x840]  }
0x578: {  	s5 =	sand.u32 $0x7800, s0;
	s7 =	sand.u32 $0x380, s31;
	s2 =	sadd.s32 $0x1, s2;
	v22 =	vadd.f32 v41, v22;
	v41 =	vmul.f32 v37, v18;
	v37 =	vld [tilespmem:s29+$0x850]  }
0x579: {  	s0 =	sor.u32 s7, s5;
	v42 =	vld [tilespmem:s29+$0x860]  }
0x57a: {  	v43 =	vld [tilespmem:s0+$0x870]  }
0x57b: {  	v44 =	vld [tilespmem:s0+$0x400]  }
0x57c: {  	v45 =	vld [tilespmem:s0+$0x410]  }
0x57d: {  	v46 =	vld [tilespmem:s0+$0x420]  }
0x57e: {  	v47 =	vld [tilespmem:s0+$0x430]  }
0x57f: {  	v48 =	vld [tilespmem:s0+$0x440]  }
0x580: {  	v49 =	vld [tilespmem:s0+$0x450]  }
0x581: {  	v50 =	vld [tilespmem:s0+$0x460]  }
0x582: {  	v52 =	vmov s30;
	v51 =	vld [tilespmem:s0+$0x470]  }
0x583: {  	v53 =	vld [tilespmem:s0+$0x800];
	v21 =	vperm.xlane v21, v52  }
0x584: {  	v57 =	vld [tilespmem:s0+$0x810]  }
0x585: {  	v54 =	vld [tilespmem:s0+$0x820];
	v44 =	vmul.f32 v44, v21  }
0x586: {  	v29 =	vadd.f32 v40, v29;
	v55 =	vld [tilespmem:s0+$0x830];
	v58 =	vmul.f32 v45, v21  }
0x587: {  	s2 =	sshll.u32 s28, $0x8;
	v39 =	vmul.f32 v39, v18;
	v45 =	vld [tilespmem:s0+$0x840];
	v59 =	vmul.f32 v46, v21;
	v31 =	vadd.f32 v44, v31  }
0x588: {  	v34 =	vadd.f32 v41, v34;
	s31 =	sand.u32 $0x3FFFFF00, s2;
	v60 =	vmul.f32 v47, v21;
	v46 =	vld [tilespmem:s0+$0x860];
	v30 =	vadd.f32 v58, v30  }
0x589: {  	v61 =	vmul.f32 v38, v18;
	v62 =	vmul.f32 v48, v21;
	v44 =	vld [tilespmem:s0+$0x850];
	v28 =	vadd.f32 v59, v28;
	[tilespmem:s31+$0x17E00] =	vst v31  }
0x58a: {  	v33 =	vadd.f32 v39, v33;
	v63 =	vmul.f32 v49, v21;
	v26 =	vadd.f32 v60, v26;
	[tilespmem:s31+$0x17E10] =	vst v30  }
0x58b: {  	v40 =	vmul.f32 v35, v18;
	v39 =	vmul.f32 v50, v21;
	v25 =	vadd.f32 v62, v25;
	[tilespmem:s31+$0x17E20] =	vst v28  }
0x58c: {  	v52 =	vmul.f32 v37, v18;
	v41 =	vmul.f32 v51, v21;
	v23 =	vadd.f32 v63, v23;
	[tilespmem:s31+$0x17E30] =	vst v26  }
0x58d: {  	v47 =	vmul.f32 v36, v18;
	v48 =	vmul.f32 v53, v21;
	v22 =	vadd.f32 v39, v22;
	[tilespmem:s31+$0x17E40] =	vst v25  }
0x58e: {  	v49 =	vadd.f32 v40, v27;
	v51 =	vmul.f32 v57, v21;
	v50 =	vadd.f32 v41, v29;
	[tilespmem:s31+$0x17E50] =	vst v23  }
0x58f: {  	v54 =	vmul.f32 v54, v21;
	v53 =	vadd.f32 v48, v34;
	v58 =	vmul.f32 v55, v21;
	[tilespmem:s31+$0x17E60] =	vst v22  }
0x590: {  	v18 =	vmul.f32 v42, v18;
	v57 =	vadd.f32 v51, v33;
	v31 =	vadd.f32 v61, v32;
	[tilespmem:s31+$0x17E70] =	vst v50  }
0x591: {  	v56 =	vadd.f32 v47, v24;
	[tilespmem:s31+$0x17E80] =	vst v53;
	v61 =	vadd.f32 v58, v49;
	v60 =	vmul.f32 v45, v21  }
0x592: {  	s28 =	sadd.s32 $0x1, s28;
	v18 =	vadd.f32 v18, v19;
	[tilespmem:s31+$0x17E90] =	vst v57;
	v63 =	vmul.f32 v46, v21;
	v59 =	vadd.f32 v54, v31  }
0x593: {  	p0 =	sne.s32 s28, $0x7;
	v20 =	vadd.f32 v52, v20;
	[tilespmem:s31+$0x17EB0] =	vst v61;
	v62 =	vmul.f32 v44, v21;
	v19 =	vadd.f32 v60, v56  }
.Ltmp20:
0x594: {  	v21 =	vmul.f32 v43, v21;
	v18 =	vadd.f32 v63, v18;
	[tilespmem:s31+$0x17EA0] =	vst v59;
	(pc) =	sbr.rel @p0 .LBB2_41-.Ltmp20, $4  }
0x595: {  	v20 =	vadd.f32 v62, v20;
	[tilespmem:s31+$0x17EC0] =	vst v19  }
0x596: {  	v17 =	vadd.f32 v21, v17;
	[tilespmem:s31+$0x17EE0] =	vst v18  }
0x597: {  	[tilespmem:s31+$0x17ED0] =	vst v20  }
0x598: {  	s26 =	sadd.s32 $0x1000, s26;
	[tilespmem:s31+$0x17EF0] =	vst v17  }
0x599: {  	s0 =	rddreg [dreg:$0x5]  }
0x59a: {  	s0 =	sadd.s32 s0, s24  }
0x59b: {  	s24 =	sadd.s32 $0x1, s24;
	s0 =	smul.u32 $0x620, s0  }
0x59c: {  	s2 =	rddreg [dreg:$0x3];
	s31 =	simm.s32 $0x0;
	p0 =	sne.s32 s24, $0x20  }
.Ltmp21:
0x59d: {  	s5 =	simm.s32 $0x15400;
	s0 =	sadd.s32 s2, s0;
	(pc) =	sbr.rel @p0 .LBB2_2-.Ltmp21, $4  }
0x59e: {  	[hbm4b:s0+s31] =	stream.linear.scatter [tilespmem:s5], [sflag:$0x4], $0x3100, $0x38;
	[tilespmem:$0x18500] =	vst v63  }
0x59f: {  	_ =	swait.ge [sflag:s8], $0x3100  }
0x5a0: {  	[sflag:s8] =	ssyncset.done $0x0  }
0x5a1: {  	[sflag:s8] =	ssyncadd.s32 $0xFFFFCF00  }
0x5a2: {  	s2 =	rddreg [dreg:$0x7]  }
0x5a3: {  	s0 =	rddreg [dreg:$0x6];
	s2 =	sadd.s32 $0x1, s2  }
0x5a4: {  	p0 =	sne.s32 s2, s0  }
.Ltmp22:
0x5a5: {  	_ = 	snop;
	(pc) =	sbr.rel @p0 .LBB2_1-.Ltmp22, $1  }
0x5a6: {  	_ =	sdelay $0x3  }
0x5a7: {  	_ =	sfence.sel $0x180000  }
0x5a8: {  	[bflag:$0x0] =	sbarrier.arrive $0xFFFF  }
0x5a9: {  	_ =	strace $0x90000047  }
0x5aa: {  	s0 =	stileid.u32;
	[bflag:$0x2] =	sbarrier.arrive $0xFFFF  }
0x5ab: {  	p0 =	sne.s32 s0, $0x0;
	s0 =	rddreg [dreg:$0x2]  }
0x5ac: {  	s0 =	sadd.s32 @!p0 $0x100000, s0  }
0x5ad: {  	[sflag:s0] =	ssyncadd.tile.s32 @!p0 $0x1;
	_ =	shalt  }
.Lfunc_end2:
_tile_overlayer_lowered:
.L_overlay_start_2:
0x5ae: {  	(tag) =	ssettag $0x2  }
0x5af: {  	s0 =	rddreg [dreg:$0x0];
	s2 =	stileid.u32  }
0x5b0: {  	s1 =	rddreg [dreg:$0x1];
	p0 =	sne.s32 s2, $0x0  }
0x5b1: {  	s3 =	rddreg [dreg:$0x2];
	[bflag:$0x3] =	sbarrier.arrive $0xFFFF;
	s2 =	simm.s32 @!p0 $0x1C04  }
0x5b2: {  	[timem:s3], [sflag:s2] =	dma.local @!p0 [hbm:s0], s1  }
0x5b3: {  	s0 =	simm.s32 @!p0 $0x4  }
0x5b4: {  	_ =	swait.ge @!p0 [sflag:s0], s1  }
0x5b5: {  	s1 =	ssub.s32 @!p0 $0x0, s1;
	[sflag:s0] =	ssyncset.done @!p0 $0x0  }
0x5b6: {  	[sflag:s0] =	ssyncadd.s32 @!p0 s1  }
0x5b7: {  	[bflag:$0x3] =	sbarrier.arrive $0xFFFF  }
0x5b8: {  	_ =	shalt  }

</sc_bundles>
